<compile_context>
chip_gen: v7x
topology: tpu7x:2x2x1
jax: 0.10.2.dev20260603
libtpu: 0.0.44.dev20260713+nightly
codegen_flags: <defaults>
</compile_context>

<pallas_src>
import functools

import jax
import jax.numpy as jnp
from jax import lax
from jax.experimental import pallas as pl
from jax.experimental.pallas import tpu as pltpu
from jax.experimental.pallas import tpu_sc as plsc

N_CORES = 2
N_SUBCORES = 16
LANES = 16
N_WORKERS = N_CORES * N_SUBCORES
BATCH = 16384
HALF = BATCH // 2
FACTORS = 16
BPW = HALF // N_WORKERS
GROUP = 16
GROUPS = BPW // GROUP


def _mf_body(user_table_t, movie_table_t, bias_user, bias_movie, bias,
             user, movie, out,
             uidx_v, midx_v, ublk_v, mblk_v,
             bu_v, bm_v, bias_v, out_v, sem, bsem):
    wid = lax.axis_index("s") * N_CORES + lax.axis_index("c")
    base = wid * BPW

    pltpu.sync_copy(user.at[pl.ds(base, BPW)], uidx_v)
    pltpu.sync_copy(movie.at[pl.ds(base, BPW)], midx_v)
    pltpu.sync_copy(bias, bias_v)

    bcopies = [
        pltpu.async_copy(bias_user.at[uidx_v], bu_v, bsem),
        pltpu.async_copy(bias_movie.at[midx_v], bm_v, bsem),
    ]

    bias_vec = bias_v[...]
    iota = lax.iota(jnp.int32, LANES)

    def group(g, carry):
        sl = pl.ds(g * GROUP, LANES)
        ridx_u = uidx_v[sl]
        ridx_m = midx_v[sl]
        tile_u = (ridx_u >> 7) * 128
        tile_m = (ridx_m >> 7) * 128
        copies = []
        for j in range(GROUP):
            ou = pl.multiple_of(tile_u[j], 128)
            om = pl.multiple_of(tile_m[j], 128)
            copies.append(pltpu.async_copy(
                user_table_t.at[:, pl.ds(ou, 128)], ublk_v.at[j], sem))
            copies.append(pltpu.async_copy(
                movie_table_t.at[:, pl.ds(om, 128)], mblk_v.at[j], sem))
        for c in copies:
            c.wait()

        lanes_u = ridx_u & 127
        lanes_m = ridx_m & 127
        acc = bias_vec
        for f in range(FACTORS):
            fvec = (iota & 0) + f
            uu = plsc.load_gather(ublk_v, [iota, fvec, lanes_u])
            mm = plsc.load_gather(mblk_v, [iota, fvec, lanes_m])
            acc = acc + uu * mm
        out_v[sl] = acc
        return carry

    lax.fori_loop(0, GROUPS, group, 0)

    for c in bcopies:
        c.wait()

    def addbias(g, carry):
        sl = pl.ds(g * GROUP, LANES)
        out_v[sl] = out_v[sl] + bu_v[sl] + bm_v[sl]
        return carry

    lax.fori_loop(0, GROUPS, addbias, 0)

    pltpu.sync_copy(out_v, out.at[pl.ds(base, BPW)])


@jax.jit
def _mf(user_table_t, movie_table_t, bias_user, bias_movie, bias,
        user, movie):
    run = functools.partial(
        pl.kernel,
        mesh=plsc.VectorSubcoreMesh(core_axis_name="c", subcore_axis_name="s"),
        out_type=jax.ShapeDtypeStruct((HALF,), jnp.float32),
        scratch_types=[
            pltpu.VMEM((BPW,), jnp.int32),
            pltpu.VMEM((BPW,), jnp.int32),
            pltpu.VMEM((GROUP, FACTORS, 128), jnp.float32),
            pltpu.VMEM((GROUP, FACTORS, 128), jnp.float32),
            pltpu.VMEM((BPW,), jnp.float32),
            pltpu.VMEM((BPW,), jnp.float32),
            pltpu.VMEM((LANES,), jnp.float32),
            pltpu.VMEM((BPW,), jnp.float32),
            pltpu.SemaphoreType.DMA,
            pltpu.SemaphoreType.DMA,
        ],
        compiler_params=pltpu.CompilerParams(needs_layout_passes=False),
    )(_mf_body)
    lo = run(user_table_t, movie_table_t, bias_user, bias_movie, bias,
             user[:HALF], movie[:HALF])
    hi = run(user_table_t, movie_table_t, bias_user, bias_movie, bias,
             user[HALF:], movie[HALF:])
    return jnp.concatenate([lo, hi])


def kernel(user_table, movie_table, bias_user, bias_movie, bias, user, movie):
    return _mf(
        user_table.T,
        movie_table.T,
        bias_user.reshape(-1),
        bias_movie.reshape(-1),
        jnp.broadcast_to(bias, (LANES,)),
        user.astype(jnp.int32),
        movie.astype(jnp.int32),
    )

# --- scband reference (transcript-rebuilt; emitter-appended) ---
"""Pipeline reference for scband-matrix-factorization-79001628442992 (READ-ONLY COPY).

The authoritative reference and input builder live on the scoring server;
editing this copy changes nothing except your own understanding.
"""

import jax, jax.numpy as jnp
import numpy as np

N_USERS = 1000000
N_MOVIES = 1000000
N_FACTORS = 16
BATCH = 16384

def setup_inputs(seed: int = 0) -> dict:
    key = jax.random.key(seed)
    k1, k2, k3, k4, k5, k6 = jax.random.split(key, 6)
    user = jax.random.randint(k1, (BATCH,), 0, N_USERS, dtype=jnp.int64) if jax.config.jax_enable_x64 else jax.random.randint(k1, (BATCH,), 0, N_USERS).astype(jnp.int32)
    movie = jax.random.randint(k2, (BATCH,), 0, N_MOVIES).astype(user.dtype)
    user_table = jax.random.normal(k3, (N_USERS + 1, N_FACTORS), dtype=jnp.float32)
    movie_table = jax.random.normal(k4, (N_MOVIES, N_FACTORS), dtype=jnp.float32)
    bias_user = jax.random.normal(k5, (N_USERS + 1, 1), dtype=jnp.float32)
    bias_movie = jax.random.normal(k6, (N_MOVIES, 1), dtype=jnp.float32)
    bias = jnp.zeros((1,), dtype=jnp.float32)
    return {"user_table": user_table, "movie_table": movie_table, "bias_user": bias_user, "bias_movie": bias_movie, "bias": bias, "user": user, "movie": movie}

def reference(user_table, movie_table, bias_user, bias_movie, bias, user, movie):
    u = jnp.take(user_table, user, axis=0)          # [B, F]
    m = jnp.take(movie_table, movie, axis=0)        # [B, F]
    pred = jnp.sum(u * m, axis=1)                   # [B]
    bu = jnp.take(bias_user, user, axis=0).squeeze(-1)   # [B]
    bm = jnp.take(bias_movie, movie, axis=0).squeeze(-1) # [B]
    pred = pred + bu + bm + bias                    # bias [1] broadcasts
    return pred

if __name__ == "__main__":
    import jax
    _d = setup_inputs()
    print(jax.jit(kernel)(*tuple(_d.values())))

</pallas_src>

<mosaic_0001>
#map = affine_map<(d0, d1) -> (0, 0)>
#map1 = affine_map<(d0, d1) -> (0)>
module attributes {stable_mosaic.version = 14 : i64} {
  func.func @_mf_body(%arg0: i32, %arg1: i32, %arg2: memref<16x1000001xf32, #tpu.memory_space<hbm>>, %arg3: memref<16x1000000xf32, #tpu.memory_space<hbm>>, %arg4: memref<1000001xf32, #tpu.memory_space<hbm>>, %arg5: memref<1000000xf32, #tpu.memory_space<hbm>>, %arg6: memref<16xf32, #tpu.memory_space<hbm>>, %arg7: memref<8192xi32, #tpu.memory_space<hbm>>, %arg8: memref<8192xi32, #tpu.memory_space<hbm>>, %arg9: memref<8192xf32, #tpu.memory_space<hbm>>, %arg10: memref<256xi32, #tpu.memory_space<vmem>>, %arg11: memref<256xi32, #tpu.memory_space<vmem>>, %arg12: memref<16x16x128xf32, #tpu.memory_space<vmem>>, %arg13: memref<16x16x128xf32, #tpu.memory_space<vmem>>, %arg14: memref<256xf32, #tpu.memory_space<vmem>>, %arg15: memref<256xf32, #tpu.memory_space<vmem>>, %arg16: memref<16xf32, #tpu.memory_space<vmem>>, %arg17: memref<256xf32, #tpu.memory_space<vmem>>, %arg18: memref<!tpu.dma_semaphore, #tpu.memory_space<semaphore_mem>>, %arg19: memref<!tpu.dma_semaphore, #tpu.memory_space<semaphore_mem>>) attributes {dimension_semantics = [#tpu.dimension_semantics<core_parallel>, #tpu.dimension_semantics<subcore_parallel>], iteration_bounds = array<i64: 2, 16>, scalar_prefetch = 0 : i64, scratch_operands = 10 : i64, tpu.core_type = #tpu.core_type<sc_vector_subcore>, window_params = [{transform_indices = #map}, {transform_indices = #map}, {transform_indices = #map1}, {transform_indices = #map1}, {transform_indices = #map1}, {transform_indices = #map1}, {transform_indices = #map1}, {transform_indices = #map1}]} {
    %mul3A = arith.constant 2 : i32
    %mul3A_0 = arith.muli %arg1, %mul3A : i32
    %add3A = arith.addi %mul3A_0, %arg0 : i32
    %mul3A_1 = arith.constant 256 : i32
    %mul3A_2 = arith.muli %add3A, %mul3A_1 : i32
    "tpu.region"() ({
      %run_scoped3A = tpu.sem_alloc : memref<!tpu.dma_semaphore, #tpu.memory_space<semaphore_mem>>
      %dma_start3A_21 = tpu.memref_slice %arg7[%mul3A_2] : memref<8192xi32, #tpu.memory_space<hbm>> -> memref<256xi32, #tpu.memory_space<hbm>>
      %dma_start3A_22 = tpu.memref_slice %arg7[%mul3A_2] : memref<8192xi32, #tpu.memory_space<hbm>> -> memref<256xi32, #tpu.memory_space<hbm>>
      tpu.enqueue_dma source(%dma_start3A_22 : memref<256xi32, #tpu.memory_space<hbm>>) target(%arg10 : memref<256xi32, #tpu.memory_space<vmem>>) target_semaphore(%run_scoped3A : memref<!tpu.dma_semaphore, #tpu.memory_space<semaphore_mem>>)
      %dma_wait3A_23 = tpu.memref_slice %arg7[%mul3A_2] : memref<8192xi32, #tpu.memory_space<hbm>> -> memref<256xi32, #tpu.memory_space<hbm>>
      %dma_wait3A_24 = tpu.memref_slice %arg7[%mul3A_2] : memref<8192xi32, #tpu.memory_space<hbm>> -> memref<256xi32, #tpu.memory_space<hbm>>
      tpu.wait_dma2 semaphore(%run_scoped3A : memref<!tpu.dma_semaphore, #tpu.memory_space<semaphore_mem>>) src(%dma_wait3A_24 : memref<256xi32, #tpu.memory_space<hbm>>) dst(%arg10 : memref<256xi32, #tpu.memory_space<vmem>>)
      tpu.yield
    }) : () -> ()
    "tpu.region"() ({
      %run_scoped3A = tpu.sem_alloc : memref<!tpu.dma_semaphore, #tpu.memory_space<semaphore_mem>>
      %dma_start3A_21 = tpu.memref_slice %arg8[%mul3A_2] : memref<8192xi32, #tpu.memory_space<hbm>> -> memref<256xi32, #tpu.memory_space<hbm>>
      %dma_start3A_22 = tpu.memref_slice %arg8[%mul3A_2] : memref<8192xi32, #tpu.memory_space<hbm>> -> memref<256xi32, #tpu.memory_space<hbm>>
      tpu.enqueue_dma source(%dma_start3A_22 : memref<256xi32, #tpu.memory_space<hbm>>) target(%arg11 : memref<256xi32, #tpu.memory_space<vmem>>) target_semaphore(%run_scoped3A : memref<!tpu.dma_semaphore, #tpu.memory_space<semaphore_mem>>)
      %dma_wait3A_23 = tpu.memref_slice %arg8[%mul3A_2] : memref<8192xi32, #tpu.memory_space<hbm>> -> memref<256xi32, #tpu.memory_space<hbm>>
      %dma_wait3A_24 = tpu.memref_slice %arg8[%mul3A_2] : memref<8192xi32, #tpu.memory_space<hbm>> -> memref<256xi32, #tpu.memory_space<hbm>>
      tpu.wait_dma2 semaphore(%run_scoped3A : memref<!tpu.dma_semaphore, #tpu.memory_space<semaphore_mem>>) src(%dma_wait3A_24 : memref<256xi32, #tpu.memory_space<hbm>>) dst(%arg11 : memref<256xi32, #tpu.memory_space<vmem>>)
      tpu.yield
    }) : () -> ()
    "tpu.region"() ({
      %run_scoped3A = tpu.sem_alloc : memref<!tpu.dma_semaphore, #tpu.memory_space<semaphore_mem>>
      tpu.enqueue_dma source(%arg6 : memref<16xf32, #tpu.memory_space<hbm>>) target(%arg16 : memref<16xf32, #tpu.memory_space<vmem>>) target_semaphore(%run_scoped3A : memref<!tpu.dma_semaphore, #tpu.memory_space<semaphore_mem>>)
      tpu.wait_dma2 semaphore(%run_scoped3A : memref<!tpu.dma_semaphore, #tpu.memory_space<semaphore_mem>>) src(%arg6 : memref<16xf32, #tpu.memory_space<hbm>>) dst(%arg16 : memref<16xf32, #tpu.memory_space<vmem>>)
      tpu.yield
    }) : () -> ()
    %dma_start3A = arith.constant 0 : i32
    %dma_start3A_3 = tpu.memref_slice %arg4[%dma_start3A] : memref<1000001xf32, #tpu.memory_space<hbm>> -> memref<1000001xf32, #tpu.memory_space<hbm>>
    tpu.enqueue_indirect_dma source(%dma_start3A_3 : memref<1000001xf32, #tpu.memory_space<hbm>>) target(%arg14 : memref<256xf32, #tpu.memory_space<vmem>>) offsets(%arg10 : memref<256xi32, #tpu.memory_space<vmem>>) semaphore(%arg19 : memref<!tpu.dma_semaphore, #tpu.memory_space<semaphore_mem>>)
    %dma_start3A_4 = arith.constant 0 : i32
    %dma_start3A_5 = tpu.memref_slice %arg5[%dma_start3A_4] : memref<1000000xf32, #tpu.memory_space<hbm>> -> memref<1000000xf32, #tpu.memory_space<hbm>>
    tpu.enqueue_indirect_dma source(%dma_start3A_5 : memref<1000000xf32, #tpu.memory_space<hbm>>) target(%arg15 : memref<256xf32, #tpu.memory_space<vmem>>) offsets(%arg11 : memref<256xi32, #tpu.memory_space<vmem>>) semaphore(%arg19 : memref<!tpu.dma_semaphore, #tpu.memory_space<semaphore_mem>>)
    %get3A = arith.constant 0 : index
    %get3A_6 = tpu.vector_load %arg16[%get3A] {strides = array<i32>} : memref<16xf32, #tpu.memory_space<vmem>>, vector<16xf32>,
    %iota3A = tpu.iota {dimensions = array<i32: 0>} : vector<16xi32>
    %scan3A = arith.constant 0 : i32
    %scan3A_7 = arith.constant 0 : i32
    %scan3A_8 = arith.constant 16 : i32
    %scan3A_9 = arith.addi %scan3A_7, %scan3A_8 : i32
    %scan3A_10 = arith.constant 1 : i32
    scf.for %scan3A_21 = %scan3A_7 to %scan3A_9 step %scan3A_10  : i32 {
      %mul3A_22 = arith.constant 16 : i32
      %mul3A_23 = arith.muli %scan3A_21, %mul3A_22 : i32
      %get3A_24 = arith.index_cast %mul3A_23 : i32 to index
      %get3A_25 = tpu.vector_load %arg10[%get3A_24] {strides = array<i32>} : memref<256xi32, #tpu.memory_space<vmem>>, vector<16xi32>,
      %get3A_26 = arith.index_cast %mul3A_23 : i32 to index
      %get3A_27 = tpu.vector_load %arg11[%get3A_26] {strides = array<i32>} : memref<256xi32, #tpu.memory_space<vmem>>, vector<16xi32>,
      %shift_right_arithmetic3A = arith.constant 7 : i32
      %shift_right_arithmetic3A_28 = vector.broadcast %shift_right_arithmetic3A : i32 to vector<16xi32>
      %shift_right_arithmetic3A_29 = arith.shrsi %get3A_25, %shift_right_arithmetic3A_28 : vector<16xi32>
      %mul3A_30 = arith.constant 128 : i32
      %mul3A_31 = vector.broadcast %mul3A_30 : i32 to vector<16xi32>
      %mul3A_32 = arith.muli %shift_right_arithmetic3A_29, %mul3A_31 : vector<16xi32>
      %shift_right_arithmetic3A_33 = arith.constant 7 : i32
      %shift_right_arithmetic3A_34 = vector.broadcast %shift_right_arithmetic3A_33 : i32 to vector<16xi32>
      %shift_right_arithmetic3A_35 = arith.shrsi %get3A_27, %shift_right_arithmetic3A_34 : vector<16xi32>
      %mul3A_36 = arith.constant 128 : i32
      %mul3A_37 = vector.broadcast %mul3A_36 : i32 to vector<16xi32>
      %mul3A_38 = arith.muli %shift_right_arithmetic3A_35, %mul3A_37 : vector<16xi32>
      %slice3A = vector.extract_strided_slice %mul3A_32 {offsets = [0], sizes = [1], strides = [1]} : vector<16xi32> to vector<1xi32>
      %squeeze3A = vector.extract %slice3A[0] : i32 from vector<1xi32>
      %multiple_of3A = tpu.assume_multiple %squeeze3A, 128 : i32
      %slice3A_39 = vector.extract_strided_slice %mul3A_38 {offsets = [0], sizes = [1], strides = [1]} : vector<16xi32> to vector<1xi32>
      %squeeze3A_40 = vector.extract %slice3A_39[0] : i32 from vector<1xi32>
      %multiple_of3A_41 = tpu.assume_multiple %squeeze3A_40, 128 : i32
      %dma_start3A_42 = arith.constant 0 : i32
      %dma_start3A_43 = arith.constant 0 : i32
      %dma_start3A_44 = arith.constant 0 : i32
      %dma_start3A_45 = tpu.memref_slice %arg12[%dma_start3A_42, %dma_start3A_43, %dma_start3A_44] : memref<16x16x128xf32, #tpu.memory_space<vmem>> -> memref<1x16x128xf32, #tpu.memory_space<vmem>>
      %dma_start3A_46 = tpu.memref_squeeze %dma_start3A_45 : memref<1x16x128xf32, #tpu.memory_space<vmem>> -> memref<16x128xf32, #tpu.memory_space<vmem>>
      %dma_start3A_47 = arith.constant 0 : i32
      %dma_start3A_48 = tpu.memref_slice %arg2[%dma_start3A_47, %multiple_of3A] : memref<16x1000001xf32, #tpu.memory_space<hbm>> -> memref<16x128xf32, #tpu.memory_space<hbm>>
      %dma_start3A_49 = arith.constant 0 : i32
      %dma_start3A_50 = arith.constant 0 : i32
      %dma_start3A_51 = tpu.memref_slice %arg12[%dma_start3A_42, %dma_start3A_49, %dma_start3A_50] : memref<16x16x128xf32, #tpu.memory_space<vmem>> -> memref<1x16x128xf32, #tpu.memory_space<vmem>>
      %dma_start3A_52 = tpu.memref_squeeze %dma_start3A_51 : memref<1x16x128xf32, #tpu.memory_space<vmem>> -> memref<16x128xf32, #tpu.memory_space<vmem>>
      %dma_start3A_53 = arith.constant 0 : i32
      %dma_start3A_54 = tpu.memref_slice %arg2[%dma_start3A_53, %multiple_of3A] : memref<16x1000001xf32, #tpu.memory_space<hbm>> -> memref<16x128xf32, #tpu.memory_space<hbm>>
      tpu.enqueue_dma source(%dma_start3A_54 : memref<16x128xf32, #tpu.memory_space<hbm>>) target(%dma_start3A_52 : memref<16x128xf32, #tpu.memory_space<vmem>>) target_semaphore(%arg18 : memref<!tpu.dma_semaphore, #tpu.memory_space<semaphore_mem>>)
      %dma_start3A_55 = arith.constant 0 : i32
      %dma_start3A_56 = arith.constant 0 : i32
      %dma_start3A_57 = arith.constant 0 : i32
      %dma_start3A_58 = tpu.memref_slice %arg13[%dma_start3A_55, %dma_start3A_56, %dma_start3A_57] : memref<16x16x128xf32, #tpu.memory_space<vmem>> -> memref<1x16x128xf32, #tpu.memory_space<vmem>>
      %dma_start3A_59 = tpu.memref_squeeze %dma_start3A_58 : memref<1x16x128xf32, #tpu.memory_space<vmem>> -> memref<16x128xf32, #tpu.memory_space<vmem>>
      %dma_start3A_60 = arith.constant 0 : i32
      %dma_start3A_61 = tpu.memref_slice %arg3[%dma_start3A_60, %multiple_of3A_41] : memref<16x1000000xf32, #tpu.memory_space<hbm>> -> memref<16x128xf32, #tpu.memory_space<hbm>>
      %dma_start3A_62 = arith.constant 0 : i32
      %dma_start3A_63 = arith.constant 0 : i32
      %dma_start3A_64 = tpu.memref_slice %arg13[%dma_start3A_55, %dma_start3A_62, %dma_start3A_63] : memref<16x16x128xf32, #tpu.memory_space<vmem>> -> memref<1x16x128xf32, #tpu.memory_space<vmem>>
      %dma_start3A_65 = tpu.memref_squeeze %dma_start3A_64 : memref<1x16x128xf32, #tpu.memory_space<vmem>> -> memref<16x128xf32, #tpu.memory_space<vmem>>
      %dma_start3A_66 = arith.constant 0 : i32
      %dma_start3A_67 = tpu.memref_slice %arg3[%dma_start3A_66, %multiple_of3A_41] : memref<16x1000000xf32, #tpu.memory_space<hbm>> -> memref<16x128xf32, #tpu.memory_space<hbm>>
      tpu.enqueue_dma source(%dma_start3A_67 : memref<16x128xf32, #tpu.memory_space<hbm>>) target(%dma_start3A_65 : memref<16x128xf32, #tpu.memory_space<vmem>>) target_semaphore(%arg18 : memref<!tpu.dma_semaphore, #tpu.memory_space<semaphore_mem>>)
      %slice3A_68 = vector.extract_strided_slice %mul3A_32 {offsets = [1], sizes = [1], strides = [1]} : vector<16xi32> to vector<1xi32>
      %squeeze3A_69 = vector.extract %slice3A_68[0] : i32 from vector<1xi32>
      %multiple_of3A_70 = tpu.assume_multiple %squeeze3A_69, 128 : i32
      %slice3A_71 = vector.extract_strided_slice %mul3A_38 {offsets = [1], sizes = [1], strides = [1]} : vector<16xi32> to vector<1xi32>
      %squeeze3A_72 = vector.extract %slice3A_71[0] : i32 from vector<1xi32>
      %multiple_of3A_73 = tpu.assume_multiple %squeeze3A_72, 128 : i32
      %dma_start3A_74 = arith.constant 1 : i32
      %dma_start3A_75 = arith.constant 0 : i32
      %dma_start3A_76 = arith.constant 0 : i32
      %dma_start3A_77 = tpu.memref_slice %arg12[%dma_start3A_74, %dma_start3A_75, %dma_start3A_76] : memref<16x16x128xf32, #tpu.memory_space<vmem>> -> memref<1x16x128xf32, #tpu.memory_space<vmem>>
      %dma_start3A_78 = tpu.memref_squeeze %dma_start3A_77 : memref<1x16x128xf32, #tpu.memory_space<vmem>> -> memref<16x128xf32, #tpu.memory_space<vmem>>
      %dma_start3A_79 = arith.constant 0 : i32
      %dma_start3A_80 = tpu.memref_slice %arg2[%dma_start3A_79, %multiple_of3A_70] : memref<16x1000001xf32, #tpu.memory_space<hbm>> -> memref<16x128xf32, #tpu.memory_space<hbm>>
      %dma_start3A_81 = arith.constant 0 : i32
      %dma_start3A_82 = arith.constant 0 : i32
      %dma_start3A_83 = tpu.memref_slice %arg12[%dma_start3A_74, %dma_start3A_81, %dma_start3A_82] : memref<16x16x128xf32, #tpu.memory_space<vmem>> -> memref<1x16x128xf32, #tpu.memory_space<vmem>>
      %dma_start3A_84 = tpu.memref_squeeze %dma_start3A_83 : memref<1x16x128xf32, #tpu.memory_space<vmem>> -> memref<16x128xf32, #tpu.memory_space<vmem>>
      %dma_start3A_85 = arith.constant 0 : i32
      %dma_start3A_86 = tpu.memref_slice %arg2[%dma_start3A_85, %multiple_of3A_70] : memref<16x1000001xf32, #tpu.memory_space<hbm>> -> memref<16x128xf32, #tpu.memory_space<hbm>>
      tpu.enqueue_dma source(%dma_start3A_86 : memref<16x128xf32, #tpu.memory_space<hbm>>) target(%dma_start3A_84 : memref<16x128xf32, #tpu.memory_space<vmem>>) target_semaphore(%arg18 : memref<!tpu.dma_semaphore, #tpu.memory_space<semaphore_mem>>)
      %dma_start3A_87 = arith.constant 1 : i32
      %dma_start3A_88 = arith.constant 0 : i32
      %dma_start3A_89 = arith.constant 0 : i32
      %dma_start3A_90 = tpu.memref_slice %arg13[%dma_start3A_87, %dma_start3A_88, %dma_start3A_89] : memref<16x16x128xf32, #tpu.memory_space<vmem>> -> memref<1x16x128xf32, #tpu.memory_space<vmem>>
      %dma_start3A_91 = tpu.memref_squeeze %dma_start3A_90 : memref<1x16x128xf32, #tpu.memory_space<vmem>> -> memref<16x128xf32, #tpu.memory_space<vmem>>
      %dma_start3A_92 = arith.constant 0 : i32
      %dma_start3A_93 = tpu.memref_slice %arg3[%dma_start3A_92, %multiple_of3A_73] : memref<16x1000000xf32, #tpu.memory_space<hbm>> -> memref<16x128xf32, #tpu.memory_space<hbm>>
      %dma_start3A_94 = arith.constant 0 : i32
      %dma_start3A_95 = arith.constant 0 : i32
      %dma_start3A_96 = tpu.memref_slice %arg13[%dma_start3A_87, %dma_start3A_94, %dma_start3A_95] : memref<16x16x128xf32, #tpu.memory_space<vmem>> -> memref<1x16x128xf32, #tpu.memory_space<vmem>>
      %dma_start3A_97 = tpu.memref_squeeze %dma_start3A_96 : memref<1x16x128xf32, #tpu.memory_space<vmem>> -> memref<16x128xf32, #tpu.memory_space<vmem>>
      %dma_start3A_98 = arith.constant 0 : i32
      %dma_start3A_99 = tpu.memref_slice %arg3[%dma_start3A_98, %multiple_of3A_73] : memref<16x1000000xf32, #tpu.memory_space<hbm>> -> memref<16x128xf32, #tpu.memory_space<hbm>>
      tpu.enqueue_dma source(%dma_start3A_99 : memref<16x128xf32, #tpu.memory_space<hbm>>) target(%dma_start3A_97 : memref<16x128xf32, #tpu.memory_space<vmem>>) target_semaphore(%arg18 : memref<!tpu.dma_semaphore, #tpu.memory_space<semaphore_mem>>)
      %slice3A_100 = vector.extract_strided_slice %mul3A_32 {offsets = [2], sizes = [1], strides = [1]} : vector<16xi32> to vector<1xi32>
      %squeeze3A_101 = vector.extract %slice3A_100[0] : i32 from vector<1xi32>
      %multiple_of3A_102 = tpu.assume_multiple %squeeze3A_101, 128 : i32
      %slice3A_103 = vector.extract_strided_slice %mul3A_38 {offsets = [2], sizes = [1], strides = [1]} : vector<16xi32> to vector<1xi32>
      %squeeze3A_104 = vector.extract %slice3A_103[0] : i32 from vector<1xi32>
      %multiple_of3A_105 = tpu.assume_multiple %squeeze3A_104, 128 : i32
      %dma_start3A_106 = arith.constant 2 : i32
      %dma_start3A_107 = arith.constant 0 : i32
      %dma_start3A_108 = arith.constant 0 : i32
      %dma_start3A_109 = tpu.memref_slice %arg12[%dma_start3A_106, %dma_start3A_107, %dma_start3A_108] : memref<16x16x128xf32, #tpu.memory_space<vmem>> -> memref<1x16x128xf32, #tpu.memory_space<vmem>>
      %dma_start3A_110 = tpu.memref_squeeze %dma_start3A_109 : memref<1x16x128xf32, #tpu.memory_space<vmem>> -> memref<16x128xf32, #tpu.memory_space<vmem>>
      %dma_start3A_111 = arith.constant 0 : i32
      %dma_start3A_112 = tpu.memref_slice %arg2[%dma_start3A_111, %multiple_of3A_102] : memref<16x1000001xf32, #tpu.memory_space<hbm>> -> memref<16x128xf32, #tpu.memory_space<hbm>>
      %dma_start3A_113 = arith.constant 0 : i32
      %dma_start3A_114 = arith.constant 0 : i32
      %dma_start3A_115 = tpu.memref_slice %arg12[%dma_start3A_106, %dma_start3A_113, %dma_start3A_114] : memref<16x16x128xf32, #tpu.memory_space<vmem>> -> memref<1x16x128xf32, #tpu.memory_space<vmem>>
      %dma_start3A_116 = tpu.memref_squeeze %dma_start3A_115 : memref<1x16x128xf32, #tpu.memory_space<vmem>> -> memref<16x128xf32, #tpu.memory_space<vmem>>
      %dma_start3A_117 = arith.constant 0 : i32
      %dma_start3A_118 = tpu.memref_slice %arg2[%dma_start3A_117, %multiple_of3A_102] : memref<16x1000001xf32, #tpu.memory_space<hbm>> -> memref<16x128xf32, #tpu.memory_space<hbm>>
      tpu.enqueue_dma source(%dma_start3A_118 : memref<16x128xf32, #tpu.memory_space<hbm>>) target(%dma_start3A_116 : memref<16x128xf32, #tpu.memory_space<vmem>>) target_semaphore(%arg18 : memref<!tpu.dma_semaphore, #tpu.memory_space<semaphore_mem>>)
      %dma_start3A_119 = arith.constant 2 : i32
      %dma_start3A_120 = arith.constant 0 : i32
      %dma_start3A_121 = arith.constant 0 : i32
      %dma_start3A_122 = tpu.memref_slice %arg13[%dma_start3A_119, %dma_start3A_120, %dma_start3A_121] : memref<16x16x128xf32, #tpu.memory_space<vmem>> -> memref<1x16x128xf32, #tpu.memory_space<vmem>>
      %dma_start3A_123 = tpu.memref_squeeze %dma_start3A_122 : memref<1x16x128xf32, #tpu.memory_space<vmem>> -> memref<16x128xf32, #tpu.memory_space<vmem>>
      %dma_start3A_124 = arith.constant 0 : i32
      %dma_start3A_125 = tpu.memref_slice %arg3[%dma_start3A_124, %multiple_of3A_105] : memref<16x1000000xf32, #tpu.memory_space<hbm>> -> memref<16x128xf32, #tpu.memory_space<hbm>>
      %dma_start3A_126 = arith.constant 0 : i32
      %dma_start3A_127 = arith.constant 0 : i32
      %dma_start3A_128 = tpu.memref_slice %arg13[%dma_start3A_119, %dma_start3A_126, %dma_start3A_127] : memref<16x16x128xf32, #tpu.memory_space<vmem>> -> memref<1x16x128xf32, #tpu.memory_space<vmem>>
      %dma_start3A_129 = tpu.memref_squeeze %dma_start3A_128 : memref<1x16x128xf32, #tpu.memory_space<vmem>> -> memref<16x128xf32, #tpu.memory_space<vmem>>
      %dma_start3A_130 = arith.constant 0 : i32
      %dma_start3A_131 = tpu.memref_slice %arg3[%dma_start3A_130, %multiple_of3A_105] : memref<16x1000000xf32, #tpu.memory_space<hbm>> -> memref<16x128xf32, #tpu.memory_space<hbm>>
      tpu.enqueue_dma source(%dma_start3A_131 : memref<16x128xf32, #tpu.memory_space<hbm>>) target(%dma_start3A_129 : memref<16x128xf32, #tpu.memory_space<vmem>>) target_semaphore(%arg18 : memref<!tpu.dma_semaphore, #tpu.memory_space<semaphore_mem>>)
      %slice3A_132 = vector.extract_strided_slice %mul3A_32 {offsets = [3], sizes = [1], strides = [1]} : vector<16xi32> to vector<1xi32>
      %squeeze3A_133 = vector.extract %slice3A_132[0] : i32 from vector<1xi32>
      %multiple_of3A_134 = tpu.assume_multiple %squeeze3A_133, 128 : i32
      %slice3A_135 = vector.extract_strided_slice %mul3A_38 {offsets = [3], sizes = [1], strides = [1]} : vector<16xi32> to vector<1xi32>
      %squeeze3A_136 = vector.extract %slice3A_135[0] : i32 from vector<1xi32>
      %multiple_of3A_137 = tpu.assume_multiple %squeeze3A_136, 128 : i32
      %dma_start3A_138 = arith.constant 3 : i32
      %dma_start3A_139 = arith.constant 0 : i32
      %dma_start3A_140 = arith.constant 0 : i32
      %dma_start3A_141 = tpu.memref_slice %arg12[%dma_start3A_138, %dma_start3A_139, %dma_start3A_140] : memref<16x16x128xf32, #tpu.memory_space<vmem>> -> memref<1x16x128xf32, #tpu.memory_space<vmem>>
      %dma_start3A_142 = tpu.memref_squeeze %dma_start3A_141 : memref<1x16x128xf32, #tpu.memory_space<vmem>> -> memref<16x128xf32, #tpu.memory_space<vmem>>
      %dma_start3A_143 = arith.constant 0 : i32
      %dma_start3A_144 = tpu.memref_slice %arg2[%dma_start3A_143, %multiple_of3A_134] : memref<16x1000001xf32, #tpu.memory_space<hbm>> -> memref<16x128xf32, #tpu.memory_space<hbm>>
      %dma_start3A_145 = arith.constant 0 : i32
      %dma_start3A_146 = arith.constant 0 : i32
      %dma_start3A_147 = tpu.memref_slice %arg12[%dma_start3A_138, %dma_start3A_145, %dma_start3A_146] : memref<16x16x128xf32, #tpu.memory_space<vmem>> -> memref<1x16x128xf32, #tpu.memory_space<vmem>>
      %dma_start3A_148 = tpu.memref_squeeze %dma_start3A_147 : memref<1x16x128xf32, #tpu.memory_space<vmem>> -> memref<16x128xf32, #tpu.memory_space<vmem>>
      %dma_start3A_149 = arith.constant 0 : i32
      %dma_start3A_150 = tpu.memref_slice %arg2[%dma_start3A_149, %multiple_of3A_134] : memref<16x1000001xf32, #tpu.memory_space<hbm>> -> memref<16x128xf32, #tpu.memory_space<hbm>>
      tpu.enqueue_dma source(%dma_start3A_150 : memref<16x128xf32, #tpu.memory_space<hbm>>) target(%dma_start3A_148 : memref<16x128xf32, #tpu.memory_space<vmem>>) target_semaphore(%arg18 : memref<!tpu.dma_semaphore, #tpu.memory_space<semaphore_mem>>)
      %dma_start3A_151 = arith.constant 3 : i32
      %dma_start3A_152 = arith.constant 0 : i32
      %dma_start3A_153 = arith.constant 0 : i32
      %dma_start3A_154 = tpu.memref_slice %arg13[%dma_start3A_151, %dma_start3A_152, %dma_start3A_153] : memref<16x16x128xf32, #tpu.memory_space<vmem>> -> memref<1x16x128xf32, #tpu.memory_space<vmem>>
      %dma_start3A_155 = tpu.memref_squeeze %dma_start3A_154 : memref<1x16x128xf32, #tpu.memory_space<vmem>> -> memref<16x128xf32, #tpu.memory_space<vmem>>
      %dma_start3A_156 = arith.constant 0 : i32
      %dma_start3A_157 = tpu.memref_slice %arg3[%dma_start3A_156, %multiple_of3A_137] : memref<16x1000000xf32, #tpu.memory_space<hbm>> -> memref<16x128xf32, #tpu.memory_space<hbm>>
      %dma_start3A_158 = arith.constant 0 : i32
      %dma_start3A_159 = arith.constant 0 : i32
      %dma_start3A_160 = tpu.memref_slice %arg13[%dma_start3A_151, %dma_start3A_158, %dma_start3A_159] : memref<16x16x128xf32, #tpu.memory_space<vmem>> -> memref<1x16x128xf32, #tpu.memory_space<vmem>>
      %dma_start3A_161 = tpu.memref_squeeze %dma_start3A_160 : memref<1x16x128xf32, #tpu.memory_space<vmem>> -> memref<16x128xf32, #tpu.memory_space<vmem>>
      %dma_start3A_162 = arith.constant 0 : i32
      %dma_start3A_163 = tpu.memref_slice %arg3[%dma_start3A_162, %multiple_of3A_137] : memref<16x1000000xf32, #tpu.memory_space<hbm>> -> memref<16x128xf32, #tpu.memory_space<hbm>>
      tpu.enqueue_dma source(%dma_start3A_163 : memref<16x128xf32, #tpu.memory_space<hbm>>) target(%dma_start3A_161 : memref<16x128xf32, #tpu.memory_space<vmem>>) target_semaphore(%arg18 : memref<!tpu.dma_semaphore, #tpu.memory_space<semaphore_mem>>)
      %slice3A_164 = vector.extract_strided_slice %mul3A_32 {offsets = [4], sizes = [1], strides = [1]} : vector<16xi32> to vector<1xi32>
      %squeeze3A_165 = vector.extract %slice3A_164[0] : i32 from vector<1xi32>
      %multiple_of3A_166 = tpu.assume_multiple %squeeze3A_165, 128 : i32
      %slice3A_167 = vector.extract_strided_slice %mul3A_38 {offsets = [4], sizes = [1], strides = [1]} : vector<16xi32> to vector<1xi32>
      %squeeze3A_168 = vector.extract %slice3A_167[0] : i32 from vector<1xi32>
      %multiple_of3A_169 = tpu.assume_multiple %squeeze3A_168, 128 : i32
      %dma_start3A_170 = arith.constant 4 : i32
      %dma_start3A_171 = arith.constant 0 : i32
      %dma_start3A_172 = arith.constant 0 : i32
      %dma_start3A_173 = tpu.memref_slice %arg12[%dma_start3A_170, %dma_start3A_171, %dma_start3A_172] : memref<16x16x128xf32, #tpu.memory_space<vmem>> -> memref<1x16x128xf32, #tpu.memory_space<vmem>>
      %dma_start3A_174 = tpu.memref_squeeze %dma_start3A_173 : memref<1x16x128xf32, #tpu.memory_space<vmem>> -> memref<16x128xf32, #tpu.memory_space<vmem>>
      %dma_start3A_175 = arith.constant 0 : i32
      %dma_start3A_176 = tpu.memref_slice %arg2[%dma_start3A_175, %multiple_of3A_166] : memref<16x1000001xf32, #tpu.memory_space<hbm>> -> memref<16x128xf32, #tpu.memory_space<hbm>>
      %dma_start3A_177 = arith.constant 0 : i32
      %dma_start3A_178 = arith.constant 0 : i32
      %dma_start3A_179 = tpu.memref_slice %arg12[%dma_start3A_170, %dma_start3A_177, %dma_start3A_178] : memref<16x16x128xf32, #tpu.memory_space<vmem>> -> memref<1x16x128xf32, #tpu.memory_space<vmem>>
      %dma_start3A_180 = tpu.memref_squeeze %dma_start3A_179 : memref<1x16x128xf32, #tpu.memory_space<vmem>> -> memref<16x128xf32, #tpu.memory_space<vmem>>
      %dma_start3A_181 = arith.constant 0 : i32
      %dma_start3A_182 = tpu.memref_slice %arg2[%dma_start3A_181, %multiple_of3A_166] : memref<16x1000001xf32, #tpu.memory_space<hbm>> -> memref<16x128xf32, #tpu.memory_space<hbm>>
      tpu.enqueue_dma source(%dma_start3A_182 : memref<16x128xf32, #tpu.memory_space<hbm>>) target(%dma_start3A_180 : memref<16x128xf32, #tpu.memory_space<vmem>>) target_semaphore(%arg18 : memref<!tpu.dma_semaphore, #tpu.memory_space<semaphore_mem>>)
      %dma_start3A_183 = arith.constant 4 : i32
      %dma_start3A_184 = arith.constant 0 : i32
      %dma_start3A_185 = arith.constant 0 : i32
      %dma_start3A_186 = tpu.memref_slice %arg13[%dma_start3A_183, %dma_start3A_184, %dma_start3A_185] : memref<16x16x128xf32, #tpu.memory_space<vmem>> -> memref<1x16x128xf32, #tpu.memory_space<vmem>>
      %dma_start3A_187 = tpu.memref_squeeze %dma_start3A_186 : memref<1x16x128xf32, #tpu.memory_space<vmem>> -> memref<16x128xf32, #tpu.memory_space<vmem>>
      %dma_start3A_188 = arith.constant 0 : i32
      %dma_start3A_189 = tpu.memref_slice %arg3[%dma_start3A_188, %multiple_of3A_169] : memref<16x1000000xf32, #tpu.memory_space<hbm>> -> memref<16x128xf32, #tpu.memory_space<hbm>>
      %dma_start3A_190 = arith.constant 0 : i32
      %dma_start3A_191 = arith.constant 0 : i32
      %dma_start3A_192 = tpu.memref_slice %arg13[%dma_start3A_183, %dma_start3A_190, %dma_start3A_191] : memref<16x16x128xf32, #tpu.memory_space<vmem>> -> memref<1x16x128xf32, #tpu.memory_space<vmem>>
      %dma_start3A_193 = tpu.memref_squeeze %dma_start3A_192 : memref<1x16x128xf32, #tpu.memory_space<vmem>> -> memref<16x128xf32, #tpu.memory_space<vmem>>
      %dma_start3A_194 = arith.constant 0 : i32
      %dma_start3A_195 = tpu.memref_slice %arg3[%dma_start3A_194, %multiple_of3A_169] : memref<16x1000000xf32, #tpu.memory_space<hbm>> -> memref<16x128xf32, #tpu.memory_space<hbm>>
      tpu.enqueue_dma source(%dma_start3A_195 : memref<16x128xf32, #tpu.memory_space<hbm>>) target(%dma_start3A_193 : memref<16x128xf32, #tpu.memory_space<vmem>>) target_semaphore(%arg18 : memref<!tpu.dma_semaphore, #tpu.memory_space<semaphore_mem>>)
      %slice3A_196 = vector.extract_strided_slice %mul3A_32 {offsets = [5], sizes = [1], strides = [1]} : vector<16xi32> to vector<1xi32>
      %squeeze3A_197 = vector.extract %slice3A_196[0] : i32 from vector<1xi32>
      %multiple_of3A_198 = tpu.assume_multiple %squeeze3A_197, 128 : i32
      %slice3A_199 = vector.extract_strided_slice %mul3A_38 {offsets = [5], sizes = [1], strides = [1]} : vector<16xi32> to vector<1xi32>
      %squeeze3A_200 = vector.extract %slice3A_199[0] : i32 from vector<1xi32>
      %multiple_of3A_201 = tpu.assume_multiple %squeeze3A_200, 128 : i32
      %dma_start3A_202 = arith.constant 5 : i32
      %dma_start3A_203 = arith.constant 0 : i32
      %dma_start3A_204 = arith.constant 0 : i32
      %dma_start3A_205 = tpu.memref_slice %arg12[%dma_start3A_202, %dma_start3A_203, %dma_start3A_204] : memref<16x16x128xf32, #tpu.memory_space<vmem>> -> memref<1x16x128xf32, #tpu.memory_space<vmem>>
      %dma_start3A_206 = tpu.memref_squeeze %dma_start3A_205 : memref<1x16x128xf32, #tpu.memory_space<vmem>> -> memref<16x128xf32, #tpu.memory_space<vmem>>
      %dma_start3A_207 = arith.constant 0 : i32
      %dma_start3A_208 = tpu.memref_slice %arg2[%dma_start3A_207, %multiple_of3A_198] : memref<16x1000001xf32, #tpu.memory_space<hbm>> -> memref<16x128xf32, #tpu.memory_space<hbm>>
      %dma_start3A_209 = arith.constant 0 : i32
      %dma_start3A_210 = arith.constant 0 : i32
      %dma_start3A_211 = tpu.memref_slice %arg12[%dma_start3A_202, %dma_start3A_209, %dma_start3A_210] : memref<16x16x128xf32, #tpu.memory_space<vmem>> -> memref<1x16x128xf32, #tpu.memory_space<vmem>>
      %dma_start3A_212 = tpu.memref_squeeze %dma_start3A_211 : memref<1x16x128xf32, #tpu.memory_space<vmem>> -> memref<16x128xf32, #tpu.memory_space<vmem>>
      %dma_start3A_213 = arith.constant 0 : i32
      %dma_start3A_214 = tpu.memref_slice %arg2[%dma_start3A_213, %multiple_of3A_198] : memref<16x1000001xf32, #tpu.memory_space<hbm>> -> memref<16x128xf32, #tpu.memory_space<hbm>>
      tpu.enqueue_dma source(%dma_start3A_214 : memref<16x128xf32, #tpu.memory_space<hbm>>) target(%dma_start3A_212 : memref<16x128xf32, #tpu.memory_space<vmem>>) target_semaphore(%arg18 : memref<!tpu.dma_semaphore, #tpu.memory_space<semaphore_mem>>)
      %dma_start3A_215 = arith.constant 5 : i32
      %dma_start3A_216 = arith.constant 0 : i32
      %dma_start3A_217 = arith.constant 0 : i32
      %dma_start3A_218 = tpu.memref_slice %arg13[%dma_start3A_215, %dma_start3A_216, %dma_start3A_217] : memref<16x16x128xf32, #tpu.memory_space<vmem>> -> memref<1x16x128xf32, #tpu.memory_space<vmem>>
      %dma_start3A_219 = tpu.memref_squeeze %dma_start3A_218 : memref<1x16x128xf32, #tpu.memory_space<vmem>> -> memref<16x128xf32, #tpu.memory_space<vmem>>
      %dma_start3A_220 = arith.constant 0 : i32
      %dma_start3A_221 = tpu.memref_slice %arg3[%dma_start3A_220, %multiple_of3A_201] : memref<16x1000000xf32, #tpu.memory_space<hbm>> -> memref<16x128xf32, #tpu.memory_space<hbm>>
      %dma_start3A_222 = arith.constant 0 : i32
      %dma_start3A_223 = arith.constant 0 : i32
      %dma_start3A_224 = tpu.memref_slice %arg13[%dma_start3A_215, %dma_start3A_222, %dma_start3A_223] : memref<16x16x128xf32, #tpu.memory_space<vmem>> -> memref<1x16x128xf32, #tpu.memory_space<vmem>>
      %dma_start3A_225 = tpu.memref_squeeze %dma_start3A_224 : memref<1x16x128xf32, #tpu.memory_space<vmem>> -> memref<16x128xf32, #tpu.memory_space<vmem>>
      %dma_start3A_226 = arith.constant 0 : i32
      %dma_start3A_227 = tpu.memref_slice %arg3[%dma_start3A_226, %multiple_of3A_201] : memref<16x1000000xf32, #tpu.memory_space<hbm>> -> memref<16x128xf32, #tpu.memory_space<hbm>>
      tpu.enqueue_dma source(%dma_start3A_227 : memref<16x128xf32, #tpu.memory_space<hbm>>) target(%dma_start3A_225 : memref<16x128xf32, #tpu.memory_space<vmem>>) target_semaphore(%arg18 : memref<!tpu.dma_semaphore, #tpu.memory_space<semaphore_mem>>)
      %slice3A_228 = vector.extract_strided_slice %mul3A_32 {offsets = [6], sizes = [1], strides = [1]} : vector<16xi32> to vector<1xi32>
      %squeeze3A_229 = vector.extract %slice3A_228[0] : i32 from vector<1xi32>
      %multiple_of3A_230 = tpu.assume_multiple %squeeze3A_229, 128 : i32
      %slice3A_231 = vector.extract_strided_slice %mul3A_38 {offsets = [6], sizes = [1], strides = [1]} : vector<16xi32> to vector<1xi32>
      %squeeze3A_232 = vector.extract %slice3A_231[0] : i32 from vector<1xi32>
      %multiple_of3A_233 = tpu.assume_multiple %squeeze3A_232, 128 : i32
      %dma_start3A_234 = arith.constant 6 : i32
      %dma_start3A_235 = arith.constant 0 : i32
      %dma_start3A_236 = arith.constant 0 : i32
      %dma_start3A_237 = tpu.memref_slice %arg12[%dma_start3A_234, %dma_start3A_235, %dma_start3A_236] : memref<16x16x128xf32, #tpu.memory_space<vmem>> -> memref<1x16x128xf32, #tpu.memory_space<vmem>>
      %dma_start3A_238 = tpu.memref_squeeze %dma_start3A_237 : memref<1x16x128xf32, #tpu.memory_space<vmem>> -> memref<16x128xf32, #tpu.memory_space<vmem>>
      %dma_start3A_239 = arith.constant 0 : i32
      %dma_start3A_240 = tpu.memref_slice %arg2[%dma_start3A_239, %multiple_of3A_230] : memref<16x1000001xf32, #tpu.memory_space<hbm>> -> memref<16x128xf32, #tpu.memory_space<hbm>>
      %dma_start3A_241 = arith.constant 0 : i32
      %dma_start3A_242 = arith.constant 0 : i32
      %dma_start3A_243 = tpu.memref_slice %arg12[%dma_start3A_234, %dma_start3A_241, %dma_start3A_242] : memref<16x16x128xf32, #tpu.memory_space<vmem>> -> memref<1x16x128xf32, #tpu.memory_space<vmem>>
      %dma_start3A_244 = tpu.memref_squeeze %dma_start3A_243 : memref<1x16x128xf32, #tpu.memory_space<vmem>> -> memref<16x128xf32, #tpu.memory_space<vmem>>
      %dma_start3A_245 = arith.constant 0 : i32
      %dma_start3A_246 = tpu.memref_slice %arg2[%dma_start3A_245, %multiple_of3A_230] : memref<16x1000001xf32, #tpu.memory_space<hbm>> -> memref<16x128xf32, #tpu.memory_space<hbm>>
      tpu.enqueue_dma source(%dma_start3A_246 : memref<16x128xf32, #tpu.memory_space<hbm>>) target(%dma_start3A_244 : memref<16x128xf32, #tpu.memory_space<vmem>>) target_semaphore(%arg18 : memref<!tpu.dma_semaphore, #tpu.memory_space<semaphore_mem>>)
      %dma_start3A_247 = arith.constant 6 : i32
      %dma_start3A_248 = arith.constant 0 : i32
      %dma_start3A_249 = arith.constant 0 : i32
      %dma_start3A_250 = tpu.memref_slice %arg13[%dma_start3A_247, %dma_start3A_248, %dma_start3A_249] : memref<16x16x128xf32, #tpu.memory_space<vmem>> -> memref<1x16x128xf32, #tpu.memory_space<vmem>>
      %dma_start3A_251 = tpu.memref_squeeze %dma_start3A_250 : memref<1x16x128xf32, #tpu.memory_space<vmem>> -> memref<16x128xf32, #tpu.memory_space<vmem>>
      %dma_start3A_252 = arith.constant 0 : i32
      %dma_start3A_253 = tpu.memref_slice %arg3[%dma_start3A_252, %multiple_of3A_233] : memref<16x1000000xf32, #tpu.memory_space<hbm>> -> memref<16x128xf32, #tpu.memory_space<hbm>>
      %dma_start3A_254 = arith.constant 0 : i32
      %dma_start3A_255 = arith.constant 0 : i32
      %dma_start3A_256 = tpu.memref_slice %arg13[%dma_start3A_247, %dma_start3A_254, %dma_start3A_255] : memref<16x16x128xf32, #tpu.memory_space<vmem>> -> memref<1x16x128xf32, #tpu.memory_space<vmem>>
      %dma_start3A_257 = tpu.memref_squeeze %dma_start3A_256 : memref<1x16x128xf32, #tpu.memory_space<vmem>> -> memref<16x128xf32, #tpu.memory_space<vmem>>
      %dma_start3A_258 = arith.constant 0 : i32
      %dma_start3A_259 = tpu.memref_slice %arg3[%dma_start3A_258, %multiple_of3A_233] : memref<16x1000000xf32, #tpu.memory_space<hbm>> -> memref<16x128xf32, #tpu.memory_space<hbm>>
      tpu.enqueue_dma source(%dma_start3A_259 : memref<16x128xf32, #tpu.memory_space<hbm>>) target(%dma_start3A_257 : memref<16x128xf32, #tpu.memory_space<vmem>>) target_semaphore(%arg18 : memref<!tpu.dma_semaphore, #tpu.memory_space<semaphore_mem>>)
      %slice3A_260 = vector.extract_strided_slice %mul3A_32 {offsets = [7], sizes = [1], strides = [1]} : vector<16xi32> to vector<1xi32>
      %squeeze3A_261 = vector.extract %slice3A_260[0] : i32 from vector<1xi32>
      %multiple_of3A_262 = tpu.assume_multiple %squeeze3A_261, 128 : i32
      %slice3A_263 = vector.extract_strided_slice %mul3A_38 {offsets = [7], sizes = [1], strides = [1]} : vector<16xi32> to vector<1xi32>
      %squeeze3A_264 = vector.extract %slice3A_263[0] : i32 from vector<1xi32>
      %multiple_of3A_265 = tpu.assume_multiple %squeeze3A_264, 128 : i32
      %dma_start3A_266 = arith.constant 7 : i32
      %dma_start3A_267 = arith.constant 0 : i32
      %dma_start3A_268 = arith.constant 0 : i32
      %dma_start3A_269 = tpu.memref_slice %arg12[%dma_start3A_266, %dma_start3A_267, %dma_start3A_268] : memref<16x16x128xf32, #tpu.memory_space<vmem>> -> memref<1x16x128xf32, #tpu.memory_space<vmem>>
      %dma_start3A_270 = tpu.memref_squeeze %dma_start3A_269 : memref<1x16x128xf32, #tpu.memory_space<vmem>> -> memref<16x128xf32, #tpu.memory_space<vmem>>
      %dma_start3A_271 = arith.constant 0 : i32
      %dma_start3A_272 = tpu.memref_slice %arg2[%dma_start3A_271, %multiple_of3A_262] : memref<16x1000001xf32, #tpu.memory_space<hbm>> -> memref<16x128xf32, #tpu.memory_space<hbm>>
      %dma_start3A_273 = arith.constant 0 : i32
      %dma_start3A_274 = arith.constant 0 : i32
      %dma_start3A_275 = tpu.memref_slice %arg12[%dma_start3A_266, %dma_start3A_273, %dma_start3A_274] : memref<16x16x128xf32, #tpu.memory_space<vmem>> -> memref<1x16x128xf32, #tpu.memory_space<vmem>>
      %dma_start3A_276 = tpu.memref_squeeze %dma_start3A_275 : memref<1x16x128xf32, #tpu.memory_space<vmem>> -> memref<16x128xf32, #tpu.memory_space<vmem>>
      %dma_start3A_277 = arith.constant 0 : i32
      %dma_start3A_278 = tpu.memref_slice %arg2[%dma_start3A_277, %multiple_of3A_262] : memref<16x1000001xf32, #tpu.memory_space<hbm>> -> memref<16x128xf32, #tpu.memory_space<hbm>>
      tpu.enqueue_dma source(%dma_start3A_278 : memref<16x128xf32, #tpu.memory_space<hbm>>) target(%dma_start3A_276 : memref<16x128xf32, #tpu.memory_space<vmem>>) target_semaphore(%arg18 : memref<!tpu.dma_semaphore, #tpu.memory_space<semaphore_mem>>)
      %dma_start3A_279 = arith.constant 7 : i32
      %dma_start3A_280 = arith.constant 0 : i32
      %dma_start3A_281 = arith.constant 0 : i32
      %dma_start3A_282 = tpu.memref_slice %arg13[%dma_start3A_279, %dma_start3A_280, %dma_start3A_281] : memref<16x16x128xf32, #tpu.memory_space<vmem>> -> memref<1x16x128xf32, #tpu.memory_space<vmem>>
      %dma_start3A_283 = tpu.memref_squeeze %dma_start3A_282 : memref<1x16x128xf32, #tpu.memory_space<vmem>> -> memref<16x128xf32, #tpu.memory_space<vmem>>
      %dma_start3A_284 = arith.constant 0 : i32
      %dma_start3A_285 = tpu.memref_slice %arg3[%dma_start3A_284, %multiple_of3A_265] : memref<16x1000000xf32, #tpu.memory_space<hbm>> -> memref<16x128xf32, #tpu.memory_space<hbm>>
      %dma_start3A_286 = arith.constant 0 : i32
      %dma_start3A_287 = arith.constant 0 : i32
      %dma_start3A_288 = tpu.memref_slice %arg13[%dma_start3A_279, %dma_start3A_286, %dma_start3A_287] : memref<16x16x128xf32, #tpu.memory_space<vmem>> -> memref<1x16x128xf32, #tpu.memory_space<vmem>>
      %dma_start3A_289 = tpu.memref_squeeze %dma_start3A_288 : memref<1x16x128xf32, #tpu.memory_space<vmem>> -> memref<16x128xf32, #tpu.memory_space<vmem>>
      %dma_start3A_290 = arith.constant 0 : i32
      %dma_start3A_291 = tpu.memref_slice %arg3[%dma_start3A_290, %multiple_of3A_265] : memref<16x1000000xf32, #tpu.memory_space<hbm>> -> memref<16x128xf32, #tpu.memory_space<hbm>>
      tpu.enqueue_dma source(%dma_start3A_291 : memref<16x128xf32, #tpu.memory_space<hbm>>) target(%dma_start3A_289 : memref<16x128xf32, #tpu.memory_space<vmem>>) target_semaphore(%arg18 : memref<!tpu.dma_semaphore, #tpu.memory_space<semaphore_mem>>)
      %slice3A_292 = vector.extract_strided_slice %mul3A_32 {offsets = [8], sizes = [1], strides = [1]} : vector<16xi32> to vector<1xi32>
      %squeeze3A_293 = vector.extract %slice3A_292[0] : i32 from vector<1xi32>
      %multiple_of3A_294 = tpu.assume_multiple %squeeze3A_293, 128 : i32
      %slice3A_295 = vector.extract_strided_slice %mul3A_38 {offsets = [8], sizes = [1], strides = [1]} : vector<16xi32> to vector<1xi32>
      %squeeze3A_296 = vector.extract %slice3A_295[0] : i32 from vector<1xi32>
      %multiple_of3A_297 = tpu.assume_multiple %squeeze3A_296, 128 : i32
      %dma_start3A_298 = arith.constant 8 : i32
      %dma_start3A_299 = arith.constant 0 : i32
      %dma_start3A_300 = arith.constant 0 : i32
      %dma_start3A_301 = tpu.memref_slice %arg12[%dma_start3A_298, %dma_start3A_299, %dma_start3A_300] : memref<16x16x128xf32, #tpu.memory_space<vmem>> -> memref<1x16x128xf32, #tpu.memory_space<vmem>>
      %dma_start3A_302 = tpu.memref_squeeze %dma_start3A_301 : memref<1x16x128xf32, #tpu.memory_space<vmem>> -> memref<16x128xf32, #tpu.memory_space<vmem>>
      %dma_start3A_303 = arith.constant 0 : i32
      %dma_start3A_304 = tpu.memref_slice %arg2[%dma_start3A_303, %multiple_of3A_294] : memref<16x1000001xf32, #tpu.memory_space<hbm>> -> memref<16x128xf32, #tpu.memory_space<hbm>>
      %dma_start3A_305 = arith.constant 0 : i32
      %dma_start3A_306 = arith.constant 0 : i32
      %dma_start3A_307 = tpu.memref_slice %arg12[%dma_start3A_298, %dma_start3A_305, %dma_start3A_306] : memref<16x16x128xf32, #tpu.memory_space<vmem>> -> memref<1x16x128xf32, #tpu.memory_space<vmem>>
      %dma_start3A_308 = tpu.memref_squeeze %dma_start3A_307 : memref<1x16x128xf32, #tpu.memory_space<vmem>> -> memref<16x128xf32, #tpu.memory_space<vmem>>
      %dma_start3A_309 = arith.constant 0 : i32
      %dma_start3A_310 = tpu.memref_slice %arg2[%dma_start3A_309, %multiple_of3A_294] : memref<16x1000001xf32, #tpu.memory_space<hbm>> -> memref<16x128xf32, #tpu.memory_space<hbm>>
      tpu.enqueue_dma source(%dma_start3A_310 : memref<16x128xf32, #tpu.memory_space<hbm>>) target(%dma_start3A_308 : memref<16x128xf32, #tpu.memory_space<vmem>>) target_semaphore(%arg18 : memref<!tpu.dma_semaphore, #tpu.memory_space<semaphore_mem>>)
      %dma_start3A_311 = arith.constant 8 : i32
      %dma_start3A_312 = arith.constant 0 : i32
      %dma_start3A_313 = arith.constant 0 : i32
      %dma_start3A_314 = tpu.memref_slice %arg13[%dma_start3A_311, %dma_start3A_312, %dma_start3A_313] : memref<16x16x128xf32, #tpu.memory_space<vmem>> -> memref<1x16x128xf32, #tpu.memory_space<vmem>>
      %dma_start3A_315 = tpu.memref_squeeze %dma_start3A_314 : memref<1x16x128xf32, #tpu.memory_space<vmem>> -> memref<16x128xf32, #tpu.memory_space<vmem>>
      %dma_start3A_316 = arith.constant 0 : i32
      %dma_start3A_317 = tpu.memref_slice %arg3[%dma_start3A_316, %multiple_of3A_297] : memref<16x1000000xf32, #tpu.memory_space<hbm>> -> memref<16x128xf32, #tpu.memory_space<hbm>>
      %dma_start3A_318 = arith.constant 0 : i32
      %dma_start3A_319 = arith.constant 0 : i32
      %dma_start3A_320 = tpu.memref_slice %arg13[%dma_start3A_311, %dma_start3A_318, %dma_start3A_319] : memref<16x16x128xf32, #tpu.memory_space<vmem>> -> memref<1x16x128xf32, #tpu.memory_space<vmem>>
      %dma_start3A_321 = tpu.memref_squeeze %dma_start3A_320 : memref<1x16x128xf32, #tpu.memory_space<vmem>> -> memref<16x128xf32, #tpu.memory_space<vmem>>
      %dma_start3A_322 = arith.constant 0 : i32
      %dma_start3A_323 = tpu.memref_slice %arg3[%dma_start3A_322, %multiple_of3A_297] : memref<16x1000000xf32, #tpu.memory_space<hbm>> -> memref<16x128xf32, #tpu.memory_space<hbm>>
      tpu.enqueue_dma source(%dma_start3A_323 : memref<16x128xf32, #tpu.memory_space<hbm>>) target(%dma_start3A_321 : memref<16x128xf32, #tpu.memory_space<vmem>>) target_semaphore(%arg18 : memref<!tpu.dma_semaphore, #tpu.memory_space<semaphore_mem>>)
      %slice3A_324 = vector.extract_strided_slice %mul3A_32 {offsets = [9], sizes = [1], strides = [1]} : vector<16xi32> to vector<1xi32>
      %squeeze3A_325 = vector.extract %slice3A_324[0] : i32 from vector<1xi32>
      %multiple_of3A_326 = tpu.assume_multiple %squeeze3A_325, 128 : i32
      %slice3A_327 = vector.extract_strided_slice %mul3A_38 {offsets = [9], sizes = [1], strides = [1]} : vector<16xi32> to vector<1xi32>
      %squeeze3A_328 = vector.extract %slice3A_327[0] : i32 from vector<1xi32>
      %multiple_of3A_329 = tpu.assume_multiple %squeeze3A_328, 128 : i32
      %dma_start3A_330 = arith.constant 9 : i32
      %dma_start3A_331 = arith.constant 0 : i32
      %dma_start3A_332 = arith.constant 0 : i32
      %dma_start3A_333 = tpu.memref_slice %arg12[%dma_start3A_330, %dma_start3A_331, %dma_start3A_332] : memref<16x16x128xf32, #tpu.memory_space<vmem>> -> memref<1x16x128xf32, #tpu.memory_space<vmem>>
      %dma_start3A_334 = tpu.memref_squeeze %dma_start3A_333 : memref<1x16x128xf32, #tpu.memory_space<vmem>> -> memref<16x128xf32, #tpu.memory_space<vmem>>
      %dma_start3A_335 = arith.constant 0 : i32
      %dma_start3A_336 = tpu.memref_slice %arg2[%dma_start3A_335, %multiple_of3A_326] : memref<16x1000001xf32, #tpu.memory_space<hbm>> -> memref<16x128xf32, #tpu.memory_space<hbm>>
      %dma_start3A_337 = arith.constant 0 : i32
      %dma_start3A_338 = arith.constant 0 : i32
      %dma_start3A_339 = tpu.memref_slice %arg12[%dma_start3A_330, %dma_start3A_337, %dma_start3A_338] : memref<16x16x128xf32, #tpu.memory_space<vmem>> -> memref<1x16x128xf32, #tpu.memory_space<vmem>>
      %dma_start3A_340 = tpu.memref_squeeze %dma_start3A_339 : memref<1x16x128xf32, #tpu.memory_space<vmem>> -> memref<16x128xf32, #tpu.memory_space<vmem>>
      %dma_start3A_341 = arith.constant 0 : i32
      %dma_start3A_342 = tpu.memref_slice %arg2[%dma_start3A_341, %multiple_of3A_326] : memref<16x1000001xf32, #tpu.memory_space<hbm>> -> memref<16x128xf32, #tpu.memory_space<hbm>>
      tpu.enqueue_dma source(%dma_start3A_342 : memref<16x128xf32, #tpu.memory_space<hbm>>) target(%dma_start3A_340 : memref<16x128xf32, #tpu.memory_space<vmem>>) target_semaphore(%arg18 : memref<!tpu.dma_semaphore, #tpu.memory_space<semaphore_mem>>)
      %dma_start3A_343 = arith.constant 9 : i32
      %dma_start3A_344 = arith.constant 0 : i32
      %dma_start3A_345 = arith.constant 0 : i32
      %dma_start3A_346 = tpu.memref_slice %arg13[%dma_start3A_343, %dma_start3A_344, %dma_start3A_345] : memref<16x16x128xf32, #tpu.memory_space<vmem>> -> memref<1x16x128xf32, #tpu.memory_space<vmem>>
      %dma_start3A_347 = tpu.memref_squeeze %dma_start3A_346 : memref<1x16x128xf32, #tpu.memory_space<vmem>> -> memref<16x128xf32, #tpu.memory_space<vmem>>
      %dma_start3A_348 = arith.constant 0 : i32
      %dma_start3A_349 = tpu.memref_slice %arg3[%dma_start3A_348, %multiple_of3A_329] : memref<16x1000000xf32, #tpu.memory_space<hbm>> -> memref<16x128xf32, #tpu.memory_space<hbm>>
      %dma_start3A_350 = arith.constant 0 : i32
      %dma_start3A_351 = arith.constant 0 : i32
      %dma_start3A_352 = tpu.memref_slice %arg13[%dma_start3A_343, %dma_start3A_350, %dma_start3A_351] : memref<16x16x128xf32, #tpu.memory_space<vmem>> -> memref<1x16x128xf32, #tpu.memory_space<vmem>>
      %dma_start3A_353 = tpu.memref_squeeze %dma_start3A_352 : memref<1x16x128xf32, #tpu.memory_space<vmem>> -> memref<16x128xf32, #tpu.memory_space<vmem>>
      %dma_start3A_354 = arith.constant 0 : i32
      %dma_start3A_355 = tpu.memref_slice %arg3[%dma_start3A_354, %multiple_of3A_329] : memref<16x1000000xf32, #tpu.memory_space<hbm>> -> memref<16x128xf32, #tpu.memory_space<hbm>>
      tpu.enqueue_dma source(%dma_start3A_355 : memref<16x128xf32, #tpu.memory_space<hbm>>) target(%dma_start3A_353 : memref<16x128xf32, #tpu.memory_space<vmem>>) target_semaphore(%arg18 : memref<!tpu.dma_semaphore, #tpu.memory_space<semaphore_mem>>)
      %slice3A_356 = vector.extract_strided_slice %mul3A_32 {offsets = [10], sizes = [1], strides = [1]} : vector<16xi32> to vector<1xi32>
      %squeeze3A_357 = vector.extract %slice3A_356[0] : i32 from vector<1xi32>
      %multiple_of3A_358 = tpu.assume_multiple %squeeze3A_357, 128 : i32
      %slice3A_359 = vector.extract_strided_slice %mul3A_38 {offsets = [10], sizes = [1], strides = [1]} : vector<16xi32> to vector<1xi32>
      %squeeze3A_360 = vector.extract %slice3A_359[0] : i32 from vector<1xi32>
      %multiple_of3A_361 = tpu.assume_multiple %squeeze3A_360, 128 : i32
      %dma_start3A_362 = arith.constant 10 : i32
      %dma_start3A_363 = arith.constant 0 : i32
      %dma_start3A_364 = arith.constant 0 : i32
      %dma_start3A_365 = tpu.memref_slice %arg12[%dma_start3A_362, %dma_start3A_363, %dma_start3A_364] : memref<16x16x128xf32, #tpu.memory_space<vmem>> -> memref<1x16x128xf32, #tpu.memory_space<vmem>>
      %dma_start3A_366 = tpu.memref_squeeze %dma_start3A_365 : memref<1x16x128xf32, #tpu.memory_space<vmem>> -> memref<16x128xf32, #tpu.memory_space<vmem>>
      %dma_start3A_367 = arith.constant 0 : i32
      %dma_start3A_368 = tpu.memref_slice %arg2[%dma_start3A_367, %multiple_of3A_358] : memref<16x1000001xf32, #tpu.memory_space<hbm>> -> memref<16x128xf32, #tpu.memory_space<hbm>>
      %dma_start3A_369 = arith.constant 0 : i32
      %dma_start3A_370 = arith.constant 0 : i32
      %dma_start3A_371 = tpu.memref_slice %arg12[%dma_start3A_362, %dma_start3A_369, %dma_start3A_370] : memref<16x16x128xf32, #tpu.memory_space<vmem>> -> memref<1x16x128xf32, #tpu.memory_space<vmem>>
      %dma_start3A_372 = tpu.memref_squeeze %dma_start3A_371 : memref<1x16x128xf32, #tpu.memory_space<vmem>> -> memref<16x128xf32, #tpu.memory_space<vmem>>
      %dma_start3A_373 = arith.constant 0 : i32
      %dma_start3A_374 = tpu.memref_slice %arg2[%dma_start3A_373, %multiple_of3A_358] : memref<16x1000001xf32, #tpu.memory_space<hbm>> -> memref<16x128xf32, #tpu.memory_space<hbm>>
      tpu.enqueue_dma source(%dma_start3A_374 : memref<16x128xf32, #tpu.memory_space<hbm>>) target(%dma_start3A_372 : memref<16x128xf32, #tpu.memory_space<vmem>>) target_semaphore(%arg18 : memref<!tpu.dma_semaphore, #tpu.memory_space<semaphore_mem>>)
      %dma_start3A_375 = arith.constant 10 : i32
      %dma_start3A_376 = arith.constant 0 : i32
      %dma_start3A_377 = arith.constant 0 : i32
      %dma_start3A_378 = tpu.memref_slice %arg13[%dma_start3A_375, %dma_start3A_376, %dma_start3A_377] : memref<16x16x128xf32, #tpu.memory_space<vmem>> -> memref<1x16x128xf32, #tpu.memory_space<vmem>>
      %dma_start3A_379 = tpu.memref_squeeze %dma_start3A_378 : memref<1x16x128xf32, #tpu.memory_space<vmem>> -> memref<16x128xf32, #tpu.memory_space<vmem>>
      %dma_start3A_380 = arith.constant 0 : i32
      %dma_start3A_381 = tpu.memref_slice %arg3[%dma_start3A_380, %multiple_of3A_361] : memref<16x1000000xf32, #tpu.memory_space<hbm>> -> memref<16x128xf32, #tpu.memory_space<hbm>>
      %dma_start3A_382 = arith.constant 0 : i32
      %dma_start3A_383 = arith.constant 0 : i32
      %dma_start3A_384 = tpu.memref_slice %arg13[%dma_start3A_375, %dma_start3A_382, %dma_start3A_383] : memref<16x16x128xf32, #tpu.memory_space<vmem>> -> memref<1x16x128xf32, #tpu.memory_space<vmem>>
      %dma_start3A_385 = tpu.memref_squeeze %dma_start3A_384 : memref<1x16x128xf32, #tpu.memory_space<vmem>> -> memref<16x128xf32, #tpu.memory_space<vmem>>
      %dma_start3A_386 = arith.constant 0 : i32
      %dma_start3A_387 = tpu.memref_slice %arg3[%dma_start3A_386, %multiple_of3A_361] : memref<16x1000000xf32, #tpu.memory_space<hbm>> -> memref<16x128xf32, #tpu.memory_space<hbm>>
      tpu.enqueue_dma source(%dma_start3A_387 : memref<16x128xf32, #tpu.memory_space<hbm>>) target(%dma_start3A_385 : memref<16x128xf32, #tpu.memory_space<vmem>>) target_semaphore(%arg18 : memref<!tpu.dma_semaphore, #tpu.memory_space<semaphore_mem>>)
      %slice3A_388 = vector.extract_strided_slice %mul3A_32 {offsets = [11], sizes = [1], strides = [1]} : vector<16xi32> to vector<1xi32>
      %squeeze3A_389 = vector.extract %slice3A_388[0] : i32 from vector<1xi32>
      %multiple_of3A_390 = tpu.assume_multiple %squeeze3A_389, 128 : i32
      %slice3A_391 = vector.extract_strided_slice %mul3A_38 {offsets = [11], sizes = [1], strides = [1]} : vector<16xi32> to vector<1xi32>
      %squeeze3A_392 = vector.extract %slice3A_391[0] : i32 from vector<1xi32>
      %multiple_of3A_393 = tpu.assume_multiple %squeeze3A_392, 128 : i32
      %dma_start3A_394 = arith.constant 11 : i32
      %dma_start3A_395 = arith.constant 0 : i32
      %dma_start3A_396 = arith.constant 0 : i32
      %dma_start3A_397 = tpu.memref_slice %arg12[%dma_start3A_394, %dma_start3A_395, %dma_start3A_396] : memref<16x16x128xf32, #tpu.memory_space<vmem>> -> memref<1x16x128xf32, #tpu.memory_space<vmem>>
      %dma_start3A_398 = tpu.memref_squeeze %dma_start3A_397 : memref<1x16x128xf32, #tpu.memory_space<vmem>> -> memref<16x128xf32, #tpu.memory_space<vmem>>
      %dma_start3A_399 = arith.constant 0 : i32
      %dma_start3A_400 = tpu.memref_slice %arg2[%dma_start3A_399, %multiple_of3A_390] : memref<16x1000001xf32, #tpu.memory_space<hbm>> -> memref<16x128xf32, #tpu.memory_space<hbm>>
      %dma_start3A_401 = arith.constant 0 : i32
      %dma_start3A_402 = arith.constant 0 : i32
      %dma_start3A_403 = tpu.memref_slice %arg12[%dma_start3A_394, %dma_start3A_401, %dma_start3A_402] : memref<16x16x128xf32, #tpu.memory_space<vmem>> -> memref<1x16x128xf32, #tpu.memory_space<vmem>>
      %dma_start3A_404 = tpu.memref_squeeze %dma_start3A_403 : memref<1x16x128xf32, #tpu.memory_space<vmem>> -> memref<16x128xf32, #tpu.memory_space<vmem>>
      %dma_start3A_405 = arith.constant 0 : i32
      %dma_start3A_406 = tpu.memref_slice %arg2[%dma_start3A_405, %multiple_of3A_390] : memref<16x1000001xf32, #tpu.memory_space<hbm>> -> memref<16x128xf32, #tpu.memory_space<hbm>>
      tpu.enqueue_dma source(%dma_start3A_406 : memref<16x128xf32, #tpu.memory_space<hbm>>) target(%dma_start3A_404 : memref<16x128xf32, #tpu.memory_space<vmem>>) target_semaphore(%arg18 : memref<!tpu.dma_semaphore, #tpu.memory_space<semaphore_mem>>)
      %dma_start3A_407 = arith.constant 11 : i32
      %dma_start3A_408 = arith.constant 0 : i32
      %dma_start3A_409 = arith.constant 0 : i32
      %dma_start3A_410 = tpu.memref_slice %arg13[%dma_start3A_407, %dma_start3A_408, %dma_start3A_409] : memref<16x16x128xf32, #tpu.memory_space<vmem>> -> memref<1x16x128xf32, #tpu.memory_space<vmem>>
      %dma_start3A_411 = tpu.memref_squeeze %dma_start3A_410 : memref<1x16x128xf32, #tpu.memory_space<vmem>> -> memref<16x128xf32, #tpu.memory_space<vmem>>
      %dma_start3A_412 = arith.constant 0 : i32
      %dma_start3A_413 = tpu.memref_slice %arg3[%dma_start3A_412, %multiple_of3A_393] : memref<16x1000000xf32, #tpu.memory_space<hbm>> -> memref<16x128xf32, #tpu.memory_space<hbm>>
      %dma_start3A_414 = arith.constant 0 : i32
      %dma_start3A_415 = arith.constant 0 : i32
      %dma_start3A_416 = tpu.memref_slice %arg13[%dma_start3A_407, %dma_start3A_414, %dma_start3A_415] : memref<16x16x128xf32, #tpu.memory_space<vmem>> -> memref<1x16x128xf32, #tpu.memory_space<vmem>>
      %dma_start3A_417 = tpu.memref_squeeze %dma_start3A_416 : memref<1x16x128xf32, #tpu.memory_space<vmem>> -> memref<16x128xf32, #tpu.memory_space<vmem>>
      %dma_start3A_418 = arith.constant 0 : i32
      %dma_start3A_419 = tpu.memref_slice %arg3[%dma_start3A_418, %multiple_of3A_393] : memref<16x1000000xf32, #tpu.memory_space<hbm>> -> memref<16x128xf32, #tpu.memory_space<hbm>>
      tpu.enqueue_dma source(%dma_start3A_419 : memref<16x128xf32, #tpu.memory_space<hbm>>) target(%dma_start3A_417 : memref<16x128xf32, #tpu.memory_space<vmem>>) target_semaphore(%arg18 : memref<!tpu.dma_semaphore, #tpu.memory_space<semaphore_mem>>)
      %slice3A_420 = vector.extract_strided_slice %mul3A_32 {offsets = [12], sizes = [1], strides = [1]} : vector<16xi32> to vector<1xi32>
      %squeeze3A_421 = vector.extract %slice3A_420[0] : i32 from vector<1xi32>
      %multiple_of3A_422 = tpu.assume_multiple %squeeze3A_421, 128 : i32
      %slice3A_423 = vector.extract_strided_slice %mul3A_38 {offsets = [12], sizes = [1], strides = [1]} : vector<16xi32> to vector<1xi32>
      %squeeze3A_424 = vector.extract %slice3A_423[0] : i32 from vector<1xi32>
      %multiple_of3A_425 = tpu.assume_multiple %squeeze3A_424, 128 : i32
      %dma_start3A_426 = arith.constant 12 : i32
      %dma_start3A_427 = arith.constant 0 : i32
      %dma_start3A_428 = arith.constant 0 : i32
      %dma_start3A_429 = tpu.memref_slice %arg12[%dma_start3A_426, %dma_start3A_427, %dma_start3A_428] : memref<16x16x128xf32, #tpu.memory_space<vmem>> -> memref<1x16x128xf32, #tpu.memory_space<vmem>>
      %dma_start3A_430 = tpu.memref_squeeze %dma_start3A_429 : memref<1x16x128xf32, #tpu.memory_space<vmem>> -> memref<16x128xf32, #tpu.memory_space<vmem>>
      %dma_start3A_431 = arith.constant 0 : i32
      %dma_start3A_432 = tpu.memref_slice %arg2[%dma_start3A_431, %multiple_of3A_422] : memref<16x1000001xf32, #tpu.memory_space<hbm>> -> memref<16x128xf32, #tpu.memory_space<hbm>>
      %dma_start3A_433 = arith.constant 0 : i32
      %dma_start3A_434 = arith.constant 0 : i32
      %dma_start3A_435 = tpu.memref_slice %arg12[%dma_start3A_426, %dma_start3A_433, %dma_start3A_434] : memref<16x16x128xf32, #tpu.memory_space<vmem>> -> memref<1x16x128xf32, #tpu.memory_space<vmem>>
      %dma_start3A_436 = tpu.memref_squeeze %dma_start3A_435 : memref<1x16x128xf32, #tpu.memory_space<vmem>> -> memref<16x128xf32, #tpu.memory_space<vmem>>
      %dma_start3A_437 = arith.constant 0 : i32
      %dma_start3A_438 = tpu.memref_slice %arg2[%dma_start3A_437, %multiple_of3A_422] : memref<16x1000001xf32, #tpu.memory_space<hbm>> -> memref<16x128xf32, #tpu.memory_space<hbm>>
      tpu.enqueue_dma source(%dma_start3A_438 : memref<16x128xf32, #tpu.memory_space<hbm>>) target(%dma_start3A_436 : memref<16x128xf32, #tpu.memory_space<vmem>>) target_semaphore(%arg18 : memref<!tpu.dma_semaphore, #tpu.memory_space<semaphore_mem>>)
      %dma_start3A_439 = arith.constant 12 : i32
      %dma_start3A_440 = arith.constant 0 : i32
      %dma_start3A_441 = arith.constant 0 : i32
      %dma_start3A_442 = tpu.memref_slice %arg13[%dma_start3A_439, %dma_start3A_440, %dma_start3A_441] : memref<16x16x128xf32, #tpu.memory_space<vmem>> -> memref<1x16x128xf32, #tpu.memory_space<vmem>>
      %dma_start3A_443 = tpu.memref_squeeze %dma_start3A_442 : memref<1x16x128xf32, #tpu.memory_space<vmem>> -> memref<16x128xf32, #tpu.memory_space<vmem>>
      %dma_start3A_444 = arith.constant 0 : i32
      %dma_start3A_445 = tpu.memref_slice %arg3[%dma_start3A_444, %multiple_of3A_425] : memref<16x1000000xf32, #tpu.memory_space<hbm>> -> memref<16x128xf32, #tpu.memory_space<hbm>>
      %dma_start3A_446 = arith.constant 0 : i32
      %dma_start3A_447 = arith.constant 0 : i32
      %dma_start3A_448 = tpu.memref_slice %arg13[%dma_start3A_439, %dma_start3A_446, %dma_start3A_447] : memref<16x16x128xf32, #tpu.memory_space<vmem>> -> memref<1x16x128xf32, #tpu.memory_space<vmem>>
      %dma_start3A_449 = tpu.memref_squeeze %dma_start3A_448 : memref<1x16x128xf32, #tpu.memory_space<vmem>> -> memref<16x128xf32, #tpu.memory_space<vmem>>
      %dma_start3A_450 = arith.constant 0 : i32
      %dma_start3A_451 = tpu.memref_slice %arg3[%dma_start3A_450, %multiple_of3A_425] : memref<16x1000000xf32, #tpu.memory_space<hbm>> -> memref<16x128xf32, #tpu.memory_space<hbm>>
      tpu.enqueue_dma source(%dma_start3A_451 : memref<16x128xf32, #tpu.memory_space<hbm>>) target(%dma_start3A_449 : memref<16x128xf32, #tpu.memory_space<vmem>>) target_semaphore(%arg18 : memref<!tpu.dma_semaphore, #tpu.memory_space<semaphore_mem>>)
      %slice3A_452 = vector.extract_strided_slice %mul3A_32 {offsets = [13], sizes = [1], strides = [1]} : vector<16xi32> to vector<1xi32>
      %squeeze3A_453 = vector.extract %slice3A_452[0] : i32 from vector<1xi32>
      %multiple_of3A_454 = tpu.assume_multiple %squeeze3A_453, 128 : i32
      %slice3A_455 = vector.extract_strided_slice %mul3A_38 {offsets = [13], sizes = [1], strides = [1]} : vector<16xi32> to vector<1xi32>
      %squeeze3A_456 = vector.extract %slice3A_455[0] : i32 from vector<1xi32>
      %multiple_of3A_457 = tpu.assume_multiple %squeeze3A_456, 128 : i32
      %dma_start3A_458 = arith.constant 13 : i32
      %dma_start3A_459 = arith.constant 0 : i32
      %dma_start3A_460 = arith.constant 0 : i32
      %dma_start3A_461 = tpu.memref_slice %arg12[%dma_start3A_458, %dma_start3A_459, %dma_start3A_460] : memref<16x16x128xf32, #tpu.memory_space<vmem>> -> memref<1x16x128xf32, #tpu.memory_space<vmem>>
      %dma_start3A_462 = tpu.memref_squeeze %dma_start3A_461 : memref<1x16x128xf32, #tpu.memory_space<vmem>> -> memref<16x128xf32, #tpu.memory_space<vmem>>
      %dma_start3A_463 = arith.constant 0 : i32
      %dma_start3A_464 = tpu.memref_slice %arg2[%dma_start3A_463, %multiple_of3A_454] : memref<16x1000001xf32, #tpu.memory_space<hbm>> -> memref<16x128xf32, #tpu.memory_space<hbm>>
      %dma_start3A_465 = arith.constant 0 : i32
      %dma_start3A_466 = arith.constant 0 : i32
      %dma_start3A_467 = tpu.memref_slice %arg12[%dma_start3A_458, %dma_start3A_465, %dma_start3A_466] : memref<16x16x128xf32, #tpu.memory_space<vmem>> -> memref<1x16x128xf32, #tpu.memory_space<vmem>>
      %dma_start3A_468 = tpu.memref_squeeze %dma_start3A_467 : memref<1x16x128xf32, #tpu.memory_space<vmem>> -> memref<16x128xf32, #tpu.memory_space<vmem>>
      %dma_start3A_469 = arith.constant 0 : i32
      %dma_start3A_470 = tpu.memref_slice %arg2[%dma_start3A_469, %multiple_of3A_454] : memref<16x1000001xf32, #tpu.memory_space<hbm>> -> memref<16x128xf32, #tpu.memory_space<hbm>>
      tpu.enqueue_dma source(%dma_start3A_470 : memref<16x128xf32, #tpu.memory_space<hbm>>) target(%dma_start3A_468 : memref<16x128xf32, #tpu.memory_space<vmem>>) target_semaphore(%arg18 : memref<!tpu.dma_semaphore, #tpu.memory_space<semaphore_mem>>)
      %dma_start3A_471 = arith.constant 13 : i32
      %dma_start3A_472 = arith.constant 0 : i32
      %dma_start3A_473 = arith.constant 0 : i32
      %dma_start3A_474 = tpu.memref_slice %arg13[%dma_start3A_471, %dma_start3A_472, %dma_start3A_473] : memref<16x16x128xf32, #tpu.memory_space<vmem>> -> memref<1x16x128xf32, #tpu.memory_space<vmem>>
      %dma_start3A_475 = tpu.memref_squeeze %dma_start3A_474 : memref<1x16x128xf32, #tpu.memory_space<vmem>> -> memref<16x128xf32, #tpu.memory_space<vmem>>
      %dma_start3A_476 = arith.constant 0 : i32
      %dma_start3A_477 = tpu.memref_slice %arg3[%dma_start3A_476, %multiple_of3A_457] : memref<16x1000000xf32, #tpu.memory_space<hbm>> -> memref<16x128xf32, #tpu.memory_space<hbm>>
      %dma_start3A_478 = arith.constant 0 : i32
      %dma_start3A_479 = arith.constant 0 : i32
      %dma_start3A_480 = tpu.memref_slice %arg13[%dma_start3A_471, %dma_start3A_478, %dma_start3A_479] : memref<16x16x128xf32, #tpu.memory_space<vmem>> -> memref<1x16x128xf32, #tpu.memory_space<vmem>>
      %dma_start3A_481 = tpu.memref_squeeze %dma_start3A_480 : memref<1x16x128xf32, #tpu.memory_space<vmem>> -> memref<16x128xf32, #tpu.memory_space<vmem>>
      %dma_start3A_482 = arith.constant 0 : i32
      %dma_start3A_483 = tpu.memref_slice %arg3[%dma_start3A_482, %multiple_of3A_457] : memref<16x1000000xf32, #tpu.memory_space<hbm>> -> memref<16x128xf32, #tpu.memory_space<hbm>>
      tpu.enqueue_dma source(%dma_start3A_483 : memref<16x128xf32, #tpu.memory_space<hbm>>) target(%dma_start3A_481 : memref<16x128xf32, #tpu.memory_space<vmem>>) target_semaphore(%arg18 : memref<!tpu.dma_semaphore, #tpu.memory_space<semaphore_mem>>)
      %slice3A_484 = vector.extract_strided_slice %mul3A_32 {offsets = [14], sizes = [1], strides = [1]} : vector<16xi32> to vector<1xi32>
      %squeeze3A_485 = vector.extract %slice3A_484[0] : i32 from vector<1xi32>
      %multiple_of3A_486 = tpu.assume_multiple %squeeze3A_485, 128 : i32
      %slice3A_487 = vector.extract_strided_slice %mul3A_38 {offsets = [14], sizes = [1], strides = [1]} : vector<16xi32> to vector<1xi32>
      %squeeze3A_488 = vector.extract %slice3A_487[0] : i32 from vector<1xi32>
      %multiple_of3A_489 = tpu.assume_multiple %squeeze3A_488, 128 : i32
      %dma_start3A_490 = arith.constant 14 : i32
      %dma_start3A_491 = arith.constant 0 : i32
      %dma_start3A_492 = arith.constant 0 : i32
      %dma_start3A_493 = tpu.memref_slice %arg12[%dma_start3A_490, %dma_start3A_491, %dma_start3A_492] : memref<16x16x128xf32, #tpu.memory_space<vmem>> -> memref<1x16x128xf32, #tpu.memory_space<vmem>>
      %dma_start3A_494 = tpu.memref_squeeze %dma_start3A_493 : memref<1x16x128xf32, #tpu.memory_space<vmem>> -> memref<16x128xf32, #tpu.memory_space<vmem>>
      %dma_start3A_495 = arith.constant 0 : i32
      %dma_start3A_496 = tpu.memref_slice %arg2[%dma_start3A_495, %multiple_of3A_486] : memref<16x1000001xf32, #tpu.memory_space<hbm>> -> memref<16x128xf32, #tpu.memory_space<hbm>>
      %dma_start3A_497 = arith.constant 0 : i32
      %dma_start3A_498 = arith.constant 0 : i32
      %dma_start3A_499 = tpu.memref_slice %arg12[%dma_start3A_490, %dma_start3A_497, %dma_start3A_498] : memref<16x16x128xf32, #tpu.memory_space<vmem>> -> memref<1x16x128xf32, #tpu.memory_space<vmem>>
      %dma_start3A_500 = tpu.memref_squeeze %dma_start3A_499 : memref<1x16x128xf32, #tpu.memory_space<vmem>> -> memref<16x128xf32, #tpu.memory_space<vmem>>
      %dma_start3A_501 = arith.constant 0 : i32
      %dma_start3A_502 = tpu.memref_slice %arg2[%dma_start3A_501, %multiple_of3A_486] : memref<16x1000001xf32, #tpu.memory_space<hbm>> -> memref<16x128xf32, #tpu.memory_space<hbm>>
      tpu.enqueue_dma source(%dma_start3A_502 : memref<16x128xf32, #tpu.memory_space<hbm>>) target(%dma_start3A_500 : memref<16x128xf32, #tpu.memory_space<vmem>>) target_semaphore(%arg18 : memref<!tpu.dma_semaphore, #tpu.memory_space<semaphore_mem>>)
      %dma_start3A_503 = arith.constant 14 : i32
      %dma_start3A_504 = arith.constant 0 : i32
      %dma_start3A_505 = arith.constant 0 : i32
      %dma_start3A_506 = tpu.memref_slice %arg13[%dma_start3A_503, %dma_start3A_504, %dma_start3A_505] : memref<16x16x128xf32, #tpu.memory_space<vmem>> -> memref<1x16x128xf32, #tpu.memory_space<vmem>>
      %dma_start3A_507 = tpu.memref_squeeze %dma_start3A_506 : memref<1x16x128xf32, #tpu.memory_space<vmem>> -> memref<16x128xf32, #tpu.memory_space<vmem>>
      %dma_start3A_508 = arith.constant 0 : i32
      %dma_start3A_509 = tpu.memref_slice %arg3[%dma_start3A_508, %multiple_of3A_489] : memref<16x1000000xf32, #tpu.memory_space<hbm>> -> memref<16x128xf32, #tpu.memory_space<hbm>>
      %dma_start3A_510 = arith.constant 0 : i32
      %dma_start3A_511 = arith.constant 0 : i32
      %dma_start3A_512 = tpu.memref_slice %arg13[%dma_start3A_503, %dma_start3A_510, %dma_start3A_511] : memref<16x16x128xf32, #tpu.memory_space<vmem>> -> memref<1x16x128xf32, #tpu.memory_space<vmem>>
      %dma_start3A_513 = tpu.memref_squeeze %dma_start3A_512 : memref<1x16x128xf32, #tpu.memory_space<vmem>> -> memref<16x128xf32, #tpu.memory_space<vmem>>
      %dma_start3A_514 = arith.constant 0 : i32
      %dma_start3A_515 = tpu.memref_slice %arg3[%dma_start3A_514, %multiple_of3A_489] : memref<16x1000000xf32, #tpu.memory_space<hbm>> -> memref<16x128xf32, #tpu.memory_space<hbm>>
      tpu.enqueue_dma source(%dma_start3A_515 : memref<16x128xf32, #tpu.memory_space<hbm>>) target(%dma_start3A_513 : memref<16x128xf32, #tpu.memory_space<vmem>>) target_semaphore(%arg18 : memref<!tpu.dma_semaphore, #tpu.memory_space<semaphore_mem>>)
      %slice3A_516 = vector.extract_strided_slice %mul3A_32 {offsets = [15], sizes = [1], strides = [1]} : vector<16xi32> to vector<1xi32>
      %squeeze3A_517 = vector.extract %slice3A_516[0] : i32 from vector<1xi32>
      %multiple_of3A_518 = tpu.assume_multiple %squeeze3A_517, 128 : i32
      %slice3A_519 = vector.extract_strided_slice %mul3A_38 {offsets = [15], sizes = [1], strides = [1]} : vector<16xi32> to vector<1xi32>
      %squeeze3A_520 = vector.extract %slice3A_519[0] : i32 from vector<1xi32>
      %multiple_of3A_521 = tpu.assume_multiple %squeeze3A_520, 128 : i32
      %dma_start3A_522 = arith.constant 15 : i32
      %dma_start3A_523 = arith.constant 0 : i32
      %dma_start3A_524 = arith.constant 0 : i32
      %dma_start3A_525 = tpu.memref_slice %arg12[%dma_start3A_522, %dma_start3A_523, %dma_start3A_524] : memref<16x16x128xf32, #tpu.memory_space<vmem>> -> memref<1x16x128xf32, #tpu.memory_space<vmem>>
      %dma_start3A_526 = tpu.memref_squeeze %dma_start3A_525 : memref<1x16x128xf32, #tpu.memory_space<vmem>> -> memref<16x128xf32, #tpu.memory_space<vmem>>
      %dma_start3A_527 = arith.constant 0 : i32
      %dma_start3A_528 = tpu.memref_slice %arg2[%dma_start3A_527, %multiple_of3A_518] : memref<16x1000001xf32, #tpu.memory_space<hbm>> -> memref<16x128xf32, #tpu.memory_space<hbm>>
      %dma_start3A_529 = arith.constant 0 : i32
      %dma_start3A_530 = arith.constant 0 : i32
      %dma_start3A_531 = tpu.memref_slice %arg12[%dma_start3A_522, %dma_start3A_529, %dma_start3A_530] : memref<16x16x128xf32, #tpu.memory_space<vmem>> -> memref<1x16x128xf32, #tpu.memory_space<vmem>>
      %dma_start3A_532 = tpu.memref_squeeze %dma_start3A_531 : memref<1x16x128xf32, #tpu.memory_space<vmem>> -> memref<16x128xf32, #tpu.memory_space<vmem>>
      %dma_start3A_533 = arith.constant 0 : i32
      %dma_start3A_534 = tpu.memref_slice %arg2[%dma_start3A_533, %multiple_of3A_518] : memref<16x1000001xf32, #tpu.memory_space<hbm>> -> memref<16x128xf32, #tpu.memory_space<hbm>>
      tpu.enqueue_dma source(%dma_start3A_534 : memref<16x128xf32, #tpu.memory_space<hbm>>) target(%dma_start3A_532 : memref<16x128xf32, #tpu.memory_space<vmem>>) target_semaphore(%arg18 : memref<!tpu.dma_semaphore, #tpu.memory_space<semaphore_mem>>)
      %dma_start3A_535 = arith.constant 15 : i32
      %dma_start3A_536 = arith.constant 0 : i32
      %dma_start3A_537 = arith.constant 0 : i32
      %dma_start3A_538 = tpu.memref_slice %arg13[%dma_start3A_535, %dma_start3A_536, %dma_start3A_537] : memref<16x16x128xf32, #tpu.memory_space<vmem>> -> memref<1x16x128xf32, #tpu.memory_space<vmem>>
      %dma_start3A_539 = tpu.memref_squeeze %dma_start3A_538 : memref<1x16x128xf32, #tpu.memory_space<vmem>> -> memref<16x128xf32, #tpu.memory_space<vmem>>
      %dma_start3A_540 = arith.constant 0 : i32
      %dma_start3A_541 = tpu.memref_slice %arg3[%dma_start3A_540, %multiple_of3A_521] : memref<16x1000000xf32, #tpu.memory_space<hbm>> -> memref<16x128xf32, #tpu.memory_space<hbm>>
      %dma_start3A_542 = arith.constant 0 : i32
      %dma_start3A_543 = arith.constant 0 : i32
      %dma_start3A_544 = tpu.memref_slice %arg13[%dma_start3A_535, %dma_start3A_542, %dma_start3A_543] : memref<16x16x128xf32, #tpu.memory_space<vmem>> -> memref<1x16x128xf32, #tpu.memory_space<vmem>>
      %dma_start3A_545 = tpu.memref_squeeze %dma_start3A_544 : memref<1x16x128xf32, #tpu.memory_space<vmem>> -> memref<16x128xf32, #tpu.memory_space<vmem>>
      %dma_start3A_546 = arith.constant 0 : i32
      %dma_start3A_547 = tpu.memref_slice %arg3[%dma_start3A_546, %multiple_of3A_521] : memref<16x1000000xf32, #tpu.memory_space<hbm>> -> memref<16x128xf32, #tpu.memory_space<hbm>>
      tpu.enqueue_dma source(%dma_start3A_547 : memref<16x128xf32, #tpu.memory_space<hbm>>) target(%dma_start3A_545 : memref<16x128xf32, #tpu.memory_space<vmem>>) target_semaphore(%arg18 : memref<!tpu.dma_semaphore, #tpu.memory_space<semaphore_mem>>)
      %dma_wait3A_548 = arith.constant 0 : i32
      %dma_wait3A_549 = arith.constant 0 : i32
      %dma_wait3A_550 = arith.constant 0 : i32
      %dma_wait3A_551 = tpu.memref_slice %arg12[%dma_wait3A_548, %dma_wait3A_549, %dma_wait3A_550] : memref<16x16x128xf32, #tpu.memory_space<vmem>> -> memref<1x16x128xf32, #tpu.memory_space<vmem>>
      %dma_wait3A_552 = tpu.memref_squeeze %dma_wait3A_551 : memref<1x16x128xf32, #tpu.memory_space<vmem>> -> memref<16x128xf32, #tpu.memory_space<vmem>>
      %dma_wait3A_553 = arith.constant 0 : i32
      %dma_wait3A_554 = tpu.memref_slice %arg2[%dma_wait3A_553, %multiple_of3A] : memref<16x1000001xf32, #tpu.memory_space<hbm>> -> memref<16x128xf32, #tpu.memory_space<hbm>>
      %dma_wait3A_555 = arith.constant 0 : i32
      %dma_wait3A_556 = arith.constant 0 : i32
      %dma_wait3A_557 = tpu.memref_slice %arg12[%dma_wait3A_548, %dma_wait3A_555, %dma_wait3A_556] : memref<16x16x128xf32, #tpu.memory_space<vmem>> -> memref<1x16x128xf32, #tpu.memory_space<vmem>>
      %dma_wait3A_558 = tpu.memref_squeeze %dma_wait3A_557 : memref<1x16x128xf32, #tpu.memory_space<vmem>> -> memref<16x128xf32, #tpu.memory_space<vmem>>
      %dma_wait3A_559 = arith.constant 0 : i32
      %dma_wait3A_560 = tpu.memref_slice %arg2[%dma_wait3A_559, %multiple_of3A] : memref<16x1000001xf32, #tpu.memory_space<hbm>> -> memref<16x128xf32, #tpu.memory_space<hbm>>
      tpu.wait_dma2 semaphore(%arg18 : memref<!tpu.dma_semaphore, #tpu.memory_space<semaphore_mem>>) src(%dma_wait3A_560 : memref<16x128xf32, #tpu.memory_space<hbm>>) dst(%dma_wait3A_558 : memref<16x128xf32, #tpu.memory_space<vmem>>)
      %dma_wait3A_561 = arith.constant 0 : i32
      %dma_wait3A_562 = arith.constant 0 : i32
      %dma_wait3A_563 = arith.constant 0 : i32
      %dma_wait3A_564 = tpu.memref_slice %arg13[%dma_wait3A_561, %dma_wait3A_562, %dma_wait3A_563] : memref<16x16x128xf32, #tpu.memory_space<vmem>> -> memref<1x16x128xf32, #tpu.memory_space<vmem>>
      %dma_wait3A_565 = tpu.memref_squeeze %dma_wait3A_564 : memref<1x16x128xf32, #tpu.memory_space<vmem>> -> memref<16x128xf32, #tpu.memory_space<vmem>>
      %dma_wait3A_566 = arith.constant 0 : i32
      %dma_wait3A_567 = tpu.memref_slice %arg3[%dma_wait3A_566, %multiple_of3A_41] : memref<16x1000000xf32, #tpu.memory_space<hbm>> -> memref<16x128xf32, #tpu.memory_space<hbm>>
      %dma_wait3A_568 = arith.constant 0 : i32
      %dma_wait3A_569 = arith.constant 0 : i32
      %dma_wait3A_570 = tpu.memref_slice %arg13[%dma_wait3A_561, %dma_wait3A_568, %dma_wait3A_569] : memref<16x16x128xf32, #tpu.memory_space<vmem>> -> memref<1x16x128xf32, #tpu.memory_space<vmem>>
      %dma_wait3A_571 = tpu.memref_squeeze %dma_wait3A_570 : memref<1x16x128xf32, #tpu.memory_space<vmem>> -> memref<16x128xf32, #tpu.memory_space<vmem>>
      %dma_wait3A_572 = arith.constant 0 : i32
      %dma_wait3A_573 = tpu.memref_slice %arg3[%dma_wait3A_572, %multiple_of3A_41] : memref<16x1000000xf32, #tpu.memory_space<hbm>> -> memref<16x128xf32, #tpu.memory_space<hbm>>
      tpu.wait_dma2 semaphore(%arg18 : memref<!tpu.dma_semaphore, #tpu.memory_space<semaphore_mem>>) src(%dma_wait3A_573 : memref<16x128xf32, #tpu.memory_space<hbm>>) dst(%dma_wait3A_571 : memref<16x128xf32, #tpu.memory_space<vmem>>)
      %dma_wait3A_574 = arith.constant 1 : i32
      %dma_wait3A_575 = arith.constant 0 : i32
      %dma_wait3A_576 = arith.constant 0 : i32
      %dma_wait3A_577 = tpu.memref_slice %arg12[%dma_wait3A_574, %dma_wait3A_575, %dma_wait3A_576] : memref<16x16x128xf32, #tpu.memory_space<vmem>> -> memref<1x16x128xf32, #tpu.memory_space<vmem>>
      %dma_wait3A_578 = tpu.memref_squeeze %dma_wait3A_577 : memref<1x16x128xf32, #tpu.memory_space<vmem>> -> memref<16x128xf32, #tpu.memory_space<vmem>>
      %dma_wait3A_579 = arith.constant 0 : i32
      %dma_wait3A_580 = tpu.memref_slice %arg2[%dma_wait3A_579, %multiple_of3A_70] : memref<16x1000001xf32, #tpu.memory_space<hbm>> -> memref<16x128xf32, #tpu.memory_space<hbm>>
      %dma_wait3A_581 = arith.constant 0 : i32
      %dma_wait3A_582 = arith.constant 0 : i32
      %dma_wait3A_583 = tpu.memref_slice %arg12[%dma_wait3A_574, %dma_wait3A_581, %dma_wait3A_582] : memref<16x16x128xf32, #tpu.memory_space<vmem>> -> memref<1x16x128xf32, #tpu.memory_space<vmem>>
      %dma_wait3A_584 = tpu.memref_squeeze %dma_wait3A_583 : memref<1x16x128xf32, #tpu.memory_space<vmem>> -> memref<16x128xf32, #tpu.memory_space<vmem>>
      %dma_wait3A_585 = arith.constant 0 : i32
      %dma_wait3A_586 = tpu.memref_slice %arg2[%dma_wait3A_585, %multiple_of3A_70] : memref<16x1000001xf32, #tpu.memory_space<hbm>> -> memref<16x128xf32, #tpu.memory_space<hbm>>
      tpu.wait_dma2 semaphore(%arg18 : memref<!tpu.dma_semaphore, #tpu.memory_space<semaphore_mem>>) src(%dma_wait3A_586 : memref<16x128xf32, #tpu.memory_space<hbm>>) dst(%dma_wait3A_584 : memref<16x128xf32, #tpu.memory_space<vmem>>)
      %dma_wait3A_587 = arith.constant 1 : i32
      %dma_wait3A_588 = arith.constant 0 : i32
      %dma_wait3A_589 = arith.constant 0 : i32
      %dma_wait3A_590 = tpu.memref_slice %arg13[%dma_wait3A_587, %dma_wait3A_588, %dma_wait3A_589] : memref<16x16x128xf32, #tpu.memory_space<vmem>> -> memref<1x16x128xf32, #tpu.memory_space<vmem>>
      %dma_wait3A_591 = tpu.memref_squeeze %dma_wait3A_590 : memref<1x16x128xf32, #tpu.memory_space<vmem>> -> memref<16x128xf32, #tpu.memory_space<vmem>>
      %dma_wait3A_592 = arith.constant 0 : i32
      %dma_wait3A_593 = tpu.memref_slice %arg3[%dma_wait3A_592, %multiple_of3A_73] : memref<16x1000000xf32, #tpu.memory_space<hbm>> -> memref<16x128xf32, #tpu.memory_space<hbm>>
      %dma_wait3A_594 = arith.constant 0 : i32
      %dma_wait3A_595 = arith.constant 0 : i32
      %dma_wait3A_596 = tpu.memref_slice %arg13[%dma_wait3A_587, %dma_wait3A_594, %dma_wait3A_595] : memref<16x16x128xf32, #tpu.memory_space<vmem>> -> memref<1x16x128xf32, #tpu.memory_space<vmem>>
      %dma_wait3A_597 = tpu.memref_squeeze %dma_wait3A_596 : memref<1x16x128xf32, #tpu.memory_space<vmem>> -> memref<16x128xf32, #tpu.memory_space<vmem>>
      %dma_wait3A_598 = arith.constant 0 : i32
      %dma_wait3A_599 = tpu.memref_slice %arg3[%dma_wait3A_598, %multiple_of3A_73] : memref<16x1000000xf32, #tpu.memory_space<hbm>> -> memref<16x128xf32, #tpu.memory_space<hbm>>
      tpu.wait_dma2 semaphore(%arg18 : memref<!tpu.dma_semaphore, #tpu.memory_space<semaphore_mem>>) src(%dma_wait3A_599 : memref<16x128xf32, #tpu.memory_space<hbm>>) dst(%dma_wait3A_597 : memref<16x128xf32, #tpu.memory_space<vmem>>)
      %dma_wait3A_600 = arith.constant 2 : i32
      %dma_wait3A_601 = arith.constant 0 : i32
      %dma_wait3A_602 = arith.constant 0 : i32
      %dma_wait3A_603 = tpu.memref_slice %arg12[%dma_wait3A_600, %dma_wait3A_601, %dma_wait3A_602] : memref<16x16x128xf32, #tpu.memory_space<vmem>> -> memref<1x16x128xf32, #tpu.memory_space<vmem>>
      %dma_wait3A_604 = tpu.memref_squeeze %dma_wait3A_603 : memref<1x16x128xf32, #tpu.memory_space<vmem>> -> memref<16x128xf32, #tpu.memory_space<vmem>>
      %dma_wait3A_605 = arith.constant 0 : i32
      %dma_wait3A_606 = tpu.memref_slice %arg2[%dma_wait3A_605, %multiple_of3A_102] : memref<16x1000001xf32, #tpu.memory_space<hbm>> -> memref<16x128xf32, #tpu.memory_space<hbm>>
      %dma_wait3A_607 = arith.constant 0 : i32
      %dma_wait3A_608 = arith.constant 0 : i32
      %dma_wait3A_609 = tpu.memref_slice %arg12[%dma_wait3A_600, %dma_wait3A_607, %dma_wait3A_608] : memref<16x16x128xf32, #tpu.memory_space<vmem>> -> memref<1x16x128xf32, #tpu.memory_space<vmem>>
      %dma_wait3A_610 = tpu.memref_squeeze %dma_wait3A_609 : memref<1x16x128xf32, #tpu.memory_space<vmem>> -> memref<16x128xf32, #tpu.memory_space<vmem>>
      %dma_wait3A_611 = arith.constant 0 : i32
      %dma_wait3A_612 = tpu.memref_slice %arg2[%dma_wait3A_611, %multiple_of3A_102] : memref<16x1000001xf32, #tpu.memory_space<hbm>> -> memref<16x128xf32, #tpu.memory_space<hbm>>
      tpu.wait_dma2 semaphore(%arg18 : memref<!tpu.dma_semaphore, #tpu.memory_space<semaphore_mem>>) src(%dma_wait3A_612 : memref<16x128xf32, #tpu.memory_space<hbm>>) dst(%dma_wait3A_610 : memref<16x128xf32, #tpu.memory_space<vmem>>)
      %dma_wait3A_613 = arith.constant 2 : i32
      %dma_wait3A_614 = arith.constant 0 : i32
      %dma_wait3A_615 = arith.constant 0 : i32
      %dma_wait3A_616 = tpu.memref_slice %arg13[%dma_wait3A_613, %dma_wait3A_614, %dma_wait3A_615] : memref<16x16x128xf32, #tpu.memory_space<vmem>> -> memref<1x16x128xf32, #tpu.memory_space<vmem>>
      %dma_wait3A_617 = tpu.memref_squeeze %dma_wait3A_616 : memref<1x16x128xf32, #tpu.memory_space<vmem>> -> memref<16x128xf32, #tpu.memory_space<vmem>>
      %dma_wait3A_618 = arith.constant 0 : i32
      %dma_wait3A_619 = tpu.memref_slice %arg3[%dma_wait3A_618, %multiple_of3A_105] : memref<16x1000000xf32, #tpu.memory_space<hbm>> -> memref<16x128xf32, #tpu.memory_space<hbm>>
      %dma_wait3A_620 = arith.constant 0 : i32
      %dma_wait3A_621 = arith.constant 0 : i32
      %dma_wait3A_622 = tpu.memref_slice %arg13[%dma_wait3A_613, %dma_wait3A_620, %dma_wait3A_621] : memref<16x16x128xf32, #tpu.memory_space<vmem>> -> memref<1x16x128xf32, #tpu.memory_space<vmem>>
      %dma_wait3A_623 = tpu.memref_squeeze %dma_wait3A_622 : memref<1x16x128xf32, #tpu.memory_space<vmem>> -> memref<16x128xf32, #tpu.memory_space<vmem>>
      %dma_wait3A_624 = arith.constant 0 : i32
      %dma_wait3A_625 = tpu.memref_slice %arg3[%dma_wait3A_624, %multiple_of3A_105] : memref<16x1000000xf32, #tpu.memory_space<hbm>> -> memref<16x128xf32, #tpu.memory_space<hbm>>
      tpu.wait_dma2 semaphore(%arg18 : memref<!tpu.dma_semaphore, #tpu.memory_space<semaphore_mem>>) src(%dma_wait3A_625 : memref<16x128xf32, #tpu.memory_space<hbm>>) dst(%dma_wait3A_623 : memref<16x128xf32, #tpu.memory_space<vmem>>)
      %dma_wait3A_626 = arith.constant 3 : i32
      %dma_wait3A_627 = arith.constant 0 : i32
      %dma_wait3A_628 = arith.constant 0 : i32
      %dma_wait3A_629 = tpu.memref_slice %arg12[%dma_wait3A_626, %dma_wait3A_627, %dma_wait3A_628] : memref<16x16x128xf32, #tpu.memory_space<vmem>> -> memref<1x16x128xf32, #tpu.memory_space<vmem>>
      %dma_wait3A_630 = tpu.memref_squeeze %dma_wait3A_629 : memref<1x16x128xf32, #tpu.memory_space<vmem>> -> memref<16x128xf32, #tpu.memory_space<vmem>>
      %dma_wait3A_631 = arith.constant 0 : i32
      %dma_wait3A_632 = tpu.memref_slice %arg2[%dma_wait3A_631, %multiple_of3A_134] : memref<16x1000001xf32, #tpu.memory_space<hbm>> -> memref<16x128xf32, #tpu.memory_space<hbm>>
      %dma_wait3A_633 = arith.constant 0 : i32
      %dma_wait3A_634 = arith.constant 0 : i32
      %dma_wait3A_635 = tpu.memref_slice %arg12[%dma_wait3A_626, %dma_wait3A_633, %dma_wait3A_634] : memref<16x16x128xf32, #tpu.memory_space<vmem>> -> memref<1x16x128xf32, #tpu.memory_space<vmem>>
      %dma_wait3A_636 = tpu.memref_squeeze %dma_wait3A_635 : memref<1x16x128xf32, #tpu.memory_space<vmem>> -> memref<16x128xf32, #tpu.memory_space<vmem>>
      %dma_wait3A_637 = arith.constant 0 : i32
      %dma_wait3A_638 = tpu.memref_slice %arg2[%dma_wait3A_637, %multiple_of3A_134] : memref<16x1000001xf32, #tpu.memory_space<hbm>> -> memref<16x128xf32, #tpu.memory_space<hbm>>
      tpu.wait_dma2 semaphore(%arg18 : memref<!tpu.dma_semaphore, #tpu.memory_space<semaphore_mem>>) src(%dma_wait3A_638 : memref<16x128xf32, #tpu.memory_space<hbm>>) dst(%dma_wait3A_636 : memref<16x128xf32, #tpu.memory_space<vmem>>)
      %dma_wait3A_639 = arith.constant 3 : i32
      %dma_wait3A_640 = arith.constant 0 : i32
      %dma_wait3A_641 = arith.constant 0 : i32
      %dma_wait3A_642 = tpu.memref_slice %arg13[%dma_wait3A_639, %dma_wait3A_640, %dma_wait3A_641] : memref<16x16x128xf32, #tpu.memory_space<vmem>> -> memref<1x16x128xf32, #tpu.memory_space<vmem>>
      %dma_wait3A_643 = tpu.memref_squeeze %dma_wait3A_642 : memref<1x16x128xf32, #tpu.memory_space<vmem>> -> memref<16x128xf32, #tpu.memory_space<vmem>>
      %dma_wait3A_644 = arith.constant 0 : i32
      %dma_wait3A_645 = tpu.memref_slice %arg3[%dma_wait3A_644, %multiple_of3A_137] : memref<16x1000000xf32, #tpu.memory_space<hbm>> -> memref<16x128xf32, #tpu.memory_space<hbm>>
      %dma_wait3A_646 = arith.constant 0 : i32
      %dma_wait3A_647 = arith.constant 0 : i32
      %dma_wait3A_648 = tpu.memref_slice %arg13[%dma_wait3A_639, %dma_wait3A_646, %dma_wait3A_647] : memref<16x16x128xf32, #tpu.memory_space<vmem>> -> memref<1x16x128xf32, #tpu.memory_space<vmem>>
      %dma_wait3A_649 = tpu.memref_squeeze %dma_wait3A_648 : memref<1x16x128xf32, #tpu.memory_space<vmem>> -> memref<16x128xf32, #tpu.memory_space<vmem>>
      %dma_wait3A_650 = arith.constant 0 : i32
      %dma_wait3A_651 = tpu.memref_slice %arg3[%dma_wait3A_650, %multiple_of3A_137] : memref<16x1000000xf32, #tpu.memory_space<hbm>> -> memref<16x128xf32, #tpu.memory_space<hbm>>
      tpu.wait_dma2 semaphore(%arg18 : memref<!tpu.dma_semaphore, #tpu.memory_space<semaphore_mem>>) src(%dma_wait3A_651 : memref<16x128xf32, #tpu.memory_space<hbm>>) dst(%dma_wait3A_649 : memref<16x128xf32, #tpu.memory_space<vmem>>)
      %dma_wait3A_652 = arith.constant 4 : i32
      %dma_wait3A_653 = arith.constant 0 : i32
      %dma_wait3A_654 = arith.constant 0 : i32
      %dma_wait3A_655 = tpu.memref_slice %arg12[%dma_wait3A_652, %dma_wait3A_653, %dma_wait3A_654] : memref<16x16x128xf32, #tpu.memory_space<vmem>> -> memref<1x16x128xf32, #tpu.memory_space<vmem>>
      %dma_wait3A_656 = tpu.memref_squeeze %dma_wait3A_655 : memref<1x16x128xf32, #tpu.memory_space<vmem>> -> memref<16x128xf32, #tpu.memory_space<vmem>>
      %dma_wait3A_657 = arith.constant 0 : i32
      %dma_wait3A_658 = tpu.memref_slice %arg2[%dma_wait3A_657, %multiple_of3A_166] : memref<16x1000001xf32, #tpu.memory_space<hbm>> -> memref<16x128xf32, #tpu.memory_space<hbm>>
      %dma_wait3A_659 = arith.constant 0 : i32
      %dma_wait3A_660 = arith.constant 0 : i32
      %dma_wait3A_661 = tpu.memref_slice %arg12[%dma_wait3A_652, %dma_wait3A_659, %dma_wait3A_660] : memref<16x16x128xf32, #tpu.memory_space<vmem>> -> memref<1x16x128xf32, #tpu.memory_space<vmem>>
      %dma_wait3A_662 = tpu.memref_squeeze %dma_wait3A_661 : memref<1x16x128xf32, #tpu.memory_space<vmem>> -> memref<16x128xf32, #tpu.memory_space<vmem>>
      %dma_wait3A_663 = arith.constant 0 : i32
      %dma_wait3A_664 = tpu.memref_slice %arg2[%dma_wait3A_663, %multiple_of3A_166] : memref<16x1000001xf32, #tpu.memory_space<hbm>> -> memref<16x128xf32, #tpu.memory_space<hbm>>
      tpu.wait_dma2 semaphore(%arg18 : memref<!tpu.dma_semaphore, #tpu.memory_space<semaphore_mem>>) src(%dma_wait3A_664 : memref<16x128xf32, #tpu.memory_space<hbm>>) dst(%dma_wait3A_662 : memref<16x128xf32, #tpu.memory_space<vmem>>)
      %dma_wait3A_665 = arith.constant 4 : i32
      %dma_wait3A_666 = arith.constant 0 : i32
      %dma_wait3A_667 = arith.constant 0 : i32
      %dma_wait3A_668 = tpu.memref_slice %arg13[%dma_wait3A_665, %dma_wait3A_666, %dma_wait3A_667] : memref<16x16x128xf32, #tpu.memory_space<vmem>> -> memref<1x16x128xf32, #tpu.memory_space<vmem>>
      %dma_wait3A_669 = tpu.memref_squeeze %dma_wait3A_668 : memref<1x16x128xf32, #tpu.memory_space<vmem>> -> memref<16x128xf32, #tpu.memory_space<vmem>>
      %dma_wait3A_670 = arith.constant 0 : i32
      %dma_wait3A_671 = tpu.memref_slice %arg3[%dma_wait3A_670, %multiple_of3A_169] : memref<16x1000000xf32, #tpu.memory_space<hbm>> -> memref<16x128xf32, #tpu.memory_space<hbm>>
      %dma_wait3A_672 = arith.constant 0 : i32
      %dma_wait3A_673 = arith.constant 0 : i32
      %dma_wait3A_674 = tpu.memref_slice %arg13[%dma_wait3A_665, %dma_wait3A_672, %dma_wait3A_673] : memref<16x16x128xf32, #tpu.memory_space<vmem>> -> memref<1x16x128xf32, #tpu.memory_space<vmem>>
      %dma_wait3A_675 = tpu.memref_squeeze %dma_wait3A_674 : memref<1x16x128xf32, #tpu.memory_space<vmem>> -> memref<16x128xf32, #tpu.memory_space<vmem>>
      %dma_wait3A_676 = arith.constant 0 : i32
      %dma_wait3A_677 = tpu.memref_slice %arg3[%dma_wait3A_676, %multiple_of3A_169] : memref<16x1000000xf32, #tpu.memory_space<hbm>> -> memref<16x128xf32, #tpu.memory_space<hbm>>
      tpu.wait_dma2 semaphore(%arg18 : memref<!tpu.dma_semaphore, #tpu.memory_space<semaphore_mem>>) src(%dma_wait3A_677 : memref<16x128xf32, #tpu.memory_space<hbm>>) dst(%dma_wait3A_675 : memref<16x128xf32, #tpu.memory_space<vmem>>)
      %dma_wait3A_678 = arith.constant 5 : i32
      %dma_wait3A_679 = arith.constant 0 : i32
      %dma_wait3A_680 = arith.constant 0 : i32
      %dma_wait3A_681 = tpu.memref_slice %arg12[%dma_wait3A_678, %dma_wait3A_679, %dma_wait3A_680] : memref<16x16x128xf32, #tpu.memory_space<vmem>> -> memref<1x16x128xf32, #tpu.memory_space<vmem>>
      %dma_wait3A_682 = tpu.memref_squeeze %dma_wait3A_681 : memref<1x16x128xf32, #tpu.memory_space<vmem>> -> memref<16x128xf32, #tpu.memory_space<vmem>>
      %dma_wait3A_683 = arith.constant 0 : i32
      %dma_wait3A_684 = tpu.memref_slice %arg2[%dma_wait3A_683, %multiple_of3A_198] : memref<16x1000001xf32, #tpu.memory_space<hbm>> -> memref<16x128xf32, #tpu.memory_space<hbm>>
      %dma_wait3A_685 = arith.constant 0 : i32
      %dma_wait3A_686 = arith.constant 0 : i32
      %dma_wait3A_687 = tpu.memref_slice %arg12[%dma_wait3A_678, %dma_wait3A_685, %dma_wait3A_686] : memref<16x16x128xf32, #tpu.memory_space<vmem>> -> memref<1x16x128xf32, #tpu.memory_space<vmem>>
      %dma_wait3A_688 = tpu.memref_squeeze %dma_wait3A_687 : memref<1x16x128xf32, #tpu.memory_space<vmem>> -> memref<16x128xf32, #tpu.memory_space<vmem>>
      %dma_wait3A_689 = arith.constant 0 : i32
      %dma_wait3A_690 = tpu.memref_slice %arg2[%dma_wait3A_689, %multiple_of3A_198] : memref<16x1000001xf32, #tpu.memory_space<hbm>> -> memref<16x128xf32, #tpu.memory_space<hbm>>
      tpu.wait_dma2 semaphore(%arg18 : memref<!tpu.dma_semaphore, #tpu.memory_space<semaphore_mem>>) src(%dma_wait3A_690 : memref<16x128xf32, #tpu.memory_space<hbm>>) dst(%dma_wait3A_688 : memref<16x128xf32, #tpu.memory_space<vmem>>)
      %dma_wait3A_691 = arith.constant 5 : i32
      %dma_wait3A_692 = arith.constant 0 : i32
      %dma_wait3A_693 = arith.constant 0 : i32
      %dma_wait3A_694 = tpu.memref_slice %arg13[%dma_wait3A_691, %dma_wait3A_692, %dma_wait3A_693] : memref<16x16x128xf32, #tpu.memory_space<vmem>> -> memref<1x16x128xf32, #tpu.memory_space<vmem>>
      %dma_wait3A_695 = tpu.memref_squeeze %dma_wait3A_694 : memref<1x16x128xf32, #tpu.memory_space<vmem>> -> memref<16x128xf32, #tpu.memory_space<vmem>>
      %dma_wait3A_696 = arith.constant 0 : i32
      %dma_wait3A_697 = tpu.memref_slice %arg3[%dma_wait3A_696, %multiple_of3A_201] : memref<16x1000000xf32, #tpu.memory_space<hbm>> -> memref<16x128xf32, #tpu.memory_space<hbm>>
      %dma_wait3A_698 = arith.constant 0 : i32
      %dma_wait3A_699 = arith.constant 0 : i32
      %dma_wait3A_700 = tpu.memref_slice %arg13[%dma_wait3A_691, %dma_wait3A_698, %dma_wait3A_699] : memref<16x16x128xf32, #tpu.memory_space<vmem>> -> memref<1x16x128xf32, #tpu.memory_space<vmem>>
      %dma_wait3A_701 = tpu.memref_squeeze %dma_wait3A_700 : memref<1x16x128xf32, #tpu.memory_space<vmem>> -> memref<16x128xf32, #tpu.memory_space<vmem>>
      %dma_wait3A_702 = arith.constant 0 : i32
      %dma_wait3A_703 = tpu.memref_slice %arg3[%dma_wait3A_702, %multiple_of3A_201] : memref<16x1000000xf32, #tpu.memory_space<hbm>> -> memref<16x128xf32, #tpu.memory_space<hbm>>
      tpu.wait_dma2 semaphore(%arg18 : memref<!tpu.dma_semaphore, #tpu.memory_space<semaphore_mem>>) src(%dma_wait3A_703 : memref<16x128xf32, #tpu.memory_space<hbm>>) dst(%dma_wait3A_701 : memref<16x128xf32, #tpu.memory_space<vmem>>)
      %dma_wait3A_704 = arith.constant 6 : i32
      %dma_wait3A_705 = arith.constant 0 : i32
      %dma_wait3A_706 = arith.constant 0 : i32
      %dma_wait3A_707 = tpu.memref_slice %arg12[%dma_wait3A_704, %dma_wait3A_705, %dma_wait3A_706] : memref<16x16x128xf32, #tpu.memory_space<vmem>> -> memref<1x16x128xf32, #tpu.memory_space<vmem>>
      %dma_wait3A_708 = tpu.memref_squeeze %dma_wait3A_707 : memref<1x16x128xf32, #tpu.memory_space<vmem>> -> memref<16x128xf32, #tpu.memory_space<vmem>>
      %dma_wait3A_709 = arith.constant 0 : i32
      %dma_wait3A_710 = tpu.memref_slice %arg2[%dma_wait3A_709, %multiple_of3A_230] : memref<16x1000001xf32, #tpu.memory_space<hbm>> -> memref<16x128xf32, #tpu.memory_space<hbm>>
      %dma_wait3A_711 = arith.constant 0 : i32
      %dma_wait3A_712 = arith.constant 0 : i32
      %dma_wait3A_713 = tpu.memref_slice %arg12[%dma_wait3A_704, %dma_wait3A_711, %dma_wait3A_712] : memref<16x16x128xf32, #tpu.memory_space<vmem>> -> memref<1x16x128xf32, #tpu.memory_space<vmem>>
      %dma_wait3A_714 = tpu.memref_squeeze %dma_wait3A_713 : memref<1x16x128xf32, #tpu.memory_space<vmem>> -> memref<16x128xf32, #tpu.memory_space<vmem>>
      %dma_wait3A_715 = arith.constant 0 : i32
      %dma_wait3A_716 = tpu.memref_slice %arg2[%dma_wait3A_715, %multiple_of3A_230] : memref<16x1000001xf32, #tpu.memory_space<hbm>> -> memref<16x128xf32, #tpu.memory_space<hbm>>
      tpu.wait_dma2 semaphore(%arg18 : memref<!tpu.dma_semaphore, #tpu.memory_space<semaphore_mem>>) src(%dma_wait3A_716 : memref<16x128xf32, #tpu.memory_space<hbm>>) dst(%dma_wait3A_714 : memref<16x128xf32, #tpu.memory_space<vmem>>)
      %dma_wait3A_717 = arith.constant 6 : i32
      %dma_wait3A_718 = arith.constant 0 : i32
      %dma_wait3A_719 = arith.constant 0 : i32
      %dma_wait3A_720 = tpu.memref_slice %arg13[%dma_wait3A_717, %dma_wait3A_718, %dma_wait3A_719] : memref<16x16x128xf32, #tpu.memory_space<vmem>> -> memref<1x16x128xf32, #tpu.memory_space<vmem>>
      %dma_wait3A_721 = tpu.memref_squeeze %dma_wait3A_720 : memref<1x16x128xf32, #tpu.memory_space<vmem>> -> memref<16x128xf32, #tpu.memory_space<vmem>>
      %dma_wait3A_722 = arith.constant 0 : i32
      %dma_wait3A_723 = tpu.memref_slice %arg3[%dma_wait3A_722, %multiple_of3A_233] : memref<16x1000000xf32, #tpu.memory_space<hbm>> -> memref<16x128xf32, #tpu.memory_space<hbm>>
      %dma_wait3A_724 = arith.constant 0 : i32
      %dma_wait3A_725 = arith.constant 0 : i32
      %dma_wait3A_726 = tpu.memref_slice %arg13[%dma_wait3A_717, %dma_wait3A_724, %dma_wait3A_725] : memref<16x16x128xf32, #tpu.memory_space<vmem>> -> memref<1x16x128xf32, #tpu.memory_space<vmem>>
      %dma_wait3A_727 = tpu.memref_squeeze %dma_wait3A_726 : memref<1x16x128xf32, #tpu.memory_space<vmem>> -> memref<16x128xf32, #tpu.memory_space<vmem>>
      %dma_wait3A_728 = arith.constant 0 : i32
      %dma_wait3A_729 = tpu.memref_slice %arg3[%dma_wait3A_728, %multiple_of3A_233] : memref<16x1000000xf32, #tpu.memory_space<hbm>> -> memref<16x128xf32, #tpu.memory_space<hbm>>
      tpu.wait_dma2 semaphore(%arg18 : memref<!tpu.dma_semaphore, #tpu.memory_space<semaphore_mem>>) src(%dma_wait3A_729 : memref<16x128xf32, #tpu.memory_space<hbm>>) dst(%dma_wait3A_727 : memref<16x128xf32, #tpu.memory_space<vmem>>)
      %dma_wait3A_730 = arith.constant 7 : i32
      %dma_wait3A_731 = arith.constant 0 : i32
      %dma_wait3A_732 = arith.constant 0 : i32
      %dma_wait3A_733 = tpu.memref_slice %arg12[%dma_wait3A_730, %dma_wait3A_731, %dma_wait3A_732] : memref<16x16x128xf32, #tpu.memory_space<vmem>> -> memref<1x16x128xf32, #tpu.memory_space<vmem>>
      %dma_wait3A_734 = tpu.memref_squeeze %dma_wait3A_733 : memref<1x16x128xf32, #tpu.memory_space<vmem>> -> memref<16x128xf32, #tpu.memory_space<vmem>>
      %dma_wait3A_735 = arith.constant 0 : i32
      %dma_wait3A_736 = tpu.memref_slice %arg2[%dma_wait3A_735, %multiple_of3A_262] : memref<16x1000001xf32, #tpu.memory_space<hbm>> -> memref<16x128xf32, #tpu.memory_space<hbm>>
      %dma_wait3A_737 = arith.constant 0 : i32
      %dma_wait3A_738 = arith.constant 0 : i32
      %dma_wait3A_739 = tpu.memref_slice %arg12[%dma_wait3A_730, %dma_wait3A_737, %dma_wait3A_738] : memref<16x16x128xf32, #tpu.memory_space<vmem>> -> memref<1x16x128xf32, #tpu.memory_space<vmem>>
      %dma_wait3A_740 = tpu.memref_squeeze %dma_wait3A_739 : memref<1x16x128xf32, #tpu.memory_space<vmem>> -> memref<16x128xf32, #tpu.memory_space<vmem>>
      %dma_wait3A_741 = arith.constant 0 : i32
      %dma_wait3A_742 = tpu.memref_slice %arg2[%dma_wait3A_741, %multiple_of3A_262] : memref<16x1000001xf32, #tpu.memory_space<hbm>> -> memref<16x128xf32, #tpu.memory_space<hbm>>
      tpu.wait_dma2 semaphore(%arg18 : memref<!tpu.dma_semaphore, #tpu.memory_space<semaphore_mem>>) src(%dma_wait3A_742 : memref<16x128xf32, #tpu.memory_space<hbm>>) dst(%dma_wait3A_740 : memref<16x128xf32, #tpu.memory_space<vmem>>)
      %dma_wait3A_743 = arith.constant 7 : i32
      %dma_wait3A_744 = arith.constant 0 : i32
      %dma_wait3A_745 = arith.constant 0 : i32
      %dma_wait3A_746 = tpu.memref_slice %arg13[%dma_wait3A_743, %dma_wait3A_744, %dma_wait3A_745] : memref<16x16x128xf32, #tpu.memory_space<vmem>> -> memref<1x16x128xf32, #tpu.memory_space<vmem>>
      %dma_wait3A_747 = tpu.memref_squeeze %dma_wait3A_746 : memref<1x16x128xf32, #tpu.memory_space<vmem>> -> memref<16x128xf32, #tpu.memory_space<vmem>>
      %dma_wait3A_748 = arith.constant 0 : i32
      %dma_wait3A_749 = tpu.memref_slice %arg3[%dma_wait3A_748, %multiple_of3A_265] : memref<16x1000000xf32, #tpu.memory_space<hbm>> -> memref<16x128xf32, #tpu.memory_space<hbm>>
      %dma_wait3A_750 = arith.constant 0 : i32
      %dma_wait3A_751 = arith.constant 0 : i32
      %dma_wait3A_752 = tpu.memref_slice %arg13[%dma_wait3A_743, %dma_wait3A_750, %dma_wait3A_751] : memref<16x16x128xf32, #tpu.memory_space<vmem>> -> memref<1x16x128xf32, #tpu.memory_space<vmem>>
      %dma_wait3A_753 = tpu.memref_squeeze %dma_wait3A_752 : memref<1x16x128xf32, #tpu.memory_space<vmem>> -> memref<16x128xf32, #tpu.memory_space<vmem>>
      %dma_wait3A_754 = arith.constant 0 : i32
      %dma_wait3A_755 = tpu.memref_slice %arg3[%dma_wait3A_754, %multiple_of3A_265] : memref<16x1000000xf32, #tpu.memory_space<hbm>> -> memref<16x128xf32, #tpu.memory_space<hbm>>
      tpu.wait_dma2 semaphore(%arg18 : memref<!tpu.dma_semaphore, #tpu.memory_space<semaphore_mem>>) src(%dma_wait3A_755 : memref<16x128xf32, #tpu.memory_space<hbm>>) dst(%dma_wait3A_753 : memref<16x128xf32, #tpu.memory_space<vmem>>)
      %dma_wait3A_756 = arith.constant 8 : i32
      %dma_wait3A_757 = arith.constant 0 : i32
      %dma_wait3A_758 = arith.constant 0 : i32
      %dma_wait3A_759 = tpu.memref_slice %arg12[%dma_wait3A_756, %dma_wait3A_757, %dma_wait3A_758] : memref<16x16x128xf32, #tpu.memory_space<vmem>> -> memref<1x16x128xf32, #tpu.memory_space<vmem>>
      %dma_wait3A_760 = tpu.memref_squeeze %dma_wait3A_759 : memref<1x16x128xf32, #tpu.memory_space<vmem>> -> memref<16x128xf32, #tpu.memory_space<vmem>>
      %dma_wait3A_761 = arith.constant 0 : i32
      %dma_wait3A_762 = tpu.memref_slice %arg2[%dma_wait3A_761, %multiple_of3A_294] : memref<16x1000001xf32, #tpu.memory_space<hbm>> -> memref<16x128xf32, #tpu.memory_space<hbm>>
      %dma_wait3A_763 = arith.constant 0 : i32
      %dma_wait3A_764 = arith.constant 0 : i32
      %dma_wait3A_765 = tpu.memref_slice %arg12[%dma_wait3A_756, %dma_wait3A_763, %dma_wait3A_764] : memref<16x16x128xf32, #tpu.memory_space<vmem>> -> memref<1x16x128xf32, #tpu.memory_space<vmem>>
      %dma_wait3A_766 = tpu.memref_squeeze %dma_wait3A_765 : memref<1x16x128xf32, #tpu.memory_space<vmem>> -> memref<16x128xf32, #tpu.memory_space<vmem>>
      %dma_wait3A_767 = arith.constant 0 : i32
      %dma_wait3A_768 = tpu.memref_slice %arg2[%dma_wait3A_767, %multiple_of3A_294] : memref<16x1000001xf32, #tpu.memory_space<hbm>> -> memref<16x128xf32, #tpu.memory_space<hbm>>
      tpu.wait_dma2 semaphore(%arg18 : memref<!tpu.dma_semaphore, #tpu.memory_space<semaphore_mem>>) src(%dma_wait3A_768 : memref<16x128xf32, #tpu.memory_space<hbm>>) dst(%dma_wait3A_766 : memref<16x128xf32, #tpu.memory_space<vmem>>)
      %dma_wait3A_769 = arith.constant 8 : i32
      %dma_wait3A_770 = arith.constant 0 : i32
      %dma_wait3A_771 = arith.constant 0 : i32
      %dma_wait3A_772 = tpu.memref_slice %arg13[%dma_wait3A_769, %dma_wait3A_770, %dma_wait3A_771] : memref<16x16x128xf32, #tpu.memory_space<vmem>> -> memref<1x16x128xf32, #tpu.memory_space<vmem>>
      %dma_wait3A_773 = tpu.memref_squeeze %dma_wait3A_772 : memref<1x16x128xf32, #tpu.memory_space<vmem>> -> memref<16x128xf32, #tpu.memory_space<vmem>>
      %dma_wait3A_774 = arith.constant 0 : i32
      %dma_wait3A_775 = tpu.memref_slice %arg3[%dma_wait3A_774, %multiple_of3A_297] : memref<16x1000000xf32, #tpu.memory_space<hbm>> -> memref<16x128xf32, #tpu.memory_space<hbm>>
      %dma_wait3A_776 = arith.constant 0 : i32
      %dma_wait3A_777 = arith.constant 0 : i32
      %dma_wait3A_778 = tpu.memref_slice %arg13[%dma_wait3A_769, %dma_wait3A_776, %dma_wait3A_777] : memref<16x16x128xf32, #tpu.memory_space<vmem>> -> memref<1x16x128xf32, #tpu.memory_space<vmem>>
      %dma_wait3A_779 = tpu.memref_squeeze %dma_wait3A_778 : memref<1x16x128xf32, #tpu.memory_space<vmem>> -> memref<16x128xf32, #tpu.memory_space<vmem>>
      %dma_wait3A_780 = arith.constant 0 : i32
      %dma_wait3A_781 = tpu.memref_slice %arg3[%dma_wait3A_780, %multiple_of3A_297] : memref<16x1000000xf32, #tpu.memory_space<hbm>> -> memref<16x128xf32, #tpu.memory_space<hbm>>
      tpu.wait_dma2 semaphore(%arg18 : memref<!tpu.dma_semaphore, #tpu.memory_space<semaphore_mem>>) src(%dma_wait3A_781 : memref<16x128xf32, #tpu.memory_space<hbm>>) dst(%dma_wait3A_779 : memref<16x128xf32, #tpu.memory_space<vmem>>)
      %dma_wait3A_782 = arith.constant 9 : i32
      %dma_wait3A_783 = arith.constant 0 : i32
      %dma_wait3A_784 = arith.constant 0 : i32
      %dma_wait3A_785 = tpu.memref_slice %arg12[%dma_wait3A_782, %dma_wait3A_783, %dma_wait3A_784] : memref<16x16x128xf32, #tpu.memory_space<vmem>> -> memref<1x16x128xf32, #tpu.memory_space<vmem>>
      %dma_wait3A_786 = tpu.memref_squeeze %dma_wait3A_785 : memref<1x16x128xf32, #tpu.memory_space<vmem>> -> memref<16x128xf32, #tpu.memory_space<vmem>>
      %dma_wait3A_787 = arith.constant 0 : i32
      %dma_wait3A_788 = tpu.memref_slice %arg2[%dma_wait3A_787, %multiple_of3A_326] : memref<16x1000001xf32, #tpu.memory_space<hbm>> -> memref<16x128xf32, #tpu.memory_space<hbm>>
      %dma_wait3A_789 = arith.constant 0 : i32
      %dma_wait3A_790 = arith.constant 0 : i32
      %dma_wait3A_791 = tpu.memref_slice %arg12[%dma_wait3A_782, %dma_wait3A_789, %dma_wait3A_790] : memref<16x16x128xf32, #tpu.memory_space<vmem>> -> memref<1x16x128xf32, #tpu.memory_space<vmem>>
      %dma_wait3A_792 = tpu.memref_squeeze %dma_wait3A_791 : memref<1x16x128xf32, #tpu.memory_space<vmem>> -> memref<16x128xf32, #tpu.memory_space<vmem>>
      %dma_wait3A_793 = arith.constant 0 : i32
      %dma_wait3A_794 = tpu.memref_slice %arg2[%dma_wait3A_793, %multiple_of3A_326] : memref<16x1000001xf32, #tpu.memory_space<hbm>> -> memref<16x128xf32, #tpu.memory_space<hbm>>
      tpu.wait_dma2 semaphore(%arg18 : memref<!tpu.dma_semaphore, #tpu.memory_space<semaphore_mem>>) src(%dma_wait3A_794 : memref<16x128xf32, #tpu.memory_space<hbm>>) dst(%dma_wait3A_792 : memref<16x128xf32, #tpu.memory_space<vmem>>)
      %dma_wait3A_795 = arith.constant 9 : i32
      %dma_wait3A_796 = arith.constant 0 : i32
      %dma_wait3A_797 = arith.constant 0 : i32
      %dma_wait3A_798 = tpu.memref_slice %arg13[%dma_wait3A_795, %dma_wait3A_796, %dma_wait3A_797] : memref<16x16x128xf32, #tpu.memory_space<vmem>> -> memref<1x16x128xf32, #tpu.memory_space<vmem>>
      %dma_wait3A_799 = tpu.memref_squeeze %dma_wait3A_798 : memref<1x16x128xf32, #tpu.memory_space<vmem>> -> memref<16x128xf32, #tpu.memory_space<vmem>>
      %dma_wait3A_800 = arith.constant 0 : i32
      %dma_wait3A_801 = tpu.memref_slice %arg3[%dma_wait3A_800, %multiple_of3A_329] : memref<16x1000000xf32, #tpu.memory_space<hbm>> -> memref<16x128xf32, #tpu.memory_space<hbm>>
      %dma_wait3A_802 = arith.constant 0 : i32
      %dma_wait3A_803 = arith.constant 0 : i32
      %dma_wait3A_804 = tpu.memref_slice %arg13[%dma_wait3A_795, %dma_wait3A_802, %dma_wait3A_803] : memref<16x16x128xf32, #tpu.memory_space<vmem>> -> memref<1x16x128xf32, #tpu.memory_space<vmem>>
      %dma_wait3A_805 = tpu.memref_squeeze %dma_wait3A_804 : memref<1x16x128xf32, #tpu.memory_space<vmem>> -> memref<16x128xf32, #tpu.memory_space<vmem>>
      %dma_wait3A_806 = arith.constant 0 : i32
      %dma_wait3A_807 = tpu.memref_slice %arg3[%dma_wait3A_806, %multiple_of3A_329] : memref<16x1000000xf32, #tpu.memory_space<hbm>> -> memref<16x128xf32, #tpu.memory_space<hbm>>
      tpu.wait_dma2 semaphore(%arg18 : memref<!tpu.dma_semaphore, #tpu.memory_space<semaphore_mem>>) src(%dma_wait3A_807 : memref<16x128xf32, #tpu.memory_space<hbm>>) dst(%dma_wait3A_805 : memref<16x128xf32, #tpu.memory_space<vmem>>)
      %dma_wait3A_808 = arith.constant 10 : i32
      %dma_wait3A_809 = arith.constant 0 : i32
      %dma_wait3A_810 = arith.constant 0 : i32
      %dma_wait3A_811 = tpu.memref_slice %arg12[%dma_wait3A_808, %dma_wait3A_809, %dma_wait3A_810] : memref<16x16x128xf32, #tpu.memory_space<vmem>> -> memref<1x16x128xf32, #tpu.memory_space<vmem>>
      %dma_wait3A_812 = tpu.memref_squeeze %dma_wait3A_811 : memref<1x16x128xf32, #tpu.memory_space<vmem>> -> memref<16x128xf32, #tpu.memory_space<vmem>>
      %dma_wait3A_813 = arith.constant 0 : i32
      %dma_wait3A_814 = tpu.memref_slice %arg2[%dma_wait3A_813, %multiple_of3A_358] : memref<16x1000001xf32, #tpu.memory_space<hbm>> -> memref<16x128xf32, #tpu.memory_space<hbm>>
      %dma_wait3A_815 = arith.constant 0 : i32
      %dma_wait3A_816 = arith.constant 0 : i32
      %dma_wait3A_817 = tpu.memref_slice %arg12[%dma_wait3A_808, %dma_wait3A_815, %dma_wait3A_816] : memref<16x16x128xf32, #tpu.memory_space<vmem>> -> memref<1x16x128xf32, #tpu.memory_space<vmem>>
      %dma_wait3A_818 = tpu.memref_squeeze %dma_wait3A_817 : memref<1x16x128xf32, #tpu.memory_space<vmem>> -> memref<16x128xf32, #tpu.memory_space<vmem>>
      %dma_wait3A_819 = arith.constant 0 : i32
      %dma_wait3A_820 = tpu.memref_slice %arg2[%dma_wait3A_819, %multiple_of3A_358] : memref<16x1000001xf32, #tpu.memory_space<hbm>> -> memref<16x128xf32, #tpu.memory_space<hbm>>
      tpu.wait_dma2 semaphore(%arg18 : memref<!tpu.dma_semaphore, #tpu.memory_space<semaphore_mem>>) src(%dma_wait3A_820 : memref<16x128xf32, #tpu.memory_space<hbm>>) dst(%dma_wait3A_818 : memref<16x128xf32, #tpu.memory_space<vmem>>)
      %dma_wait3A_821 = arith.constant 10 : i32
      %dma_wait3A_822 = arith.constant 0 : i32
      %dma_wait3A_823 = arith.constant 0 : i32
      %dma_wait3A_824 = tpu.memref_slice %arg13[%dma_wait3A_821, %dma_wait3A_822, %dma_wait3A_823] : memref<16x16x128xf32, #tpu.memory_space<vmem>> -> memref<1x16x128xf32, #tpu.memory_space<vmem>>
      %dma_wait3A_825 = tpu.memref_squeeze %dma_wait3A_824 : memref<1x16x128xf32, #tpu.memory_space<vmem>> -> memref<16x128xf32, #tpu.memory_space<vmem>>
      %dma_wait3A_826 = arith.constant 0 : i32
      %dma_wait3A_827 = tpu.memref_slice %arg3[%dma_wait3A_826, %multiple_of3A_361] : memref<16x1000000xf32, #tpu.memory_space<hbm>> -> memref<16x128xf32, #tpu.memory_space<hbm>>
      %dma_wait3A_828 = arith.constant 0 : i32
      %dma_wait3A_829 = arith.constant 0 : i32
      %dma_wait3A_830 = tpu.memref_slice %arg13[%dma_wait3A_821, %dma_wait3A_828, %dma_wait3A_829] : memref<16x16x128xf32, #tpu.memory_space<vmem>> -> memref<1x16x128xf32, #tpu.memory_space<vmem>>
      %dma_wait3A_831 = tpu.memref_squeeze %dma_wait3A_830 : memref<1x16x128xf32, #tpu.memory_space<vmem>> -> memref<16x128xf32, #tpu.memory_space<vmem>>
      %dma_wait3A_832 = arith.constant 0 : i32
      %dma_wait3A_833 = tpu.memref_slice %arg3[%dma_wait3A_832, %multiple_of3A_361] : memref<16x1000000xf32, #tpu.memory_space<hbm>> -> memref<16x128xf32, #tpu.memory_space<hbm>>
      tpu.wait_dma2 semaphore(%arg18 : memref<!tpu.dma_semaphore, #tpu.memory_space<semaphore_mem>>) src(%dma_wait3A_833 : memref<16x128xf32, #tpu.memory_space<hbm>>) dst(%dma_wait3A_831 : memref<16x128xf32, #tpu.memory_space<vmem>>)
      %dma_wait3A_834 = arith.constant 11 : i32
      %dma_wait3A_835 = arith.constant 0 : i32
      %dma_wait3A_836 = arith.constant 0 : i32
      %dma_wait3A_837 = tpu.memref_slice %arg12[%dma_wait3A_834, %dma_wait3A_835, %dma_wait3A_836] : memref<16x16x128xf32, #tpu.memory_space<vmem>> -> memref<1x16x128xf32, #tpu.memory_space<vmem>>
      %dma_wait3A_838 = tpu.memref_squeeze %dma_wait3A_837 : memref<1x16x128xf32, #tpu.memory_space<vmem>> -> memref<16x128xf32, #tpu.memory_space<vmem>>
      %dma_wait3A_839 = arith.constant 0 : i32
      %dma_wait3A_840 = tpu.memref_slice %arg2[%dma_wait3A_839, %multiple_of3A_390] : memref<16x1000001xf32, #tpu.memory_space<hbm>> -> memref<16x128xf32, #tpu.memory_space<hbm>>
      %dma_wait3A_841 = arith.constant 0 : i32
      %dma_wait3A_842 = arith.constant 0 : i32
      %dma_wait3A_843 = tpu.memref_slice %arg12[%dma_wait3A_834, %dma_wait3A_841, %dma_wait3A_842] : memref<16x16x128xf32, #tpu.memory_space<vmem>> -> memref<1x16x128xf32, #tpu.memory_space<vmem>>
      %dma_wait3A_844 = tpu.memref_squeeze %dma_wait3A_843 : memref<1x16x128xf32, #tpu.memory_space<vmem>> -> memref<16x128xf32, #tpu.memory_space<vmem>>
      %dma_wait3A_845 = arith.constant 0 : i32
      %dma_wait3A_846 = tpu.memref_slice %arg2[%dma_wait3A_845, %multiple_of3A_390] : memref<16x1000001xf32, #tpu.memory_space<hbm>> -> memref<16x128xf32, #tpu.memory_space<hbm>>
      tpu.wait_dma2 semaphore(%arg18 : memref<!tpu.dma_semaphore, #tpu.memory_space<semaphore_mem>>) src(%dma_wait3A_846 : memref<16x128xf32, #tpu.memory_space<hbm>>) dst(%dma_wait3A_844 : memref<16x128xf32, #tpu.memory_space<vmem>>)
      %dma_wait3A_847 = arith.constant 11 : i32
      %dma_wait3A_848 = arith.constant 0 : i32
      %dma_wait3A_849 = arith.constant 0 : i32
      %dma_wait3A_850 = tpu.memref_slice %arg13[%dma_wait3A_847, %dma_wait3A_848, %dma_wait3A_849] : memref<16x16x128xf32, #tpu.memory_space<vmem>> -> memref<1x16x128xf32, #tpu.memory_space<vmem>>
      %dma_wait3A_851 = tpu.memref_squeeze %dma_wait3A_850 : memref<1x16x128xf32, #tpu.memory_space<vmem>> -> memref<16x128xf32, #tpu.memory_space<vmem>>
      %dma_wait3A_852 = arith.constant 0 : i32
      %dma_wait3A_853 = tpu.memref_slice %arg3[%dma_wait3A_852, %multiple_of3A_393] : memref<16x1000000xf32, #tpu.memory_space<hbm>> -> memref<16x128xf32, #tpu.memory_space<hbm>>
      %dma_wait3A_854 = arith.constant 0 : i32
      %dma_wait3A_855 = arith.constant 0 : i32
      %dma_wait3A_856 = tpu.memref_slice %arg13[%dma_wait3A_847, %dma_wait3A_854, %dma_wait3A_855] : memref<16x16x128xf32, #tpu.memory_space<vmem>> -> memref<1x16x128xf32, #tpu.memory_space<vmem>>
      %dma_wait3A_857 = tpu.memref_squeeze %dma_wait3A_856 : memref<1x16x128xf32, #tpu.memory_space<vmem>> -> memref<16x128xf32, #tpu.memory_space<vmem>>
      %dma_wait3A_858 = arith.constant 0 : i32
      %dma_wait3A_859 = tpu.memref_slice %arg3[%dma_wait3A_858, %multiple_of3A_393] : memref<16x1000000xf32, #tpu.memory_space<hbm>> -> memref<16x128xf32, #tpu.memory_space<hbm>>
      tpu.wait_dma2 semaphore(%arg18 : memref<!tpu.dma_semaphore, #tpu.memory_space<semaphore_mem>>) src(%dma_wait3A_859 : memref<16x128xf32, #tpu.memory_space<hbm>>) dst(%dma_wait3A_857 : memref<16x128xf32, #tpu.memory_space<vmem>>)
      %dma_wait3A_860 = arith.constant 12 : i32
      %dma_wait3A_861 = arith.constant 0 : i32
      %dma_wait3A_862 = arith.constant 0 : i32
      %dma_wait3A_863 = tpu.memref_slice %arg12[%dma_wait3A_860, %dma_wait3A_861, %dma_wait3A_862] : memref<16x16x128xf32, #tpu.memory_space<vmem>> -> memref<1x16x128xf32, #tpu.memory_space<vmem>>
      %dma_wait3A_864 = tpu.memref_squeeze %dma_wait3A_863 : memref<1x16x128xf32, #tpu.memory_space<vmem>> -> memref<16x128xf32, #tpu.memory_space<vmem>>
      %dma_wait3A_865 = arith.constant 0 : i32
      %dma_wait3A_866 = tpu.memref_slice %arg2[%dma_wait3A_865, %multiple_of3A_422] : memref<16x1000001xf32, #tpu.memory_space<hbm>> -> memref<16x128xf32, #tpu.memory_space<hbm>>
      %dma_wait3A_867 = arith.constant 0 : i32
      %dma_wait3A_868 = arith.constant 0 : i32
      %dma_wait3A_869 = tpu.memref_slice %arg12[%dma_wait3A_860, %dma_wait3A_867, %dma_wait3A_868] : memref<16x16x128xf32, #tpu.memory_space<vmem>> -> memref<1x16x128xf32, #tpu.memory_space<vmem>>
      %dma_wait3A_870 = tpu.memref_squeeze %dma_wait3A_869 : memref<1x16x128xf32, #tpu.memory_space<vmem>> -> memref<16x128xf32, #tpu.memory_space<vmem>>
      %dma_wait3A_871 = arith.constant 0 : i32
      %dma_wait3A_872 = tpu.memref_slice %arg2[%dma_wait3A_871, %multiple_of3A_422] : memref<16x1000001xf32, #tpu.memory_space<hbm>> -> memref<16x128xf32, #tpu.memory_space<hbm>>
      tpu.wait_dma2 semaphore(%arg18 : memref<!tpu.dma_semaphore, #tpu.memory_space<semaphore_mem>>) src(%dma_wait3A_872 : memref<16x128xf32, #tpu.memory_space<hbm>>) dst(%dma_wait3A_870 : memref<16x128xf32, #tpu.memory_space<vmem>>)
      %dma_wait3A_873 = arith.constant 12 : i32
      %dma_wait3A_874 = arith.constant 0 : i32
      %dma_wait3A_875 = arith.constant 0 : i32
      %dma_wait3A_876 = tpu.memref_slice %arg13[%dma_wait3A_873, %dma_wait3A_874, %dma_wait3A_875] : memref<16x16x128xf32, #tpu.memory_space<vmem>> -> memref<1x16x128xf32, #tpu.memory_space<vmem>>
      %dma_wait3A_877 = tpu.memref_squeeze %dma_wait3A_876 : memref<1x16x128xf32, #tpu.memory_space<vmem>> -> memref<16x128xf32, #tpu.memory_space<vmem>>
      %dma_wait3A_878 = arith.constant 0 : i32
      %dma_wait3A_879 = tpu.memref_slice %arg3[%dma_wait3A_878, %multiple_of3A_425] : memref<16x1000000xf32, #tpu.memory_space<hbm>> -> memref<16x128xf32, #tpu.memory_space<hbm>>
      %dma_wait3A_880 = arith.constant 0 : i32
      %dma_wait3A_881 = arith.constant 0 : i32
      %dma_wait3A_882 = tpu.memref_slice %arg13[%dma_wait3A_873, %dma_wait3A_880, %dma_wait3A_881] : memref<16x16x128xf32, #tpu.memory_space<vmem>> -> memref<1x16x128xf32, #tpu.memory_space<vmem>>
      %dma_wait3A_883 = tpu.memref_squeeze %dma_wait3A_882 : memref<1x16x128xf32, #tpu.memory_space<vmem>> -> memref<16x128xf32, #tpu.memory_space<vmem>>
      %dma_wait3A_884 = arith.constant 0 : i32
      %dma_wait3A_885 = tpu.memref_slice %arg3[%dma_wait3A_884, %multiple_of3A_425] : memref<16x1000000xf32, #tpu.memory_space<hbm>> -> memref<16x128xf32, #tpu.memory_space<hbm>>
      tpu.wait_dma2 semaphore(%arg18 : memref<!tpu.dma_semaphore, #tpu.memory_space<semaphore_mem>>) src(%dma_wait3A_885 : memref<16x128xf32, #tpu.memory_space<hbm>>) dst(%dma_wait3A_883 : memref<16x128xf32, #tpu.memory_space<vmem>>)
      %dma_wait3A_886 = arith.constant 13 : i32
      %dma_wait3A_887 = arith.constant 0 : i32
      %dma_wait3A_888 = arith.constant 0 : i32
      %dma_wait3A_889 = tpu.memref_slice %arg12[%dma_wait3A_886, %dma_wait3A_887, %dma_wait3A_888] : memref<16x16x128xf32, #tpu.memory_space<vmem>> -> memref<1x16x128xf32, #tpu.memory_space<vmem>>
      %dma_wait3A_890 = tpu.memref_squeeze %dma_wait3A_889 : memref<1x16x128xf32, #tpu.memory_space<vmem>> -> memref<16x128xf32, #tpu.memory_space<vmem>>
      %dma_wait3A_891 = arith.constant 0 : i32
      %dma_wait3A_892 = tpu.memref_slice %arg2[%dma_wait3A_891, %multiple_of3A_454] : memref<16x1000001xf32, #tpu.memory_space<hbm>> -> memref<16x128xf32, #tpu.memory_space<hbm>>
      %dma_wait3A_893 = arith.constant 0 : i32
      %dma_wait3A_894 = arith.constant 0 : i32
      %dma_wait3A_895 = tpu.memref_slice %arg12[%dma_wait3A_886, %dma_wait3A_893, %dma_wait3A_894] : memref<16x16x128xf32, #tpu.memory_space<vmem>> -> memref<1x16x128xf32, #tpu.memory_space<vmem>>
      %dma_wait3A_896 = tpu.memref_squeeze %dma_wait3A_895 : memref<1x16x128xf32, #tpu.memory_space<vmem>> -> memref<16x128xf32, #tpu.memory_space<vmem>>
      %dma_wait3A_897 = arith.constant 0 : i32
      %dma_wait3A_898 = tpu.memref_slice %arg2[%dma_wait3A_897, %multiple_of3A_454] : memref<16x1000001xf32, #tpu.memory_space<hbm>> -> memref<16x128xf32, #tpu.memory_space<hbm>>
      tpu.wait_dma2 semaphore(%arg18 : memref<!tpu.dma_semaphore, #tpu.memory_space<semaphore_mem>>) src(%dma_wait3A_898 : memref<16x128xf32, #tpu.memory_space<hbm>>) dst(%dma_wait3A_896 : memref<16x128xf32, #tpu.memory_space<vmem>>)
      %dma_wait3A_899 = arith.constant 13 : i32
      %dma_wait3A_900 = arith.constant 0 : i32
      %dma_wait3A_901 = arith.constant 0 : i32
      %dma_wait3A_902 = tpu.memref_slice %arg13[%dma_wait3A_899, %dma_wait3A_900, %dma_wait3A_901] : memref<16x16x128xf32, #tpu.memory_space<vmem>> -> memref<1x16x128xf32, #tpu.memory_space<vmem>>
      %dma_wait3A_903 = tpu.memref_squeeze %dma_wait3A_902 : memref<1x16x128xf32, #tpu.memory_space<vmem>> -> memref<16x128xf32, #tpu.memory_space<vmem>>
      %dma_wait3A_904 = arith.constant 0 : i32
      %dma_wait3A_905 = tpu.memref_slice %arg3[%dma_wait3A_904, %multiple_of3A_457] : memref<16x1000000xf32, #tpu.memory_space<hbm>> -> memref<16x128xf32, #tpu.memory_space<hbm>>
      %dma_wait3A_906 = arith.constant 0 : i32
      %dma_wait3A_907 = arith.constant 0 : i32
      %dma_wait3A_908 = tpu.memref_slice %arg13[%dma_wait3A_899, %dma_wait3A_906, %dma_wait3A_907] : memref<16x16x128xf32, #tpu.memory_space<vmem>> -> memref<1x16x128xf32, #tpu.memory_space<vmem>>
      %dma_wait3A_909 = tpu.memref_squeeze %dma_wait3A_908 : memref<1x16x128xf32, #tpu.memory_space<vmem>> -> memref<16x128xf32, #tpu.memory_space<vmem>>
      %dma_wait3A_910 = arith.constant 0 : i32
      %dma_wait3A_911 = tpu.memref_slice %arg3[%dma_wait3A_910, %multiple_of3A_457] : memref<16x1000000xf32, #tpu.memory_space<hbm>> -> memref<16x128xf32, #tpu.memory_space<hbm>>
      tpu.wait_dma2 semaphore(%arg18 : memref<!tpu.dma_semaphore, #tpu.memory_space<semaphore_mem>>) src(%dma_wait3A_911 : memref<16x128xf32, #tpu.memory_space<hbm>>) dst(%dma_wait3A_909 : memref<16x128xf32, #tpu.memory_space<vmem>>)
      %dma_wait3A_912 = arith.constant 14 : i32
      %dma_wait3A_913 = arith.constant 0 : i32
      %dma_wait3A_914 = arith.constant 0 : i32
      %dma_wait3A_915 = tpu.memref_slice %arg12[%dma_wait3A_912, %dma_wait3A_913, %dma_wait3A_914] : memref<16x16x128xf32, #tpu.memory_space<vmem>> -> memref<1x16x128xf32, #tpu.memory_space<vmem>>
      %dma_wait3A_916 = tpu.memref_squeeze %dma_wait3A_915 : memref<1x16x128xf32, #tpu.memory_space<vmem>> -> memref<16x128xf32, #tpu.memory_space<vmem>>
      %dma_wait3A_917 = arith.constant 0 : i32
      %dma_wait3A_918 = tpu.memref_slice %arg2[%dma_wait3A_917, %multiple_of3A_486] : memref<16x1000001xf32, #tpu.memory_space<hbm>> -> memref<16x128xf32, #tpu.memory_space<hbm>>
      %dma_wait3A_919 = arith.constant 0 : i32
      %dma_wait3A_920 = arith.constant 0 : i32
      %dma_wait3A_921 = tpu.memref_slice %arg12[%dma_wait3A_912, %dma_wait3A_919, %dma_wait3A_920] : memref<16x16x128xf32, #tpu.memory_space<vmem>> -> memref<1x16x128xf32, #tpu.memory_space<vmem>>
      %dma_wait3A_922 = tpu.memref_squeeze %dma_wait3A_921 : memref<1x16x128xf32, #tpu.memory_space<vmem>> -> memref<16x128xf32, #tpu.memory_space<vmem>>
      %dma_wait3A_923 = arith.constant 0 : i32
      %dma_wait3A_924 = tpu.memref_slice %arg2[%dma_wait3A_923, %multiple_of3A_486] : memref<16x1000001xf32, #tpu.memory_space<hbm>> -> memref<16x128xf32, #tpu.memory_space<hbm>>
      tpu.wait_dma2 semaphore(%arg18 : memref<!tpu.dma_semaphore, #tpu.memory_space<semaphore_mem>>) src(%dma_wait3A_924 : memref<16x128xf32, #tpu.memory_space<hbm>>) dst(%dma_wait3A_922 : memref<16x128xf32, #tpu.memory_space<vmem>>)
      %dma_wait3A_925 = arith.constant 14 : i32
      %dma_wait3A_926 = arith.constant 0 : i32
      %dma_wait3A_927 = arith.constant 0 : i32
      %dma_wait3A_928 = tpu.memref_slice %arg13[%dma_wait3A_925, %dma_wait3A_926, %dma_wait3A_927] : memref<16x16x128xf32, #tpu.memory_space<vmem>> -> memref<1x16x128xf32, #tpu.memory_space<vmem>>
      %dma_wait3A_929 = tpu.memref_squeeze %dma_wait3A_928 : memref<1x16x128xf32, #tpu.memory_space<vmem>> -> memref<16x128xf32, #tpu.memory_space<vmem>>
      %dma_wait3A_930 = arith.constant 0 : i32
      %dma_wait3A_931 = tpu.memref_slice %arg3[%dma_wait3A_930, %multiple_of3A_489] : memref<16x1000000xf32, #tpu.memory_space<hbm>> -> memref<16x128xf32, #tpu.memory_space<hbm>>
      %dma_wait3A_932 = arith.constant 0 : i32
      %dma_wait3A_933 = arith.constant 0 : i32
      %dma_wait3A_934 = tpu.memref_slice %arg13[%dma_wait3A_925, %dma_wait3A_932, %dma_wait3A_933] : memref<16x16x128xf32, #tpu.memory_space<vmem>> -> memref<1x16x128xf32, #tpu.memory_space<vmem>>
      %dma_wait3A_935 = tpu.memref_squeeze %dma_wait3A_934 : memref<1x16x128xf32, #tpu.memory_space<vmem>> -> memref<16x128xf32, #tpu.memory_space<vmem>>
      %dma_wait3A_936 = arith.constant 0 : i32
      %dma_wait3A_937 = tpu.memref_slice %arg3[%dma_wait3A_936, %multiple_of3A_489] : memref<16x1000000xf32, #tpu.memory_space<hbm>> -> memref<16x128xf32, #tpu.memory_space<hbm>>
      tpu.wait_dma2 semaphore(%arg18 : memref<!tpu.dma_semaphore, #tpu.memory_space<semaphore_mem>>) src(%dma_wait3A_937 : memref<16x128xf32, #tpu.memory_space<hbm>>) dst(%dma_wait3A_935 : memref<16x128xf32, #tpu.memory_space<vmem>>)
      %dma_wait3A_938 = arith.constant 15 : i32
      %dma_wait3A_939 = arith.constant 0 : i32
      %dma_wait3A_940 = arith.constant 0 : i32
      %dma_wait3A_941 = tpu.memref_slice %arg12[%dma_wait3A_938, %dma_wait3A_939, %dma_wait3A_940] : memref<16x16x128xf32, #tpu.memory_space<vmem>> -> memref<1x16x128xf32, #tpu.memory_space<vmem>>
      %dma_wait3A_942 = tpu.memref_squeeze %dma_wait3A_941 : memref<1x16x128xf32, #tpu.memory_space<vmem>> -> memref<16x128xf32, #tpu.memory_space<vmem>>
      %dma_wait3A_943 = arith.constant 0 : i32
      %dma_wait3A_944 = tpu.memref_slice %arg2[%dma_wait3A_943, %multiple_of3A_518] : memref<16x1000001xf32, #tpu.memory_space<hbm>> -> memref<16x128xf32, #tpu.memory_space<hbm>>
      %dma_wait3A_945 = arith.constant 0 : i32
      %dma_wait3A_946 = arith.constant 0 : i32
      %dma_wait3A_947 = tpu.memref_slice %arg12[%dma_wait3A_938, %dma_wait3A_945, %dma_wait3A_946] : memref<16x16x128xf32, #tpu.memory_space<vmem>> -> memref<1x16x128xf32, #tpu.memory_space<vmem>>
      %dma_wait3A_948 = tpu.memref_squeeze %dma_wait3A_947 : memref<1x16x128xf32, #tpu.memory_space<vmem>> -> memref<16x128xf32, #tpu.memory_space<vmem>>
      %dma_wait3A_949 = arith.constant 0 : i32
      %dma_wait3A_950 = tpu.memref_slice %arg2[%dma_wait3A_949, %multiple_of3A_518] : memref<16x1000001xf32, #tpu.memory_space<hbm>> -> memref<16x128xf32, #tpu.memory_space<hbm>>
      tpu.wait_dma2 semaphore(%arg18 : memref<!tpu.dma_semaphore, #tpu.memory_space<semaphore_mem>>) src(%dma_wait3A_950 : memref<16x128xf32, #tpu.memory_space<hbm>>) dst(%dma_wait3A_948 : memref<16x128xf32, #tpu.memory_space<vmem>>)
      %dma_wait3A_951 = arith.constant 15 : i32
      %dma_wait3A_952 = arith.constant 0 : i32
      %dma_wait3A_953 = arith.constant 0 : i32
      %dma_wait3A_954 = tpu.memref_slice %arg13[%dma_wait3A_951, %dma_wait3A_952, %dma_wait3A_953] : memref<16x16x128xf32, #tpu.memory_space<vmem>> -> memref<1x16x128xf32, #tpu.memory_space<vmem>>
      %dma_wait3A_955 = tpu.memref_squeeze %dma_wait3A_954 : memref<1x16x128xf32, #tpu.memory_space<vmem>> -> memref<16x128xf32, #tpu.memory_space<vmem>>
      %dma_wait3A_956 = arith.constant 0 : i32
      %dma_wait3A_957 = tpu.memref_slice %arg3[%dma_wait3A_956, %multiple_of3A_521] : memref<16x1000000xf32, #tpu.memory_space<hbm>> -> memref<16x128xf32, #tpu.memory_space<hbm>>
      %dma_wait3A_958 = arith.constant 0 : i32
      %dma_wait3A_959 = arith.constant 0 : i32
      %dma_wait3A_960 = tpu.memref_slice %arg13[%dma_wait3A_951, %dma_wait3A_958, %dma_wait3A_959] : memref<16x16x128xf32, #tpu.memory_space<vmem>> -> memref<1x16x128xf32, #tpu.memory_space<vmem>>
      %dma_wait3A_961 = tpu.memref_squeeze %dma_wait3A_960 : memref<1x16x128xf32, #tpu.memory_space<vmem>> -> memref<16x128xf32, #tpu.memory_space<vmem>>
      %dma_wait3A_962 = arith.constant 0 : i32
      %dma_wait3A_963 = tpu.memref_slice %arg3[%dma_wait3A_962, %multiple_of3A_521] : memref<16x1000000xf32, #tpu.memory_space<hbm>> -> memref<16x128xf32, #tpu.memory_space<hbm>>
      tpu.wait_dma2 semaphore(%arg18 : memref<!tpu.dma_semaphore, #tpu.memory_space<semaphore_mem>>) src(%dma_wait3A_963 : memref<16x128xf32, #tpu.memory_space<hbm>>) dst(%dma_wait3A_961 : memref<16x128xf32, #tpu.memory_space<vmem>>)
      %and3A = arith.constant 127 : i32
      %and3A_964 = vector.broadcast %and3A : i32 to vector<16xi32>
      %and3A_965 = arith.andi %get3A_25, %and3A_964 : vector<16xi32>
      %and3A_966 = arith.constant 127 : i32
      %and3A_967 = vector.broadcast %and3A_966 : i32 to vector<16xi32>
      %and3A_968 = arith.andi %get3A_27, %and3A_967 : vector<16xi32>
      %and3A_969 = arith.constant 0 : i32
      %and3A_970 = vector.broadcast %and3A_969 : i32 to vector<16xi32>
      %and3A_971 = arith.andi %iota3A, %and3A_970 : vector<16xi32>
      %add3A_972 = arith.constant 0 : i32
      %add3A_973 = vector.broadcast %add3A_972 : i32 to vector<16xi32>
      %add3A_974 = arith.addi %and3A_971, %add3A_973 : vector<16xi32>
      %gather3A = tpu.vector_load_idx %arg12[%iota3A, %add3A_974, %and3A_965] : memref<16x16x128xf32, #tpu.memory_space<vmem>>[vector<16xi32>, vector<16xi32>, vector<16xi32>], vector<16xf32>,
      %gather3A_975 = tpu.vector_load_idx %arg13[%iota3A, %add3A_974, %and3A_968] : memref<16x16x128xf32, #tpu.memory_space<vmem>>[vector<16xi32>, vector<16xi32>, vector<16xi32>], vector<16xf32>,
      %mul3A_976 = arith.mulf %gather3A, %gather3A_975 : vector<16xf32>
      %add3A_977 = arith.addf %get3A_6, %mul3A_976 : vector<16xf32>
      %and3A_978 = arith.constant 0 : i32
      %and3A_979 = vector.broadcast %and3A_978 : i32 to vector<16xi32>
      %and3A_980 = arith.andi %iota3A, %and3A_979 : vector<16xi32>
      %add3A_981 = arith.constant 1 : i32
      %add3A_982 = vector.broadcast %add3A_981 : i32 to vector<16xi32>
      %add3A_983 = arith.addi %and3A_980, %add3A_982 : vector<16xi32>
      %gather3A_984 = tpu.vector_load_idx %arg12[%iota3A, %add3A_983, %and3A_965] : memref<16x16x128xf32, #tpu.memory_space<vmem>>[vector<16xi32>, vector<16xi32>, vector<16xi32>], vector<16xf32>,
      %gather3A_985 = tpu.vector_load_idx %arg13[%iota3A, %add3A_983, %and3A_968] : memref<16x16x128xf32, #tpu.memory_space<vmem>>[vector<16xi32>, vector<16xi32>, vector<16xi32>], vector<16xf32>,
      %mul3A_986 = arith.mulf %gather3A_984, %gather3A_985 : vector<16xf32>
      %add3A_987 = arith.addf %add3A_977, %mul3A_986 : vector<16xf32>
      %and3A_988 = arith.constant 0 : i32
      %and3A_989 = vector.broadcast %and3A_988 : i32 to vector<16xi32>
      %and3A_990 = arith.andi %iota3A, %and3A_989 : vector<16xi32>
      %add3A_991 = arith.constant 2 : i32
      %add3A_992 = vector.broadcast %add3A_991 : i32 to vector<16xi32>
      %add3A_993 = arith.addi %and3A_990, %add3A_992 : vector<16xi32>
      %gather3A_994 = tpu.vector_load_idx %arg12[%iota3A, %add3A_993, %and3A_965] : memref<16x16x128xf32, #tpu.memory_space<vmem>>[vector<16xi32>, vector<16xi32>, vector<16xi32>], vector<16xf32>,
      %gather3A_995 = tpu.vector_load_idx %arg13[%iota3A, %add3A_993, %and3A_968] : memref<16x16x128xf32, #tpu.memory_space<vmem>>[vector<16xi32>, vector<16xi32>, vector<16xi32>], vector<16xf32>,
      %mul3A_996 = arith.mulf %gather3A_994, %gather3A_995 : vector<16xf32>
      %add3A_997 = arith.addf %add3A_987, %mul3A_996 : vector<16xf32>
      %and3A_998 = arith.constant 0 : i32
      %and3A_999 = vector.broadcast %and3A_998 : i32 to vector<16xi32>
      %and3A_1000 = arith.andi %iota3A, %and3A_999 : vector<16xi32>
      %add3A_1001 = arith.constant 3 : i32
      %add3A_1002 = vector.broadcast %add3A_1001 : i32 to vector<16xi32>
      %add3A_1003 = arith.addi %and3A_1000, %add3A_1002 : vector<16xi32>
      %gather3A_1004 = tpu.vector_load_idx %arg12[%iota3A, %add3A_1003, %and3A_965] : memref<16x16x128xf32, #tpu.memory_space<vmem>>[vector<16xi32>, vector<16xi32>, vector<16xi32>], vector<16xf32>,
      %gather3A_1005 = tpu.vector_load_idx %arg13[%iota3A, %add3A_1003, %and3A_968] : memref<16x16x128xf32, #tpu.memory_space<vmem>>[vector<16xi32>, vector<16xi32>, vector<16xi32>], vector<16xf32>,
      %mul3A_1006 = arith.mulf %gather3A_1004, %gather3A_1005 : vector<16xf32>
      %add3A_1007 = arith.addf %add3A_997, %mul3A_1006 : vector<16xf32>
      %and3A_1008 = arith.constant 0 : i32
      %and3A_1009 = vector.broadcast %and3A_1008 : i32 to vector<16xi32>
      %and3A_1010 = arith.andi %iota3A, %and3A_1009 : vector<16xi32>
      %add3A_1011 = arith.constant 4 : i32
      %add3A_1012 = vector.broadcast %add3A_1011 : i32 to vector<16xi32>
      %add3A_1013 = arith.addi %and3A_1010, %add3A_1012 : vector<16xi32>
      %gather3A_1014 = tpu.vector_load_idx %arg12[%iota3A, %add3A_1013, %and3A_965] : memref<16x16x128xf32, #tpu.memory_space<vmem>>[vector<16xi32>, vector<16xi32>, vector<16xi32>], vector<16xf32>,
      %gather3A_1015 = tpu.vector_load_idx %arg13[%iota3A, %add3A_1013, %and3A_968] : memref<16x16x128xf32, #tpu.memory_space<vmem>>[vector<16xi32>, vector<16xi32>, vector<16xi32>], vector<16xf32>,
      %mul3A_1016 = arith.mulf %gather3A_1014, %gather3A_1015 : vector<16xf32>
      %add3A_1017 = arith.addf %add3A_1007, %mul3A_1016 : vector<16xf32>
      %and3A_1018 = arith.constant 0 : i32
      %and3A_1019 = vector.broadcast %and3A_1018 : i32 to vector<16xi32>
      %and3A_1020 = arith.andi %iota3A, %and3A_1019 : vector<16xi32>
      %add3A_1021 = arith.constant 5 : i32
      %add3A_1022 = vector.broadcast %add3A_1021 : i32 to vector<16xi32>
      %add3A_1023 = arith.addi %and3A_1020, %add3A_1022 : vector<16xi32>
      %gather3A_1024 = tpu.vector_load_idx %arg12[%iota3A, %add3A_1023, %and3A_965] : memref<16x16x128xf32, #tpu.memory_space<vmem>>[vector<16xi32>, vector<16xi32>, vector<16xi32>], vector<16xf32>,
      %gather3A_1025 = tpu.vector_load_idx %arg13[%iota3A, %add3A_1023, %and3A_968] : memref<16x16x128xf32, #tpu.memory_space<vmem>>[vector<16xi32>, vector<16xi32>, vector<16xi32>], vector<16xf32>,
      %mul3A_1026 = arith.mulf %gather3A_1024, %gather3A_1025 : vector<16xf32>
      %add3A_1027 = arith.addf %add3A_1017, %mul3A_1026 : vector<16xf32>
      %and3A_1028 = arith.constant 0 : i32
      %and3A_1029 = vector.broadcast %and3A_1028 : i32 to vector<16xi32>
      %and3A_1030 = arith.andi %iota3A, %and3A_1029 : vector<16xi32>
      %add3A_1031 = arith.constant 6 : i32
      %add3A_1032 = vector.broadcast %add3A_1031 : i32 to vector<16xi32>
      %add3A_1033 = arith.addi %and3A_1030, %add3A_1032 : vector<16xi32>
      %gather3A_1034 = tpu.vector_load_idx %arg12[%iota3A, %add3A_1033, %and3A_965] : memref<16x16x128xf32, #tpu.memory_space<vmem>>[vector<16xi32>, vector<16xi32>, vector<16xi32>], vector<16xf32>,
      %gather3A_1035 = tpu.vector_load_idx %arg13[%iota3A, %add3A_1033, %and3A_968] : memref<16x16x128xf32, #tpu.memory_space<vmem>>[vector<16xi32>, vector<16xi32>, vector<16xi32>], vector<16xf32>,
      %mul3A_1036 = arith.mulf %gather3A_1034, %gather3A_1035 : vector<16xf32>
      %add3A_1037 = arith.addf %add3A_1027, %mul3A_1036 : vector<16xf32>
      %and3A_1038 = arith.constant 0 : i32
      %and3A_1039 = vector.broadcast %and3A_1038 : i32 to vector<16xi32>
      %and3A_1040 = arith.andi %iota3A, %and3A_1039 : vector<16xi32>
      %add3A_1041 = arith.constant 7 : i32
      %add3A_1042 = vector.broadcast %add3A_1041 : i32 to vector<16xi32>
      %add3A_1043 = arith.addi %and3A_1040, %add3A_1042 : vector<16xi32>
      %gather3A_1044 = tpu.vector_load_idx %arg12[%iota3A, %add3A_1043, %and3A_965] : memref<16x16x128xf32, #tpu.memory_space<vmem>>[vector<16xi32>, vector<16xi32>, vector<16xi32>], vector<16xf32>,
      %gather3A_1045 = tpu.vector_load_idx %arg13[%iota3A, %add3A_1043, %and3A_968] : memref<16x16x128xf32, #tpu.memory_space<vmem>>[vector<16xi32>, vector<16xi32>, vector<16xi32>], vector<16xf32>,
      %mul3A_1046 = arith.mulf %gather3A_1044, %gather3A_1045 : vector<16xf32>
      %add3A_1047 = arith.addf %add3A_1037, %mul3A_1046 : vector<16xf32>
      %and3A_1048 = arith.constant 0 : i32
      %and3A_1049 = vector.broadcast %and3A_1048 : i32 to vector<16xi32>
      %and3A_1050 = arith.andi %iota3A, %and3A_1049 : vector<16xi32>
      %add3A_1051 = arith.constant 8 : i32
      %add3A_1052 = vector.broadcast %add3A_1051 : i32 to vector<16xi32>
      %add3A_1053 = arith.addi %and3A_1050, %add3A_1052 : vector<16xi32>
      %gather3A_1054 = tpu.vector_load_idx %arg12[%iota3A, %add3A_1053, %and3A_965] : memref<16x16x128xf32, #tpu.memory_space<vmem>>[vector<16xi32>, vector<16xi32>, vector<16xi32>], vector<16xf32>,
      %gather3A_1055 = tpu.vector_load_idx %arg13[%iota3A, %add3A_1053, %and3A_968] : memref<16x16x128xf32, #tpu.memory_space<vmem>>[vector<16xi32>, vector<16xi32>, vector<16xi32>], vector<16xf32>,
      %mul3A_1056 = arith.mulf %gather3A_1054, %gather3A_1055 : vector<16xf32>
      %add3A_1057 = arith.addf %add3A_1047, %mul3A_1056 : vector<16xf32>
      %and3A_1058 = arith.constant 0 : i32
      %and3A_1059 = vector.broadcast %and3A_1058 : i32 to vector<16xi32>
      %and3A_1060 = arith.andi %iota3A, %and3A_1059 : vector<16xi32>
      %add3A_1061 = arith.constant 9 : i32
      %add3A_1062 = vector.broadcast %add3A_1061 : i32 to vector<16xi32>
      %add3A_1063 = arith.addi %and3A_1060, %add3A_1062 : vector<16xi32>
      %gather3A_1064 = tpu.vector_load_idx %arg12[%iota3A, %add3A_1063, %and3A_965] : memref<16x16x128xf32, #tpu.memory_space<vmem>>[vector<16xi32>, vector<16xi32>, vector<16xi32>], vector<16xf32>,
      %gather3A_1065 = tpu.vector_load_idx %arg13[%iota3A, %add3A_1063, %and3A_968] : memref<16x16x128xf32, #tpu.memory_space<vmem>>[vector<16xi32>, vector<16xi32>, vector<16xi32>], vector<16xf32>,
      %mul3A_1066 = arith.mulf %gather3A_1064, %gather3A_1065 : vector<16xf32>
      %add3A_1067 = arith.addf %add3A_1057, %mul3A_1066 : vector<16xf32>
      %and3A_1068 = arith.constant 0 : i32
      %and3A_1069 = vector.broadcast %and3A_1068 : i32 to vector<16xi32>
      %and3A_1070 = arith.andi %iota3A, %and3A_1069 : vector<16xi32>
      %add3A_1071 = arith.constant 10 : i32
      %add3A_1072 = vector.broadcast %add3A_1071 : i32 to vector<16xi32>
      %add3A_1073 = arith.addi %and3A_1070, %add3A_1072 : vector<16xi32>
      %gather3A_1074 = tpu.vector_load_idx %arg12[%iota3A, %add3A_1073, %and3A_965] : memref<16x16x128xf32, #tpu.memory_space<vmem>>[vector<16xi32>, vector<16xi32>, vector<16xi32>], vector<16xf32>,
      %gather3A_1075 = tpu.vector_load_idx %arg13[%iota3A, %add3A_1073, %and3A_968] : memref<16x16x128xf32, #tpu.memory_space<vmem>>[vector<16xi32>, vector<16xi32>, vector<16xi32>], vector<16xf32>,
      %mul3A_1076 = arith.mulf %gather3A_1074, %gather3A_1075 : vector<16xf32>
      %add3A_1077 = arith.addf %add3A_1067, %mul3A_1076 : vector<16xf32>
      %and3A_1078 = arith.constant 0 : i32
      %and3A_1079 = vector.broadcast %and3A_1078 : i32 to vector<16xi32>
      %and3A_1080 = arith.andi %iota3A, %and3A_1079 : vector<16xi32>
      %add3A_1081 = arith.constant 11 : i32
      %add3A_1082 = vector.broadcast %add3A_1081 : i32 to vector<16xi32>
      %add3A_1083 = arith.addi %and3A_1080, %add3A_1082 : vector<16xi32>
      %gather3A_1084 = tpu.vector_load_idx %arg12[%iota3A, %add3A_1083, %and3A_965] : memref<16x16x128xf32, #tpu.memory_space<vmem>>[vector<16xi32>, vector<16xi32>, vector<16xi32>], vector<16xf32>,
      %gather3A_1085 = tpu.vector_load_idx %arg13[%iota3A, %add3A_1083, %and3A_968] : memref<16x16x128xf32, #tpu.memory_space<vmem>>[vector<16xi32>, vector<16xi32>, vector<16xi32>], vector<16xf32>,
      %mul3A_1086 = arith.mulf %gather3A_1084, %gather3A_1085 : vector<16xf32>
      %add3A_1087 = arith.addf %add3A_1077, %mul3A_1086 : vector<16xf32>
      %and3A_1088 = arith.constant 0 : i32
      %and3A_1089 = vector.broadcast %and3A_1088 : i32 to vector<16xi32>
      %and3A_1090 = arith.andi %iota3A, %and3A_1089 : vector<16xi32>
      %add3A_1091 = arith.constant 12 : i32
      %add3A_1092 = vector.broadcast %add3A_1091 : i32 to vector<16xi32>
      %add3A_1093 = arith.addi %and3A_1090, %add3A_1092 : vector<16xi32>
      %gather3A_1094 = tpu.vector_load_idx %arg12[%iota3A, %add3A_1093, %and3A_965] : memref<16x16x128xf32, #tpu.memory_space<vmem>>[vector<16xi32>, vector<16xi32>, vector<16xi32>], vector<16xf32>,
      %gather3A_1095 = tpu.vector_load_idx %arg13[%iota3A, %add3A_1093, %and3A_968] : memref<16x16x128xf32, #tpu.memory_space<vmem>>[vector<16xi32>, vector<16xi32>, vector<16xi32>], vector<16xf32>,
      %mul3A_1096 = arith.mulf %gather3A_1094, %gather3A_1095 : vector<16xf32>
      %add3A_1097 = arith.addf %add3A_1087, %mul3A_1096 : vector<16xf32>
      %and3A_1098 = arith.constant 0 : i32
      %and3A_1099 = vector.broadcast %and3A_1098 : i32 to vector<16xi32>
      %and3A_1100 = arith.andi %iota3A, %and3A_1099 : vector<16xi32>
      %add3A_1101 = arith.constant 13 : i32
      %add3A_1102 = vector.broadcast %add3A_1101 : i32 to vector<16xi32>
      %add3A_1103 = arith.addi %and3A_1100, %add3A_1102 : vector<16xi32>
      %gather3A_1104 = tpu.vector_load_idx %arg12[%iota3A, %add3A_1103, %and3A_965] : memref<16x16x128xf32, #tpu.memory_space<vmem>>[vector<16xi32>, vector<16xi32>, vector<16xi32>], vector<16xf32>,
      %gather3A_1105 = tpu.vector_load_idx %arg13[%iota3A, %add3A_1103, %and3A_968] : memref<16x16x128xf32, #tpu.memory_space<vmem>>[vector<16xi32>, vector<16xi32>, vector<16xi32>], vector<16xf32>,
      %mul3A_1106 = arith.mulf %gather3A_1104, %gather3A_1105 : vector<16xf32>
      %add3A_1107 = arith.addf %add3A_1097, %mul3A_1106 : vector<16xf32>
      %and3A_1108 = arith.constant 0 : i32
      %and3A_1109 = vector.broadcast %and3A_1108 : i32 to vector<16xi32>
      %and3A_1110 = arith.andi %iota3A, %and3A_1109 : vector<16xi32>
      %add3A_1111 = arith.constant 14 : i32
      %add3A_1112 = vector.broadcast %add3A_1111 : i32 to vector<16xi32>
      %add3A_1113 = arith.addi %and3A_1110, %add3A_1112 : vector<16xi32>
      %gather3A_1114 = tpu.vector_load_idx %arg12[%iota3A, %add3A_1113, %and3A_965] : memref<16x16x128xf32, #tpu.memory_space<vmem>>[vector<16xi32>, vector<16xi32>, vector<16xi32>], vector<16xf32>,
      %gather3A_1115 = tpu.vector_load_idx %arg13[%iota3A, %add3A_1113, %and3A_968] : memref<16x16x128xf32, #tpu.memory_space<vmem>>[vector<16xi32>, vector<16xi32>, vector<16xi32>], vector<16xf32>,
      %mul3A_1116 = arith.mulf %gather3A_1114, %gather3A_1115 : vector<16xf32>
      %add3A_1117 = arith.addf %add3A_1107, %mul3A_1116 : vector<16xf32>
      %and3A_1118 = arith.constant 0 : i32
      %and3A_1119 = vector.broadcast %and3A_1118 : i32 to vector<16xi32>
      %and3A_1120 = arith.andi %iota3A, %and3A_1119 : vector<16xi32>
      %add3A_1121 = arith.constant 15 : i32
      %add3A_1122 = vector.broadcast %add3A_1121 : i32 to vector<16xi32>
      %add3A_1123 = arith.addi %and3A_1120, %add3A_1122 : vector<16xi32>
      %gather3A_1124 = tpu.vector_load_idx %arg12[%iota3A, %add3A_1123, %and3A_965] : memref<16x16x128xf32, #tpu.memory_space<vmem>>[vector<16xi32>, vector<16xi32>, vector<16xi32>], vector<16xf32>,
      %gather3A_1125 = tpu.vector_load_idx %arg13[%iota3A, %add3A_1123, %and3A_968] : memref<16x16x128xf32, #tpu.memory_space<vmem>>[vector<16xi32>, vector<16xi32>, vector<16xi32>], vector<16xf32>,
      %mul3A_1126 = arith.mulf %gather3A_1124, %gather3A_1125 : vector<16xf32>
      %add3A_1127 = arith.addf %add3A_1117, %mul3A_1126 : vector<16xf32>
      %swap3A = arith.index_cast %mul3A_23 : i32 to index
      %swap3A_1128 = tpu.vector_load %arg17[%swap3A] {strides = array<i32>} : memref<256xf32, #tpu.memory_space<vmem>>, vector<16xf32>,
      tpu.vector_store %arg17[%swap3A], %add3A_1127 {strides = array<i32>} : memref<256xf32, #tpu.memory_space<vmem>>, vector<16xf32>,
    }
    %scan3A_11 = arith.constant 16 : i32
    %dma_wait3A = arith.constant 0 : i32
    %dma_wait3A_12 = tpu.memref_slice %arg4[%dma_wait3A] : memref<1000001xf32, #tpu.memory_space<hbm>> -> memref<1000001xf32, #tpu.memory_space<hbm>>
    tpu.wait_indirect_dma semaphore(%arg19 : memref<!tpu.dma_semaphore, #tpu.memory_space<semaphore_mem>>) src(%dma_wait3A_12 : memref<1000001xf32, #tpu.memory_space<hbm>>) dst(%arg14 : memref<256xf32, #tpu.memory_space<vmem>>)
    %dma_wait3A_13 = arith.constant 0 : i32
    %dma_wait3A_14 = tpu.memref_slice %arg5[%dma_wait3A_13] : memref<1000000xf32, #tpu.memory_space<hbm>> -> memref<1000000xf32, #tpu.memory_space<hbm>>
    tpu.wait_indirect_dma semaphore(%arg19 : memref<!tpu.dma_semaphore, #tpu.memory_space<semaphore_mem>>) src(%dma_wait3A_14 : memref<1000000xf32, #tpu.memory_space<hbm>>) dst(%arg15 : memref<256xf32, #tpu.memory_space<vmem>>)
    %scan3A_15 = arith.constant 0 : i32
    %scan3A_16 = arith.constant 0 : i32
    %scan3A_17 = arith.constant 16 : i32
    %scan3A_18 = arith.addi %scan3A_16, %scan3A_17 : i32
    %scan3A_19 = arith.constant 1 : i32
    scf.for %scan3A_21 = %scan3A_16 to %scan3A_18 step %scan3A_19  : i32 {
      %mul3A_22 = arith.constant 16 : i32
      %mul3A_23 = arith.muli %scan3A_21, %mul3A_22 : i32
      %get3A_24 = arith.index_cast %mul3A_23 : i32 to index
      %get3A_25 = tpu.vector_load %arg17[%get3A_24] {strides = array<i32>} : memref<256xf32, #tpu.memory_space<vmem>>, vector<16xf32>,
      %get3A_26 = arith.index_cast %mul3A_23 : i32 to index
      %get3A_27 = tpu.vector_load %arg14[%get3A_26] {strides = array<i32>} : memref<256xf32, #tpu.memory_space<vmem>>, vector<16xf32>,
      %add3A_28 = arith.addf %get3A_25, %get3A_27 : vector<16xf32>
      %get3A_29 = arith.index_cast %mul3A_23 : i32 to index
      %get3A_30 = tpu.vector_load %arg15[%get3A_29] {strides = array<i32>} : memref<256xf32, #tpu.memory_space<vmem>>, vector<16xf32>,
      %add3A_31 = arith.addf %add3A_28, %get3A_30 : vector<16xf32>
      %swap3A = arith.index_cast %mul3A_23 : i32 to index
      %swap3A_32 = tpu.vector_load %arg17[%swap3A] {strides = array<i32>} : memref<256xf32, #tpu.memory_space<vmem>>, vector<16xf32>,
      tpu.vector_store %arg17[%swap3A], %add3A_31 {strides = array<i32>} : memref<256xf32, #tpu.memory_space<vmem>>, vector<16xf32>,
    }
    %scan3A_20 = arith.constant 16 : i32
    "tpu.region"() ({
      %run_scoped3A = tpu.sem_alloc : memref<!tpu.dma_semaphore, #tpu.memory_space<semaphore_mem>>
      %dma_start3A_21 = tpu.memref_slice %arg9[%mul3A_2] : memref<8192xf32, #tpu.memory_space<hbm>> -> memref<256xf32, #tpu.memory_space<hbm>>
      %dma_start3A_22 = tpu.memref_slice %arg9[%mul3A_2] : memref<8192xf32, #tpu.memory_space<hbm>> -> memref<256xf32, #tpu.memory_space<hbm>>
      tpu.enqueue_dma source(%arg17 : memref<256xf32, #tpu.memory_space<vmem>>) target(%dma_start3A_22 : memref<256xf32, #tpu.memory_space<hbm>>) target_semaphore(%run_scoped3A : memref<!tpu.dma_semaphore, #tpu.memory_space<semaphore_mem>>)
      %dma_wait3A_23 = tpu.memref_slice %arg9[%mul3A_2] : memref<8192xf32, #tpu.memory_space<hbm>> -> memref<256xf32, #tpu.memory_space<hbm>>
      %dma_wait3A_24 = tpu.memref_slice %arg9[%mul3A_2] : memref<8192xf32, #tpu.memory_space<hbm>> -> memref<256xf32, #tpu.memory_space<hbm>>
      tpu.wait_dma2 semaphore(%run_scoped3A : memref<!tpu.dma_semaphore, #tpu.memory_space<semaphore_mem>>) src(%arg17 : memref<256xf32, #tpu.memory_space<vmem>>) dst(%dma_wait3A_24 : memref<256xf32, #tpu.memory_space<hbm>>)
      tpu.yield
    }) : () -> ()
    return
  }
}

#map = affine_map<(d0, d1) -> (0, 0)>
#map1 = affine_map<(d0, d1) -> (0)>
module attributes {stable_mosaic.version = 14 : i64} {
  func.func @_mf_body(%arg0: i32, %arg1: i32, %arg2: memref<16x1000001xf32, #tpu.memory_space<hbm>>, %arg3: memref<16x1000000xf32, #tpu.memory_space<hbm>>, %arg4: memref<1000001xf32, #tpu.memory_space<hbm>>, %arg5: memref<1000000xf32, #tpu.memory_space<hbm>>, %arg6: memref<16xf32, #tpu.memory_space<hbm>>, %arg7: memref<8192xi32, #tpu.memory_space<hbm>>, %arg8: memref<8192xi32, #tpu.memory_space<hbm>>, %arg9: memref<8192xf32, #tpu.memory_space<hbm>>, %arg10: memref<256xi32, #tpu.memory_space<vmem>>, %arg11: memref<256xi32, #tpu.memory_space<vmem>>, %arg12: memref<16x16x128xf32, #tpu.memory_space<vmem>>, %arg13: memref<16x16x128xf32, #tpu.memory_space<vmem>>, %arg14: memref<256xf32, #tpu.memory_space<vmem>>, %arg15: memref<256xf32, #tpu.memory_space<vmem>>, %arg16: memref<16xf32, #tpu.memory_space<vmem>>, %arg17: memref<256xf32, #tpu.memory_space<vmem>>, %arg18: memref<!tpu.dma_semaphore, #tpu.memory_space<semaphore_mem>>, %arg19: memref<!tpu.dma_semaphore, #tpu.memory_space<semaphore_mem>>) attributes {dimension_semantics = [#tpu.dimension_semantics<core_parallel>, #tpu.dimension_semantics<subcore_parallel>], iteration_bounds = array<i64: 2, 16>, scalar_prefetch = 0 : i64, scratch_operands = 10 : i64, tpu.core_type = #tpu.core_type<sc_vector_subcore>, window_params = [{transform_indices = #map}, {transform_indices = #map}, {transform_indices = #map1}, {transform_indices = #map1}, {transform_indices = #map1}, {transform_indices = #map1}, {transform_indices = #map1}, {transform_indices = #map1}]} {
    %mul3A = arith.constant 2 : i32
    %mul3A_0 = arith.muli %arg1, %mul3A : i32
    %add3A = arith.addi %mul3A_0, %arg0 : i32
    %mul3A_1 = arith.constant 256 : i32
    %mul3A_2 = arith.muli %add3A, %mul3A_1 : i32
    "tpu.region"() ({
      %run_scoped3A = tpu.sem_alloc : memref<!tpu.dma_semaphore, #tpu.memory_space<semaphore_mem>>
      %dma_start3A_21 = tpu.memref_slice %arg7[%mul3A_2] : memref<8192xi32, #tpu.memory_space<hbm>> -> memref<256xi32, #tpu.memory_space<hbm>>
      %dma_start3A_22 = tpu.memref_slice %arg7[%mul3A_2] : memref<8192xi32, #tpu.memory_space<hbm>> -> memref<256xi32, #tpu.memory_space<hbm>>
      tpu.enqueue_dma source(%dma_start3A_22 : memref<256xi32, #tpu.memory_space<hbm>>) target(%arg10 : memref<256xi32, #tpu.memory_space<vmem>>) target_semaphore(%run_scoped3A : memref<!tpu.dma_semaphore, #tpu.memory_space<semaphore_mem>>)
      %dma_wait3A_23 = tpu.memref_slice %arg7[%mul3A_2] : memref<8192xi32, #tpu.memory_space<hbm>> -> memref<256xi32, #tpu.memory_space<hbm>>
      %dma_wait3A_24 = tpu.memref_slice %arg7[%mul3A_2] : memref<8192xi32, #tpu.memory_space<hbm>> -> memref<256xi32, #tpu.memory_space<hbm>>
      tpu.wait_dma2 semaphore(%run_scoped3A : memref<!tpu.dma_semaphore, #tpu.memory_space<semaphore_mem>>) src(%dma_wait3A_24 : memref<256xi32, #tpu.memory_space<hbm>>) dst(%arg10 : memref<256xi32, #tpu.memory_space<vmem>>)
      tpu.yield
    }) : () -> ()
    "tpu.region"() ({
      %run_scoped3A = tpu.sem_alloc : memref<!tpu.dma_semaphore, #tpu.memory_space<semaphore_mem>>
      %dma_start3A_21 = tpu.memref_slice %arg8[%mul3A_2] : memref<8192xi32, #tpu.memory_space<hbm>> -> memref<256xi32, #tpu.memory_space<hbm>>
      %dma_start3A_22 = tpu.memref_slice %arg8[%mul3A_2] : memref<8192xi32, #tpu.memory_space<hbm>> -> memref<256xi32, #tpu.memory_space<hbm>>
      tpu.enqueue_dma source(%dma_start3A_22 : memref<256xi32, #tpu.memory_space<hbm>>) target(%arg11 : memref<256xi32, #tpu.memory_space<vmem>>) target_semaphore(%run_scoped3A : memref<!tpu.dma_semaphore, #tpu.memory_space<semaphore_mem>>)
      %dma_wait3A_23 = tpu.memref_slice %arg8[%mul3A_2] : memref<8192xi32, #tpu.memory_space<hbm>> -> memref<256xi32, #tpu.memory_space<hbm>>
      %dma_wait3A_24 = tpu.memref_slice %arg8[%mul3A_2] : memref<8192xi32, #tpu.memory_space<hbm>> -> memref<256xi32, #tpu.memory_space<hbm>>
      tpu.wait_dma2 semaphore(%run_scoped3A : memref<!tpu.dma_semaphore, #tpu.memory_space<semaphore_mem>>) src(%dma_wait3A_24 : memref<256xi32, #tpu.memory_space<hbm>>) dst(%arg11 : memref<256xi32, #tpu.memory_space<vmem>>)
      tpu.yield
    }) : () -> ()
    "tpu.region"() ({
      %run_scoped3A = tpu.sem_alloc : memref<!tpu.dma_semaphore, #tpu.memory_space<semaphore_mem>>
      tpu.enqueue_dma source(%arg6 : memref<16xf32, #tpu.memory_space<hbm>>) target(%arg16 : memref<16xf32, #tpu.memory_space<vmem>>) target_semaphore(%run_scoped3A : memref<!tpu.dma_semaphore, #tpu.memory_space<semaphore_mem>>)
      tpu.wait_dma2 semaphore(%run_scoped3A : memref<!tpu.dma_semaphore, #tpu.memory_space<semaphore_mem>>) src(%arg6 : memref<16xf32, #tpu.memory_space<hbm>>) dst(%arg16 : memref<16xf32, #tpu.memory_space<vmem>>)
      tpu.yield
    }) : () -> ()
    %dma_start3A = arith.constant 0 : i32
    %dma_start3A_3 = tpu.memref_slice %arg4[%dma_start3A] : memref<1000001xf32, #tpu.memory_space<hbm>> -> memref<1000001xf32, #tpu.memory_space<hbm>>
    tpu.enqueue_indirect_dma source(%dma_start3A_3 : memref<1000001xf32, #tpu.memory_space<hbm>>) target(%arg14 : memref<256xf32, #tpu.memory_space<vmem>>) offsets(%arg10 : memref<256xi32, #tpu.memory_space<vmem>>) semaphore(%arg19 : memref<!tpu.dma_semaphore, #tpu.memory_space<semaphore_mem>>)
    %dma_start3A_4 = arith.constant 0 : i32
    %dma_start3A_5 = tpu.memref_slice %arg5[%dma_start3A_4] : memref<1000000xf32, #tpu.memory_space<hbm>> -> memref<1000000xf32, #tpu.memory_space<hbm>>
    tpu.enqueue_indirect_dma source(%dma_start3A_5 : memref<1000000xf32, #tpu.memory_space<hbm>>) target(%arg15 : memref<256xf32, #tpu.memory_space<vmem>>) offsets(%arg11 : memref<256xi32, #tpu.memory_space<vmem>>) semaphore(%arg19 : memref<!tpu.dma_semaphore, #tpu.memory_space<semaphore_mem>>)
    %get3A = arith.constant 0 : index
    %get3A_6 = tpu.vector_load %arg16[%get3A] {strides = array<i32>} : memref<16xf32, #tpu.memory_space<vmem>>, vector<16xf32>,
    %iota3A = tpu.iota {dimensions = array<i32: 0>} : vector<16xi32>
    %scan3A = arith.constant 0 : i32
    %scan3A_7 = arith.constant 0 : i32
    %scan3A_8 = arith.constant 16 : i32
    %scan3A_9 = arith.addi %scan3A_7, %scan3A_8 : i32
    %scan3A_10 = arith.constant 1 : i32
    scf.for %scan3A_21 = %scan3A_7 to %scan3A_9 step %scan3A_10  : i32 {
      %mul3A_22 = arith.constant 16 : i32
      %mul3A_23 = arith.muli %scan3A_21, %mul3A_22 : i32
      %get3A_24 = arith.index_cast %mul3A_23 : i32 to index
      %get3A_25 = tpu.vector_load %arg10[%get3A_24] {strides = array<i32>} : memref<256xi32, #tpu.memory_space<vmem>>, vector<16xi32>,
      %get3A_26 = arith.index_cast %mul3A_23 : i32 to index
      %get3A_27 = tpu.vector_load %arg11[%get3A_26] {strides = array<i32>} : memref<256xi32, #tpu.memory_space<vmem>>, vector<16xi32>,
      %shift_right_arithmetic3A = arith.constant 7 : i32
      %shift_right_arithmetic3A_28 = vector.broadcast %shift_right_arithmetic3A : i32 to vector<16xi32>
      %shift_right_arithmetic3A_29 = arith.shrsi %get3A_25, %shift_right_arithmetic3A_28 : vector<16xi32>
      %mul3A_30 = arith.constant 128 : i32
      %mul3A_31 = vector.broadcast %mul3A_30 : i32 to vector<16xi32>
      %mul3A_32 = arith.muli %shift_right_arithmetic3A_29, %mul3A_31 : vector<16xi32>
      %shift_right_arithmetic3A_33 = arith.constant 7 : i32
      %shift_right_arithmetic3A_34 = vector.broadcast %shift_right_arithmetic3A_33 : i32 to vector<16xi32>
      %shift_right_arithmetic3A_35 = arith.shrsi %get3A_27, %shift_right_arithmetic3A_34 : vector<16xi32>
      %mul3A_36 = arith.constant 128 : i32
      %mul3A_37 = vector.broadcast %mul3A_36 : i32 to vector<16xi32>
      %mul3A_38 = arith.muli %shift_right_arithmetic3A_35, %mul3A_37 : vector<16xi32>
      %slice3A = vector.extract_strided_slice %mul3A_32 {offsets = [0], sizes = [1], strides = [1]} : vector<16xi32> to vector<1xi32>
      %squeeze3A = vector.extract %slice3A[0] : i32 from vector<1xi32>
      %multiple_of3A = tpu.assume_multiple %squeeze3A, 128 : i32
      %slice3A_39 = vector.extract_strided_slice %mul3A_38 {offsets = [0], sizes = [1], strides = [1]} : vector<16xi32> to vector<1xi32>
      %squeeze3A_40 = vector.extract %slice3A_39[0] : i32 from vector<1xi32>
      %multiple_of3A_41 = tpu.assume_multiple %squeeze3A_40, 128 : i32
      %dma_start3A_42 = arith.constant 0 : i32
      %dma_start3A_43 = arith.constant 0 : i32
      %dma_start3A_44 = arith.constant 0 : i32
      %dma_start3A_45 = tpu.memref_slice %arg12[%dma_start3A_42, %dma_start3A_43, %dma_start3A_44] : memref<16x16x128xf32, #tpu.memory_space<vmem>> -> memref<1x16x128xf32, #tpu.memory_space<vmem>>
      %dma_start3A_46 = tpu.memref_squeeze %dma_start3A_45 : memref<1x16x128xf32, #tpu.memory_space<vmem>> -> memref<16x128xf32, #tpu.memory_space<vmem>>
      %dma_start3A_47 = arith.constant 0 : i32
      %dma_start3A_48 = tpu.memref_slice %arg2[%dma_start3A_47, %multiple_of3A] : memref<16x1000001xf32, #tpu.memory_space<hbm>> -> memref<16x128xf32, #tpu.memory_space<hbm>>
      %dma_start3A_49 = arith.constant 0 : i32
      %dma_start3A_50 = arith.constant 0 : i32
      %dma_start3A_51 = tpu.memref_slice %arg12[%dma_start3A_42, %dma_start3A_49, %dma_start3A_50] : memref<16x16x128xf32, #tpu.memory_space<vmem>> -> memref<1x16x128xf32, #tpu.memory_space<vmem>>
      %dma_start3A_52 = tpu.memref_squeeze %dma_start3A_51 : memref<1x16x128xf32, #tpu.memory_space<vmem>> -> memref<16x128xf32, #tpu.memory_space<vmem>>
      %dma_start3A_53 = arith.constant 0 : i32
      %dma_start3A_54 = tpu.memref_slice %arg2[%dma_start3A_53, %multiple_of3A] : memref<16x1000001xf32, #tpu.memory_space<hbm>> -> memref<16x128xf32, #tpu.memory_space<hbm>>
      tpu.enqueue_dma source(%dma_start3A_54 : memref<16x128xf32, #tpu.memory_space<hbm>>) target(%dma_start3A_52 : memref<16x128xf32, #tpu.memory_space<vmem>>) target_semaphore(%arg18 : memref<!tpu.dma_semaphore, #tpu.memory_space<semaphore_mem>>)
      %dma_start3A_55 = arith.constant 0 : i32
      %dma_start3A_56 = arith.constant 0 : i32
      %dma_start3A_57 = arith.constant 0 : i32
      %dma_start3A_58 = tpu.memref_slice %arg13[%dma_start3A_55, %dma_start3A_56, %dma_start3A_57] : memref<16x16x128xf32, #tpu.memory_space<vmem>> -> memref<1x16x128xf32, #tpu.memory_space<vmem>>
      %dma_start3A_59 = tpu.memref_squeeze %dma_start3A_58 : memref<1x16x128xf32, #tpu.memory_space<vmem>> -> memref<16x128xf32, #tpu.memory_space<vmem>>
      %dma_start3A_60 = arith.constant 0 : i32
      %dma_start3A_61 = tpu.memref_slice %arg3[%dma_start3A_60, %multiple_of3A_41] : memref<16x1000000xf32, #tpu.memory_space<hbm>> -> memref<16x128xf32, #tpu.memory_space<hbm>>
      %dma_start3A_62 = arith.constant 0 : i32
      %dma_start3A_63 = arith.constant 0 : i32
      %dma_start3A_64 = tpu.memref_slice %arg13[%dma_start3A_55, %dma_start3A_62, %dma_start3A_63] : memref<16x16x128xf32, #tpu.memory_space<vmem>> -> memref<1x16x128xf32, #tpu.memory_space<vmem>>
      %dma_start3A_65 = tpu.memref_squeeze %dma_start3A_64 : memref<1x16x128xf32, #tpu.memory_space<vmem>> -> memref<16x128xf32, #tpu.memory_space<vmem>>
      %dma_start3A_66 = arith.constant 0 : i32
      %dma_start3A_67 = tpu.memref_slice %arg3[%dma_start3A_66, %multiple_of3A_41] : memref<16x1000000xf32, #tpu.memory_space<hbm>> -> memref<16x128xf32, #tpu.memory_space<hbm>>
      tpu.enqueue_dma source(%dma_start3A_67 : memref<16x128xf32, #tpu.memory_space<hbm>>) target(%dma_start3A_65 : memref<16x128xf32, #tpu.memory_space<vmem>>) target_semaphore(%arg18 : memref<!tpu.dma_semaphore, #tpu.memory_space<semaphore_mem>>)
      %slice3A_68 = vector.extract_strided_slice %mul3A_32 {offsets = [1], sizes = [1], strides = [1]} : vector<16xi32> to vector<1xi32>
      %squeeze3A_69 = vector.extract %slice3A_68[0] : i32 from vector<1xi32>
      %multiple_of3A_70 = tpu.assume_multiple %squeeze3A_69, 128 : i32
      %slice3A_71 = vector.extract_strided_slice %mul3A_38 {offsets = [1], sizes = [1], strides = [1]} : vector<16xi32> to vector<1xi32>
      %squeeze3A_72 = vector.extract %slice3A_71[0] : i32 from vector<1xi32>
      %multiple_of3A_73 = tpu.assume_multiple %squeeze3A_72, 128 : i32
      %dma_start3A_74 = arith.constant 1 : i32
      %dma_start3A_75 = arith.constant 0 : i32
      %dma_start3A_76 = arith.constant 0 : i32
      %dma_start3A_77 = tpu.memref_slice %arg12[%dma_start3A_74, %dma_start3A_75, %dma_start3A_76] : memref<16x16x128xf32, #tpu.memory_space<vmem>> -> memref<1x16x128xf32, #tpu.memory_space<vmem>>
      %dma_start3A_78 = tpu.memref_squeeze %dma_start3A_77 : memref<1x16x128xf32, #tpu.memory_space<vmem>> -> memref<16x128xf32, #tpu.memory_space<vmem>>
      %dma_start3A_79 = arith.constant 0 : i32
      %dma_start3A_80 = tpu.memref_slice %arg2[%dma_start3A_79, %multiple_of3A_70] : memref<16x1000001xf32, #tpu.memory_space<hbm>> -> memref<16x128xf32, #tpu.memory_space<hbm>>
      %dma_start3A_81 = arith.constant 0 : i32
      %dma_start3A_82 = arith.constant 0 : i32
      %dma_start3A_83 = tpu.memref_slice %arg12[%dma_start3A_74, %dma_start3A_81, %dma_start3A_82] : memref<16x16x128xf32, #tpu.memory_space<vmem>> -> memref<1x16x128xf32, #tpu.memory_space<vmem>>
      %dma_start3A_84 = tpu.memref_squeeze %dma_start3A_83 : memref<1x16x128xf32, #tpu.memory_space<vmem>> -> memref<16x128xf32, #tpu.memory_space<vmem>>
      %dma_start3A_85 = arith.constant 0 : i32
      %dma_start3A_86 = tpu.memref_slice %arg2[%dma_start3A_85, %multiple_of3A_70] : memref<16x1000001xf32, #tpu.memory_space<hbm>> -> memref<16x128xf32, #tpu.memory_space<hbm>>
      tpu.enqueue_dma source(%dma_start3A_86 : memref<16x128xf32, #tpu.memory_space<hbm>>) target(%dma_start3A_84 : memref<16x128xf32, #tpu.memory_space<vmem>>) target_semaphore(%arg18 : memref<!tpu.dma_semaphore, #tpu.memory_space<semaphore_mem>>)
      %dma_start3A_87 = arith.constant 1 : i32
      %dma_start3A_88 = arith.constant 0 : i32
      %dma_start3A_89 = arith.constant 0 : i32
      %dma_start3A_90 = tpu.memref_slice %arg13[%dma_start3A_87, %dma_start3A_88, %dma_start3A_89] : memref<16x16x128xf32, #tpu.memory_space<vmem>> -> memref<1x16x128xf32, #tpu.memory_space<vmem>>
      %dma_start3A_91 = tpu.memref_squeeze %dma_start3A_90 : memref<1x16x128xf32, #tpu.memory_space<vmem>> -> memref<16x128xf32, #tpu.memory_space<vmem>>
      %dma_start3A_92 = arith.constant 0 : i32
      %dma_start3A_93 = tpu.memref_slice %arg3[%dma_start3A_92, %multiple_of3A_73] : memref<16x1000000xf32, #tpu.memory_space<hbm>> -> memref<16x128xf32, #tpu.memory_space<hbm>>
      %dma_start3A_94 = arith.constant 0 : i32
      %dma_start3A_95 = arith.constant 0 : i32
      %dma_start3A_96 = tpu.memref_slice %arg13[%dma_start3A_87, %dma_start3A_94, %dma_start3A_95] : memref<16x16x128xf32, #tpu.memory_space<vmem>> -> memref<1x16x128xf32, #tpu.memory_space<vmem>>
      %dma_start3A_97 = tpu.memref_squeeze %dma_start3A_96 : memref<1x16x128xf32, #tpu.memory_space<vmem>> -> memref<16x128xf32, #tpu.memory_space<vmem>>
      %dma_start3A_98 = arith.constant 0 : i32
      %dma_start3A_99 = tpu.memref_slice %arg3[%dma_start3A_98, %multiple_of3A_73] : memref<16x1000000xf32, #tpu.memory_space<hbm>> -> memref<16x128xf32, #tpu.memory_space<hbm>>
      tpu.enqueue_dma source(%dma_start3A_99 : memref<16x128xf32, #tpu.memory_space<hbm>>) target(%dma_start3A_97 : memref<16x128xf32, #tpu.memory_space<vmem>>) target_semaphore(%arg18 : memref<!tpu.dma_semaphore, #tpu.memory_space<semaphore_mem>>)
      %slice3A_100 = vector.extract_strided_slice %mul3A_32 {offsets = [2], sizes = [1], strides = [1]} : vector<16xi32> to vector<1xi32>
      %squeeze3A_101 = vector.extract %slice3A_100[0] : i32 from vector<1xi32>
      %multiple_of3A_102 = tpu.assume_multiple %squeeze3A_101, 128 : i32
      %slice3A_103 = vector.extract_strided_slice %mul3A_38 {offsets = [2], sizes = [1], strides = [1]} : vector<16xi32> to vector<1xi32>
      %squeeze3A_104 = vector.extract %slice3A_103[0] : i32 from vector<1xi32>
      %multiple_of3A_105 = tpu.assume_multiple %squeeze3A_104, 128 : i32
      %dma_start3A_106 = arith.constant 2 : i32
      %dma_start3A_107 = arith.constant 0 : i32
      %dma_start3A_108 = arith.constant 0 : i32
      %dma_start3A_109 = tpu.memref_slice %arg12[%dma_start3A_106, %dma_start3A_107, %dma_start3A_108] : memref<16x16x128xf32, #tpu.memory_space<vmem>> -> memref<1x16x128xf32, #tpu.memory_space<vmem>>
      %dma_start3A_110 = tpu.memref_squeeze %dma_start3A_109 : memref<1x16x128xf32, #tpu.memory_space<vmem>> -> memref<16x128xf32, #tpu.memory_space<vmem>>
      %dma_start3A_111 = arith.constant 0 : i32
      %dma_start3A_112 = tpu.memref_slice %arg2[%dma_start3A_111, %multiple_of3A_102] : memref<16x1000001xf32, #tpu.memory_space<hbm>> -> memref<16x128xf32, #tpu.memory_space<hbm>>
      %dma_start3A_113 = arith.constant 0 : i32
      %dma_start3A_114 = arith.constant 0 : i32
      %dma_start3A_115 = tpu.memref_slice %arg12[%dma_start3A_106, %dma_start3A_113, %dma_start3A_114] : memref<16x16x128xf32, #tpu.memory_space<vmem>> -> memref<1x16x128xf32, #tpu.memory_space<vmem>>
      %dma_start3A_116 = tpu.memref_squeeze %dma_start3A_115 : memref<1x16x128xf32, #tpu.memory_space<vmem>> -> memref<16x128xf32, #tpu.memory_space<vmem>>
      %dma_start3A_117 = arith.constant 0 : i32
      %dma_start3A_118 = tpu.memref_slice %arg2[%dma_start3A_117, %multiple_of3A_102] : memref<16x1000001xf32, #tpu.memory_space<hbm>> -> memref<16x128xf32, #tpu.memory_space<hbm>>
      tpu.enqueue_dma source(%dma_start3A_118 : memref<16x128xf32, #tpu.memory_space<hbm>>) target(%dma_start3A_116 : memref<16x128xf32, #tpu.memory_space<vmem>>) target_semaphore(%arg18 : memref<!tpu.dma_semaphore, #tpu.memory_space<semaphore_mem>>)
      %dma_start3A_119 = arith.constant 2 : i32
      %dma_start3A_120 = arith.constant 0 : i32
      %dma_start3A_121 = arith.constant 0 : i32
      %dma_start3A_122 = tpu.memref_slice %arg13[%dma_start3A_119, %dma_start3A_120, %dma_start3A_121] : memref<16x16x128xf32, #tpu.memory_space<vmem>> -> memref<1x16x128xf32, #tpu.memory_space<vmem>>
      %dma_start3A_123 = tpu.memref_squeeze %dma_start3A_122 : memref<1x16x128xf32, #tpu.memory_space<vmem>> -> memref<16x128xf32, #tpu.memory_space<vmem>>
      %dma_start3A_124 = arith.constant 0 : i32
      %dma_start3A_125 = tpu.memref_slice %arg3[%dma_start3A_124, %multiple_of3A_105] : memref<16x1000000xf32, #tpu.memory_space<hbm>> -> memref<16x128xf32, #tpu.memory_space<hbm>>
      %dma_start3A_126 = arith.constant 0 : i32
      %dma_start3A_127 = arith.constant 0 : i32
      %dma_start3A_128 = tpu.memref_slice %arg13[%dma_start3A_119, %dma_start3A_126, %dma_start3A_127] : memref<16x16x128xf32, #tpu.memory_space<vmem>> -> memref<1x16x128xf32, #tpu.memory_space<vmem>>
      %dma_start3A_129 = tpu.memref_squeeze %dma_start3A_128 : memref<1x16x128xf32, #tpu.memory_space<vmem>> -> memref<16x128xf32, #tpu.memory_space<vmem>>
      %dma_start3A_130 = arith.constant 0 : i32
      %dma_start3A_131 = tpu.memref_slice %arg3[%dma_start3A_130, %multiple_of3A_105] : memref<16x1000000xf32, #tpu.memory_space<hbm>> -> memref<16x128xf32, #tpu.memory_space<hbm>>
      tpu.enqueue_dma source(%dma_start3A_131 : memref<16x128xf32, #tpu.memory_space<hbm>>) target(%dma_start3A_129 : memref<16x128xf32, #tpu.memory_space<vmem>>) target_semaphore(%arg18 : memref<!tpu.dma_semaphore, #tpu.memory_space<semaphore_mem>>)
      %slice3A_132 = vector.extract_strided_slice %mul3A_32 {offsets = [3], sizes = [1], strides = [1]} : vector<16xi32> to vector<1xi32>
      %squeeze3A_133 = vector.extract %slice3A_132[0] : i32 from vector<1xi32>
      %multiple_of3A_134 = tpu.assume_multiple %squeeze3A_133, 128 : i32
      %slice3A_135 = vector.extract_strided_slice %mul3A_38 {offsets = [3], sizes = [1], strides = [1]} : vector<16xi32> to vector<1xi32>
      %squeeze3A_136 = vector.extract %slice3A_135[0] : i32 from vector<1xi32>
      %multiple_of3A_137 = tpu.assume_multiple %squeeze3A_136, 128 : i32
      %dma_start3A_138 = arith.constant 3 : i32
      %dma_start3A_139 = arith.constant 0 : i32
      %dma_start3A_140 = arith.constant 0 : i32
      %dma_start3A_141 = tpu.memref_slice %arg12[%dma_start3A_138, %dma_start3A_139, %dma_start3A_140] : memref<16x16x128xf32, #tpu.memory_space<vmem>> -> memref<1x16x128xf32, #tpu.memory_space<vmem>>
      %dma_start3A_142 = tpu.memref_squeeze %dma_start3A_141 : memref<1x16x128xf32, #tpu.memory_space<vmem>> -> memref<16x128xf32, #tpu.memory_space<vmem>>
      %dma_start3A_143 = arith.constant 0 : i32
      %dma_start3A_144 = tpu.memref_slice %arg2[%dma_start3A_143, %multiple_of3A_134] : memref<16x1000001xf32, #tpu.memory_space<hbm>> -> memref<16x128xf32, #tpu.memory_space<hbm>>
      %dma_start3A_145 = arith.constant 0 : i32
      %dma_start3A_146 = arith.constant 0 : i32
      %dma_start3A_147 = tpu.memref_slice %arg12[%dma_start3A_138, %dma_start3A_145, %dma_start3A_146] : memref<16x16x128xf32, #tpu.memory_space<vmem>> -> memref<1x16x128xf32, #tpu.memory_space<vmem>>
      %dma_start3A_148 = tpu.memref_squeeze %dma_start3A_147 : memref<1x16x128xf32, #tpu.memory_space<vmem>> -> memref<16x128xf32, #tpu.memory_space<vmem>>
      %dma_start3A_149 = arith.constant 0 : i32
      %dma_start3A_150 = tpu.memref_slice %arg2[%dma_start3A_149, %multiple_of3A_134] : memref<16x1000001xf32, #tpu.memory_space<hbm>> -> memref<16x128xf32, #tpu.memory_space<hbm>>
      tpu.enqueue_dma source(%dma_start3A_150 : memref<16x128xf32, #tpu.memory_space<hbm>>) target(%dma_start3A_148 : memref<16x128xf32, #tpu.memory_space<vmem>>) target_semaphore(%arg18 : memref<!tpu.dma_semaphore, #tpu.memory_space<semaphore_mem>>)
      %dma_start3A_151 = arith.constant 3 : i32
      %dma_start3A_152 = arith.constant 0 : i32
      %dma_start3A_153 = arith.constant 0 : i32
      %dma_start3A_154 = tpu.memref_slice %arg13[%dma_start3A_151, %dma_start3A_152, %dma_start3A_153] : memref<16x16x128xf32, #tpu.memory_space<vmem>> -> memref<1x16x128xf32, #tpu.memory_space<vmem>>
      %dma_start3A_155 = tpu.memref_squeeze %dma_start3A_154 : memref<1x16x128xf32, #tpu.memory_space<vmem>> -> memref<16x128xf32, #tpu.memory_space<vmem>>
      %dma_start3A_156 = arith.constant 0 : i32
      %dma_start3A_157 = tpu.memref_slice %arg3[%dma_start3A_156, %multiple_of3A_137] : memref<16x1000000xf32, #tpu.memory_space<hbm>> -> memref<16x128xf32, #tpu.memory_space<hbm>>
      %dma_start3A_158 = arith.constant 0 : i32
      %dma_start3A_159 = arith.constant 0 : i32
      %dma_start3A_160 = tpu.memref_slice %arg13[%dma_start3A_151, %dma_start3A_158, %dma_start3A_159] : memref<16x16x128xf32, #tpu.memory_space<vmem>> -> memref<1x16x128xf32, #tpu.memory_space<vmem>>
      %dma_start3A_161 = tpu.memref_squeeze %dma_start3A_160 : memref<1x16x128xf32, #tpu.memory_space<vmem>> -> memref<16x128xf32, #tpu.memory_space<vmem>>
      %dma_start3A_162 = arith.constant 0 : i32
      %dma_start3A_163 = tpu.memref_slice %arg3[%dma_start3A_162, %multiple_of3A_137] : memref<16x1000000xf32, #tpu.memory_space<hbm>> -> memref<16x128xf32, #tpu.memory_space<hbm>>
      tpu.enqueue_dma source(%dma_start3A_163 : memref<16x128xf32, #tpu.memory_space<hbm>>) target(%dma_start3A_161 : memref<16x128xf32, #tpu.memory_space<vmem>>) target_semaphore(%arg18 : memref<!tpu.dma_semaphore, #tpu.memory_space<semaphore_mem>>)
      %slice3A_164 = vector.extract_strided_slice %mul3A_32 {offsets = [4], sizes = [1], strides = [1]} : vector<16xi32> to vector<1xi32>
      %squeeze3A_165 = vector.extract %slice3A_164[0] : i32 from vector<1xi32>
      %multiple_of3A_166 = tpu.assume_multiple %squeeze3A_165, 128 : i32
      %slice3A_167 = vector.extract_strided_slice %mul3A_38 {offsets = [4], sizes = [1], strides = [1]} : vector<16xi32> to vector<1xi32>
      %squeeze3A_168 = vector.extract %slice3A_167[0] : i32 from vector<1xi32>
      %multiple_of3A_169 = tpu.assume_multiple %squeeze3A_168, 128 : i32
      %dma_start3A_170 = arith.constant 4 : i32
      %dma_start3A_171 = arith.constant 0 : i32
      %dma_start3A_172 = arith.constant 0 : i32
      %dma_start3A_173 = tpu.memref_slice %arg12[%dma_start3A_170, %dma_start3A_171, %dma_start3A_172] : memref<16x16x128xf32, #tpu.memory_space<vmem>> -> memref<1x16x128xf32, #tpu.memory_space<vmem>>
      %dma_start3A_174 = tpu.memref_squeeze %dma_start3A_173 : memref<1x16x128xf32, #tpu.memory_space<vmem>> -> memref<16x128xf32, #tpu.memory_space<vmem>>
      %dma_start3A_175 = arith.constant 0 : i32
      %dma_start3A_176 = tpu.memref_slice %arg2[%dma_start3A_175, %multiple_of3A_166] : memref<16x1000001xf32, #tpu.memory_space<hbm>> -> memref<16x128xf32, #tpu.memory_space<hbm>>
      %dma_start3A_177 = arith.constant 0 : i32
      %dma_start3A_178 = arith.constant 0 : i32
      %dma_start3A_179 = tpu.memref_slice %arg12[%dma_start3A_170, %dma_start3A_177, %dma_start3A_178] : memref<16x16x128xf32, #tpu.memory_space<vmem>> -> memref<1x16x128xf32, #tpu.memory_space<vmem>>
      %dma_start3A_180 = tpu.memref_squeeze %dma_start3A_179 : memref<1x16x128xf32, #tpu.memory_space<vmem>> -> memref<16x128xf32, #tpu.memory_space<vmem>>
      %dma_start3A_181 = arith.constant 0 : i32
      %dma_start3A_182 = tpu.memref_slice %arg2[%dma_start3A_181, %multiple_of3A_166] : memref<16x1000001xf32, #tpu.memory_space<hbm>> -> memref<16x128xf32, #tpu.memory_space<hbm>>
      tpu.enqueue_dma source(%dma_start3A_182 : memref<16x128xf32, #tpu.memory_space<hbm>>) target(%dma_start3A_180 : memref<16x128xf32, #tpu.memory_space<vmem>>) target_semaphore(%arg18 : memref<!tpu.dma_semaphore, #tpu.memory_space<semaphore_mem>>)
      %dma_start3A_183 = arith.constant 4 : i32
      %dma_start3A_184 = arith.constant 0 : i32
      %dma_start3A_185 = arith.constant 0 : i32
      %dma_start3A_186 = tpu.memref_slice %arg13[%dma_start3A_183, %dma_start3A_184, %dma_start3A_185] : memref<16x16x128xf32, #tpu.memory_space<vmem>> -> memref<1x16x128xf32, #tpu.memory_space<vmem>>
      %dma_start3A_187 = tpu.memref_squeeze %dma_start3A_186 : memref<1x16x128xf32, #tpu.memory_space<vmem>> -> memref<16x128xf32, #tpu.memory_space<vmem>>
      %dma_start3A_188 = arith.constant 0 : i32
      %dma_start3A_189 = tpu.memref_slice %arg3[%dma_start3A_188, %multiple_of3A_169] : memref<16x1000000xf32, #tpu.memory_space<hbm>> -> memref<16x128xf32, #tpu.memory_space<hbm>>
      %dma_start3A_190 = arith.constant 0 : i32
      %dma_start3A_191 = arith.constant 0 : i32
      %dma_start3A_192 = tpu.memref_slice %arg13[%dma_start3A_183, %dma_start3A_190, %dma_start3A_191] : memref<16x16x128xf32, #tpu.memory_space<vmem>> -> memref<1x16x128xf32, #tpu.memory_space<vmem>>
      %dma_start3A_193 = tpu.memref_squeeze %dma_start3A_192 : memref<1x16x128xf32, #tpu.memory_space<vmem>> -> memref<16x128xf32, #tpu.memory_space<vmem>>
      %dma_start3A_194 = arith.constant 0 : i32
      %dma_start3A_195 = tpu.memref_slice %arg3[%dma_start3A_194, %multiple_of3A_169] : memref<16x1000000xf32, #tpu.memory_space<hbm>> -> memref<16x128xf32, #tpu.memory_space<hbm>>
      tpu.enqueue_dma source(%dma_start3A_195 : memref<16x128xf32, #tpu.memory_space<hbm>>) target(%dma_start3A_193 : memref<16x128xf32, #tpu.memory_space<vmem>>) target_semaphore(%arg18 : memref<!tpu.dma_semaphore, #tpu.memory_space<semaphore_mem>>)
      %slice3A_196 = vector.extract_strided_slice %mul3A_32 {offsets = [5], sizes = [1], strides = [1]} : vector<16xi32> to vector<1xi32>
      %squeeze3A_197 = vector.extract %slice3A_196[0] : i32 from vector<1xi32>
      %multiple_of3A_198 = tpu.assume_multiple %squeeze3A_197, 128 : i32
      %slice3A_199 = vector.extract_strided_slice %mul3A_38 {offsets = [5], sizes = [1], strides = [1]} : vector<16xi32> to vector<1xi32>
      %squeeze3A_200 = vector.extract %slice3A_199[0] : i32 from vector<1xi32>
      %multiple_of3A_201 = tpu.assume_multiple %squeeze3A_200, 128 : i32
      %dma_start3A_202 = arith.constant 5 : i32
      %dma_start3A_203 = arith.constant 0 : i32
      %dma_start3A_204 = arith.constant 0 : i32
      %dma_start3A_205 = tpu.memref_slice %arg12[%dma_start3A_202, %dma_start3A_203, %dma_start3A_204] : memref<16x16x128xf32, #tpu.memory_space<vmem>> -> memref<1x16x128xf32, #tpu.memory_space<vmem>>
      %dma_start3A_206 = tpu.memref_squeeze %dma_start3A_205 : memref<1x16x128xf32, #tpu.memory_space<vmem>> -> memref<16x128xf32, #tpu.memory_space<vmem>>
      %dma_start3A_207 = arith.constant 0 : i32
      %dma_start3A_208 = tpu.memref_slice %arg2[%dma_start3A_207, %multiple_of3A_198] : memref<16x1000001xf32, #tpu.memory_space<hbm>> -> memref<16x128xf32, #tpu.memory_space<hbm>>
      %dma_start3A_209 = arith.constant 0 : i32
      %dma_start3A_210 = arith.constant 0 : i32
      %dma_start3A_211 = tpu.memref_slice %arg12[%dma_start3A_202, %dma_start3A_209, %dma_start3A_210] : memref<16x16x128xf32, #tpu.memory_space<vmem>> -> memref<1x16x128xf32, #tpu.memory_space<vmem>>
      %dma_start3A_212 = tpu.memref_squeeze %dma_start3A_211 : memref<1x16x128xf32, #tpu.memory_space<vmem>> -> memref<16x128xf32, #tpu.memory_space<vmem>>
      %dma_start3A_213 = arith.constant 0 : i32
      %dma_start3A_214 = tpu.memref_slice %arg2[%dma_start3A_213, %multiple_of3A_198] : memref<16x1000001xf32, #tpu.memory_space<hbm>> -> memref<16x128xf32, #tpu.memory_space<hbm>>
      tpu.enqueue_dma source(%dma_start3A_214 : memref<16x128xf32, #tpu.memory_space<hbm>>) target(%dma_start3A_212 : memref<16x128xf32, #tpu.memory_space<vmem>>) target_semaphore(%arg18 : memref<!tpu.dma_semaphore, #tpu.memory_space<semaphore_mem>>)
      %dma_start3A_215 = arith.constant 5 : i32
      %dma_start3A_216 = arith.constant 0 : i32
      %dma_start3A_217 = arith.constant 0 : i32
      %dma_start3A_218 = tpu.memref_slice %arg13[%dma_start3A_215, %dma_start3A_216, %dma_start3A_217] : memref<16x16x128xf32, #tpu.memory_space<vmem>> -> memref<1x16x128xf32, #tpu.memory_space<vmem>>
      %dma_start3A_219 = tpu.memref_squeeze %dma_start3A_218 : memref<1x16x128xf32, #tpu.memory_space<vmem>> -> memref<16x128xf32, #tpu.memory_space<vmem>>
      %dma_start3A_220 = arith.constant 0 : i32
      %dma_start3A_221 = tpu.memref_slice %arg3[%dma_start3A_220, %multiple_of3A_201] : memref<16x1000000xf32, #tpu.memory_space<hbm>> -> memref<16x128xf32, #tpu.memory_space<hbm>>
      %dma_start3A_222 = arith.constant 0 : i32
      %dma_start3A_223 = arith.constant 0 : i32
      %dma_start3A_224 = tpu.memref_slice %arg13[%dma_start3A_215, %dma_start3A_222, %dma_start3A_223] : memref<16x16x128xf32, #tpu.memory_space<vmem>> -> memref<1x16x128xf32, #tpu.memory_space<vmem>>
      %dma_start3A_225 = tpu.memref_squeeze %dma_start3A_224 : memref<1x16x128xf32, #tpu.memory_space<vmem>> -> memref<16x128xf32, #tpu.memory_space<vmem>>
      %dma_start3A_226 = arith.constant 0 : i32
      %dma_start3A_227 = tpu.memref_slice %arg3[%dma_start3A_226, %multiple_of3A_201] : memref<16x1000000xf32, #tpu.memory_space<hbm>> -> memref<16x128xf32, #tpu.memory_space<hbm>>
      tpu.enqueue_dma source(%dma_start3A_227 : memref<16x128xf32, #tpu.memory_space<hbm>>) target(%dma_start3A_225 : memref<16x128xf32, #tpu.memory_space<vmem>>) target_semaphore(%arg18 : memref<!tpu.dma_semaphore, #tpu.memory_space<semaphore_mem>>)
      %slice3A_228 = vector.extract_strided_slice %mul3A_32 {offsets = [6], sizes = [1], strides = [1]} : vector<16xi32> to vector<1xi32>
      %squeeze3A_229 = vector.extract %slice3A_228[0] : i32 from vector<1xi32>
      %multiple_of3A_230 = tpu.assume_multiple %squeeze3A_229, 128 : i32
      %slice3A_231 = vector.extract_strided_slice %mul3A_38 {offsets = [6], sizes = [1], strides = [1]} : vector<16xi32> to vector<1xi32>
      %squeeze3A_232 = vector.extract %slice3A_231[0] : i32 from vector<1xi32>
      %multiple_of3A_233 = tpu.assume_multiple %squeeze3A_232, 128 : i32
      %dma_start3A_234 = arith.constant 6 : i32
      %dma_start3A_235 = arith.constant 0 : i32
      %dma_start3A_236 = arith.constant 0 : i32
      %dma_start3A_237 = tpu.memref_slice %arg12[%dma_start3A_234, %dma_start3A_235, %dma_start3A_236] : memref<16x16x128xf32, #tpu.memory_space<vmem>> -> memref<1x16x128xf32, #tpu.memory_space<vmem>>
      %dma_start3A_238 = tpu.memref_squeeze %dma_start3A_237 : memref<1x16x128xf32, #tpu.memory_space<vmem>> -> memref<16x128xf32, #tpu.memory_space<vmem>>
      %dma_start3A_239 = arith.constant 0 : i32
      %dma_start3A_240 = tpu.memref_slice %arg2[%dma_start3A_239, %multiple_of3A_230] : memref<16x1000001xf32, #tpu.memory_space<hbm>> -> memref<16x128xf32, #tpu.memory_space<hbm>>
      %dma_start3A_241 = arith.constant 0 : i32
      %dma_start3A_242 = arith.constant 0 : i32
      %dma_start3A_243 = tpu.memref_slice %arg12[%dma_start3A_234, %dma_start3A_241, %dma_start3A_242] : memref<16x16x128xf32, #tpu.memory_space<vmem>> -> memref<1x16x128xf32, #tpu.memory_space<vmem>>
      %dma_start3A_244 = tpu.memref_squeeze %dma_start3A_243 : memref<1x16x128xf32, #tpu.memory_space<vmem>> -> memref<16x128xf32, #tpu.memory_space<vmem>>
      %dma_start3A_245 = arith.constant 0 : i32
      %dma_start3A_246 = tpu.memref_slice %arg2[%dma_start3A_245, %multiple_of3A_230] : memref<16x1000001xf32, #tpu.memory_space<hbm>> -> memref<16x128xf32, #tpu.memory_space<hbm>>
      tpu.enqueue_dma source(%dma_start3A_246 : memref<16x128xf32, #tpu.memory_space<hbm>>) target(%dma_start3A_244 : memref<16x128xf32, #tpu.memory_space<vmem>>) target_semaphore(%arg18 : memref<!tpu.dma_semaphore, #tpu.memory_space<semaphore_mem>>)
      %dma_start3A_247 = arith.constant 6 : i32
      %dma_start3A_248 = arith.constant 0 : i32
      %dma_start3A_249 = arith.constant 0 : i32
      %dma_start3A_250 = tpu.memref_slice %arg13[%dma_start3A_247, %dma_start3A_248, %dma_start3A_249] : memref<16x16x128xf32, #tpu.memory_space<vmem>> -> memref<1x16x128xf32, #tpu.memory_space<vmem>>
      %dma_start3A_251 = tpu.memref_squeeze %dma_start3A_250 : memref<1x16x128xf32, #tpu.memory_space<vmem>> -> memref<16x128xf32, #tpu.memory_space<vmem>>
      %dma_start3A_252 = arith.constant 0 : i32
      %dma_start3A_253 = tpu.memref_slice %arg3[%dma_start3A_252, %multiple_of3A_233] : memref<16x1000000xf32, #tpu.memory_space<hbm>> -> memref<16x128xf32, #tpu.memory_space<hbm>>
      %dma_start3A_254 = arith.constant 0 : i32
      %dma_start3A_255 = arith.constant 0 : i32
      %dma_start3A_256 = tpu.memref_slice %arg13[%dma_start3A_247, %dma_start3A_254, %dma_start3A_255] : memref<16x16x128xf32, #tpu.memory_space<vmem>> -> memref<1x16x128xf32, #tpu.memory_space<vmem>>
      %dma_start3A_257 = tpu.memref_squeeze %dma_start3A_256 : memref<1x16x128xf32, #tpu.memory_space<vmem>> -> memref<16x128xf32, #tpu.memory_space<vmem>>
      %dma_start3A_258 = arith.constant 0 : i32
      %dma_start3A_259 = tpu.memref_slice %arg3[%dma_start3A_258, %multiple_of3A_233] : memref<16x1000000xf32, #tpu.memory_space<hbm>> -> memref<16x128xf32, #tpu.memory_space<hbm>>
      tpu.enqueue_dma source(%dma_start3A_259 : memref<16x128xf32, #tpu.memory_space<hbm>>) target(%dma_start3A_257 : memref<16x128xf32, #tpu.memory_space<vmem>>) target_semaphore(%arg18 : memref<!tpu.dma_semaphore, #tpu.memory_space<semaphore_mem>>)
      %slice3A_260 = vector.extract_strided_slice %mul3A_32 {offsets = [7], sizes = [1], strides = [1]} : vector<16xi32> to vector<1xi32>
      %squeeze3A_261 = vector.extract %slice3A_260[0] : i32 from vector<1xi32>
      %multiple_of3A_262 = tpu.assume_multiple %squeeze3A_261, 128 : i32
      %slice3A_263 = vector.extract_strided_slice %mul3A_38 {offsets = [7], sizes = [1], strides = [1]} : vector<16xi32> to vector<1xi32>
      %squeeze3A_264 = vector.extract %slice3A_263[0] : i32 from vector<1xi32>
      %multiple_of3A_265 = tpu.assume_multiple %squeeze3A_264, 128 : i32
      %dma_start3A_266 = arith.constant 7 : i32
      %dma_start3A_267 = arith.constant 0 : i32
      %dma_start3A_268 = arith.constant 0 : i32
      %dma_start3A_269 = tpu.memref_slice %arg12[%dma_start3A_266, %dma_start3A_267, %dma_start3A_268] : memref<16x16x128xf32, #tpu.memory_space<vmem>> -> memref<1x16x128xf32, #tpu.memory_space<vmem>>
      %dma_start3A_270 = tpu.memref_squeeze %dma_start3A_269 : memref<1x16x128xf32, #tpu.memory_space<vmem>> -> memref<16x128xf32, #tpu.memory_space<vmem>>
      %dma_start3A_271 = arith.constant 0 : i32
      %dma_start3A_272 = tpu.memref_slice %arg2[%dma_start3A_271, %multiple_of3A_262] : memref<16x1000001xf32, #tpu.memory_space<hbm>> -> memref<16x128xf32, #tpu.memory_space<hbm>>
      %dma_start3A_273 = arith.constant 0 : i32
      %dma_start3A_274 = arith.constant 0 : i32
      %dma_start3A_275 = tpu.memref_slice %arg12[%dma_start3A_266, %dma_start3A_273, %dma_start3A_274] : memref<16x16x128xf32, #tpu.memory_space<vmem>> -> memref<1x16x128xf32, #tpu.memory_space<vmem>>
      %dma_start3A_276 = tpu.memref_squeeze %dma_start3A_275 : memref<1x16x128xf32, #tpu.memory_space<vmem>> -> memref<16x128xf32, #tpu.memory_space<vmem>>
      %dma_start3A_277 = arith.constant 0 : i32
      %dma_start3A_278 = tpu.memref_slice %arg2[%dma_start3A_277, %multiple_of3A_262] : memref<16x1000001xf32, #tpu.memory_space<hbm>> -> memref<16x128xf32, #tpu.memory_space<hbm>>
      tpu.enqueue_dma source(%dma_start3A_278 : memref<16x128xf32, #tpu.memory_space<hbm>>) target(%dma_start3A_276 : memref<16x128xf32, #tpu.memory_space<vmem>>) target_semaphore(%arg18 : memref<!tpu.dma_semaphore, #tpu.memory_space<semaphore_mem>>)
      %dma_start3A_279 = arith.constant 7 : i32
      %dma_start3A_280 = arith.constant 0 : i32
      %dma_start3A_281 = arith.constant 0 : i32
      %dma_start3A_282 = tpu.memref_slice %arg13[%dma_start3A_279, %dma_start3A_280, %dma_start3A_281] : memref<16x16x128xf32, #tpu.memory_space<vmem>> -> memref<1x16x128xf32, #tpu.memory_space<vmem>>
      %dma_start3A_283 = tpu.memref_squeeze %dma_start3A_282 : memref<1x16x128xf32, #tpu.memory_space<vmem>> -> memref<16x128xf32, #tpu.memory_space<vmem>>
      %dma_start3A_284 = arith.constant 0 : i32
      %dma_start3A_285 = tpu.memref_slice %arg3[%dma_start3A_284, %multiple_of3A_265] : memref<16x1000000xf32, #tpu.memory_space<hbm>> -> memref<16x128xf32, #tpu.memory_space<hbm>>
      %dma_start3A_286 = arith.constant 0 : i32
      %dma_start3A_287 = arith.constant 0 : i32
      %dma_start3A_288 = tpu.memref_slice %arg13[%dma_start3A_279, %dma_start3A_286, %dma_start3A_287] : memref<16x16x128xf32, #tpu.memory_space<vmem>> -> memref<1x16x128xf32, #tpu.memory_space<vmem>>
      %dma_start3A_289 = tpu.memref_squeeze %dma_start3A_288 : memref<1x16x128xf32, #tpu.memory_space<vmem>> -> memref<16x128xf32, #tpu.memory_space<vmem>>
      %dma_start3A_290 = arith.constant 0 : i32
      %dma_start3A_291 = tpu.memref_slice %arg3[%dma_start3A_290, %multiple_of3A_265] : memref<16x1000000xf32, #tpu.memory_space<hbm>> -> memref<16x128xf32, #tpu.memory_space<hbm>>
      tpu.enqueue_dma source(%dma_start3A_291 : memref<16x128xf32, #tpu.memory_space<hbm>>) target(%dma_start3A_289 : memref<16x128xf32, #tpu.memory_space<vmem>>) target_semaphore(%arg18 : memref<!tpu.dma_semaphore, #tpu.memory_space<semaphore_mem>>)
      %slice3A_292 = vector.extract_strided_slice %mul3A_32 {offsets = [8], sizes = [1], strides = [1]} : vector<16xi32> to vector<1xi32>
      %squeeze3A_293 = vector.extract %slice3A_292[0] : i32 from vector<1xi32>
      %multiple_of3A_294 = tpu.assume_multiple %squeeze3A_293, 128 : i32
      %slice3A_295 = vector.extract_strided_slice %mul3A_38 {offsets = [8], sizes = [1], strides = [1]} : vector<16xi32> to vector<1xi32>
      %squeeze3A_296 = vector.extract %slice3A_295[0] : i32 from vector<1xi32>
      %multiple_of3A_297 = tpu.assume_multiple %squeeze3A_296, 128 : i32
      %dma_start3A_298 = arith.constant 8 : i32
      %dma_start3A_299 = arith.constant 0 : i32
      %dma_start3A_300 = arith.constant 0 : i32
      %dma_start3A_301 = tpu.memref_slice %arg12[%dma_start3A_298, %dma_start3A_299, %dma_start3A_300] : memref<16x16x128xf32, #tpu.memory_space<vmem>> -> memref<1x16x128xf32, #tpu.memory_space<vmem>>
      %dma_start3A_302 = tpu.memref_squeeze %dma_start3A_301 : memref<1x16x128xf32, #tpu.memory_space<vmem>> -> memref<16x128xf32, #tpu.memory_space<vmem>>
      %dma_start3A_303 = arith.constant 0 : i32
      %dma_start3A_304 = tpu.memref_slice %arg2[%dma_start3A_303, %multiple_of3A_294] : memref<16x1000001xf32, #tpu.memory_space<hbm>> -> memref<16x128xf32, #tpu.memory_space<hbm>>
      %dma_start3A_305 = arith.constant 0 : i32
      %dma_start3A_306 = arith.constant 0 : i32
      %dma_start3A_307 = tpu.memref_slice %arg12[%dma_start3A_298, %dma_start3A_305, %dma_start3A_306] : memref<16x16x128xf32, #tpu.memory_space<vmem>> -> memref<1x16x128xf32, #tpu.memory_space<vmem>>
      %dma_start3A_308 = tpu.memref_squeeze %dma_start3A_307 : memref<1x16x128xf32, #tpu.memory_space<vmem>> -> memref<16x128xf32, #tpu.memory_space<vmem>>
      %dma_start3A_309 = arith.constant 0 : i32
      %dma_start3A_310 = tpu.memref_slice %arg2[%dma_start3A_309, %multiple_of3A_294] : memref<16x1000001xf32, #tpu.memory_space<hbm>> -> memref<16x128xf32, #tpu.memory_space<hbm>>
      tpu.enqueue_dma source(%dma_start3A_310 : memref<16x128xf32, #tpu.memory_space<hbm>>) target(%dma_start3A_308 : memref<16x128xf32, #tpu.memory_space<vmem>>) target_semaphore(%arg18 : memref<!tpu.dma_semaphore, #tpu.memory_space<semaphore_mem>>)
      %dma_start3A_311 = arith.constant 8 : i32
      %dma_start3A_312 = arith.constant 0 : i32
      %dma_start3A_313 = arith.constant 0 : i32
      %dma_start3A_314 = tpu.memref_slice %arg13[%dma_start3A_311, %dma_start3A_312, %dma_start3A_313] : memref<16x16x128xf32, #tpu.memory_space<vmem>> -> memref<1x16x128xf32, #tpu.memory_space<vmem>>
      %dma_start3A_315 = tpu.memref_squeeze %dma_start3A_314 : memref<1x16x128xf32, #tpu.memory_space<vmem>> -> memref<16x128xf32, #tpu.memory_space<vmem>>
      %dma_start3A_316 = arith.constant 0 : i32
      %dma_start3A_317 = tpu.memref_slice %arg3[%dma_start3A_316, %multiple_of3A_297] : memref<16x1000000xf32, #tpu.memory_space<hbm>> -> memref<16x128xf32, #tpu.memory_space<hbm>>
      %dma_start3A_318 = arith.constant 0 : i32
      %dma_start3A_319 = arith.constant 0 : i32
      %dma_start3A_320 = tpu.memref_slice %arg13[%dma_start3A_311, %dma_start3A_318, %dma_start3A_319] : memref<16x16x128xf32, #tpu.memory_space<vmem>> -> memref<1x16x128xf32, #tpu.memory_space<vmem>>
      %dma_start3A_321 = tpu.memref_squeeze %dma_start3A_320 : memref<1x16x128xf32, #tpu.memory_space<vmem>> -> memref<16x128xf32, #tpu.memory_space<vmem>>
      %dma_start3A_322 = arith.constant 0 : i32
      %dma_start3A_323 = tpu.memref_slice %arg3[%dma_start3A_322, %multiple_of3A_297] : memref<16x1000000xf32, #tpu.memory_space<hbm>> -> memref<16x128xf32, #tpu.memory_space<hbm>>
      tpu.enqueue_dma source(%dma_start3A_323 : memref<16x128xf32, #tpu.memory_space<hbm>>) target(%dma_start3A_321 : memref<16x128xf32, #tpu.memory_space<vmem>>) target_semaphore(%arg18 : memref<!tpu.dma_semaphore, #tpu.memory_space<semaphore_mem>>)
      %slice3A_324 = vector.extract_strided_slice %mul3A_32 {offsets = [9], sizes = [1], strides = [1]} : vector<16xi32> to vector<1xi32>
      %squeeze3A_325 = vector.extract %slice3A_324[0] : i32 from vector<1xi32>
      %multiple_of3A_326 = tpu.assume_multiple %squeeze3A_325, 128 : i32
      %slice3A_327 = vector.extract_strided_slice %mul3A_38 {offsets = [9], sizes = [1], strides = [1]} : vector<16xi32> to vector<1xi32>
      %squeeze3A_328 = vector.extract %slice3A_327[0] : i32 from vector<1xi32>
      %multiple_of3A_329 = tpu.assume_multiple %squeeze3A_328, 128 : i32
      %dma_start3A_330 = arith.constant 9 : i32
      %dma_start3A_331 = arith.constant 0 : i32
      %dma_start3A_332 = arith.constant 0 : i32
      %dma_start3A_333 = tpu.memref_slice %arg12[%dma_start3A_330, %dma_start3A_331, %dma_start3A_332] : memref<16x16x128xf32, #tpu.memory_space<vmem>> -> memref<1x16x128xf32, #tpu.memory_space<vmem>>
      %dma_start3A_334 = tpu.memref_squeeze %dma_start3A_333 : memref<1x16x128xf32, #tpu.memory_space<vmem>> -> memref<16x128xf32, #tpu.memory_space<vmem>>
      %dma_start3A_335 = arith.constant 0 : i32
      %dma_start3A_336 = tpu.memref_slice %arg2[%dma_start3A_335, %multiple_of3A_326] : memref<16x1000001xf32, #tpu.memory_space<hbm>> -> memref<16x128xf32, #tpu.memory_space<hbm>>
      %dma_start3A_337 = arith.constant 0 : i32
      %dma_start3A_338 = arith.constant 0 : i32
      %dma_start3A_339 = tpu.memref_slice %arg12[%dma_start3A_330, %dma_start3A_337, %dma_start3A_338] : memref<16x16x128xf32, #tpu.memory_space<vmem>> -> memref<1x16x128xf32, #tpu.memory_space<vmem>>
      %dma_start3A_340 = tpu.memref_squeeze %dma_start3A_339 : memref<1x16x128xf32, #tpu.memory_space<vmem>> -> memref<16x128xf32, #tpu.memory_space<vmem>>
      %dma_start3A_341 = arith.constant 0 : i32
      %dma_start3A_342 = tpu.memref_slice %arg2[%dma_start3A_341, %multiple_of3A_326] : memref<16x1000001xf32, #tpu.memory_space<hbm>> -> memref<16x128xf32, #tpu.memory_space<hbm>>
      tpu.enqueue_dma source(%dma_start3A_342 : memref<16x128xf32, #tpu.memory_space<hbm>>) target(%dma_start3A_340 : memref<16x128xf32, #tpu.memory_space<vmem>>) target_semaphore(%arg18 : memref<!tpu.dma_semaphore, #tpu.memory_space<semaphore_mem>>)
      %dma_start3A_343 = arith.constant 9 : i32
      %dma_start3A_344 = arith.constant 0 : i32
      %dma_start3A_345 = arith.constant 0 : i32
      %dma_start3A_346 = tpu.memref_slice %arg13[%dma_start3A_343, %dma_start3A_344, %dma_start3A_345] : memref<16x16x128xf32, #tpu.memory_space<vmem>> -> memref<1x16x128xf32, #tpu.memory_space<vmem>>
      %dma_start3A_347 = tpu.memref_squeeze %dma_start3A_346 : memref<1x16x128xf32, #tpu.memory_space<vmem>> -> memref<16x128xf32, #tpu.memory_space<vmem>>
      %dma_start3A_348 = arith.constant 0 : i32
      %dma_start3A_349 = tpu.memref_slice %arg3[%dma_start3A_348, %multiple_of3A_329] : memref<16x1000000xf32, #tpu.memory_space<hbm>> -> memref<16x128xf32, #tpu.memory_space<hbm>>
      %dma_start3A_350 = arith.constant 0 : i32
      %dma_start3A_351 = arith.constant 0 : i32
      %dma_start3A_352 = tpu.memref_slice %arg13[%dma_start3A_343, %dma_start3A_350, %dma_start3A_351] : memref<16x16x128xf32, #tpu.memory_space<vmem>> -> memref<1x16x128xf32, #tpu.memory_space<vmem>>
      %dma_start3A_353 = tpu.memref_squeeze %dma_start3A_352 : memref<1x16x128xf32, #tpu.memory_space<vmem>> -> memref<16x128xf32, #tpu.memory_space<vmem>>
      %dma_start3A_354 = arith.constant 0 : i32
      %dma_start3A_355 = tpu.memref_slice %arg3[%dma_start3A_354, %multiple_of3A_329] : memref<16x1000000xf32, #tpu.memory_space<hbm>> -> memref<16x128xf32, #tpu.memory_space<hbm>>
      tpu.enqueue_dma source(%dma_start3A_355 : memref<16x128xf32, #tpu.memory_space<hbm>>) target(%dma_start3A_353 : memref<16x128xf32, #tpu.memory_space<vmem>>) target_semaphore(%arg18 : memref<!tpu.dma_semaphore, #tpu.memory_space<semaphore_mem>>)
      %slice3A_356 = vector.extract_strided_slice %mul3A_32 {offsets = [10], sizes = [1], strides = [1]} : vector<16xi32> to vector<1xi32>
      %squeeze3A_357 = vector.extract %slice3A_356[0] : i32 from vector<1xi32>
      %multiple_of3A_358 = tpu.assume_multiple %squeeze3A_357, 128 : i32
      %slice3A_359 = vector.extract_strided_slice %mul3A_38 {offsets = [10], sizes = [1], strides = [1]} : vector<16xi32> to vector<1xi32>
      %squeeze3A_360 = vector.extract %slice3A_359[0] : i32 from vector<1xi32>
      %multiple_of3A_361 = tpu.assume_multiple %squeeze3A_360, 128 : i32
      %dma_start3A_362 = arith.constant 10 : i32
      %dma_start3A_363 = arith.constant 0 : i32
      %dma_start3A_364 = arith.constant 0 : i32
      %dma_start3A_365 = tpu.memref_slice %arg12[%dma_start3A_362, %dma_start3A_363, %dma_start3A_364] : memref<16x16x128xf32, #tpu.memory_space<vmem>> -> memref<1x16x128xf32, #tpu.memory_space<vmem>>
      %dma_start3A_366 = tpu.memref_squeeze %dma_start3A_365 : memref<1x16x128xf32, #tpu.memory_space<vmem>> -> memref<16x128xf32, #tpu.memory_space<vmem>>
      %dma_start3A_367 = arith.constant 0 : i32
      %dma_start3A_368 = tpu.memref_slice %arg2[%dma_start3A_367, %multiple_of3A_358] : memref<16x1000001xf32, #tpu.memory_space<hbm>> -> memref<16x128xf32, #tpu.memory_space<hbm>>
      %dma_start3A_369 = arith.constant 0 : i32
      %dma_start3A_370 = arith.constant 0 : i32
      %dma_start3A_371 = tpu.memref_slice %arg12[%dma_start3A_362, %dma_start3A_369, %dma_start3A_370] : memref<16x16x128xf32, #tpu.memory_space<vmem>> -> memref<1x16x128xf32, #tpu.memory_space<vmem>>
      %dma_start3A_372 = tpu.memref_squeeze %dma_start3A_371 : memref<1x16x128xf32, #tpu.memory_space<vmem>> -> memref<16x128xf32, #tpu.memory_space<vmem>>
      %dma_start3A_373 = arith.constant 0 : i32
      %dma_start3A_374 = tpu.memref_slice %arg2[%dma_start3A_373, %multiple_of3A_358] : memref<16x1000001xf32, #tpu.memory_space<hbm>> -> memref<16x128xf32, #tpu.memory_space<hbm>>
      tpu.enqueue_dma source(%dma_start3A_374 : memref<16x128xf32, #tpu.memory_space<hbm>>) target(%dma_start3A_372 : memref<16x128xf32, #tpu.memory_space<vmem>>) target_semaphore(%arg18 : memref<!tpu.dma_semaphore, #tpu.memory_space<semaphore_mem>>)
      %dma_start3A_375 = arith.constant 10 : i32
      %dma_start3A_376 = arith.constant 0 : i32
      %dma_start3A_377 = arith.constant 0 : i32
      %dma_start3A_378 = tpu.memref_slice %arg13[%dma_start3A_375, %dma_start3A_376, %dma_start3A_377] : memref<16x16x128xf32, #tpu.memory_space<vmem>> -> memref<1x16x128xf32, #tpu.memory_space<vmem>>
      %dma_start3A_379 = tpu.memref_squeeze %dma_start3A_378 : memref<1x16x128xf32, #tpu.memory_space<vmem>> -> memref<16x128xf32, #tpu.memory_space<vmem>>
      %dma_start3A_380 = arith.constant 0 : i32
      %dma_start3A_381 = tpu.memref_slice %arg3[%dma_start3A_380, %multiple_of3A_361] : memref<16x1000000xf32, #tpu.memory_space<hbm>> -> memref<16x128xf32, #tpu.memory_space<hbm>>
      %dma_start3A_382 = arith.constant 0 : i32
      %dma_start3A_383 = arith.constant 0 : i32
      %dma_start3A_384 = tpu.memref_slice %arg13[%dma_start3A_375, %dma_start3A_382, %dma_start3A_383] : memref<16x16x128xf32, #tpu.memory_space<vmem>> -> memref<1x16x128xf32, #tpu.memory_space<vmem>>
      %dma_start3A_385 = tpu.memref_squeeze %dma_start3A_384 : memref<1x16x128xf32, #tpu.memory_space<vmem>> -> memref<16x128xf32, #tpu.memory_space<vmem>>
      %dma_start3A_386 = arith.constant 0 : i32
      %dma_start3A_387 = tpu.memref_slice %arg3[%dma_start3A_386, %multiple_of3A_361] : memref<16x1000000xf32, #tpu.memory_space<hbm>> -> memref<16x128xf32, #tpu.memory_space<hbm>>
      tpu.enqueue_dma source(%dma_start3A_387 : memref<16x128xf32, #tpu.memory_space<hbm>>) target(%dma_start3A_385 : memref<16x128xf32, #tpu.memory_space<vmem>>) target_semaphore(%arg18 : memref<!tpu.dma_semaphore, #tpu.memory_space<semaphore_mem>>)
      %slice3A_388 = vector.extract_strided_slice %mul3A_32 {offsets = [11], sizes = [1], strides = [1]} : vector<16xi32> to vector<1xi32>
      %squeeze3A_389 = vector.extract %slice3A_388[0] : i32 from vector<1xi32>
      %multiple_of3A_390 = tpu.assume_multiple %squeeze3A_389, 128 : i32
      %slice3A_391 = vector.extract_strided_slice %mul3A_38 {offsets = [11], sizes = [1], strides = [1]} : vector<16xi32> to vector<1xi32>
      %squeeze3A_392 = vector.extract %slice3A_391[0] : i32 from vector<1xi32>
      %multiple_of3A_393 = tpu.assume_multiple %squeeze3A_392, 128 : i32
      %dma_start3A_394 = arith.constant 11 : i32
      %dma_start3A_395 = arith.constant 0 : i32
      %dma_start3A_396 = arith.constant 0 : i32
      %dma_start3A_397 = tpu.memref_slice %arg12[%dma_start3A_394, %dma_start3A_395, %dma_start3A_396] : memref<16x16x128xf32, #tpu.memory_space<vmem>> -> memref<1x16x128xf32, #tpu.memory_space<vmem>>
      %dma_start3A_398 = tpu.memref_squeeze %dma_start3A_397 : memref<1x16x128xf32, #tpu.memory_space<vmem>> -> memref<16x128xf32, #tpu.memory_space<vmem>>
      %dma_start3A_399 = arith.constant 0 : i32
      %dma_start3A_400 = tpu.memref_slice %arg2[%dma_start3A_399, %multiple_of3A_390] : memref<16x1000001xf32, #tpu.memory_space<hbm>> -> memref<16x128xf32, #tpu.memory_space<hbm>>
      %dma_start3A_401 = arith.constant 0 : i32
      %dma_start3A_402 = arith.constant 0 : i32
      %dma_start3A_403 = tpu.memref_slice %arg12[%dma_start3A_394, %dma_start3A_401, %dma_start3A_402] : memref<16x16x128xf32, #tpu.memory_space<vmem>> -> memref<1x16x128xf32, #tpu.memory_space<vmem>>
      %dma_start3A_404 = tpu.memref_squeeze %dma_start3A_403 : memref<1x16x128xf32, #tpu.memory_space<vmem>> -> memref<16x128xf32, #tpu.memory_space<vmem>>
      %dma_start3A_405 = arith.constant 0 : i32
      %dma_start3A_406 = tpu.memref_slice %arg2[%dma_start3A_405, %multiple_of3A_390] : memref<16x1000001xf32, #tpu.memory_space<hbm>> -> memref<16x128xf32, #tpu.memory_space<hbm>>
      tpu.enqueue_dma source(%dma_start3A_406 : memref<16x128xf32, #tpu.memory_space<hbm>>) target(%dma_start3A_404 : memref<16x128xf32, #tpu.memory_space<vmem>>) target_semaphore(%arg18 : memref<!tpu.dma_semaphore, #tpu.memory_space<semaphore_mem>>)
      %dma_start3A_407 = arith.constant 11 : i32
      %dma_start3A_408 = arith.constant 0 : i32
      %dma_start3A_409 = arith.constant 0 : i32
      %dma_start3A_410 = tpu.memref_slice %arg13[%dma_start3A_407, %dma_start3A_408, %dma_start3A_409] : memref<16x16x128xf32, #tpu.memory_space<vmem>> -> memref<1x16x128xf32, #tpu.memory_space<vmem>>
      %dma_start3A_411 = tpu.memref_squeeze %dma_start3A_410 : memref<1x16x128xf32, #tpu.memory_space<vmem>> -> memref<16x128xf32, #tpu.memory_space<vmem>>
      %dma_start3A_412 = arith.constant 0 : i32
      %dma_start3A_413 = tpu.memref_slice %arg3[%dma_start3A_412, %multiple_of3A_393] : memref<16x1000000xf32, #tpu.memory_space<hbm>> -> memref<16x128xf32, #tpu.memory_space<hbm>>
      %dma_start3A_414 = arith.constant 0 : i32
      %dma_start3A_415 = arith.constant 0 : i32
      %dma_start3A_416 = tpu.memref_slice %arg13[%dma_start3A_407, %dma_start3A_414, %dma_start3A_415] : memref<16x16x128xf32, #tpu.memory_space<vmem>> -> memref<1x16x128xf32, #tpu.memory_space<vmem>>
      %dma_start3A_417 = tpu.memref_squeeze %dma_start3A_416 : memref<1x16x128xf32, #tpu.memory_space<vmem>> -> memref<16x128xf32, #tpu.memory_space<vmem>>
      %dma_start3A_418 = arith.constant 0 : i32
      %dma_start3A_419 = tpu.memref_slice %arg3[%dma_start3A_418, %multiple_of3A_393] : memref<16x1000000xf32, #tpu.memory_space<hbm>> -> memref<16x128xf32, #tpu.memory_space<hbm>>
      tpu.enqueue_dma source(%dma_start3A_419 : memref<16x128xf32, #tpu.memory_space<hbm>>) target(%dma_start3A_417 : memref<16x128xf32, #tpu.memory_space<vmem>>) target_semaphore(%arg18 : memref<!tpu.dma_semaphore, #tpu.memory_space<semaphore_mem>>)
      %slice3A_420 = vector.extract_strided_slice %mul3A_32 {offsets = [12], sizes = [1], strides = [1]} : vector<16xi32> to vector<1xi32>
      %squeeze3A_421 = vector.extract %slice3A_420[0] : i32 from vector<1xi32>
      %multiple_of3A_422 = tpu.assume_multiple %squeeze3A_421, 128 : i32
      %slice3A_423 = vector.extract_strided_slice %mul3A_38 {offsets = [12], sizes = [1], strides = [1]} : vector<16xi32> to vector<1xi32>
      %squeeze3A_424 = vector.extract %slice3A_423[0] : i32 from vector<1xi32>
      %multiple_of3A_425 = tpu.assume_multiple %squeeze3A_424, 128 : i32
      %dma_start3A_426 = arith.constant 12 : i32
      %dma_start3A_427 = arith.constant 0 : i32
      %dma_start3A_428 = arith.constant 0 : i32
      %dma_start3A_429 = tpu.memref_slice %arg12[%dma_start3A_426, %dma_start3A_427, %dma_start3A_428] : memref<16x16x128xf32, #tpu.memory_space<vmem>> -> memref<1x16x128xf32, #tpu.memory_space<vmem>>
      %dma_start3A_430 = tpu.memref_squeeze %dma_start3A_429 : memref<1x16x128xf32, #tpu.memory_space<vmem>> -> memref<16x128xf32, #tpu.memory_space<vmem>>
      %dma_start3A_431 = arith.constant 0 : i32
      %dma_start3A_432 = tpu.memref_slice %arg2[%dma_start3A_431, %multiple_of3A_422] : memref<16x1000001xf32, #tpu.memory_space<hbm>> -> memref<16x128xf32, #tpu.memory_space<hbm>>
      %dma_start3A_433 = arith.constant 0 : i32
      %dma_start3A_434 = arith.constant 0 : i32
      %dma_start3A_435 = tpu.memref_slice %arg12[%dma_start3A_426, %dma_start3A_433, %dma_start3A_434] : memref<16x16x128xf32, #tpu.memory_space<vmem>> -> memref<1x16x128xf32, #tpu.memory_space<vmem>>
      %dma_start3A_436 = tpu.memref_squeeze %dma_start3A_435 : memref<1x16x128xf32, #tpu.memory_space<vmem>> -> memref<16x128xf32, #tpu.memory_space<vmem>>
      %dma_start3A_437 = arith.constant 0 : i32
      %dma_start3A_438 = tpu.memref_slice %arg2[%dma_start3A_437, %multiple_of3A_422] : memref<16x1000001xf32, #tpu.memory_space<hbm>> -> memref<16x128xf32, #tpu.memory_space<hbm>>
      tpu.enqueue_dma source(%dma_start3A_438 : memref<16x128xf32, #tpu.memory_space<hbm>>) target(%dma_start3A_436 : memref<16x128xf32, #tpu.memory_space<vmem>>) target_semaphore(%arg18 : memref<!tpu.dma_semaphore, #tpu.memory_space<semaphore_mem>>)
      %dma_start3A_439 = arith.constant 12 : i32
      %dma_start3A_440 = arith.constant 0 : i32
      %dma_start3A_441 = arith.constant 0 : i32
      %dma_start3A_442 = tpu.memref_slice %arg13[%dma_start3A_439, %dma_start3A_440, %dma_start3A_441] : memref<16x16x128xf32, #tpu.memory_space<vmem>> -> memref<1x16x128xf32, #tpu.memory_space<vmem>>
      %dma_start3A_443 = tpu.memref_squeeze %dma_start3A_442 : memref<1x16x128xf32, #tpu.memory_space<vmem>> -> memref<16x128xf32, #tpu.memory_space<vmem>>
      %dma_start3A_444 = arith.constant 0 : i32
      %dma_start3A_445 = tpu.memref_slice %arg3[%dma_start3A_444, %multiple_of3A_425] : memref<16x1000000xf32, #tpu.memory_space<hbm>> -> memref<16x128xf32, #tpu.memory_space<hbm>>
      %dma_start3A_446 = arith.constant 0 : i32
      %dma_start3A_447 = arith.constant 0 : i32
      %dma_start3A_448 = tpu.memref_slice %arg13[%dma_start3A_439, %dma_start3A_446, %dma_start3A_447] : memref<16x16x128xf32, #tpu.memory_space<vmem>> -> memref<1x16x128xf32, #tpu.memory_space<vmem>>
      %dma_start3A_449 = tpu.memref_squeeze %dma_start3A_448 : memref<1x16x128xf32, #tpu.memory_space<vmem>> -> memref<16x128xf32, #tpu.memory_space<vmem>>
      %dma_start3A_450 = arith.constant 0 : i32
      %dma_start3A_451 = tpu.memref_slice %arg3[%dma_start3A_450, %multiple_of3A_425] : memref<16x1000000xf32, #tpu.memory_space<hbm>> -> memref<16x128xf32, #tpu.memory_space<hbm>>
      tpu.enqueue_dma source(%dma_start3A_451 : memref<16x128xf32, #tpu.memory_space<hbm>>) target(%dma_start3A_449 : memref<16x128xf32, #tpu.memory_space<vmem>>) target_semaphore(%arg18 : memref<!tpu.dma_semaphore, #tpu.memory_space<semaphore_mem>>)
      %slice3A_452 = vector.extract_strided_slice %mul3A_32 {offsets = [13], sizes = [1], strides = [1]} : vector<16xi32> to vector<1xi32>
      %squeeze3A_453 = vector.extract %slice3A_452[0] : i32 from vector<1xi32>
      %multiple_of3A_454 = tpu.assume_multiple %squeeze3A_453, 128 : i32
      %slice3A_455 = vector.extract_strided_slice %mul3A_38 {offsets = [13], sizes = [1], strides = [1]} : vector<16xi32> to vector<1xi32>
      %squeeze3A_456 = vector.extract %slice3A_455[0] : i32 from vector<1xi32>
      %multiple_of3A_457 = tpu.assume_multiple %squeeze3A_456, 128 : i32
      %dma_start3A_458 = arith.constant 13 : i32
      %dma_start3A_459 = arith.constant 0 : i32
      %dma_start3A_460 = arith.constant 0 : i32
      %dma_start3A_461 = tpu.memref_slice %arg12[%dma_start3A_458, %dma_start3A_459, %dma_start3A_460] : memref<16x16x128xf32, #tpu.memory_space<vmem>> -> memref<1x16x128xf32, #tpu.memory_space<vmem>>
      %dma_start3A_462 = tpu.memref_squeeze %dma_start3A_461 : memref<1x16x128xf32, #tpu.memory_space<vmem>> -> memref<16x128xf32, #tpu.memory_space<vmem>>
      %dma_start3A_463 = arith.constant 0 : i32
      %dma_start3A_464 = tpu.memref_slice %arg2[%dma_start3A_463, %multiple_of3A_454] : memref<16x1000001xf32, #tpu.memory_space<hbm>> -> memref<16x128xf32, #tpu.memory_space<hbm>>
      %dma_start3A_465 = arith.constant 0 : i32
      %dma_start3A_466 = arith.constant 0 : i32
      %dma_start3A_467 = tpu.memref_slice %arg12[%dma_start3A_458, %dma_start3A_465, %dma_start3A_466] : memref<16x16x128xf32, #tpu.memory_space<vmem>> -> memref<1x16x128xf32, #tpu.memory_space<vmem>>
      %dma_start3A_468 = tpu.memref_squeeze %dma_start3A_467 : memref<1x16x128xf32, #tpu.memory_space<vmem>> -> memref<16x128xf32, #tpu.memory_space<vmem>>
      %dma_start3A_469 = arith.constant 0 : i32
      %dma_start3A_470 = tpu.memref_slice %arg2[%dma_start3A_469, %multiple_of3A_454] : memref<16x1000001xf32, #tpu.memory_space<hbm>> -> memref<16x128xf32, #tpu.memory_space<hbm>>
      tpu.enqueue_dma source(%dma_start3A_470 : memref<16x128xf32, #tpu.memory_space<hbm>>) target(%dma_start3A_468 : memref<16x128xf32, #tpu.memory_space<vmem>>) target_semaphore(%arg18 : memref<!tpu.dma_semaphore, #tpu.memory_space<semaphore_mem>>)
      %dma_start3A_471 = arith.constant 13 : i32
      %dma_start3A_472 = arith.constant 0 : i32
      %dma_start3A_473 = arith.constant 0 : i32
      %dma_start3A_474 = tpu.memref_slice %arg13[%dma_start3A_471, %dma_start3A_472, %dma_start3A_473] : memref<16x16x128xf32, #tpu.memory_space<vmem>> -> memref<1x16x128xf32, #tpu.memory_space<vmem>>
      %dma_start3A_475 = tpu.memref_squeeze %dma_start3A_474 : memref<1x16x128xf32, #tpu.memory_space<vmem>> -> memref<16x128xf32, #tpu.memory_space<vmem>>
      %dma_start3A_476 = arith.constant 0 : i32
      %dma_start3A_477 = tpu.memref_slice %arg3[%dma_start3A_476, %multiple_of3A_457] : memref<16x1000000xf32, #tpu.memory_space<hbm>> -> memref<16x128xf32, #tpu.memory_space<hbm>>
      %dma_start3A_478 = arith.constant 0 : i32
      %dma_start3A_479 = arith.constant 0 : i32
      %dma_start3A_480 = tpu.memref_slice %arg13[%dma_start3A_471, %dma_start3A_478, %dma_start3A_479] : memref<16x16x128xf32, #tpu.memory_space<vmem>> -> memref<1x16x128xf32, #tpu.memory_space<vmem>>
      %dma_start3A_481 = tpu.memref_squeeze %dma_start3A_480 : memref<1x16x128xf32, #tpu.memory_space<vmem>> -> memref<16x128xf32, #tpu.memory_space<vmem>>
      %dma_start3A_482 = arith.constant 0 : i32
      %dma_start3A_483 = tpu.memref_slice %arg3[%dma_start3A_482, %multiple_of3A_457] : memref<16x1000000xf32, #tpu.memory_space<hbm>> -> memref<16x128xf32, #tpu.memory_space<hbm>>
      tpu.enqueue_dma source(%dma_start3A_483 : memref<16x128xf32, #tpu.memory_space<hbm>>) target(%dma_start3A_481 : memref<16x128xf32, #tpu.memory_space<vmem>>) target_semaphore(%arg18 : memref<!tpu.dma_semaphore, #tpu.memory_space<semaphore_mem>>)
      %slice3A_484 = vector.extract_strided_slice %mul3A_32 {offsets = [14], sizes = [1], strides = [1]} : vector<16xi32> to vector<1xi32>
      %squeeze3A_485 = vector.extract %slice3A_484[0] : i32 from vector<1xi32>
      %multiple_of3A_486 = tpu.assume_multiple %squeeze3A_485, 128 : i32
      %slice3A_487 = vector.extract_strided_slice %mul3A_38 {offsets = [14], sizes = [1], strides = [1]} : vector<16xi32> to vector<1xi32>
      %squeeze3A_488 = vector.extract %slice3A_487[0] : i32 from vector<1xi32>
      %multiple_of3A_489 = tpu.assume_multiple %squeeze3A_488, 128 : i32
      %dma_start3A_490 = arith.constant 14 : i32
      %dma_start3A_491 = arith.constant 0 : i32
      %dma_start3A_492 = arith.constant 0 : i32
      %dma_start3A_493 = tpu.memref_slice %arg12[%dma_start3A_490, %dma_start3A_491, %dma_start3A_492] : memref<16x16x128xf32, #tpu.memory_space<vmem>> -> memref<1x16x128xf32, #tpu.memory_space<vmem>>
      %dma_start3A_494 = tpu.memref_squeeze %dma_start3A_493 : memref<1x16x128xf32, #tpu.memory_space<vmem>> -> memref<16x128xf32, #tpu.memory_space<vmem>>
      %dma_start3A_495 = arith.constant 0 : i32
      %dma_start3A_496 = tpu.memref_slice %arg2[%dma_start3A_495, %multiple_of3A_486] : memref<16x1000001xf32, #tpu.memory_space<hbm>> -> memref<16x128xf32, #tpu.memory_space<hbm>>
      %dma_start3A_497 = arith.constant 0 : i32
      %dma_start3A_498 = arith.constant 0 : i32
      %dma_start3A_499 = tpu.memref_slice %arg12[%dma_start3A_490, %dma_start3A_497, %dma_start3A_498] : memref<16x16x128xf32, #tpu.memory_space<vmem>> -> memref<1x16x128xf32, #tpu.memory_space<vmem>>
      %dma_start3A_500 = tpu.memref_squeeze %dma_start3A_499 : memref<1x16x128xf32, #tpu.memory_space<vmem>> -> memref<16x128xf32, #tpu.memory_space<vmem>>
      %dma_start3A_501 = arith.constant 0 : i32
      %dma_start3A_502 = tpu.memref_slice %arg2[%dma_start3A_501, %multiple_of3A_486] : memref<16x1000001xf32, #tpu.memory_space<hbm>> -> memref<16x128xf32, #tpu.memory_space<hbm>>
      tpu.enqueue_dma source(%dma_start3A_502 : memref<16x128xf32, #tpu.memory_space<hbm>>) target(%dma_start3A_500 : memref<16x128xf32, #tpu.memory_space<vmem>>) target_semaphore(%arg18 : memref<!tpu.dma_semaphore, #tpu.memory_space<semaphore_mem>>)
      %dma_start3A_503 = arith.constant 14 : i32
      %dma_start3A_504 = arith.constant 0 : i32
      %dma_start3A_505 = arith.constant 0 : i32
      %dma_start3A_506 = tpu.memref_slice %arg13[%dma_start3A_503, %dma_start3A_504, %dma_start3A_505] : memref<16x16x128xf32, #tpu.memory_space<vmem>> -> memref<1x16x128xf32, #tpu.memory_space<vmem>>
      %dma_start3A_507 = tpu.memref_squeeze %dma_start3A_506 : memref<1x16x128xf32, #tpu.memory_space<vmem>> -> memref<16x128xf32, #tpu.memory_space<vmem>>
      %dma_start3A_508 = arith.constant 0 : i32
      %dma_start3A_509 = tpu.memref_slice %arg3[%dma_start3A_508, %multiple_of3A_489] : memref<16x1000000xf32, #tpu.memory_space<hbm>> -> memref<16x128xf32, #tpu.memory_space<hbm>>
      %dma_start3A_510 = arith.constant 0 : i32
      %dma_start3A_511 = arith.constant 0 : i32
      %dma_start3A_512 = tpu.memref_slice %arg13[%dma_start3A_503, %dma_start3A_510, %dma_start3A_511] : memref<16x16x128xf32, #tpu.memory_space<vmem>> -> memref<1x16x128xf32, #tpu.memory_space<vmem>>
      %dma_start3A_513 = tpu.memref_squeeze %dma_start3A_512 : memref<1x16x128xf32, #tpu.memory_space<vmem>> -> memref<16x128xf32, #tpu.memory_space<vmem>>
      %dma_start3A_514 = arith.constant 0 : i32
      %dma_start3A_515 = tpu.memref_slice %arg3[%dma_start3A_514, %multiple_of3A_489] : memref<16x1000000xf32, #tpu.memory_space<hbm>> -> memref<16x128xf32, #tpu.memory_space<hbm>>
      tpu.enqueue_dma source(%dma_start3A_515 : memref<16x128xf32, #tpu.memory_space<hbm>>) target(%dma_start3A_513 : memref<16x128xf32, #tpu.memory_space<vmem>>) target_semaphore(%arg18 : memref<!tpu.dma_semaphore, #tpu.memory_space<semaphore_mem>>)
      %slice3A_516 = vector.extract_strided_slice %mul3A_32 {offsets = [15], sizes = [1], strides = [1]} : vector<16xi32> to vector<1xi32>
      %squeeze3A_517 = vector.extract %slice3A_516[0] : i32 from vector<1xi32>
      %multiple_of3A_518 = tpu.assume_multiple %squeeze3A_517, 128 : i32
      %slice3A_519 = vector.extract_strided_slice %mul3A_38 {offsets = [15], sizes = [1], strides = [1]} : vector<16xi32> to vector<1xi32>
      %squeeze3A_520 = vector.extract %slice3A_519[0] : i32 from vector<1xi32>
      %multiple_of3A_521 = tpu.assume_multiple %squeeze3A_520, 128 : i32
      %dma_start3A_522 = arith.constant 15 : i32
      %dma_start3A_523 = arith.constant 0 : i32
      %dma_start3A_524 = arith.constant 0 : i32
      %dma_start3A_525 = tpu.memref_slice %arg12[%dma_start3A_522, %dma_start3A_523, %dma_start3A_524] : memref<16x16x128xf32, #tpu.memory_space<vmem>> -> memref<1x16x128xf32, #tpu.memory_space<vmem>>
      %dma_start3A_526 = tpu.memref_squeeze %dma_start3A_525 : memref<1x16x128xf32, #tpu.memory_space<vmem>> -> memref<16x128xf32, #tpu.memory_space<vmem>>
      %dma_start3A_527 = arith.constant 0 : i32
      %dma_start3A_528 = tpu.memref_slice %arg2[%dma_start3A_527, %multiple_of3A_518] : memref<16x1000001xf32, #tpu.memory_space<hbm>> -> memref<16x128xf32, #tpu.memory_space<hbm>>
      %dma_start3A_529 = arith.constant 0 : i32
      %dma_start3A_530 = arith.constant 0 : i32
      %dma_start3A_531 = tpu.memref_slice %arg12[%dma_start3A_522, %dma_start3A_529, %dma_start3A_530] : memref<16x16x128xf32, #tpu.memory_space<vmem>> -> memref<1x16x128xf32, #tpu.memory_space<vmem>>
      %dma_start3A_532 = tpu.memref_squeeze %dma_start3A_531 : memref<1x16x128xf32, #tpu.memory_space<vmem>> -> memref<16x128xf32, #tpu.memory_space<vmem>>
      %dma_start3A_533 = arith.constant 0 : i32
      %dma_start3A_534 = tpu.memref_slice %arg2[%dma_start3A_533, %multiple_of3A_518] : memref<16x1000001xf32, #tpu.memory_space<hbm>> -> memref<16x128xf32, #tpu.memory_space<hbm>>
      tpu.enqueue_dma source(%dma_start3A_534 : memref<16x128xf32, #tpu.memory_space<hbm>>) target(%dma_start3A_532 : memref<16x128xf32, #tpu.memory_space<vmem>>) target_semaphore(%arg18 : memref<!tpu.dma_semaphore, #tpu.memory_space<semaphore_mem>>)
      %dma_start3A_535 = arith.constant 15 : i32
      %dma_start3A_536 = arith.constant 0 : i32
      %dma_start3A_537 = arith.constant 0 : i32
      %dma_start3A_538 = tpu.memref_slice %arg13[%dma_start3A_535, %dma_start3A_536, %dma_start3A_537] : memref<16x16x128xf32, #tpu.memory_space<vmem>> -> memref<1x16x128xf32, #tpu.memory_space<vmem>>
      %dma_start3A_539 = tpu.memref_squeeze %dma_start3A_538 : memref<1x16x128xf32, #tpu.memory_space<vmem>> -> memref<16x128xf32, #tpu.memory_space<vmem>>
      %dma_start3A_540 = arith.constant 0 : i32
      %dma_start3A_541 = tpu.memref_slice %arg3[%dma_start3A_540, %multiple_of3A_521] : memref<16x1000000xf32, #tpu.memory_space<hbm>> -> memref<16x128xf32, #tpu.memory_space<hbm>>
      %dma_start3A_542 = arith.constant 0 : i32
      %dma_start3A_543 = arith.constant 0 : i32
      %dma_start3A_544 = tpu.memref_slice %arg13[%dma_start3A_535, %dma_start3A_542, %dma_start3A_543] : memref<16x16x128xf32, #tpu.memory_space<vmem>> -> memref<1x16x128xf32, #tpu.memory_space<vmem>>
      %dma_start3A_545 = tpu.memref_squeeze %dma_start3A_544 : memref<1x16x128xf32, #tpu.memory_space<vmem>> -> memref<16x128xf32, #tpu.memory_space<vmem>>
      %dma_start3A_546 = arith.constant 0 : i32
      %dma_start3A_547 = tpu.memref_slice %arg3[%dma_start3A_546, %multiple_of3A_521] : memref<16x1000000xf32, #tpu.memory_space<hbm>> -> memref<16x128xf32, #tpu.memory_space<hbm>>
      tpu.enqueue_dma source(%dma_start3A_547 : memref<16x128xf32, #tpu.memory_space<hbm>>) target(%dma_start3A_545 : memref<16x128xf32, #tpu.memory_space<vmem>>) target_semaphore(%arg18 : memref<!tpu.dma_semaphore, #tpu.memory_space<semaphore_mem>>)
      %dma_wait3A_548 = arith.constant 0 : i32
      %dma_wait3A_549 = arith.constant 0 : i32
      %dma_wait3A_550 = arith.constant 0 : i32
      %dma_wait3A_551 = tpu.memref_slice %arg12[%dma_wait3A_548, %dma_wait3A_549, %dma_wait3A_550] : memref<16x16x128xf32, #tpu.memory_space<vmem>> -> memref<1x16x128xf32, #tpu.memory_space<vmem>>
      %dma_wait3A_552 = tpu.memref_squeeze %dma_wait3A_551 : memref<1x16x128xf32, #tpu.memory_space<vmem>> -> memref<16x128xf32, #tpu.memory_space<vmem>>
      %dma_wait3A_553 = arith.constant 0 : i32
      %dma_wait3A_554 = tpu.memref_slice %arg2[%dma_wait3A_553, %multiple_of3A] : memref<16x1000001xf32, #tpu.memory_space<hbm>> -> memref<16x128xf32, #tpu.memory_space<hbm>>
      %dma_wait3A_555 = arith.constant 0 : i32
      %dma_wait3A_556 = arith.constant 0 : i32
      %dma_wait3A_557 = tpu.memref_slice %arg12[%dma_wait3A_548, %dma_wait3A_555, %dma_wait3A_556] : memref<16x16x128xf32, #tpu.memory_space<vmem>> -> memref<1x16x128xf32, #tpu.memory_space<vmem>>
      %dma_wait3A_558 = tpu.memref_squeeze %dma_wait3A_557 : memref<1x16x128xf32, #tpu.memory_space<vmem>> -> memref<16x128xf32, #tpu.memory_space<vmem>>
      %dma_wait3A_559 = arith.constant 0 : i32
      %dma_wait3A_560 = tpu.memref_slice %arg2[%dma_wait3A_559, %multiple_of3A] : memref<16x1000001xf32, #tpu.memory_space<hbm>> -> memref<16x128xf32, #tpu.memory_space<hbm>>
      tpu.wait_dma2 semaphore(%arg18 : memref<!tpu.dma_semaphore, #tpu.memory_space<semaphore_mem>>) src(%dma_wait3A_560 : memref<16x128xf32, #tpu.memory_space<hbm>>) dst(%dma_wait3A_558 : memref<16x128xf32, #tpu.memory_space<vmem>>)
      %dma_wait3A_561 = arith.constant 0 : i32
      %dma_wait3A_562 = arith.constant 0 : i32
      %dma_wait3A_563 = arith.constant 0 : i32
      %dma_wait3A_564 = tpu.memref_slice %arg13[%dma_wait3A_561, %dma_wait3A_562, %dma_wait3A_563] : memref<16x16x128xf32, #tpu.memory_space<vmem>> -> memref<1x16x128xf32, #tpu.memory_space<vmem>>
      %dma_wait3A_565 = tpu.memref_squeeze %dma_wait3A_564 : memref<1x16x128xf32, #tpu.memory_space<vmem>> -> memref<16x128xf32, #tpu.memory_space<vmem>>
      %dma_wait3A_566 = arith.constant 0 : i32
      %dma_wait3A_567 = tpu.memref_slice %arg3[%dma_wait3A_566, %multiple_of3A_41] : memref<16x1000000xf32, #tpu.memory_space<hbm>> -> memref<16x128xf32, #tpu.memory_space<hbm>>
      %dma_wait3A_568 = arith.constant 0 : i32
      %dma_wait3A_569 = arith.constant 0 : i32
      %dma_wait3A_570 = tpu.memref_slice %arg13[%dma_wait3A_561, %dma_wait3A_568, %dma_wait3A_569] : memref<16x16x128xf32, #tpu.memory_space<vmem>> -> memref<1x16x128xf32, #tpu.memory_space<vmem>>
      %dma_wait3A_571 = tpu.memref_squeeze %dma_wait3A_570 : memref<1x16x128xf32, #tpu.memory_space<vmem>> -> memref<16x128xf32, #tpu.memory_space<vmem>>
      %dma_wait3A_572 = arith.constant 0 : i32
      %dma_wait3A_573 = tpu.memref_slice %arg3[%dma_wait3A_572, %multiple_of3A_41] : memref<16x1000000xf32, #tpu.memory_space<hbm>> -> memref<16x128xf32, #tpu.memory_space<hbm>>
      tpu.wait_dma2 semaphore(%arg18 : memref<!tpu.dma_semaphore, #tpu.memory_space<semaphore_mem>>) src(%dma_wait3A_573 : memref<16x128xf32, #tpu.memory_space<hbm>>) dst(%dma_wait3A_571 : memref<16x128xf32, #tpu.memory_space<vmem>>)
      %dma_wait3A_574 = arith.constant 1 : i32
      %dma_wait3A_575 = arith.constant 0 : i32
      %dma_wait3A_576 = arith.constant 0 : i32
      %dma_wait3A_577 = tpu.memref_slice %arg12[%dma_wait3A_574, %dma_wait3A_575, %dma_wait3A_576] : memref<16x16x128xf32, #tpu.memory_space<vmem>> -> memref<1x16x128xf32, #tpu.memory_space<vmem>>
      %dma_wait3A_578 = tpu.memref_squeeze %dma_wait3A_577 : memref<1x16x128xf32, #tpu.memory_space<vmem>> -> memref<16x128xf32, #tpu.memory_space<vmem>>
      %dma_wait3A_579 = arith.constant 0 : i32
      %dma_wait3A_580 = tpu.memref_slice %arg2[%dma_wait3A_579, %multiple_of3A_70] : memref<16x1000001xf32, #tpu.memory_space<hbm>> -> memref<16x128xf32, #tpu.memory_space<hbm>>
      %dma_wait3A_581 = arith.constant 0 : i32
      %dma_wait3A_582 = arith.constant 0 : i32
      %dma_wait3A_583 = tpu.memref_slice %arg12[%dma_wait3A_574, %dma_wait3A_581, %dma_wait3A_582] : memref<16x16x128xf32, #tpu.memory_space<vmem>> -> memref<1x16x128xf32, #tpu.memory_space<vmem>>
      %dma_wait3A_584 = tpu.memref_squeeze %dma_wait3A_583 : memref<1x16x128xf32, #tpu.memory_space<vmem>> -> memref<16x128xf32, #tpu.memory_space<vmem>>
      %dma_wait3A_585 = arith.constant 0 : i32
      %dma_wait3A_586 = tpu.memref_slice %arg2[%dma_wait3A_585, %multiple_of3A_70] : memref<16x1000001xf32, #tpu.memory_space<hbm>> -> memref<16x128xf32, #tpu.memory_space<hbm>>
      tpu.wait_dma2 semaphore(%arg18 : memref<!tpu.dma_semaphore, #tpu.memory_space<semaphore_mem>>) src(%dma_wait3A_586 : memref<16x128xf32, #tpu.memory_space<hbm>>) dst(%dma_wait3A_584 : memref<16x128xf32, #tpu.memory_space<vmem>>)
      %dma_wait3A_587 = arith.constant 1 : i32
      %dma_wait3A_588 = arith.constant 0 : i32
      %dma_wait3A_589 = arith.constant 0 : i32
      %dma_wait3A_590 = tpu.memref_slice %arg13[%dma_wait3A_587, %dma_wait3A_588, %dma_wait3A_589] : memref<16x16x128xf32, #tpu.memory_space<vmem>> -> memref<1x16x128xf32, #tpu.memory_space<vmem>>
      %dma_wait3A_591 = tpu.memref_squeeze %dma_wait3A_590 : memref<1x16x128xf32, #tpu.memory_space<vmem>> -> memref<16x128xf32, #tpu.memory_space<vmem>>
      %dma_wait3A_592 = arith.constant 0 : i32
      %dma_wait3A_593 = tpu.memref_slice %arg3[%dma_wait3A_592, %multiple_of3A_73] : memref<16x1000000xf32, #tpu.memory_space<hbm>> -> memref<16x128xf32, #tpu.memory_space<hbm>>
      %dma_wait3A_594 = arith.constant 0 : i32
      %dma_wait3A_595 = arith.constant 0 : i32
      %dma_wait3A_596 = tpu.memref_slice %arg13[%dma_wait3A_587, %dma_wait3A_594, %dma_wait3A_595] : memref<16x16x128xf32, #tpu.memory_space<vmem>> -> memref<1x16x128xf32, #tpu.memory_space<vmem>>
      %dma_wait3A_597 = tpu.memref_squeeze %dma_wait3A_596 : memref<1x16x128xf32, #tpu.memory_space<vmem>> -> memref<16x128xf32, #tpu.memory_space<vmem>>
      %dma_wait3A_598 = arith.constant 0 : i32
      %dma_wait3A_599 = tpu.memref_slice %arg3[%dma_wait3A_598, %multiple_of3A_73] : memref<16x1000000xf32, #tpu.memory_space<hbm>> -> memref<16x128xf32, #tpu.memory_space<hbm>>
      tpu.wait_dma2 semaphore(%arg18 : memref<!tpu.dma_semaphore, #tpu.memory_space<semaphore_mem>>) src(%dma_wait3A_599 : memref<16x128xf32, #tpu.memory_space<hbm>>) dst(%dma_wait3A_597 : memref<16x128xf32, #tpu.memory_space<vmem>>)
      %dma_wait3A_600 = arith.constant 2 : i32
      %dma_wait3A_601 = arith.constant 0 : i32
      %dma_wait3A_602 = arith.constant 0 : i32
      %dma_wait3A_603 = tpu.memref_slice %arg12[%dma_wait3A_600, %dma_wait3A_601, %dma_wait3A_602] : memref<16x16x128xf32, #tpu.memory_space<vmem>> -> memref<1x16x128xf32, #tpu.memory_space<vmem>>
      %dma_wait3A_604 = tpu.memref_squeeze %dma_wait3A_603 : memref<1x16x128xf32, #tpu.memory_space<vmem>> -> memref<16x128xf32, #tpu.memory_space<vmem>>
      %dma_wait3A_605 = arith.constant 0 : i32
      %dma_wait3A_606 = tpu.memref_slice %arg2[%dma_wait3A_605, %multiple_of3A_102] : memref<16x1000001xf32, #tpu.memory_space<hbm>> -> memref<16x128xf32, #tpu.memory_space<hbm>>
      %dma_wait3A_607 = arith.constant 0 : i32
      %dma_wait3A_608 = arith.constant 0 : i32
      %dma_wait3A_609 = tpu.memref_slice %arg12[%dma_wait3A_600, %dma_wait3A_607, %dma_wait3A_608] : memref<16x16x128xf32, #tpu.memory_space<vmem>> -> memref<1x16x128xf32, #tpu.memory_space<vmem>>
      %dma_wait3A_610 = tpu.memref_squeeze %dma_wait3A_609 : memref<1x16x128xf32, #tpu.memory_space<vmem>> -> memref<16x128xf32, #tpu.memory_space<vmem>>
      %dma_wait3A_611 = arith.constant 0 : i32
      %dma_wait3A_612 = tpu.memref_slice %arg2[%dma_wait3A_611, %multiple_of3A_102] : memref<16x1000001xf32, #tpu.memory_space<hbm>> -> memref<16x128xf32, #tpu.memory_space<hbm>>
      tpu.wait_dma2 semaphore(%arg18 : memref<!tpu.dma_semaphore, #tpu.memory_space<semaphore_mem>>) src(%dma_wait3A_612 : memref<16x128xf32, #tpu.memory_space<hbm>>) dst(%dma_wait3A_610 : memref<16x128xf32, #tpu.memory_space<vmem>>)
      %dma_wait3A_613 = arith.constant 2 : i32
      %dma_wait3A_614 = arith.constant 0 : i32
      %dma_wait3A_615 = arith.constant 0 : i32
      %dma_wait3A_616 = tpu.memref_slice %arg13[%dma_wait3A_613, %dma_wait3A_614, %dma_wait3A_615] : memref<16x16x128xf32, #tpu.memory_space<vmem>> -> memref<1x16x128xf32, #tpu.memory_space<vmem>>
      %dma_wait3A_617 = tpu.memref_squeeze %dma_wait3A_616 : memref<1x16x128xf32, #tpu.memory_space<vmem>> -> memref<16x128xf32, #tpu.memory_space<vmem>>
      %dma_wait3A_618 = arith.constant 0 : i32
      %dma_wait3A_619 = tpu.memref_slice %arg3[%dma_wait3A_618, %multiple_of3A_105] : memref<16x1000000xf32, #tpu.memory_space<hbm>> -> memref<16x128xf32, #tpu.memory_space<hbm>>
      %dma_wait3A_620 = arith.constant 0 : i32
      %dma_wait3A_621 = arith.constant 0 : i32
      %dma_wait3A_622 = tpu.memref_slice %arg13[%dma_wait3A_613, %dma_wait3A_620, %dma_wait3A_621] : memref<16x16x128xf32, #tpu.memory_space<vmem>> -> memref<1x16x128xf32, #tpu.memory_space<vmem>>
      %dma_wait3A_623 = tpu.memref_squeeze %dma_wait3A_622 : memref<1x16x128xf32, #tpu.memory_space<vmem>> -> memref<16x128xf32, #tpu.memory_space<vmem>>
      %dma_wait3A_624 = arith.constant 0 : i32
      %dma_wait3A_625 = tpu.memref_slice %arg3[%dma_wait3A_624, %multiple_of3A_105] : memref<16x1000000xf32, #tpu.memory_space<hbm>> -> memref<16x128xf32, #tpu.memory_space<hbm>>
      tpu.wait_dma2 semaphore(%arg18 : memref<!tpu.dma_semaphore, #tpu.memory_space<semaphore_mem>>) src(%dma_wait3A_625 : memref<16x128xf32, #tpu.memory_space<hbm>>) dst(%dma_wait3A_623 : memref<16x128xf32, #tpu.memory_space<vmem>>)
      %dma_wait3A_626 = arith.constant 3 : i32
      %dma_wait3A_627 = arith.constant 0 : i32
      %dma_wait3A_628 = arith.constant 0 : i32
      %dma_wait3A_629 = tpu.memref_slice %arg12[%dma_wait3A_626, %dma_wait3A_627, %dma_wait3A_628] : memref<16x16x128xf32, #tpu.memory_space<vmem>> -> memref<1x16x128xf32, #tpu.memory_space<vmem>>
      %dma_wait3A_630 = tpu.memref_squeeze %dma_wait3A_629 : memref<1x16x128xf32, #tpu.memory_space<vmem>> -> memref<16x128xf32, #tpu.memory_space<vmem>>
      %dma_wait3A_631 = arith.constant 0 : i32
      %dma_wait3A_632 = tpu.memref_slice %arg2[%dma_wait3A_631, %multiple_of3A_134] : memref<16x1000001xf32, #tpu.memory_space<hbm>> -> memref<16x128xf32, #tpu.memory_space<hbm>>
      %dma_wait3A_633 = arith.constant 0 : i32
      %dma_wait3A_634 = arith.constant 0 : i32
      %dma_wait3A_635 = tpu.memref_slice %arg12[%dma_wait3A_626, %dma_wait3A_633, %dma_wait3A_634] : memref<16x16x128xf32, #tpu.memory_space<vmem>> -> memref<1x16x128xf32, #tpu.memory_space<vmem>>
      %dma_wait3A_636 = tpu.memref_squeeze %dma_wait3A_635 : memref<1x16x128xf32, #tpu.memory_space<vmem>> -> memref<16x128xf32, #tpu.memory_space<vmem>>
      %dma_wait3A_637 = arith.constant 0 : i32
      %dma_wait3A_638 = tpu.memref_slice %arg2[%dma_wait3A_637, %multiple_of3A_134] : memref<16x1000001xf32, #tpu.memory_space<hbm>> -> memref<16x128xf32, #tpu.memory_space<hbm>>
      tpu.wait_dma2 semaphore(%arg18 : memref<!tpu.dma_semaphore, #tpu.memory_space<semaphore_mem>>) src(%dma_wait3A_638 : memref<16x128xf32, #tpu.memory_space<hbm>>) dst(%dma_wait3A_636 : memref<16x128xf32, #tpu.memory_space<vmem>>)
      %dma_wait3A_639 = arith.constant 3 : i32
      %dma_wait3A_640 = arith.constant 0 : i32
      %dma_wait3A_641 = arith.constant 0 : i32
      %dma_wait3A_642 = tpu.memref_slice %arg13[%dma_wait3A_639, %dma_wait3A_640, %dma_wait3A_641] : memref<16x16x128xf32, #tpu.memory_space<vmem>> -> memref<1x16x128xf32, #tpu.memory_space<vmem>>
      %dma_wait3A_643 = tpu.memref_squeeze %dma_wait3A_642 : memref<1x16x128xf32, #tpu.memory_space<vmem>> -> memref<16x128xf32, #tpu.memory_space<vmem>>
      %dma_wait3A_644 = arith.constant 0 : i32
      %dma_wait3A_645 = tpu.memref_slice %arg3[%dma_wait3A_644, %multiple_of3A_137] : memref<16x1000000xf32, #tpu.memory_space<hbm>> -> memref<16x128xf32, #tpu.memory_space<hbm>>
      %dma_wait3A_646 = arith.constant 0 : i32
      %dma_wait3A_647 = arith.constant 0 : i32
      %dma_wait3A_648 = tpu.memref_slice %arg13[%dma_wait3A_639, %dma_wait3A_646, %dma_wait3A_647] : memref<16x16x128xf32, #tpu.memory_space<vmem>> -> memref<1x16x128xf32, #tpu.memory_space<vmem>>
      %dma_wait3A_649 = tpu.memref_squeeze %dma_wait3A_648 : memref<1x16x128xf32, #tpu.memory_space<vmem>> -> memref<16x128xf32, #tpu.memory_space<vmem>>
      %dma_wait3A_650 = arith.constant 0 : i32
      %dma_wait3A_651 = tpu.memref_slice %arg3[%dma_wait3A_650, %multiple_of3A_137] : memref<16x1000000xf32, #tpu.memory_space<hbm>> -> memref<16x128xf32, #tpu.memory_space<hbm>>
      tpu.wait_dma2 semaphore(%arg18 : memref<!tpu.dma_semaphore, #tpu.memory_space<semaphore_mem>>) src(%dma_wait3A_651 : memref<16x128xf32, #tpu.memory_space<hbm>>) dst(%dma_wait3A_649 : memref<16x128xf32, #tpu.memory_space<vmem>>)
      %dma_wait3A_652 = arith.constant 4 : i32
      %dma_wait3A_653 = arith.constant 0 : i32
      %dma_wait3A_654 = arith.constant 0 : i32
      %dma_wait3A_655 = tpu.memref_slice %arg12[%dma_wait3A_652, %dma_wait3A_653, %dma_wait3A_654] : memref<16x16x128xf32, #tpu.memory_space<vmem>> -> memref<1x16x128xf32, #tpu.memory_space<vmem>>
      %dma_wait3A_656 = tpu.memref_squeeze %dma_wait3A_655 : memref<1x16x128xf32, #tpu.memory_space<vmem>> -> memref<16x128xf32, #tpu.memory_space<vmem>>
      %dma_wait3A_657 = arith.constant 0 : i32
      %dma_wait3A_658 = tpu.memref_slice %arg2[%dma_wait3A_657, %multiple_of3A_166] : memref<16x1000001xf32, #tpu.memory_space<hbm>> -> memref<16x128xf32, #tpu.memory_space<hbm>>
      %dma_wait3A_659 = arith.constant 0 : i32
      %dma_wait3A_660 = arith.constant 0 : i32
      %dma_wait3A_661 = tpu.memref_slice %arg12[%dma_wait3A_652, %dma_wait3A_659, %dma_wait3A_660] : memref<16x16x128xf32, #tpu.memory_space<vmem>> -> memref<1x16x128xf32, #tpu.memory_space<vmem>>
      %dma_wait3A_662 = tpu.memref_squeeze %dma_wait3A_661 : memref<1x16x128xf32, #tpu.memory_space<vmem>> -> memref<16x128xf32, #tpu.memory_space<vmem>>
      %dma_wait3A_663 = arith.constant 0 : i32
      %dma_wait3A_664 = tpu.memref_slice %arg2[%dma_wait3A_663, %multiple_of3A_166] : memref<16x1000001xf32, #tpu.memory_space<hbm>> -> memref<16x128xf32, #tpu.memory_space<hbm>>
      tpu.wait_dma2 semaphore(%arg18 : memref<!tpu.dma_semaphore, #tpu.memory_space<semaphore_mem>>) src(%dma_wait3A_664 : memref<16x128xf32, #tpu.memory_space<hbm>>) dst(%dma_wait3A_662 : memref<16x128xf32, #tpu.memory_space<vmem>>)
      %dma_wait3A_665 = arith.constant 4 : i32
      %dma_wait3A_666 = arith.constant 0 : i32
      %dma_wait3A_667 = arith.constant 0 : i32
      %dma_wait3A_668 = tpu.memref_slice %arg13[%dma_wait3A_665, %dma_wait3A_666, %dma_wait3A_667] : memref<16x16x128xf32, #tpu.memory_space<vmem>> -> memref<1x16x128xf32, #tpu.memory_space<vmem>>
      %dma_wait3A_669 = tpu.memref_squeeze %dma_wait3A_668 : memref<1x16x128xf32, #tpu.memory_space<vmem>> -> memref<16x128xf32, #tpu.memory_space<vmem>>
      %dma_wait3A_670 = arith.constant 0 : i32
      %dma_wait3A_671 = tpu.memref_slice %arg3[%dma_wait3A_670, %multiple_of3A_169] : memref<16x1000000xf32, #tpu.memory_space<hbm>> -> memref<16x128xf32, #tpu.memory_space<hbm>>
      %dma_wait3A_672 = arith.constant 0 : i32
      %dma_wait3A_673 = arith.constant 0 : i32
      %dma_wait3A_674 = tpu.memref_slice %arg13[%dma_wait3A_665, %dma_wait3A_672, %dma_wait3A_673] : memref<16x16x128xf32, #tpu.memory_space<vmem>> -> memref<1x16x128xf32, #tpu.memory_space<vmem>>
      %dma_wait3A_675 = tpu.memref_squeeze %dma_wait3A_674 : memref<1x16x128xf32, #tpu.memory_space<vmem>> -> memref<16x128xf32, #tpu.memory_space<vmem>>
      %dma_wait3A_676 = arith.constant 0 : i32
      %dma_wait3A_677 = tpu.memref_slice %arg3[%dma_wait3A_676, %multiple_of3A_169] : memref<16x1000000xf32, #tpu.memory_space<hbm>> -> memref<16x128xf32, #tpu.memory_space<hbm>>
      tpu.wait_dma2 semaphore(%arg18 : memref<!tpu.dma_semaphore, #tpu.memory_space<semaphore_mem>>) src(%dma_wait3A_677 : memref<16x128xf32, #tpu.memory_space<hbm>>) dst(%dma_wait3A_675 : memref<16x128xf32, #tpu.memory_space<vmem>>)
      %dma_wait3A_678 = arith.constant 5 : i32
      %dma_wait3A_679 = arith.constant 0 : i32
      %dma_wait3A_680 = arith.constant 0 : i32
      %dma_wait3A_681 = tpu.memref_slice %arg12[%dma_wait3A_678, %dma_wait3A_679, %dma_wait3A_680] : memref<16x16x128xf32, #tpu.memory_space<vmem>> -> memref<1x16x128xf32, #tpu.memory_space<vmem>>
      %dma_wait3A_682 = tpu.memref_squeeze %dma_wait3A_681 : memref<1x16x128xf32, #tpu.memory_space<vmem>> -> memref<16x128xf32, #tpu.memory_space<vmem>>
      %dma_wait3A_683 = arith.constant 0 : i32
      %dma_wait3A_684 = tpu.memref_slice %arg2[%dma_wait3A_683, %multiple_of3A_198] : memref<16x1000001xf32, #tpu.memory_space<hbm>> -> memref<16x128xf32, #tpu.memory_space<hbm>>
      %dma_wait3A_685 = arith.constant 0 : i32
      %dma_wait3A_686 = arith.constant 0 : i32
      %dma_wait3A_687 = tpu.memref_slice %arg12[%dma_wait3A_678, %dma_wait3A_685, %dma_wait3A_686] : memref<16x16x128xf32, #tpu.memory_space<vmem>> -> memref<1x16x128xf32, #tpu.memory_space<vmem>>
      %dma_wait3A_688 = tpu.memref_squeeze %dma_wait3A_687 : memref<1x16x128xf32, #tpu.memory_space<vmem>> -> memref<16x128xf32, #tpu.memory_space<vmem>>
      %dma_wait3A_689 = arith.constant 0 : i32
      %dma_wait3A_690 = tpu.memref_slice %arg2[%dma_wait3A_689, %multiple_of3A_198] : memref<16x1000001xf32, #tpu.memory_space<hbm>> -> memref<16x128xf32, #tpu.memory_space<hbm>>
      tpu.wait_dma2 semaphore(%arg18 : memref<!tpu.dma_semaphore, #tpu.memory_space<semaphore_mem>>) src(%dma_wait3A_690 : memref<16x128xf32, #tpu.memory_space<hbm>>) dst(%dma_wait3A_688 : memref<16x128xf32, #tpu.memory_space<vmem>>)
      %dma_wait3A_691 = arith.constant 5 : i32
      %dma_wait3A_692 = arith.constant 0 : i32
      %dma_wait3A_693 = arith.constant 0 : i32
      %dma_wait3A_694 = tpu.memref_slice %arg13[%dma_wait3A_691, %dma_wait3A_692, %dma_wait3A_693] : memref<16x16x128xf32, #tpu.memory_space<vmem>> -> memref<1x16x128xf32, #tpu.memory_space<vmem>>
      %dma_wait3A_695 = tpu.memref_squeeze %dma_wait3A_694 : memref<1x16x128xf32, #tpu.memory_space<vmem>> -> memref<16x128xf32, #tpu.memory_space<vmem>>
      %dma_wait3A_696 = arith.constant 0 : i32
      %dma_wait3A_697 = tpu.memref_slice %arg3[%dma_wait3A_696, %multiple_of3A_201] : memref<16x1000000xf32, #tpu.memory_space<hbm>> -> memref<16x128xf32, #tpu.memory_space<hbm>>
      %dma_wait3A_698 = arith.constant 0 : i32
      %dma_wait3A_699 = arith.constant 0 : i32
      %dma_wait3A_700 = tpu.memref_slice %arg13[%dma_wait3A_691, %dma_wait3A_698, %dma_wait3A_699] : memref<16x16x128xf32, #tpu.memory_space<vmem>> -> memref<1x16x128xf32, #tpu.memory_space<vmem>>
      %dma_wait3A_701 = tpu.memref_squeeze %dma_wait3A_700 : memref<1x16x128xf32, #tpu.memory_space<vmem>> -> memref<16x128xf32, #tpu.memory_space<vmem>>
      %dma_wait3A_702 = arith.constant 0 : i32
      %dma_wait3A_703 = tpu.memref_slice %arg3[%dma_wait3A_702, %multiple_of3A_201] : memref<16x1000000xf32, #tpu.memory_space<hbm>> -> memref<16x128xf32, #tpu.memory_space<hbm>>
      tpu.wait_dma2 semaphore(%arg18 : memref<!tpu.dma_semaphore, #tpu.memory_space<semaphore_mem>>) src(%dma_wait3A_703 : memref<16x128xf32, #tpu.memory_space<hbm>>) dst(%dma_wait3A_701 : memref<16x128xf32, #tpu.memory_space<vmem>>)
      %dma_wait3A_704 = arith.constant 6 : i32
      %dma_wait3A_705 = arith.constant 0 : i32
      %dma_wait3A_706 = arith.constant 0 : i32
      %dma_wait3A_707 = tpu.memref_slice %arg12[%dma_wait3A_704, %dma_wait3A_705, %dma_wait3A_706] : memref<16x16x128xf32, #tpu.memory_space<vmem>> -> memref<1x16x128xf32, #tpu.memory_space<vmem>>
      %dma_wait3A_708 = tpu.memref_squeeze %dma_wait3A_707 : memref<1x16x128xf32, #tpu.memory_space<vmem>> -> memref<16x128xf32, #tpu.memory_space<vmem>>
      %dma_wait3A_709 = arith.constant 0 : i32
      %dma_wait3A_710 = tpu.memref_slice %arg2[%dma_wait3A_709, %multiple_of3A_230] : memref<16x1000001xf32, #tpu.memory_space<hbm>> -> memref<16x128xf32, #tpu.memory_space<hbm>>
      %dma_wait3A_711 = arith.constant 0 : i32
      %dma_wait3A_712 = arith.constant 0 : i32
      %dma_wait3A_713 = tpu.memref_slice %arg12[%dma_wait3A_704, %dma_wait3A_711, %dma_wait3A_712] : memref<16x16x128xf32, #tpu.memory_space<vmem>> -> memref<1x16x128xf32, #tpu.memory_space<vmem>>
      %dma_wait3A_714 = tpu.memref_squeeze %dma_wait3A_713 : memref<1x16x128xf32, #tpu.memory_space<vmem>> -> memref<16x128xf32, #tpu.memory_space<vmem>>
      %dma_wait3A_715 = arith.constant 0 : i32
      %dma_wait3A_716 = tpu.memref_slice %arg2[%dma_wait3A_715, %multiple_of3A_230] : memref<16x1000001xf32, #tpu.memory_space<hbm>> -> memref<16x128xf32, #tpu.memory_space<hbm>>
      tpu.wait_dma2 semaphore(%arg18 : memref<!tpu.dma_semaphore, #tpu.memory_space<semaphore_mem>>) src(%dma_wait3A_716 : memref<16x128xf32, #tpu.memory_space<hbm>>) dst(%dma_wait3A_714 : memref<16x128xf32, #tpu.memory_space<vmem>>)
      %dma_wait3A_717 = arith.constant 6 : i32
      %dma_wait3A_718 = arith.constant 0 : i32
      %dma_wait3A_719 = arith.constant 0 : i32
      %dma_wait3A_720 = tpu.memref_slice %arg13[%dma_wait3A_717, %dma_wait3A_718, %dma_wait3A_719] : memref<16x16x128xf32, #tpu.memory_space<vmem>> -> memref<1x16x128xf32, #tpu.memory_space<vmem>>
      %dma_wait3A_721 = tpu.memref_squeeze %dma_wait3A_720 : memref<1x16x128xf32, #tpu.memory_space<vmem>> -> memref<16x128xf32, #tpu.memory_space<vmem>>
      %dma_wait3A_722 = arith.constant 0 : i32
      %dma_wait3A_723 = tpu.memref_slice %arg3[%dma_wait3A_722, %multiple_of3A_233] : memref<16x1000000xf32, #tpu.memory_space<hbm>> -> memref<16x128xf32, #tpu.memory_space<hbm>>
      %dma_wait3A_724 = arith.constant 0 : i32
      %dma_wait3A_725 = arith.constant 0 : i32
      %dma_wait3A_726 = tpu.memref_slice %arg13[%dma_wait3A_717, %dma_wait3A_724, %dma_wait3A_725] : memref<16x16x128xf32, #tpu.memory_space<vmem>> -> memref<1x16x128xf32, #tpu.memory_space<vmem>>
      %dma_wait3A_727 = tpu.memref_squeeze %dma_wait3A_726 : memref<1x16x128xf32, #tpu.memory_space<vmem>> -> memref<16x128xf32, #tpu.memory_space<vmem>>
      %dma_wait3A_728 = arith.constant 0 : i32
      %dma_wait3A_729 = tpu.memref_slice %arg3[%dma_wait3A_728, %multiple_of3A_233] : memref<16x1000000xf32, #tpu.memory_space<hbm>> -> memref<16x128xf32, #tpu.memory_space<hbm>>
      tpu.wait_dma2 semaphore(%arg18 : memref<!tpu.dma_semaphore, #tpu.memory_space<semaphore_mem>>) src(%dma_wait3A_729 : memref<16x128xf32, #tpu.memory_space<hbm>>) dst(%dma_wait3A_727 : memref<16x128xf32, #tpu.memory_space<vmem>>)
      %dma_wait3A_730 = arith.constant 7 : i32
      %dma_wait3A_731 = arith.constant 0 : i32
      %dma_wait3A_732 = arith.constant 0 : i32
      %dma_wait3A_733 = tpu.memref_slice %arg12[%dma_wait3A_730, %dma_wait3A_731, %dma_wait3A_732] : memref<16x16x128xf32, #tpu.memory_space<vmem>> -> memref<1x16x128xf32, #tpu.memory_space<vmem>>
      %dma_wait3A_734 = tpu.memref_squeeze %dma_wait3A_733 : memref<1x16x128xf32, #tpu.memory_space<vmem>> -> memref<16x128xf32, #tpu.memory_space<vmem>>
      %dma_wait3A_735 = arith.constant 0 : i32
      %dma_wait3A_736 = tpu.memref_slice %arg2[%dma_wait3A_735, %multiple_of3A_262] : memref<16x1000001xf32, #tpu.memory_space<hbm>> -> memref<16x128xf32, #tpu.memory_space<hbm>>
      %dma_wait3A_737 = arith.constant 0 : i32
      %dma_wait3A_738 = arith.constant 0 : i32
      %dma_wait3A_739 = tpu.memref_slice %arg12[%dma_wait3A_730, %dma_wait3A_737, %dma_wait3A_738] : memref<16x16x128xf32, #tpu.memory_space<vmem>> -> memref<1x16x128xf32, #tpu.memory_space<vmem>>
      %dma_wait3A_740 = tpu.memref_squeeze %dma_wait3A_739 : memref<1x16x128xf32, #tpu.memory_space<vmem>> -> memref<16x128xf32, #tpu.memory_space<vmem>>
      %dma_wait3A_741 = arith.constant 0 : i32
      %dma_wait3A_742 = tpu.memref_slice %arg2[%dma_wait3A_741, %multiple_of3A_262] : memref<16x1000001xf32, #tpu.memory_space<hbm>> -> memref<16x128xf32, #tpu.memory_space<hbm>>
      tpu.wait_dma2 semaphore(%arg18 : memref<!tpu.dma_semaphore, #tpu.memory_space<semaphore_mem>>) src(%dma_wait3A_742 : memref<16x128xf32, #tpu.memory_space<hbm>>) dst(%dma_wait3A_740 : memref<16x128xf32, #tpu.memory_space<vmem>>)
      %dma_wait3A_743 = arith.constant 7 : i32
      %dma_wait3A_744 = arith.constant 0 : i32
      %dma_wait3A_745 = arith.constant 0 : i32
      %dma_wait3A_746 = tpu.memref_slice %arg13[%dma_wait3A_743, %dma_wait3A_744, %dma_wait3A_745] : memref<16x16x128xf32, #tpu.memory_space<vmem>> -> memref<1x16x128xf32, #tpu.memory_space<vmem>>
      %dma_wait3A_747 = tpu.memref_squeeze %dma_wait3A_746 : memref<1x16x128xf32, #tpu.memory_space<vmem>> -> memref<16x128xf32, #tpu.memory_space<vmem>>
      %dma_wait3A_748 = arith.constant 0 : i32
      %dma_wait3A_749 = tpu.memref_slice %arg3[%dma_wait3A_748, %multiple_of3A_265] : memref<16x1000000xf32, #tpu.memory_space<hbm>> -> memref<16x128xf32, #tpu.memory_space<hbm>>
      %dma_wait3A_750 = arith.constant 0 : i32
      %dma_wait3A_751 = arith.constant 0 : i32
      %dma_wait3A_752 = tpu.memref_slice %arg13[%dma_wait3A_743, %dma_wait3A_750, %dma_wait3A_751] : memref<16x16x128xf32, #tpu.memory_space<vmem>> -> memref<1x16x128xf32, #tpu.memory_space<vmem>>
      %dma_wait3A_753 = tpu.memref_squeeze %dma_wait3A_752 : memref<1x16x128xf32, #tpu.memory_space<vmem>> -> memref<16x128xf32, #tpu.memory_space<vmem>>
      %dma_wait3A_754 = arith.constant 0 : i32
      %dma_wait3A_755 = tpu.memref_slice %arg3[%dma_wait3A_754, %multiple_of3A_265] : memref<16x1000000xf32, #tpu.memory_space<hbm>> -> memref<16x128xf32, #tpu.memory_space<hbm>>
      tpu.wait_dma2 semaphore(%arg18 : memref<!tpu.dma_semaphore, #tpu.memory_space<semaphore_mem>>) src(%dma_wait3A_755 : memref<16x128xf32, #tpu.memory_space<hbm>>) dst(%dma_wait3A_753 : memref<16x128xf32, #tpu.memory_space<vmem>>)
      %dma_wait3A_756 = arith.constant 8 : i32
      %dma_wait3A_757 = arith.constant 0 : i32
      %dma_wait3A_758 = arith.constant 0 : i32
      %dma_wait3A_759 = tpu.memref_slice %arg12[%dma_wait3A_756, %dma_wait3A_757, %dma_wait3A_758] : memref<16x16x128xf32, #tpu.memory_space<vmem>> -> memref<1x16x128xf32, #tpu.memory_space<vmem>>
      %dma_wait3A_760 = tpu.memref_squeeze %dma_wait3A_759 : memref<1x16x128xf32, #tpu.memory_space<vmem>> -> memref<16x128xf32, #tpu.memory_space<vmem>>
      %dma_wait3A_761 = arith.constant 0 : i32
      %dma_wait3A_762 = tpu.memref_slice %arg2[%dma_wait3A_761, %multiple_of3A_294] : memref<16x1000001xf32, #tpu.memory_space<hbm>> -> memref<16x128xf32, #tpu.memory_space<hbm>>
      %dma_wait3A_763 = arith.constant 0 : i32
      %dma_wait3A_764 = arith.constant 0 : i32
      %dma_wait3A_765 = tpu.memref_slice %arg12[%dma_wait3A_756, %dma_wait3A_763, %dma_wait3A_764] : memref<16x16x128xf32, #tpu.memory_space<vmem>> -> memref<1x16x128xf32, #tpu.memory_space<vmem>>
      %dma_wait3A_766 = tpu.memref_squeeze %dma_wait3A_765 : memref<1x16x128xf32, #tpu.memory_space<vmem>> -> memref<16x128xf32, #tpu.memory_space<vmem>>
      %dma_wait3A_767 = arith.constant 0 : i32
      %dma_wait3A_768 = tpu.memref_slice %arg2[%dma_wait3A_767, %multiple_of3A_294] : memref<16x1000001xf32, #tpu.memory_space<hbm>> -> memref<16x128xf32, #tpu.memory_space<hbm>>
      tpu.wait_dma2 semaphore(%arg18 : memref<!tpu.dma_semaphore, #tpu.memory_space<semaphore_mem>>) src(%dma_wait3A_768 : memref<16x128xf32, #tpu.memory_space<hbm>>) dst(%dma_wait3A_766 : memref<16x128xf32, #tpu.memory_space<vmem>>)
      %dma_wait3A_769 = arith.constant 8 : i32
      %dma_wait3A_770 = arith.constant 0 : i32
      %dma_wait3A_771 = arith.constant 0 : i32
      %dma_wait3A_772 = tpu.memref_slice %arg13[%dma_wait3A_769, %dma_wait3A_770, %dma_wait3A_771] : memref<16x16x128xf32, #tpu.memory_space<vmem>> -> memref<1x16x128xf32, #tpu.memory_space<vmem>>
      %dma_wait3A_773 = tpu.memref_squeeze %dma_wait3A_772 : memref<1x16x128xf32, #tpu.memory_space<vmem>> -> memref<16x128xf32, #tpu.memory_space<vmem>>
      %dma_wait3A_774 = arith.constant 0 : i32
      %dma_wait3A_775 = tpu.memref_slice %arg3[%dma_wait3A_774, %multiple_of3A_297] : memref<16x1000000xf32, #tpu.memory_space<hbm>> -> memref<16x128xf32, #tpu.memory_space<hbm>>
      %dma_wait3A_776 = arith.constant 0 : i32
      %dma_wait3A_777 = arith.constant 0 : i32
      %dma_wait3A_778 = tpu.memref_slice %arg13[%dma_wait3A_769, %dma_wait3A_776, %dma_wait3A_777] : memref<16x16x128xf32, #tpu.memory_space<vmem>> -> memref<1x16x128xf32, #tpu.memory_space<vmem>>
      %dma_wait3A_779 = tpu.memref_squeeze %dma_wait3A_778 : memref<1x16x128xf32, #tpu.memory_space<vmem>> -> memref<16x128xf32, #tpu.memory_space<vmem>>
      %dma_wait3A_780 = arith.constant 0 : i32
      %dma_wait3A_781 = tpu.memref_slice %arg3[%dma_wait3A_780, %multiple_of3A_297] : memref<16x1000000xf32, #tpu.memory_space<hbm>> -> memref<16x128xf32, #tpu.memory_space<hbm>>
      tpu.wait_dma2 semaphore(%arg18 : memref<!tpu.dma_semaphore, #tpu.memory_space<semaphore_mem>>) src(%dma_wait3A_781 : memref<16x128xf32, #tpu.memory_space<hbm>>) dst(%dma_wait3A_779 : memref<16x128xf32, #tpu.memory_space<vmem>>)
      %dma_wait3A_782 = arith.constant 9 : i32
      %dma_wait3A_783 = arith.constant 0 : i32
      %dma_wait3A_784 = arith.constant 0 : i32
      %dma_wait3A_785 = tpu.memref_slice %arg12[%dma_wait3A_782, %dma_wait3A_783, %dma_wait3A_784] : memref<16x16x128xf32, #tpu.memory_space<vmem>> -> memref<1x16x128xf32, #tpu.memory_space<vmem>>
      %dma_wait3A_786 = tpu.memref_squeeze %dma_wait3A_785 : memref<1x16x128xf32, #tpu.memory_space<vmem>> -> memref<16x128xf32, #tpu.memory_space<vmem>>
      %dma_wait3A_787 = arith.constant 0 : i32
      %dma_wait3A_788 = tpu.memref_slice %arg2[%dma_wait3A_787, %multiple_of3A_326] : memref<16x1000001xf32, #tpu.memory_space<hbm>> -> memref<16x128xf32, #tpu.memory_space<hbm>>
      %dma_wait3A_789 = arith.constant 0 : i32
      %dma_wait3A_790 = arith.constant 0 : i32
      %dma_wait3A_791 = tpu.memref_slice %arg12[%dma_wait3A_782, %dma_wait3A_789, %dma_wait3A_790] : memref<16x16x128xf32, #tpu.memory_space<vmem>> -> memref<1x16x128xf32, #tpu.memory_space<vmem>>
      %dma_wait3A_792 = tpu.memref_squeeze %dma_wait3A_791 : memref<1x16x128xf32, #tpu.memory_space<vmem>> -> memref<16x128xf32, #tpu.memory_space<vmem>>
      %dma_wait3A_793 = arith.constant 0 : i32
      %dma_wait3A_794 = tpu.memref_slice %arg2[%dma_wait3A_793, %multiple_of3A_326] : memref<16x1000001xf32, #tpu.memory_space<hbm>> -> memref<16x128xf32, #tpu.memory_space<hbm>>
      tpu.wait_dma2 semaphore(%arg18 : memref<!tpu.dma_semaphore, #tpu.memory_space<semaphore_mem>>) src(%dma_wait3A_794 : memref<16x128xf32, #tpu.memory_space<hbm>>) dst(%dma_wait3A_792 : memref<16x128xf32, #tpu.memory_space<vmem>>)
      %dma_wait3A_795 = arith.constant 9 : i32
      %dma_wait3A_796 = arith.constant 0 : i32
      %dma_wait3A_797 = arith.constant 0 : i32
      %dma_wait3A_798 = tpu.memref_slice %arg13[%dma_wait3A_795, %dma_wait3A_796, %dma_wait3A_797] : memref<16x16x128xf32, #tpu.memory_space<vmem>> -> memref<1x16x128xf32, #tpu.memory_space<vmem>>
      %dma_wait3A_799 = tpu.memref_squeeze %dma_wait3A_798 : memref<1x16x128xf32, #tpu.memory_space<vmem>> -> memref<16x128xf32, #tpu.memory_space<vmem>>
      %dma_wait3A_800 = arith.constant 0 : i32
      %dma_wait3A_801 = tpu.memref_slice %arg3[%dma_wait3A_800, %multiple_of3A_329] : memref<16x1000000xf32, #tpu.memory_space<hbm>> -> memref<16x128xf32, #tpu.memory_space<hbm>>
      %dma_wait3A_802 = arith.constant 0 : i32
      %dma_wait3A_803 = arith.constant 0 : i32
      %dma_wait3A_804 = tpu.memref_slice %arg13[%dma_wait3A_795, %dma_wait3A_802, %dma_wait3A_803] : memref<16x16x128xf32, #tpu.memory_space<vmem>> -> memref<1x16x128xf32, #tpu.memory_space<vmem>>
      %dma_wait3A_805 = tpu.memref_squeeze %dma_wait3A_804 : memref<1x16x128xf32, #tpu.memory_space<vmem>> -> memref<16x128xf32, #tpu.memory_space<vmem>>
      %dma_wait3A_806 = arith.constant 0 : i32
      %dma_wait3A_807 = tpu.memref_slice %arg3[%dma_wait3A_806, %multiple_of3A_329] : memref<16x1000000xf32, #tpu.memory_space<hbm>> -> memref<16x128xf32, #tpu.memory_space<hbm>>
      tpu.wait_dma2 semaphore(%arg18 : memref<!tpu.dma_semaphore, #tpu.memory_space<semaphore_mem>>) src(%dma_wait3A_807 : memref<16x128xf32, #tpu.memory_space<hbm>>) dst(%dma_wait3A_805 : memref<16x128xf32, #tpu.memory_space<vmem>>)
      %dma_wait3A_808 = arith.constant 10 : i32
      %dma_wait3A_809 = arith.constant 0 : i32
      %dma_wait3A_810 = arith.constant 0 : i32
      %dma_wait3A_811 = tpu.memref_slice %arg12[%dma_wait3A_808, %dma_wait3A_809, %dma_wait3A_810] : memref<16x16x128xf32, #tpu.memory_space<vmem>> -> memref<1x16x128xf32, #tpu.memory_space<vmem>>
      %dma_wait3A_812 = tpu.memref_squeeze %dma_wait3A_811 : memref<1x16x128xf32, #tpu.memory_space<vmem>> -> memref<16x128xf32, #tpu.memory_space<vmem>>
      %dma_wait3A_813 = arith.constant 0 : i32
      %dma_wait3A_814 = tpu.memref_slice %arg2[%dma_wait3A_813, %multiple_of3A_358] : memref<16x1000001xf32, #tpu.memory_space<hbm>> -> memref<16x128xf32, #tpu.memory_space<hbm>>
      %dma_wait3A_815 = arith.constant 0 : i32
      %dma_wait3A_816 = arith.constant 0 : i32
      %dma_wait3A_817 = tpu.memref_slice %arg12[%dma_wait3A_808, %dma_wait3A_815, %dma_wait3A_816] : memref<16x16x128xf32, #tpu.memory_space<vmem>> -> memref<1x16x128xf32, #tpu.memory_space<vmem>>
      %dma_wait3A_818 = tpu.memref_squeeze %dma_wait3A_817 : memref<1x16x128xf32, #tpu.memory_space<vmem>> -> memref<16x128xf32, #tpu.memory_space<vmem>>
      %dma_wait3A_819 = arith.constant 0 : i32
      %dma_wait3A_820 = tpu.memref_slice %arg2[%dma_wait3A_819, %multiple_of3A_358] : memref<16x1000001xf32, #tpu.memory_space<hbm>> -> memref<16x128xf32, #tpu.memory_space<hbm>>
      tpu.wait_dma2 semaphore(%arg18 : memref<!tpu.dma_semaphore, #tpu.memory_space<semaphore_mem>>) src(%dma_wait3A_820 : memref<16x128xf32, #tpu.memory_space<hbm>>) dst(%dma_wait3A_818 : memref<16x128xf32, #tpu.memory_space<vmem>>)
      %dma_wait3A_821 = arith.constant 10 : i32
      %dma_wait3A_822 = arith.constant 0 : i32
      %dma_wait3A_823 = arith.constant 0 : i32
      %dma_wait3A_824 = tpu.memref_slice %arg13[%dma_wait3A_821, %dma_wait3A_822, %dma_wait3A_823] : memref<16x16x128xf32, #tpu.memory_space<vmem>> -> memref<1x16x128xf32, #tpu.memory_space<vmem>>
      %dma_wait3A_825 = tpu.memref_squeeze %dma_wait3A_824 : memref<1x16x128xf32, #tpu.memory_space<vmem>> -> memref<16x128xf32, #tpu.memory_space<vmem>>
      %dma_wait3A_826 = arith.constant 0 : i32
      %dma_wait3A_827 = tpu.memref_slice %arg3[%dma_wait3A_826, %multiple_of3A_361] : memref<16x1000000xf32, #tpu.memory_space<hbm>> -> memref<16x128xf32, #tpu.memory_space<hbm>>
      %dma_wait3A_828 = arith.constant 0 : i32
      %dma_wait3A_829 = arith.constant 0 : i32
      %dma_wait3A_830 = tpu.memref_slice %arg13[%dma_wait3A_821, %dma_wait3A_828, %dma_wait3A_829] : memref<16x16x128xf32, #tpu.memory_space<vmem>> -> memref<1x16x128xf32, #tpu.memory_space<vmem>>
      %dma_wait3A_831 = tpu.memref_squeeze %dma_wait3A_830 : memref<1x16x128xf32, #tpu.memory_space<vmem>> -> memref<16x128xf32, #tpu.memory_space<vmem>>
      %dma_wait3A_832 = arith.constant 0 : i32
      %dma_wait3A_833 = tpu.memref_slice %arg3[%dma_wait3A_832, %multiple_of3A_361] : memref<16x1000000xf32, #tpu.memory_space<hbm>> -> memref<16x128xf32, #tpu.memory_space<hbm>>
      tpu.wait_dma2 semaphore(%arg18 : memref<!tpu.dma_semaphore, #tpu.memory_space<semaphore_mem>>) src(%dma_wait3A_833 : memref<16x128xf32, #tpu.memory_space<hbm>>) dst(%dma_wait3A_831 : memref<16x128xf32, #tpu.memory_space<vmem>>)
      %dma_wait3A_834 = arith.constant 11 : i32
      %dma_wait3A_835 = arith.constant 0 : i32
      %dma_wait3A_836 = arith.constant 0 : i32
      %dma_wait3A_837 = tpu.memref_slice %arg12[%dma_wait3A_834, %dma_wait3A_835, %dma_wait3A_836] : memref<16x16x128xf32, #tpu.memory_space<vmem>> -> memref<1x16x128xf32, #tpu.memory_space<vmem>>
      %dma_wait3A_838 = tpu.memref_squeeze %dma_wait3A_837 : memref<1x16x128xf32, #tpu.memory_space<vmem>> -> memref<16x128xf32, #tpu.memory_space<vmem>>
      %dma_wait3A_839 = arith.constant 0 : i32
      %dma_wait3A_840 = tpu.memref_slice %arg2[%dma_wait3A_839, %multiple_of3A_390] : memref<16x1000001xf32, #tpu.memory_space<hbm>> -> memref<16x128xf32, #tpu.memory_space<hbm>>
      %dma_wait3A_841 = arith.constant 0 : i32
      %dma_wait3A_842 = arith.constant 0 : i32
      %dma_wait3A_843 = tpu.memref_slice %arg12[%dma_wait3A_834, %dma_wait3A_841, %dma_wait3A_842] : memref<16x16x128xf32, #tpu.memory_space<vmem>> -> memref<1x16x128xf32, #tpu.memory_space<vmem>>
      %dma_wait3A_844 = tpu.memref_squeeze %dma_wait3A_843 : memref<1x16x128xf32, #tpu.memory_space<vmem>> -> memref<16x128xf32, #tpu.memory_space<vmem>>
      %dma_wait3A_845 = arith.constant 0 : i32
      %dma_wait3A_846 = tpu.memref_slice %arg2[%dma_wait3A_845, %multiple_of3A_390] : memref<16x1000001xf32, #tpu.memory_space<hbm>> -> memref<16x128xf32, #tpu.memory_space<hbm>>
      tpu.wait_dma2 semaphore(%arg18 : memref<!tpu.dma_semaphore, #tpu.memory_space<semaphore_mem>>) src(%dma_wait3A_846 : memref<16x128xf32, #tpu.memory_space<hbm>>) dst(%dma_wait3A_844 : memref<16x128xf32, #tpu.memory_space<vmem>>)
      %dma_wait3A_847 = arith.constant 11 : i32
      %dma_wait3A_848 = arith.constant 0 : i32
      %dma_wait3A_849 = arith.constant 0 : i32
      %dma_wait3A_850 = tpu.memref_slice %arg13[%dma_wait3A_847, %dma_wait3A_848, %dma_wait3A_849] : memref<16x16x128xf32, #tpu.memory_space<vmem>> -> memref<1x16x128xf32, #tpu.memory_space<vmem>>
      %dma_wait3A_851 = tpu.memref_squeeze %dma_wait3A_850 : memref<1x16x128xf32, #tpu.memory_space<vmem>> -> memref<16x128xf32, #tpu.memory_space<vmem>>
      %dma_wait3A_852 = arith.constant 0 : i32
      %dma_wait3A_853 = tpu.memref_slice %arg3[%dma_wait3A_852, %multiple_of3A_393] : memref<16x1000000xf32, #tpu.memory_space<hbm>> -> memref<16x128xf32, #tpu.memory_space<hbm>>
      %dma_wait3A_854 = arith.constant 0 : i32
      %dma_wait3A_855 = arith.constant 0 : i32
      %dma_wait3A_856 = tpu.memref_slice %arg13[%dma_wait3A_847, %dma_wait3A_854, %dma_wait3A_855] : memref<16x16x128xf32, #tpu.memory_space<vmem>> -> memref<1x16x128xf32, #tpu.memory_space<vmem>>
      %dma_wait3A_857 = tpu.memref_squeeze %dma_wait3A_856 : memref<1x16x128xf32, #tpu.memory_space<vmem>> -> memref<16x128xf32, #tpu.memory_space<vmem>>
      %dma_wait3A_858 = arith.constant 0 : i32
      %dma_wait3A_859 = tpu.memref_slice %arg3[%dma_wait3A_858, %multiple_of3A_393] : memref<16x1000000xf32, #tpu.memory_space<hbm>> -> memref<16x128xf32, #tpu.memory_space<hbm>>
      tpu.wait_dma2 semaphore(%arg18 : memref<!tpu.dma_semaphore, #tpu.memory_space<semaphore_mem>>) src(%dma_wait3A_859 : memref<16x128xf32, #tpu.memory_space<hbm>>) dst(%dma_wait3A_857 : memref<16x128xf32, #tpu.memory_space<vmem>>)
      %dma_wait3A_860 = arith.constant 12 : i32
      %dma_wait3A_861 = arith.constant 0 : i32
      %dma_wait3A_862 = arith.constant 0 : i32
      %dma_wait3A_863 = tpu.memref_slice %arg12[%dma_wait3A_860, %dma_wait3A_861, %dma_wait3A_862] : memref<16x16x128xf32, #tpu.memory_space<vmem>> -> memref<1x16x128xf32, #tpu.memory_space<vmem>>
      %dma_wait3A_864 = tpu.memref_squeeze %dma_wait3A_863 : memref<1x16x128xf32, #tpu.memory_space<vmem>> -> memref<16x128xf32, #tpu.memory_space<vmem>>
      %dma_wait3A_865 = arith.constant 0 : i32
      %dma_wait3A_866 = tpu.memref_slice %arg2[%dma_wait3A_865, %multiple_of3A_422] : memref<16x1000001xf32, #tpu.memory_space<hbm>> -> memref<16x128xf32, #tpu.memory_space<hbm>>
      %dma_wait3A_867 = arith.constant 0 : i32
      %dma_wait3A_868 = arith.constant 0 : i32
      %dma_wait3A_869 = tpu.memref_slice %arg12[%dma_wait3A_860, %dma_wait3A_867, %dma_wait3A_868] : memref<16x16x128xf32, #tpu.memory_space<vmem>> -> memref<1x16x128xf32, #tpu.memory_space<vmem>>
      %dma_wait3A_870 = tpu.memref_squeeze %dma_wait3A_869 : memref<1x16x128xf32, #tpu.memory_space<vmem>> -> memref<16x128xf32, #tpu.memory_space<vmem>>
      %dma_wait3A_871 = arith.constant 0 : i32
      %dma_wait3A_872 = tpu.memref_slice %arg2[%dma_wait3A_871, %multiple_of3A_422] : memref<16x1000001xf32, #tpu.memory_space<hbm>> -> memref<16x128xf32, #tpu.memory_space<hbm>>
      tpu.wait_dma2 semaphore(%arg18 : memref<!tpu.dma_semaphore, #tpu.memory_space<semaphore_mem>>) src(%dma_wait3A_872 : memref<16x128xf32, #tpu.memory_space<hbm>>) dst(%dma_wait3A_870 : memref<16x128xf32, #tpu.memory_space<vmem>>)
      %dma_wait3A_873 = arith.constant 12 : i32
      %dma_wait3A_874 = arith.constant 0 : i32
      %dma_wait3A_875 = arith.constant 0 : i32
      %dma_wait3A_876 = tpu.memref_slice %arg13[%dma_wait3A_873, %dma_wait3A_874, %dma_wait3A_875] : memref<16x16x128xf32, #tpu.memory_space<vmem>> -> memref<1x16x128xf32, #tpu.memory_space<vmem>>
      %dma_wait3A_877 = tpu.memref_squeeze %dma_wait3A_876 : memref<1x16x128xf32, #tpu.memory_space<vmem>> -> memref<16x128xf32, #tpu.memory_space<vmem>>
      %dma_wait3A_878 = arith.constant 0 : i32
      %dma_wait3A_879 = tpu.memref_slice %arg3[%dma_wait3A_878, %multiple_of3A_425] : memref<16x1000000xf32, #tpu.memory_space<hbm>> -> memref<16x128xf32, #tpu.memory_space<hbm>>
      %dma_wait3A_880 = arith.constant 0 : i32
      %dma_wait3A_881 = arith.constant 0 : i32
      %dma_wait3A_882 = tpu.memref_slice %arg13[%dma_wait3A_873, %dma_wait3A_880, %dma_wait3A_881] : memref<16x16x128xf32, #tpu.memory_space<vmem>> -> memref<1x16x128xf32, #tpu.memory_space<vmem>>
      %dma_wait3A_883 = tpu.memref_squeeze %dma_wait3A_882 : memref<1x16x128xf32, #tpu.memory_space<vmem>> -> memref<16x128xf32, #tpu.memory_space<vmem>>
      %dma_wait3A_884 = arith.constant 0 : i32
      %dma_wait3A_885 = tpu.memref_slice %arg3[%dma_wait3A_884, %multiple_of3A_425] : memref<16x1000000xf32, #tpu.memory_space<hbm>> -> memref<16x128xf32, #tpu.memory_space<hbm>>
      tpu.wait_dma2 semaphore(%arg18 : memref<!tpu.dma_semaphore, #tpu.memory_space<semaphore_mem>>) src(%dma_wait3A_885 : memref<16x128xf32, #tpu.memory_space<hbm>>) dst(%dma_wait3A_883 : memref<16x128xf32, #tpu.memory_space<vmem>>)
      %dma_wait3A_886 = arith.constant 13 : i32
      %dma_wait3A_887 = arith.constant 0 : i32
      %dma_wait3A_888 = arith.constant 0 : i32
      %dma_wait3A_889 = tpu.memref_slice %arg12[%dma_wait3A_886, %dma_wait3A_887, %dma_wait3A_888] : memref<16x16x128xf32, #tpu.memory_space<vmem>> -> memref<1x16x128xf32, #tpu.memory_space<vmem>>
      %dma_wait3A_890 = tpu.memref_squeeze %dma_wait3A_889 : memref<1x16x128xf32, #tpu.memory_space<vmem>> -> memref<16x128xf32, #tpu.memory_space<vmem>>
      %dma_wait3A_891 = arith.constant 0 : i32
      %dma_wait3A_892 = tpu.memref_slice %arg2[%dma_wait3A_891, %multiple_of3A_454] : memref<16x1000001xf32, #tpu.memory_space<hbm>> -> memref<16x128xf32, #tpu.memory_space<hbm>>
      %dma_wait3A_893 = arith.constant 0 : i32
      %dma_wait3A_894 = arith.constant 0 : i32
      %dma_wait3A_895 = tpu.memref_slice %arg12[%dma_wait3A_886, %dma_wait3A_893, %dma_wait3A_894] : memref<16x16x128xf32, #tpu.memory_space<vmem>> -> memref<1x16x128xf32, #tpu.memory_space<vmem>>
      %dma_wait3A_896 = tpu.memref_squeeze %dma_wait3A_895 : memref<1x16x128xf32, #tpu.memory_space<vmem>> -> memref<16x128xf32, #tpu.memory_space<vmem>>
      %dma_wait3A_897 = arith.constant 0 : i32
      %dma_wait3A_898 = tpu.memref_slice %arg2[%dma_wait3A_897, %multiple_of3A_454] : memref<16x1000001xf32, #tpu.memory_space<hbm>> -> memref<16x128xf32, #tpu.memory_space<hbm>>
      tpu.wait_dma2 semaphore(%arg18 : memref<!tpu.dma_semaphore, #tpu.memory_space<semaphore_mem>>) src(%dma_wait3A_898 : memref<16x128xf32, #tpu.memory_space<hbm>>) dst(%dma_wait3A_896 : memref<16x128xf32, #tpu.memory_space<vmem>>)
      %dma_wait3A_899 = arith.constant 13 : i32
      %dma_wait3A_900 = arith.constant 0 : i32
      %dma_wait3A_901 = arith.constant 0 : i32
      %dma_wait3A_902 = tpu.memref_slice %arg13[%dma_wait3A_899, %dma_wait3A_900, %dma_wait3A_901] : memref<16x16x128xf32, #tpu.memory_space<vmem>> -> memref<1x16x128xf32, #tpu.memory_space<vmem>>
      %dma_wait3A_903 = tpu.memref_squeeze %dma_wait3A_902 : memref<1x16x128xf32, #tpu.memory_space<vmem>> -> memref<16x128xf32, #tpu.memory_space<vmem>>
      %dma_wait3A_904 = arith.constant 0 : i32
      %dma_wait3A_905 = tpu.memref_slice %arg3[%dma_wait3A_904, %multiple_of3A_457] : memref<16x1000000xf32, #tpu.memory_space<hbm>> -> memref<16x128xf32, #tpu.memory_space<hbm>>
      %dma_wait3A_906 = arith.constant 0 : i32
      %dma_wait3A_907 = arith.constant 0 : i32
      %dma_wait3A_908 = tpu.memref_slice %arg13[%dma_wait3A_899, %dma_wait3A_906, %dma_wait3A_907] : memref<16x16x128xf32, #tpu.memory_space<vmem>> -> memref<1x16x128xf32, #tpu.memory_space<vmem>>
      %dma_wait3A_909 = tpu.memref_squeeze %dma_wait3A_908 : memref<1x16x128xf32, #tpu.memory_space<vmem>> -> memref<16x128xf32, #tpu.memory_space<vmem>>
      %dma_wait3A_910 = arith.constant 0 : i32
      %dma_wait3A_911 = tpu.memref_slice %arg3[%dma_wait3A_910, %multiple_of3A_457] : memref<16x1000000xf32, #tpu.memory_space<hbm>> -> memref<16x128xf32, #tpu.memory_space<hbm>>
      tpu.wait_dma2 semaphore(%arg18 : memref<!tpu.dma_semaphore, #tpu.memory_space<semaphore_mem>>) src(%dma_wait3A_911 : memref<16x128xf32, #tpu.memory_space<hbm>>) dst(%dma_wait3A_909 : memref<16x128xf32, #tpu.memory_space<vmem>>)
      %dma_wait3A_912 = arith.constant 14 : i32
      %dma_wait3A_913 = arith.constant 0 : i32
      %dma_wait3A_914 = arith.constant 0 : i32
      %dma_wait3A_915 = tpu.memref_slice %arg12[%dma_wait3A_912, %dma_wait3A_913, %dma_wait3A_914] : memref<16x16x128xf32, #tpu.memory_space<vmem>> -> memref<1x16x128xf32, #tpu.memory_space<vmem>>
      %dma_wait3A_916 = tpu.memref_squeeze %dma_wait3A_915 : memref<1x16x128xf32, #tpu.memory_space<vmem>> -> memref<16x128xf32, #tpu.memory_space<vmem>>
      %dma_wait3A_917 = arith.constant 0 : i32
      %dma_wait3A_918 = tpu.memref_slice %arg2[%dma_wait3A_917, %multiple_of3A_486] : memref<16x1000001xf32, #tpu.memory_space<hbm>> -> memref<16x128xf32, #tpu.memory_space<hbm>>
      %dma_wait3A_919 = arith.constant 0 : i32
      %dma_wait3A_920 = arith.constant 0 : i32
      %dma_wait3A_921 = tpu.memref_slice %arg12[%dma_wait3A_912, %dma_wait3A_919, %dma_wait3A_920] : memref<16x16x128xf32, #tpu.memory_space<vmem>> -> memref<1x16x128xf32, #tpu.memory_space<vmem>>
      %dma_wait3A_922 = tpu.memref_squeeze %dma_wait3A_921 : memref<1x16x128xf32, #tpu.memory_space<vmem>> -> memref<16x128xf32, #tpu.memory_space<vmem>>
      %dma_wait3A_923 = arith.constant 0 : i32
      %dma_wait3A_924 = tpu.memref_slice %arg2[%dma_wait3A_923, %multiple_of3A_486] : memref<16x1000001xf32, #tpu.memory_space<hbm>> -> memref<16x128xf32, #tpu.memory_space<hbm>>
      tpu.wait_dma2 semaphore(%arg18 : memref<!tpu.dma_semaphore, #tpu.memory_space<semaphore_mem>>) src(%dma_wait3A_924 : memref<16x128xf32, #tpu.memory_space<hbm>>) dst(%dma_wait3A_922 : memref<16x128xf32, #tpu.memory_space<vmem>>)
      %dma_wait3A_925 = arith.constant 14 : i32
      %dma_wait3A_926 = arith.constant 0 : i32
      %dma_wait3A_927 = arith.constant 0 : i32
      %dma_wait3A_928 = tpu.memref_slice %arg13[%dma_wait3A_925, %dma_wait3A_926, %dma_wait3A_927] : memref<16x16x128xf32, #tpu.memory_space<vmem>> -> memref<1x16x128xf32, #tpu.memory_space<vmem>>
      %dma_wait3A_929 = tpu.memref_squeeze %dma_wait3A_928 : memref<1x16x128xf32, #tpu.memory_space<vmem>> -> memref<16x128xf32, #tpu.memory_space<vmem>>
      %dma_wait3A_930 = arith.constant 0 : i32
      %dma_wait3A_931 = tpu.memref_slice %arg3[%dma_wait3A_930, %multiple_of3A_489] : memref<16x1000000xf32, #tpu.memory_space<hbm>> -> memref<16x128xf32, #tpu.memory_space<hbm>>
      %dma_wait3A_932 = arith.constant 0 : i32
      %dma_wait3A_933 = arith.constant 0 : i32
      %dma_wait3A_934 = tpu.memref_slice %arg13[%dma_wait3A_925, %dma_wait3A_932, %dma_wait3A_933] : memref<16x16x128xf32, #tpu.memory_space<vmem>> -> memref<1x16x128xf32, #tpu.memory_space<vmem>>
      %dma_wait3A_935 = tpu.memref_squeeze %dma_wait3A_934 : memref<1x16x128xf32, #tpu.memory_space<vmem>> -> memref<16x128xf32, #tpu.memory_space<vmem>>
      %dma_wait3A_936 = arith.constant 0 : i32
      %dma_wait3A_937 = tpu.memref_slice %arg3[%dma_wait3A_936, %multiple_of3A_489] : memref<16x1000000xf32, #tpu.memory_space<hbm>> -> memref<16x128xf32, #tpu.memory_space<hbm>>
      tpu.wait_dma2 semaphore(%arg18 : memref<!tpu.dma_semaphore, #tpu.memory_space<semaphore_mem>>) src(%dma_wait3A_937 : memref<16x128xf32, #tpu.memory_space<hbm>>) dst(%dma_wait3A_935 : memref<16x128xf32, #tpu.memory_space<vmem>>)
      %dma_wait3A_938 = arith.constant 15 : i32
      %dma_wait3A_939 = arith.constant 0 : i32
      %dma_wait3A_940 = arith.constant 0 : i32
      %dma_wait3A_941 = tpu.memref_slice %arg12[%dma_wait3A_938, %dma_wait3A_939, %dma_wait3A_940] : memref<16x16x128xf32, #tpu.memory_space<vmem>> -> memref<1x16x128xf32, #tpu.memory_space<vmem>>
      %dma_wait3A_942 = tpu.memref_squeeze %dma_wait3A_941 : memref<1x16x128xf32, #tpu.memory_space<vmem>> -> memref<16x128xf32, #tpu.memory_space<vmem>>
      %dma_wait3A_943 = arith.constant 0 : i32
      %dma_wait3A_944 = tpu.memref_slice %arg2[%dma_wait3A_943, %multiple_of3A_518] : memref<16x1000001xf32, #tpu.memory_space<hbm>> -> memref<16x128xf32, #tpu.memory_space<hbm>>
      %dma_wait3A_945 = arith.constant 0 : i32
      %dma_wait3A_946 = arith.constant 0 : i32
      %dma_wait3A_947 = tpu.memref_slice %arg12[%dma_wait3A_938, %dma_wait3A_945, %dma_wait3A_946] : memref<16x16x128xf32, #tpu.memory_space<vmem>> -> memref<1x16x128xf32, #tpu.memory_space<vmem>>
      %dma_wait3A_948 = tpu.memref_squeeze %dma_wait3A_947 : memref<1x16x128xf32, #tpu.memory_space<vmem>> -> memref<16x128xf32, #tpu.memory_space<vmem>>
      %dma_wait3A_949 = arith.constant 0 : i32
      %dma_wait3A_950 = tpu.memref_slice %arg2[%dma_wait3A_949, %multiple_of3A_518] : memref<16x1000001xf32, #tpu.memory_space<hbm>> -> memref<16x128xf32, #tpu.memory_space<hbm>>
      tpu.wait_dma2 semaphore(%arg18 : memref<!tpu.dma_semaphore, #tpu.memory_space<semaphore_mem>>) src(%dma_wait3A_950 : memref<16x128xf32, #tpu.memory_space<hbm>>) dst(%dma_wait3A_948 : memref<16x128xf32, #tpu.memory_space<vmem>>)
      %dma_wait3A_951 = arith.constant 15 : i32
      %dma_wait3A_952 = arith.constant 0 : i32
      %dma_wait3A_953 = arith.constant 0 : i32
      %dma_wait3A_954 = tpu.memref_slice %arg13[%dma_wait3A_951, %dma_wait3A_952, %dma_wait3A_953] : memref<16x16x128xf32, #tpu.memory_space<vmem>> -> memref<1x16x128xf32, #tpu.memory_space<vmem>>
      %dma_wait3A_955 = tpu.memref_squeeze %dma_wait3A_954 : memref<1x16x128xf32, #tpu.memory_space<vmem>> -> memref<16x128xf32, #tpu.memory_space<vmem>>
      %dma_wait3A_956 = arith.constant 0 : i32
      %dma_wait3A_957 = tpu.memref_slice %arg3[%dma_wait3A_956, %multiple_of3A_521] : memref<16x1000000xf32, #tpu.memory_space<hbm>> -> memref<16x128xf32, #tpu.memory_space<hbm>>
      %dma_wait3A_958 = arith.constant 0 : i32
      %dma_wait3A_959 = arith.constant 0 : i32
      %dma_wait3A_960 = tpu.memref_slice %arg13[%dma_wait3A_951, %dma_wait3A_958, %dma_wait3A_959] : memref<16x16x128xf32, #tpu.memory_space<vmem>> -> memref<1x16x128xf32, #tpu.memory_space<vmem>>
      %dma_wait3A_961 = tpu.memref_squeeze %dma_wait3A_960 : memref<1x16x128xf32, #tpu.memory_space<vmem>> -> memref<16x128xf32, #tpu.memory_space<vmem>>
      %dma_wait3A_962 = arith.constant 0 : i32
      %dma_wait3A_963 = tpu.memref_slice %arg3[%dma_wait3A_962, %multiple_of3A_521] : memref<16x1000000xf32, #tpu.memory_space<hbm>> -> memref<16x128xf32, #tpu.memory_space<hbm>>
      tpu.wait_dma2 semaphore(%arg18 : memref<!tpu.dma_semaphore, #tpu.memory_space<semaphore_mem>>) src(%dma_wait3A_963 : memref<16x128xf32, #tpu.memory_space<hbm>>) dst(%dma_wait3A_961 : memref<16x128xf32, #tpu.memory_space<vmem>>)
      %and3A = arith.constant 127 : i32
      %and3A_964 = vector.broadcast %and3A : i32 to vector<16xi32>
      %and3A_965 = arith.andi %get3A_25, %and3A_964 : vector<16xi32>
      %and3A_966 = arith.constant 127 : i32
      %and3A_967 = vector.broadcast %and3A_966 : i32 to vector<16xi32>
      %and3A_968 = arith.andi %get3A_27, %and3A_967 : vector<16xi32>
      %and3A_969 = arith.constant 0 : i32
      %and3A_970 = vector.broadcast %and3A_969 : i32 to vector<16xi32>
      %and3A_971 = arith.andi %iota3A, %and3A_970 : vector<16xi32>
      %add3A_972 = arith.constant 0 : i32
      %add3A_973 = vector.broadcast %add3A_972 : i32 to vector<16xi32>
      %add3A_974 = arith.addi %and3A_971, %add3A_973 : vector<16xi32>
      %gather3A = tpu.vector_load_idx %arg12[%iota3A, %add3A_974, %and3A_965] : memref<16x16x128xf32, #tpu.memory_space<vmem>>[vector<16xi32>, vector<16xi32>, vector<16xi32>], vector<16xf32>,
      %gather3A_975 = tpu.vector_load_idx %arg13[%iota3A, %add3A_974, %and3A_968] : memref<16x16x128xf32, #tpu.memory_space<vmem>>[vector<16xi32>, vector<16xi32>, vector<16xi32>], vector<16xf32>,
      %mul3A_976 = arith.mulf %gather3A, %gather3A_975 : vector<16xf32>
      %add3A_977 = arith.addf %get3A_6, %mul3A_976 : vector<16xf32>
      %and3A_978 = arith.constant 0 : i32
      %and3A_979 = vector.broadcast %and3A_978 : i32 to vector<16xi32>
      %and3A_980 = arith.andi %iota3A, %and3A_979 : vector<16xi32>
      %add3A_981 = arith.constant 1 : i32
      %add3A_982 = vector.broadcast %add3A_981 : i32 to vector<16xi32>
      %add3A_983 = arith.addi %and3A_980, %add3A_982 : vector<16xi32>
      %gather3A_984 = tpu.vector_load_idx %arg12[%iota3A, %add3A_983, %and3A_965] : memref<16x16x128xf32, #tpu.memory_space<vmem>>[vector<16xi32>, vector<16xi32>, vector<16xi32>], vector<16xf32>,
      %gather3A_985 = tpu.vector_load_idx %arg13[%iota3A, %add3A_983, %and3A_968] : memref<16x16x128xf32, #tpu.memory_space<vmem>>[vector<16xi32>, vector<16xi32>, vector<16xi32>], vector<16xf32>,
      %mul3A_986 = arith.mulf %gather3A_984, %gather3A_985 : vector<16xf32>
      %add3A_987 = arith.addf %add3A_977, %mul3A_986 : vector<16xf32>
      %and3A_988 = arith.constant 0 : i32
      %and3A_989 = vector.broadcast %and3A_988 : i32 to vector<16xi32>
      %and3A_990 = arith.andi %iota3A, %and3A_989 : vector<16xi32>
      %add3A_991 = arith.constant 2 : i32
      %add3A_992 = vector.broadcast %add3A_991 : i32 to vector<16xi32>
      %add3A_993 = arith.addi %and3A_990, %add3A_992 : vector<16xi32>
      %gather3A_994 = tpu.vector_load_idx %arg12[%iota3A, %add3A_993, %and3A_965] : memref<16x16x128xf32, #tpu.memory_space<vmem>>[vector<16xi32>, vector<16xi32>, vector<16xi32>], vector<16xf32>,
      %gather3A_995 = tpu.vector_load_idx %arg13[%iota3A, %add3A_993, %and3A_968] : memref<16x16x128xf32, #tpu.memory_space<vmem>>[vector<16xi32>, vector<16xi32>, vector<16xi32>], vector<16xf32>,
      %mul3A_996 = arith.mulf %gather3A_994, %gather3A_995 : vector<16xf32>
      %add3A_997 = arith.addf %add3A_987, %mul3A_996 : vector<16xf32>
      %and3A_998 = arith.constant 0 : i32
      %and3A_999 = vector.broadcast %and3A_998 : i32 to vector<16xi32>
      %and3A_1000 = arith.andi %iota3A, %and3A_999 : vector<16xi32>
      %add3A_1001 = arith.constant 3 : i32
      %add3A_1002 = vector.broadcast %add3A_1001 : i32 to vector<16xi32>
      %add3A_1003 = arith.addi %and3A_1000, %add3A_1002 : vector<16xi32>
      %gather3A_1004 = tpu.vector_load_idx %arg12[%iota3A, %add3A_1003, %and3A_965] : memref<16x16x128xf32, #tpu.memory_space<vmem>>[vector<16xi32>, vector<16xi32>, vector<16xi32>], vector<16xf32>,
      %gather3A_1005 = tpu.vector_load_idx %arg13[%iota3A, %add3A_1003, %and3A_968] : memref<16x16x128xf32, #tpu.memory_space<vmem>>[vector<16xi32>, vector<16xi32>, vector<16xi32>], vector<16xf32>,
      %mul3A_1006 = arith.mulf %gather3A_1004, %gather3A_1005 : vector<16xf32>
      %add3A_1007 = arith.addf %add3A_997, %mul3A_1006 : vector<16xf32>
      %and3A_1008 = arith.constant 0 : i32
      %and3A_1009 = vector.broadcast %and3A_1008 : i32 to vector<16xi32>
      %and3A_1010 = arith.andi %iota3A, %and3A_1009 : vector<16xi32>
      %add3A_1011 = arith.constant 4 : i32
      %add3A_1012 = vector.broadcast %add3A_1011 : i32 to vector<16xi32>
      %add3A_1013 = arith.addi %and3A_1010, %add3A_1012 : vector<16xi32>
      %gather3A_1014 = tpu.vector_load_idx %arg12[%iota3A, %add3A_1013, %and3A_965] : memref<16x16x128xf32, #tpu.memory_space<vmem>>[vector<16xi32>, vector<16xi32>, vector<16xi32>], vector<16xf32>,
      %gather3A_1015 = tpu.vector_load_idx %arg13[%iota3A, %add3A_1013, %and3A_968] : memref<16x16x128xf32, #tpu.memory_space<vmem>>[vector<16xi32>, vector<16xi32>, vector<16xi32>], vector<16xf32>,
      %mul3A_1016 = arith.mulf %gather3A_1014, %gather3A_1015 : vector<16xf32>
      %add3A_1017 = arith.addf %add3A_1007, %mul3A_1016 : vector<16xf32>
      %and3A_1018 = arith.constant 0 : i32
      %and3A_1019 = vector.broadcast %and3A_1018 : i32 to vector<16xi32>
      %and3A_1020 = arith.andi %iota3A, %and3A_1019 : vector<16xi32>
      %add3A_1021 = arith.constant 5 : i32
      %add3A_1022 = vector.broadcast %add3A_1021 : i32 to vector<16xi32>
      %add3A_1023 = arith.addi %and3A_1020, %add3A_1022 : vector<16xi32>
      %gather3A_1024 = tpu.vector_load_idx %arg12[%iota3A, %add3A_1023, %and3A_965] : memref<16x16x128xf32, #tpu.memory_space<vmem>>[vector<16xi32>, vector<16xi32>, vector<16xi32>], vector<16xf32>,
      %gather3A_1025 = tpu.vector_load_idx %arg13[%iota3A, %add3A_1023, %and3A_968] : memref<16x16x128xf32, #tpu.memory_space<vmem>>[vector<16xi32>, vector<16xi32>, vector<16xi32>], vector<16xf32>,
      %mul3A_1026 = arith.mulf %gather3A_1024, %gather3A_1025 : vector<16xf32>
      %add3A_1027 = arith.addf %add3A_1017, %mul3A_1026 : vector<16xf32>
      %and3A_1028 = arith.constant 0 : i32
      %and3A_1029 = vector.broadcast %and3A_1028 : i32 to vector<16xi32>
      %and3A_1030 = arith.andi %iota3A, %and3A_1029 : vector<16xi32>
      %add3A_1031 = arith.constant 6 : i32
      %add3A_1032 = vector.broadcast %add3A_1031 : i32 to vector<16xi32>
      %add3A_1033 = arith.addi %and3A_1030, %add3A_1032 : vector<16xi32>
      %gather3A_1034 = tpu.vector_load_idx %arg12[%iota3A, %add3A_1033, %and3A_965] : memref<16x16x128xf32, #tpu.memory_space<vmem>>[vector<16xi32>, vector<16xi32>, vector<16xi32>], vector<16xf32>,
      %gather3A_1035 = tpu.vector_load_idx %arg13[%iota3A, %add3A_1033, %and3A_968] : memref<16x16x128xf32, #tpu.memory_space<vmem>>[vector<16xi32>, vector<16xi32>, vector<16xi32>], vector<16xf32>,
      %mul3A_1036 = arith.mulf %gather3A_1034, %gather3A_1035 : vector<16xf32>
      %add3A_1037 = arith.addf %add3A_1027, %mul3A_1036 : vector<16xf32>
      %and3A_1038 = arith.constant 0 : i32
      %and3A_1039 = vector.broadcast %and3A_1038 : i32 to vector<16xi32>
      %and3A_1040 = arith.andi %iota3A, %and3A_1039 : vector<16xi32>
      %add3A_1041 = arith.constant 7 : i32
      %add3A_1042 = vector.broadcast %add3A_1041 : i32 to vector<16xi32>
      %add3A_1043 = arith.addi %and3A_1040, %add3A_1042 : vector<16xi32>
      %gather3A_1044 = tpu.vector_load_idx %arg12[%iota3A, %add3A_1043, %and3A_965] : memref<16x16x128xf32, #tpu.memory_space<vmem>>[vector<16xi32>, vector<16xi32>, vector<16xi32>], vector<16xf32>,
      %gather3A_1045 = tpu.vector_load_idx %arg13[%iota3A, %add3A_1043, %and3A_968] : memref<16x16x128xf32, #tpu.memory_space<vmem>>[vector<16xi32>, vector<16xi32>, vector<16xi32>], vector<16xf32>,
      %mul3A_1046 = arith.mulf %gather3A_1044, %gather3A_1045 : vector<16xf32>
      %add3A_1047 = arith.addf %add3A_1037, %mul3A_1046 : vector<16xf32>
      %and3A_1048 = arith.constant 0 : i32
      %and3A_1049 = vector.broadcast %and3A_1048 : i32 to vector<16xi32>
      %and3A_1050 = arith.andi %iota3A, %and3A_1049 : vector<16xi32>
      %add3A_1051 = arith.constant 8 : i32
      %add3A_1052 = vector.broadcast %add3A_1051 : i32 to vector<16xi32>
      %add3A_1053 = arith.addi %and3A_1050, %add3A_1052 : vector<16xi32>
      %gather3A_1054 = tpu.vector_load_idx %arg12[%iota3A, %add3A_1053, %and3A_965] : memref<16x16x128xf32, #tpu.memory_space<vmem>>[vector<16xi32>, vector<16xi32>, vector<16xi32>], vector<16xf32>,
      %gather3A_1055 = tpu.vector_load_idx %arg13[%iota3A, %add3A_1053, %and3A_968] : memref<16x16x128xf32, #tpu.memory_space<vmem>>[vector<16xi32>, vector<16xi32>, vector<16xi32>], vector<16xf32>,
      %mul3A_1056 = arith.mulf %gather3A_1054, %gather3A_1055 : vector<16xf32>
      %add3A_1057 = arith.addf %add3A_1047, %mul3A_1056 : vector<16xf32>
      %and3A_1058 = arith.constant 0 : i32
      %and3A_1059 = vector.broadcast %and3A_1058 : i32 to vector<16xi32>
      %and3A_1060 = arith.andi %iota3A, %and3A_1059 : vector<16xi32>
      %add3A_1061 = arith.constant 9 : i32
      %add3A_1062 = vector.broadcast %add3A_1061 : i32 to vector<16xi32>
      %add3A_1063 = arith.addi %and3A_1060, %add3A_1062 : vector<16xi32>
      %gather3A_1064 = tpu.vector_load_idx %arg12[%iota3A, %add3A_1063, %and3A_965] : memref<16x16x128xf32, #tpu.memory_space<vmem>>[vector<16xi32>, vector<16xi32>, vector<16xi32>], vector<16xf32>,
      %gather3A_1065 = tpu.vector_load_idx %arg13[%iota3A, %add3A_1063, %and3A_968] : memref<16x16x128xf32, #tpu.memory_space<vmem>>[vector<16xi32>, vector<16xi32>, vector<16xi32>], vector<16xf32>,
      %mul3A_1066 = arith.mulf %gather3A_1064, %gather3A_1065 : vector<16xf32>
      %add3A_1067 = arith.addf %add3A_1057, %mul3A_1066 : vector<16xf32>
      %and3A_1068 = arith.constant 0 : i32
      %and3A_1069 = vector.broadcast %and3A_1068 : i32 to vector<16xi32>
      %and3A_1070 = arith.andi %iota3A, %and3A_1069 : vector<16xi32>
      %add3A_1071 = arith.constant 10 : i32
      %add3A_1072 = vector.broadcast %add3A_1071 : i32 to vector<16xi32>
      %add3A_1073 = arith.addi %and3A_1070, %add3A_1072 : vector<16xi32>
      %gather3A_1074 = tpu.vector_load_idx %arg12[%iota3A, %add3A_1073, %and3A_965] : memref<16x16x128xf32, #tpu.memory_space<vmem>>[vector<16xi32>, vector<16xi32>, vector<16xi32>], vector<16xf32>,
      %gather3A_1075 = tpu.vector_load_idx %arg13[%iota3A, %add3A_1073, %and3A_968] : memref<16x16x128xf32, #tpu.memory_space<vmem>>[vector<16xi32>, vector<16xi32>, vector<16xi32>], vector<16xf32>,
      %mul3A_1076 = arith.mulf %gather3A_1074, %gather3A_1075 : vector<16xf32>
      %add3A_1077 = arith.addf %add3A_1067, %mul3A_1076 : vector<16xf32>
      %and3A_1078 = arith.constant 0 : i32
      %and3A_1079 = vector.broadcast %and3A_1078 : i32 to vector<16xi32>
      %and3A_1080 = arith.andi %iota3A, %and3A_1079 : vector<16xi32>
      %add3A_1081 = arith.constant 11 : i32
      %add3A_1082 = vector.broadcast %add3A_1081 : i32 to vector<16xi32>
      %add3A_1083 = arith.addi %and3A_1080, %add3A_1082 : vector<16xi32>
      %gather3A_1084 = tpu.vector_load_idx %arg12[%iota3A, %add3A_1083, %and3A_965] : memref<16x16x128xf32, #tpu.memory_space<vmem>>[vector<16xi32>, vector<16xi32>, vector<16xi32>], vector<16xf32>,
      %gather3A_1085 = tpu.vector_load_idx %arg13[%iota3A, %add3A_1083, %and3A_968] : memref<16x16x128xf32, #tpu.memory_space<vmem>>[vector<16xi32>, vector<16xi32>, vector<16xi32>], vector<16xf32>,
      %mul3A_1086 = arith.mulf %gather3A_1084, %gather3A_1085 : vector<16xf32>
      %add3A_1087 = arith.addf %add3A_1077, %mul3A_1086 : vector<16xf32>
      %and3A_1088 = arith.constant 0 : i32
      %and3A_1089 = vector.broadcast %and3A_1088 : i32 to vector<16xi32>
      %and3A_1090 = arith.andi %iota3A, %and3A_1089 : vector<16xi32>
      %add3A_1091 = arith.constant 12 : i32
      %add3A_1092 = vector.broadcast %add3A_1091 : i32 to vector<16xi32>
      %add3A_1093 = arith.addi %and3A_1090, %add3A_1092 : vector<16xi32>
      %gather3A_1094 = tpu.vector_load_idx %arg12[%iota3A, %add3A_1093, %and3A_965] : memref<16x16x128xf32, #tpu.memory_space<vmem>>[vector<16xi32>, vector<16xi32>, vector<16xi32>], vector<16xf32>,
      %gather3A_1095 = tpu.vector_load_idx %arg13[%iota3A, %add3A_1093, %and3A_968] : memref<16x16x128xf32, #tpu.memory_space<vmem>>[vector<16xi32>, vector<16xi32>, vector<16xi32>], vector<16xf32>,
      %mul3A_1096 = arith.mulf %gather3A_1094, %gather3A_1095 : vector<16xf32>
      %add3A_1097 = arith.addf %add3A_1087, %mul3A_1096 : vector<16xf32>
      %and3A_1098 = arith.constant 0 : i32
      %and3A_1099 = vector.broadcast %and3A_1098 : i32 to vector<16xi32>
      %and3A_1100 = arith.andi %iota3A, %and3A_1099 : vector<16xi32>
      %add3A_1101 = arith.constant 13 : i32
      %add3A_1102 = vector.broadcast %add3A_1101 : i32 to vector<16xi32>
      %add3A_1103 = arith.addi %and3A_1100, %add3A_1102 : vector<16xi32>
      %gather3A_1104 = tpu.vector_load_idx %arg12[%iota3A, %add3A_1103, %and3A_965] : memref<16x16x128xf32, #tpu.memory_space<vmem>>[vector<16xi32>, vector<16xi32>, vector<16xi32>], vector<16xf32>,
      %gather3A_1105 = tpu.vector_load_idx %arg13[%iota3A, %add3A_1103, %and3A_968] : memref<16x16x128xf32, #tpu.memory_space<vmem>>[vector<16xi32>, vector<16xi32>, vector<16xi32>], vector<16xf32>,
      %mul3A_1106 = arith.mulf %gather3A_1104, %gather3A_1105 : vector<16xf32>
      %add3A_1107 = arith.addf %add3A_1097, %mul3A_1106 : vector<16xf32>
      %and3A_1108 = arith.constant 0 : i32
      %and3A_1109 = vector.broadcast %and3A_1108 : i32 to vector<16xi32>
      %and3A_1110 = arith.andi %iota3A, %and3A_1109 : vector<16xi32>
      %add3A_1111 = arith.constant 14 : i32
      %add3A_1112 = vector.broadcast %add3A_1111 : i32 to vector<16xi32>
      %add3A_1113 = arith.addi %and3A_1110, %add3A_1112 : vector<16xi32>
      %gather3A_1114 = tpu.vector_load_idx %arg12[%iota3A, %add3A_1113, %and3A_965] : memref<16x16x128xf32, #tpu.memory_space<vmem>>[vector<16xi32>, vector<16xi32>, vector<16xi32>], vector<16xf32>,
      %gather3A_1115 = tpu.vector_load_idx %arg13[%iota3A, %add3A_1113, %and3A_968] : memref<16x16x128xf32, #tpu.memory_space<vmem>>[vector<16xi32>, vector<16xi32>, vector<16xi32>], vector<16xf32>,
      %mul3A_1116 = arith.mulf %gather3A_1114, %gather3A_1115 : vector<16xf32>
      %add3A_1117 = arith.addf %add3A_1107, %mul3A_1116 : vector<16xf32>
      %and3A_1118 = arith.constant 0 : i32
      %and3A_1119 = vector.broadcast %and3A_1118 : i32 to vector<16xi32>
      %and3A_1120 = arith.andi %iota3A, %and3A_1119 : vector<16xi32>
      %add3A_1121 = arith.constant 15 : i32
      %add3A_1122 = vector.broadcast %add3A_1121 : i32 to vector<16xi32>
      %add3A_1123 = arith.addi %and3A_1120, %add3A_1122 : vector<16xi32>
      %gather3A_1124 = tpu.vector_load_idx %arg12[%iota3A, %add3A_1123, %and3A_965] : memref<16x16x128xf32, #tpu.memory_space<vmem>>[vector<16xi32>, vector<16xi32>, vector<16xi32>], vector<16xf32>,
      %gather3A_1125 = tpu.vector_load_idx %arg13[%iota3A, %add3A_1123, %and3A_968] : memref<16x16x128xf32, #tpu.memory_space<vmem>>[vector<16xi32>, vector<16xi32>, vector<16xi32>], vector<16xf32>,
      %mul3A_1126 = arith.mulf %gather3A_1124, %gather3A_1125 : vector<16xf32>
      %add3A_1127 = arith.addf %add3A_1117, %mul3A_1126 : vector<16xf32>
      %swap3A = arith.index_cast %mul3A_23 : i32 to index
      %swap3A_1128 = tpu.vector_load %arg17[%swap3A] {strides = array<i32>} : memref<256xf32, #tpu.memory_space<vmem>>, vector<16xf32>,
      tpu.vector_store %arg17[%swap3A], %add3A_1127 {strides = array<i32>} : memref<256xf32, #tpu.memory_space<vmem>>, vector<16xf32>,
    }
    %scan3A_11 = arith.constant 16 : i32
    %dma_wait3A = arith.constant 0 : i32
    %dma_wait3A_12 = tpu.memref_slice %arg4[%dma_wait3A] : memref<1000001xf32, #tpu.memory_space<hbm>> -> memref<1000001xf32, #tpu.memory_space<hbm>>
    tpu.wait_indirect_dma semaphore(%arg19 : memref<!tpu.dma_semaphore, #tpu.memory_space<semaphore_mem>>) src(%dma_wait3A_12 : memref<1000001xf32, #tpu.memory_space<hbm>>) dst(%arg14 : memref<256xf32, #tpu.memory_space<vmem>>)
    %dma_wait3A_13 = arith.constant 0 : i32
    %dma_wait3A_14 = tpu.memref_slice %arg5[%dma_wait3A_13] : memref<1000000xf32, #tpu.memory_space<hbm>> -> memref<1000000xf32, #tpu.memory_space<hbm>>
    tpu.wait_indirect_dma semaphore(%arg19 : memref<!tpu.dma_semaphore, #tpu.memory_space<semaphore_mem>>) src(%dma_wait3A_14 : memref<1000000xf32, #tpu.memory_space<hbm>>) dst(%arg15 : memref<256xf32, #tpu.memory_space<vmem>>)
    %scan3A_15 = arith.constant 0 : i32
    %scan3A_16 = arith.constant 0 : i32
    %scan3A_17 = arith.constant 16 : i32
    %scan3A_18 = arith.addi %scan3A_16, %scan3A_17 : i32
    %scan3A_19 = arith.constant 1 : i32
    scf.for %scan3A_21 = %scan3A_16 to %scan3A_18 step %scan3A_19  : i32 {
      %mul3A_22 = arith.constant 16 : i32
      %mul3A_23 = arith.muli %scan3A_21, %mul3A_22 : i32
      %get3A_24 = arith.index_cast %mul3A_23 : i32 to index
      %get3A_25 = tpu.vector_load %arg17[%get3A_24] {strides = array<i32>} : memref<256xf32, #tpu.memory_space<vmem>>, vector<16xf32>,
      %get3A_26 = arith.index_cast %mul3A_23 : i32 to index
      %get3A_27 = tpu.vector_load %arg14[%get3A_26] {strides = array<i32>} : memref<256xf32, #tpu.memory_space<vmem>>, vector<16xf32>,
      %add3A_28 = arith.addf %get3A_25, %get3A_27 : vector<16xf32>
      %get3A_29 = arith.index_cast %mul3A_23 : i32 to index
      %get3A_30 = tpu.vector_load %arg15[%get3A_29] {strides = array<i32>} : memref<256xf32, #tpu.memory_space<vmem>>, vector<16xf32>,
      %add3A_31 = arith.addf %add3A_28, %get3A_30 : vector<16xf32>
      %swap3A = arith.index_cast %mul3A_23 : i32 to index
      %swap3A_32 = tpu.vector_load %arg17[%swap3A] {strides = array<i32>} : memref<256xf32, #tpu.memory_space<vmem>>, vector<16xf32>,
      tpu.vector_store %arg17[%swap3A], %add3A_31 {strides = array<i32>} : memref<256xf32, #tpu.memory_space<vmem>>, vector<16xf32>,
    }
    %scan3A_20 = arith.constant 16 : i32
    "tpu.region"() ({
      %run_scoped3A = tpu.sem_alloc : memref<!tpu.dma_semaphore, #tpu.memory_space<semaphore_mem>>
      %dma_start3A_21 = tpu.memref_slice %arg9[%mul3A_2] : memref<8192xf32, #tpu.memory_space<hbm>> -> memref<256xf32, #tpu.memory_space<hbm>>
      %dma_start3A_22 = tpu.memref_slice %arg9[%mul3A_2] : memref<8192xf32, #tpu.memory_space<hbm>> -> memref<256xf32, #tpu.memory_space<hbm>>
      tpu.enqueue_dma source(%arg17 : memref<256xf32, #tpu.memory_space<vmem>>) target(%dma_start3A_22 : memref<256xf32, #tpu.memory_space<hbm>>) target_semaphore(%run_scoped3A : memref<!tpu.dma_semaphore, #tpu.memory_space<semaphore_mem>>)
      %dma_wait3A_23 = tpu.memref_slice %arg9[%mul3A_2] : memref<8192xf32, #tpu.memory_space<hbm>> -> memref<256xf32, #tpu.memory_space<hbm>>
      %dma_wait3A_24 = tpu.memref_slice %arg9[%mul3A_2] : memref<8192xf32, #tpu.memory_space<hbm>> -> memref<256xf32, #tpu.memory_space<hbm>>
      tpu.wait_dma2 semaphore(%run_scoped3A : memref<!tpu.dma_semaphore, #tpu.memory_space<semaphore_mem>>) src(%arg17 : memref<256xf32, #tpu.memory_space<vmem>>) dst(%dma_wait3A_24 : memref<256xf32, #tpu.memory_space<hbm>>)
      tpu.yield
    }) : () -> ()
    return
  }
}

</mosaic_0001>

<sc_bundles>
// kernel: _mf.4.cloned.1.call-start
scs
__scs_entry_jumppad:
0x0: {  	(pc) =	sbr.rel $0x88, $3  }
0x1: {  	(tag) =	ssettag $0x0;
	lr =	simm.s32 $0x1  }
0x2: {  	[smem:$0x3F9A] =	sst lr;
	_ =	strace $0xD0000000  }
0x3: {  	_ = 	snop  }
0x4: {  	_ = 	snop  }
0x5: {  	_ = 	snop  }
0x6: {  	_ = 	snop  }
0x7: {  	_ = 	snop  }
__scs_overlays_trampoline_lowered:
0x8: {  	[smem:$0x3FA9] =	sst s0  }
0x9: {  	[smem:$0x3FAA] =	sst s1  }
0xa: {  	[smem:$0x3FAB] =	sst s2  }
0xb: {  	[smem:$0x3FAC] =	sst s3  }
0xc: {  	[smem:$0x3FAD] =	sst s4  }
0xd: {  	[smem:$0x3FAE] =	sst s5  }
0xe: {  	[smem:$0x3FAF] =	sst s6  }
0xf: {  	[smem:$0x3FB0] =	sst s7  }
0x10: {  	[smem:$0x3FB1] =	sst s8  }
0x11: {  	[smem:$0x3FB2] =	sst s9;
	s0 =	simm.s32 @!p0 $0x0  }
0x12: {  	s1 =	sld [smem:$0x3F98];
	s0 =	simm.s32 @p0 $0x1  }
0x13: {  	[smem:$0x3FB3] =	sst s0;
	s0 =	simm.s32 @!p1 $0x0  }
0x14: {  	s2 =	sld [smem:$0x3F97];
	s0 =	simm.s32 @p1 $0x1  }
0x15: {  	[smem:$0x3FB4] =	sst s0;
	s0 =	simm.s32 @!p2 $0x0  }
0x16: {  	s3 =	sld [smem:$0x3FDB];
	s0 =	simm.s32 @p2 $0x1  }
0x17: {  	s4 =	simm.s32 $0x1BF5;
	[smem:$0x3FB6] =	sst s0  }
0x18: {  	s0 =	sld [smem:$0x3F99];
	_ =	swait.ge [sflag:s4], $0x0  }
0x19: {  	s7 =	sld [smem:$0x3F9A]  }
0x1a: {  	s8 =	sadd.s32 $0xFFFFE003, lr  }
0x1b: {  	s9 =	sadd.s32 $0xFFFFFEF7, lr;
	s5 =	simm.s32 $0xFFFFFFFF;
	p2 =	slt.u32 s8, $0xFFFFF086  }
0x1c: {  	p1 =	slt.u32 s9, $0xF7A;
	s5 =	simm.s32 @!p2 $0x0  }
0x1d: {  	s5 =	simm.s32 @p1 $0x1;
	p0 =	seq.s32 s7, s2  }
0x1e: {  	s7 =	smul.u32 @!p0 $0xF7A, s2;
	p2 =	seq.s32 @!p0 s5, $0x0  }
0x1f: {  	s9 =	smul.u32 $0xF7A, s1;
	s8 =	simm.s32 @!p0 $0x1BF5;
	p2 =	por !p2, p0  }
0x20: {  	[sflag:s8] =	ssyncset.s32 @!p0 $0xFFFFF086;
	s6 =	sadd.s32 @!p0 s3, s7;
	s7 =	simm.s32 @!p0 $0x108  }
0x21: {  	s3 =	sadd.s32 s3, s9;
	s6 =	sadd.s32 @!p0 $0x88, s6;
	s7 =	simm.s32 @p2 $0x1082  }
0x22: {  	[simem:s7], [sflag:s8] =	dma.local @!p0 [hbm:s6], $0xF7A  }
0x23: {  	s9 =	sor.u32 $0xD0000000, s2;
	s6 =	simm.s32 $0x108;
	_ =	swait.ge @!p0 [sflag:s8], $0x0  }
0x24: {  	s3 =	sadd.s32 $0x88, s3;
	s6 =	simm.s32 @!p1 $0x1082;
	[sflag:s4] =	ssyncset.s32 $0xFFFFF086  }
0x25: {  	[simem:s6], [sflag:s4] =	dma.local [hbm:s3], $0xF7A  }
0x26: {  	[smem:$0x3F9A] =	sst s1;
	(tag) =	ssettag s2;
	_ =	strace s9  }
0x27: {  	s1 =	sld [smem:$0x3FAA]  }
0x28: {  	s2 =	sld [smem:$0x3FAB]  }
0x29: {  	s4 =	sld [smem:$0x3FAD]  }
0x2a: {  	p0 =	seq.s32 s5, $0x0;
	s5 =	sld [smem:$0x3FAE]  }
0x2b: {  	s6 =	sld [smem:$0x3FAF]  }
0x2c: {  	s7 =	sld [smem:$0x3FB0]  }
0x2d: {  	s3 =	simm.s32 $0x108;
	s8 =	sld [smem:$0x3FB1]  }
0x2e: {  	s3 =	simm.s32 @!p0 $0x1082;
	s9 =	sld [smem:$0x3FB2]  }
0x2f: {  	lr =	sadd.s32 s0, s3;
	s0 =	sld [smem:$0x3FA9]  }
0x30: {  	s3 =	sld [smem:$0x3FAC]  }
0x31: {  	[smem:$0x3FB5] =	sst s10  }
0x32: {  	s10 =	sld [smem:$0x3FB3];
	_ =	sdelay $0x3  }
0x33: {  	p0 =	seq.s32 s10, $0x1;
	s10 =	sld [smem:$0x3FB5];
	_ =	sdelay $0x3  }
0x34: {  	[smem:$0x3FB5] =	sst s10  }
0x35: {  	s10 =	sld [smem:$0x3FB4];
	_ =	sdelay $0x3  }
0x36: {  	p1 =	seq.s32 s10, $0x1;
	s10 =	sld [smem:$0x3FB5];
	_ =	sdelay $0x3  }
0x37: {  	[smem:$0x3FB5] =	sst s10  }
0x38: {  	s10 =	sld [smem:$0x3FB6]  }
0x39: {  	_ = 	snop;
	(pc) =	sbr.ind lr, $3  }
0x3a: {  	_ = 	snop  }
0x3b: {  	_ = 	snop  }
0x3c: {  	p2 =	seq.s32 s10, $0x1;
	s10 =	sld [smem:$0x3FB5]  }
0x3d: {  	_ =	shalt  }
0x3e: {  	_ =	shalt  }
0x3f: {  	_ =	shalt  }
0x40: {  	_ =	shalt  }
0x41: {  	_ =	shalt  }
0x42: {  	_ =	shalt  }
0x43: {  	_ =	shalt  }
0x44: {  	_ =	shalt  }
0x45: {  	_ =	shalt  }
0x46: {  	_ =	shalt  }
0x47: {  	_ =	shalt  }
0x48: {  	_ =	shalt  }
0x49: {  	_ =	shalt  }
0x4a: {  	_ =	shalt  }
0x4b: {  	_ =	shalt  }
0x4c: {  	_ =	shalt  }
0x4d: {  	_ =	shalt  }
0x4e: {  	_ =	shalt  }
0x4f: {  	_ =	shalt  }
0x50: {  	_ =	shalt  }
0x51: {  	_ =	shalt  }
0x52: {  	_ =	shalt  }
0x53: {  	_ =	shalt  }
0x54: {  	_ =	shalt  }
0x55: {  	_ =	shalt  }
0x56: {  	_ =	shalt  }
0x57: {  	_ =	shalt  }
0x58: {  	_ =	shalt  }
0x59: {  	_ =	shalt  }
0x5a: {  	_ =	shalt  }
0x5b: {  	_ =	shalt  }
0x5c: {  	_ =	shalt  }
0x5d: {  	_ =	shalt  }
0x5e: {  	_ =	shalt  }
0x5f: {  	_ =	shalt  }
0x60: {  	_ =	shalt  }
0x61: {  	_ =	shalt  }
0x62: {  	_ =	shalt  }
0x63: {  	_ =	shalt  }
0x64: {  	_ =	shalt  }
0x65: {  	_ =	shalt  }
0x66: {  	_ =	shalt  }
0x67: {  	_ =	shalt  }
0x68: {  	_ =	shalt  }
0x69: {  	_ =	shalt  }
0x6a: {  	_ =	shalt  }
0x6b: {  	_ =	shalt  }
0x6c: {  	_ =	shalt  }
0x6d: {  	_ =	shalt  }
0x6e: {  	_ =	shalt  }
0x6f: {  	_ =	shalt  }
0x70: {  	_ =	shalt  }
0x71: {  	_ =	shalt  }
0x72: {  	_ =	shalt  }
0x73: {  	_ =	shalt  }
0x74: {  	_ =	shalt  }
0x75: {  	_ =	shalt  }
0x76: {  	_ =	shalt  }
0x77: {  	_ =	shalt  }
0x78: {  	_ =	shalt  }
0x79: {  	_ =	shalt  }
0x7a: {  	_ =	shalt  }
0x7b: {  	_ =	shalt  }
0x7c: {  	_ =	shalt  }
0x7d: {  	_ =	shalt  }
0x7e: {  	_ =	shalt  }
0x7f: {  	_ =	shalt  }
0x80: {  	_ =	shalt  }
0x81: {  	_ =	shalt  }
0x82: {  	_ =	shalt  }
0x83: {  	_ =	shalt  }
0x84: {  	_ =	shalt  }
0x85: {  	_ =	shalt  }
0x86: {  	_ =	shalt  }
0x87: {  	_ =	shalt  }
.Lfunc_end0:
.L_simem_size_0:
called_computation_lowered:
.L_overlay_start_0:
0x88: {  	s2 =	sld [smem:$0x3FD9]  }
0x89: {  	s3 =	sld [smem:$0x3FFE];
	_ =	sdelay $0x1  }
0x8a: {  	s1 =	srdreg.scid  }
0x8b: {  	s0 =	sand.u32 $0x1, s1  }
0x8c: {  	s17 =	sshll.u32 s0, $0xA;
	s2 =	sadd.s32 s3, s2  }
0x8d: {  	s2 =	sadd.s32 s2, s17  }
0x8e: {  	[smem:$0x3FC1] =	sst s2  }
0x8f: {  	_ = 	snop  }
0x90: {  	s2 =	sld [smem:$0x3FC9]  }
0x91: {  	s18 =	sld [smem:$0x3FC8]  }
0x92: {  	s4 =	sld [smem:$0x3FC7]  }
0x93: {  	s5 =	sld [smem:$0x3FC6]  }
0x94: {  	s6 =	sld [smem:$0x3FC5]  }
0x95: {  	s7 =	sld [smem:$0x3FD0];
	(tm) =	ssettm $0x1  }
0x96: {  	s8 =	sld [smem:$0x3FFB];
	_ =	sdelay $0x3  }
0x97: {  	_ =	strace s8  }
0x98: {  	s8 =	sld [smem:$0x3FFC];
	_ =	sdelay $0x3  }
0x99: {  	_ =	strace s8  }
0x9a: {  	s8 =	sld [smem:$0x3FFD];
	_ =	sdelay $0x3  }
0x9b: {  	_ =	strace s8  }
0x9c: {  	_ =	strace $0x8FFFFFFF  }
0x9d: {  	s19 =	sld [smem:$0x3FDB];
	_ =	sdelay $0x1  }
0x9e: {  	s9 =	simm.s32 $_scs_section_size  }
0x9f: {  	s10 =	simm.s32 $_size__tile_overlayer_lowered;
	s11 =	simm.s32 $_tile_overlayer_lowered  }
0xa0: {  	s22 =	simm.s32 $0x1BFF;
	s21 =	sshll.u32 s11, $0x1;
	s8 =	sadd.s32 s9, s19  }
0xa1: {  	s12 =	simm.s32 $0x0;
	s20 =	sshll.u32 s10, $0x1;
	s10 =	sadd.s32 s21, s8  }
0xa2: {  	[timem:s12], [sflag:s22] =	dma.local [hbm:s10], s20  }
0xa3: {  	_ =	swait.ge [sflag:s22], s20  }
0xa4: {  	s9 =	ssub.s32 $0x0, s20;
	[sflag:s22] =	ssyncset.done $0x0  }
0xa5: {  	[sflag:s22] =	ssyncadd.s32 s9;
	_ =	sdelay $0x1  }
0xa6: {  	s23 =	simm.s32 $0x1B8B  }
0xa7: {  	_ =	swait.ge [sflag:s23], $0x1  }
0xa8: {  	[sflag:s23] =	ssyncset.done $0x0  }
0xa9: {  	s25 =	simm.s32 $0x1B8E;
	s24 =	sld [smem:$0x3FFE];
	[sflag:s23] =	ssyncadd.s32 $0xFFFFFFFF  }
0xaa: {  	s26 =	simm.s32 $execute0_lowered;
	[smem:$0x3FD2] =	sst s25  }
0xab: {  	s10 =	sshll.u32 s26, $0x1;
	_ =	strace $0x80000046;
	[dreg:$0x1] =	wrdreg $0xFFFFFFFF  }
0xac: {  	s28 =	simm.s32 $_size_execute0_lowered;
	s8 =	sadd.s32 s8, s10;
	[dreg:$0x0] =	wrdreg $0x0  }
0xad: {  	s10 =	sshll.u32 s28, $0x1;
	[dreg:$0x2] =	wrdreg s8  }
0xae: {  	[dreg:$0x3] =	wrdreg s10  }
0xaf: {  	[dreg:$0x4] =	wrdreg $0xC0  }
0xb0: {  	_ =	task [dreg:s12], $0x5FFFF  }
0xb1: {  	[dreg:$0x1] =	wrdreg $0xFFFFFFFF  }
0xb2: {  	[dreg:$0x0] =	wrdreg $0x60  }
0xb3: {  	[dreg:$0x2] =	wrdreg s2  }
0xb4: {  	[dreg:$0x3] =	wrdreg s18  }
0xb5: {  	[dreg:$0x4] =	wrdreg s4  }
0xb6: {  	[dreg:$0x5] =	wrdreg s5  }
0xb7: {  	[dreg:$0x6] =	wrdreg s6  }
0xb8: {  	[dreg:$0x7] =	wrdreg s24  }
0xb9: {  	[dreg:$0x8] =	wrdreg s7  }
0xba: {  	[dreg:$0x9] =	wrdreg $0x9  }
0xbb: {  	_ =	task.clear_ibuf [dreg:s12], $0xAFFFF;
	_ =	strace $0x90000046  }
0xbc: {  	s29 =	simm.s32 $0x9;
	_ =	strace $0x80000048  }
0xbd: {  	_ =	swait.ge [sflag:s29], $0x1  }
0xbe: {  	[sflag:s29] =	ssyncadd.s32 $0xFFFFFFFF  }
0xbf: {  	_ =	strace $0x90000048  }
0xc0: {  	_ =	sfence  }
0xc1: {  	s30 =	sld [smem:$0x0];
	_ =	sdelay $0x2  }
0xc2: {  	s31 =	sshll.u32 s1, $0xD;
	s1 =	sshrl.u32 s1, $0x2  }
0xc3: {  	s3 =	sand.u32 $0x4000, s31;
	s1 =	sadd.s32 s1, s30  }
0xc4: {  	s0 =	sor.u32 s3, s0;
	s1 =	sshll.u32 s1, $0x11  }
0xc5: {  	s0 =	sor.u32 s1, s0  }
0xc6: {  	s0 =	sadd.s32 $0x8F2B, s0  }
0xc7: {  	[sflag:s0] =	ssyncadd.remote.s32 $0x1  }
0xc8: {  	_ =	sfence.sel $0xFFFF  }
0xc9: {  	[dreg:$0x0] =	wrdreg $0xFFFFFFFF;
	(pc) =	sbr.abs _section_cstart, $3  }
0xca: {  	[dreg:$0x1] =	wrdreg $0xFFFFFFFF  }
0xcb: {  	_ =	task.clear_ibuf [dreg:s12], $0x2FFFF;
	_ =	strace $0x9FFFFFFF  }
0xcc: {  	(tm) =	ssettm $0x7FFFFFFF  }
0xcd: {  	_ =	shalt  }
tec
execute0_lowered:
.L_overlay_start_1:
0x0: {  	(tag) =	ssettag $0x1  }
0x1: {  	s0 =	rddreg [dreg:$0x0]  }
0x2: {  	s9 =	rddreg [dreg:$0x1]  }
0x3: {  	s1 =	rddreg [dreg:$0x2]  }
0x4: {  	s2 =	rddreg [dreg:$0x3]  }
0x5: {  	s3 =	rddreg [dreg:$0x4]  }
0x6: {  	s6 =	rddreg [dreg:$0x5]  }
0x7: {  	s7 =	rddreg [dreg:$0x6]  }
0x8: {  	[dreg:$0x8] =	wrdreg s0  }
0x9: {  	[dreg:$0x9] =	wrdreg s9  }
0xa: {  	s4 =	simm.s32 $0x0;
	s0 =	rddreg [dreg:$0x7]  }
0xb: {  	s5 =	simm.s32 $0xA00;
	[smem:$0x7FF] =	sst s4  }
0xc: {  	s10 =	simm.s32 $0x8A00;
	_ =	strace $0x80000047;
	[dreg:$0xa] =	wrdreg s5  }
0xd: {  	s11 =	simm.s32 $0x1200;
	[dreg:$0xb] =	wrdreg s10  }
0xe: {  	s12 =	simm.s32 $0x9200;
	[dreg:$0xc] =	wrdreg s11  }
0xf: {  	s13 =	simm.s32 $0x1A00;
	[dreg:$0xd] =	wrdreg s12  }
0x10: {  	s14 =	simm.s32 $0x9A00;
	[dreg:$0xe] =	wrdreg s13  }
0x11: {  	s15 =	simm.s32 $0x2200;
	[dreg:$0xf] =	wrdreg s14  }
0x12: {  	s16 =	simm.s32 $0xA200;
	[dreg:$0x10] =	wrdreg s15  }
0x13: {  	s9 =	simm.s32 $0x2A00;
	[dreg:$0x11] =	wrdreg s16  }
0x14: {  	s17 =	simm.s32 $0xAA00;
	[dreg:$0x12] =	wrdreg s9  }
0x15: {  	s18 =	simm.s32 $0x3200;
	[dreg:$0x13] =	wrdreg s17  }
0x16: {  	s19 =	simm.s32 $0xB200;
	[dreg:$0x14] =	wrdreg s18  }
0x17: {  	s20 =	simm.s32 $0x3A00;
	[dreg:$0x15] =	wrdreg s19  }
0x18: {  	s21 =	simm.s32 $0xBA00;
	[dreg:$0x16] =	wrdreg s20  }
0x19: {  	s22 =	simm.s32 $0x4200;
	[dreg:$0x17] =	wrdreg s21  }
0x1a: {  	s23 =	simm.s32 $0xC200;
	[dreg:$0x18] =	wrdreg s22  }
0x1b: {  	s25 =	simm.s32 $0x4A00;
	[dreg:$0x19] =	wrdreg s23  }
0x1c: {  	s8 =	srdreg.scid;
	s26 =	simm.s32 $0xCA00;
	[dreg:$0x1a] =	wrdreg s25  }
0x1d: {  	s28 =	simm.s32 $0x5200;
	s29 =	simm.s32 $0xD200;
	[dreg:$0x1b] =	wrdreg s26  }
0x1e: {  	s30 =	simm.s32 $0x5A00;
	s31 =	simm.s32 $0xDA00;
	[dreg:$0x1c] =	wrdreg s28  }
0x1f: {  	s8 =	sand.u32 $0x1, s8;
	s5 =	stileid.u32;
	[dreg:$0x1d] =	wrdreg s29  }
0x20: {  	s11 =	sshll.u32 s8, $0x5;
	s8 =	ssub.s32 $0x2, s8;
	[dreg:$0x1e] =	wrdreg s30  }
0x21: {  	[dreg:$0x1f] =	wrdreg s31;
	s12 =	simm.s32 $0x6200;
	s13 =	simm.s32 $0xE200  }
0x22: {  	s14 =	simm.s32 $0x6A00;
	s15 =	simm.s32 $0xEA00;
	s16 =	simm.s32 $0x7200  }
0x23: {  	s17 =	simm.s32 $0xF200;
	s18 =	simm.s32 $0x7A00;
	[smem:$0x7F6] =	sst s12  }
0x24: {  	s19 =	simm.s32 $0xFA00;
	s20 =	simm.s32 $0x2;
	[smem:$0x7F7] =	sst s13  }
0x25: {  	v0 =	vlaneseq.u32;
	s21 =	simm.s32 $0x10480;
	s22 =	simm.s32 $0x0;
	[smem:$0x7F8] =	sst s14  }
0x26: {  	v0 =	vmul.u32 $0x800, v0;
	s10 =	sshll.u32 s5, $0x6;
	s24 =	sshrl.u32 s8, $0x1;
	[smem:$0x7F9] =	sst s15  }
0x27: {  	s12 =	simm.s32 $0x10400;
	s13 =	simm.s32 $0x10200;
	[smem:$0x7FA] =	sst s16  }
0x28: {  	s14 =	simm.s32 $0x10300;
	s15 =	simm.s32 $0x400;
	v1 =	vor.u32 $0x80, v0;
	[smem:$0x7FB] =	sst s17  }
0x29: {  	v2 =	vor.u32 $0x100, v0;
	v3 =	vor.u32 $0x180, v0;
	s16 =	simm.s32 $0x7A1400;
	s17 =	simm.s32 $0x200;
	[smem:$0x7FC] =	sst s18  }
0x2a: {  	v4 =	vor.u32 $0x200, v0;
	v5 =	vor.u32 $0x280, v0;
	v6 =	vor.u32 $0x300, v0;
	s18 =	simm.s32 $0x8200;
	[smem:$0x7FD] =	sst s19;
	s10 =	sor.u32 s11, s10  }
0x2b: {  	v7 =	vor.u32 $0x380, v0;
	v8 =	vor.u32 $0x400, v0;
	v9 =	vor.u32 $0x480, v0;
	s19 =	simm.s32 $0x1;
	s9 =	ssub.s32 s8, s24;
	s11 =	sadd.s32 s10, s6  }
0x2c: {  	v10 =	vor.u32 $0x500, v0;
	v11 =	vor.u32 $0x580, v0;
	v12 =	vor.u32 $0x600, v0;
	s7 =	sadd.s32 s7, s10;
	s9 =	smax.u32 s9, $0x1;
	s10 =	simm.s32 $0x3  }
0x2d: {  	v13 =	vor.u32 $0x680, v0;
	v14 =	vor.u32 $0x700, v0;
	v15 =	vor.u32 $0x780, v0;
	s6 =	sadd.s32 $0xA00, s11;
	s8 =	sadd.s32 $0x1600, s11;
	s11 =	simm.s32 $0x100  }
.LBB2_1:
0x2e: {  	[tilespmem:s4], [sflag:$0x3] =	stream.linear.gather [hbm4b:s6+s4], $0x100, $0x38;
	[tilespmem:$0x10580] =	vst v63  }
0x2f: {  	_ =	swait.ge [sflag:s10], $0x100  }
0x30: {  	[sflag:s10] =	ssyncset.done $0x0  }
0x31: {  	[sflag:s10] =	ssyncadd.s32 $0xFFFFFF00  }
0x32: {  	[tilespmem:s11], [sflag:$0x3] =	stream.linear.gather [hbm4b:s7+s4], $0x100, $0x38;
	[tilespmem:$0x10580] =	vst v63  }
0x33: {  	_ =	swait.ge [sflag:s10], $0x100  }
0x34: {  	[sflag:s10] =	ssyncset.done $0x0  }
0x35: {  	[sflag:s10] =	ssyncadd.s32 $0xFFFFFF00  }
0x36: {  	[tilespmem:s12], [sflag:$0x3] =	stream.linear.gather [hbm4b:s3+s4], $0x80, $0x38;
	[tilespmem:$0x10580] =	vst v63  }
0x37: {  	_ =	swait.ge [sflag:s10], $0x80  }
0x38: {  	[sflag:s10] =	ssyncset.done $0x0  }
0x39: {  	[sflag:s10] =	ssyncadd.s32 $0xFFFFFF80  }
0x3a: {  	[tilespmem:s13], [sflag:$0x2] =	stream.indirect.gather [hbm4b:s1+s11], $0x1, s4, s11, $0xb8;
	[tilespmem:$0x10580] =	vst v63  }
0x3b: {  	s23 =	simm.s32 $0x0  }
0x3c: {  	[tilespmem:s14], [sflag:$0x2] =	stream.indirect.gather [hbm4b:s2+s11], $0x1, s11, s11, $0xb8;
	[tilespmem:$0x10580] =	vst v63  }
0x3d: {  	v18 =	vld [tilespmem:s23+$0x0];
	_ =	sdelay $0x1  }
0x3e: {  	v17 =	vld [tilespmem:s23+$0x100];
	_ =	sdelay $0x2  }
0x3f: {  	s24 =	rddreg [dreg:$0x8];
	v16 =	vand.u32 $0xFFFFFF80, v18  }
0x40: {  	v19 =	vadd.s32 s24, v16  }
0x41: {  	s25 =	rddreg [dreg:$0x9];
	v16 =	vand.u32 $0xFFFFFF80, v17;
	(v2sf) =	vpush v19, $0x0  }
0x42: {  	v20 =	vadd.s32 s25, v16  }
0x43: {  	(v2sf) =	vpush v20, $0x0;
	_ =	sdelay $0x1  }
0x44: {  	(v2sf) =	vpush v19, $0x1;
	_ =	sdelay $0x1  }
0x45: {  	(v2sf) =	vpush v20, $0x1;
	_ =	sdelay $0x1  }
0x46: {  	(v2sf) =	vpush v19, $0x2;
	_ =	sdelay $0x1  }
0x47: {  	(v2sf) =	vpush v20, $0x2;
	_ =	sdelay $0x1  }
0x48: {  	(v2sf) =	vpush v19, $0x3;
	_ =	sdelay $0x1  }
0x49: {  	(v2sf) =	vpush v20, $0x3  }
0x4a: {  	s26 =	spop (v2sf)  }
0x4b: {  	v16 =	vld [tilespmem:$0x10400];
	(v2sf) =	vpush v19, $0x4;
	[tilespmem:s17], [sflag:$0x1] =	stream.strided.gather [hbm4b:s26+s15], $0x800, s16, s15, $0x38  }
0x4c: {  	s28 =	rddreg [dreg:$0xa];
	s29 =	spop (v2sf)  }
0x4d: {  	(v2sf) =	vpush v20, $0x4;
	[tilespmem:s18], [sflag:$0x1] =	stream.strided.gather [hbm4b:s29+s15], $0x800, s16, s15, $0x38;
	[tilespmem:$0x10580] =	vst v63  }
0x4e: {  	s30 =	rddreg [dreg:$0xb];
	s26 =	spop (v2sf)  }
0x4f: {  	(v2sf) =	vpush v19, $0x5;
	[tilespmem:s28], [sflag:$0x1] =	stream.strided.gather [hbm4b:s26+s15], $0x800, s16, s15, $0x38;
	[tilespmem:$0x10580] =	vst v63  }
0x50: {  	s31 =	rddreg [dreg:$0xc];
	s28 =	spop (v2sf)  }
0x51: {  	(v2sf) =	vpush v20, $0x5;
	[tilespmem:s30], [sflag:$0x1] =	stream.strided.gather [hbm4b:s28+s15], $0x800, s16, s15, $0x38;
	[tilespmem:$0x10580] =	vst v63  }
0x52: {  	s29 =	rddreg [dreg:$0xd];
	s30 =	spop (v2sf)  }
0x53: {  	(v2sf) =	vpush v19, $0x6;
	[tilespmem:s31], [sflag:$0x1] =	stream.strided.gather [hbm4b:s30+s15], $0x800, s16, s15, $0x38;
	[tilespmem:$0x10580] =	vst v63  }
0x54: {  	s28 =	spop (v2sf);
	s31 =	rddreg [dreg:$0xe]  }
0x55: {  	(v2sf) =	vpush v20, $0x6;
	[tilespmem:s29], [sflag:$0x1] =	stream.strided.gather [hbm4b:s28+s15], $0x800, s16, s15, $0x38;
	[tilespmem:$0x10580] =	vst v63  }
0x56: {  	s30 =	spop (v2sf);
	s29 =	rddreg [dreg:$0xf]  }
0x57: {  	(v2sf) =	vpush v19, $0x7;
	[tilespmem:s31], [sflag:$0x1] =	stream.strided.gather [hbm4b:s30+s15], $0x800, s16, s15, $0x38;
	[tilespmem:$0x10580] =	vst v63  }
0x58: {  	s28 =	spop (v2sf);
	s31 =	rddreg [dreg:$0x10]  }
0x59: {  	(v2sf) =	vpush v20, $0x7;
	[tilespmem:s29], [sflag:$0x1] =	stream.strided.gather [hbm4b:s28+s15], $0x800, s16, s15, $0x38;
	[tilespmem:$0x10580] =	vst v63  }
0x5a: {  	s29 =	rddreg [dreg:$0x11];
	s30 =	spop (v2sf)  }
0x5b: {  	(v2sf) =	vpush v19, $0x8;
	[tilespmem:s31], [sflag:$0x1] =	stream.strided.gather [hbm4b:s30+s15], $0x800, s16, s15, $0x38;
	[tilespmem:$0x10580] =	vst v63  }
0x5c: {  	s28 =	spop (v2sf);
	s31 =	rddreg [dreg:$0x12]  }
0x5d: {  	(v2sf) =	vpush v20, $0x8;
	[tilespmem:s29], [sflag:$0x1] =	stream.strided.gather [hbm4b:s28+s15], $0x800, s16, s15, $0x38;
	[tilespmem:$0x10580] =	vst v63  }
0x5e: {  	s30 =	spop (v2sf);
	s29 =	rddreg [dreg:$0x13]  }
0x5f: {  	(v2sf) =	vpush v19, $0x9;
	[tilespmem:s31], [sflag:$0x1] =	stream.strided.gather [hbm4b:s30+s15], $0x800, s16, s15, $0x38;
	[tilespmem:$0x10580] =	vst v63  }
0x60: {  	s28 =	spop (v2sf);
	s31 =	rddreg [dreg:$0x14]  }
0x61: {  	(v2sf) =	vpush v20, $0x9;
	[tilespmem:s29], [sflag:$0x1] =	stream.strided.gather [hbm4b:s28+s15], $0x800, s16, s15, $0x38;
	[tilespmem:$0x10580] =	vst v63  }
0x62: {  	s30 =	spop (v2sf);
	s29 =	rddreg [dreg:$0x15]  }
0x63: {  	(v2sf) =	vpush v19, $0xA;
	[tilespmem:s31], [sflag:$0x1] =	stream.strided.gather [hbm4b:s30+s15], $0x800, s16, s15, $0x38;
	[tilespmem:$0x10580] =	vst v63  }
0x64: {  	s28 =	spop (v2sf);
	s31 =	rddreg [dreg:$0x16]  }
0x65: {  	(v2sf) =	vpush v20, $0xA;
	[tilespmem:s29], [sflag:$0x1] =	stream.strided.gather [hbm4b:s28+s15], $0x800, s16, s15, $0x38;
	[tilespmem:$0x10580] =	vst v63  }
0x66: {  	s30 =	spop (v2sf);
	s29 =	rddreg [dreg:$0x17]  }
0x67: {  	(v2sf) =	vpush v19, $0xB;
	[tilespmem:s31], [sflag:$0x1] =	stream.strided.gather [hbm4b:s30+s15], $0x800, s16, s15, $0x38;
	[tilespmem:$0x10580] =	vst v63  }
0x68: {  	s28 =	spop (v2sf);
	s31 =	rddreg [dreg:$0x18]  }
0x69: {  	(v2sf) =	vpush v20, $0xB;
	[tilespmem:s29], [sflag:$0x1] =	stream.strided.gather [hbm4b:s28+s15], $0x800, s16, s15, $0x38;
	[tilespmem:$0x10580] =	vst v63  }
0x6a: {  	s30 =	spop (v2sf);
	s29 =	rddreg [dreg:$0x19]  }
0x6b: {  	(v2sf) =	vpush v19, $0xC;
	[tilespmem:s31], [sflag:$0x1] =	stream.strided.gather [hbm4b:s30+s15], $0x800, s16, s15, $0x38;
	[tilespmem:$0x10580] =	vst v63  }
0x6c: {  	s28 =	spop (v2sf);
	s31 =	rddreg [dreg:$0x1a]  }
0x6d: {  	(v2sf) =	vpush v20, $0xC;
	[tilespmem:s29], [sflag:$0x1] =	stream.strided.gather [hbm4b:s28+s15], $0x800, s16, s15, $0x38;
	[tilespmem:$0x10580] =	vst v63  }
0x6e: {  	s30 =	spop (v2sf);
	s29 =	rddreg [dreg:$0x1b]  }
0x6f: {  	(v2sf) =	vpush v19, $0xD;
	[tilespmem:s31], [sflag:$0x1] =	stream.strided.gather [hbm4b:s30+s15], $0x800, s16, s15, $0x38;
	[tilespmem:$0x10580] =	vst v63  }
0x70: {  	s28 =	spop (v2sf);
	s31 =	rddreg [dreg:$0x1c]  }
0x71: {  	(v2sf) =	vpush v20, $0xD;
	[tilespmem:s29], [sflag:$0x1] =	stream.strided.gather [hbm4b:s28+s15], $0x800, s16, s15, $0x38;
	[tilespmem:$0x10580] =	vst v63  }
0x72: {  	s30 =	spop (v2sf);
	s29 =	rddreg [dreg:$0x1d]  }
0x73: {  	(v2sf) =	vpush v19, $0xE;
	[tilespmem:s31], [sflag:$0x1] =	stream.strided.gather [hbm4b:s30+s15], $0x800, s16, s15, $0x38;
	[tilespmem:$0x10580] =	vst v63  }
0x74: {  	s28 =	spop (v2sf);
	s31 =	rddreg [dreg:$0x1e]  }
0x75: {  	(v2sf) =	vpush v20, $0xE;
	[tilespmem:s29], [sflag:$0x1] =	stream.strided.gather [hbm4b:s28+s15], $0x800, s16, s15, $0x38;
	[tilespmem:$0x10580] =	vst v63  }
0x76: {  	s30 =	spop (v2sf);
	s29 =	rddreg [dreg:$0x1f]  }
0x77: {  	(v2sf) =	vpush v19, $0xF;
	[tilespmem:s31], [sflag:$0x1] =	stream.strided.gather [hbm4b:s30+s15], $0x800, s16, s15, $0x38;
	[tilespmem:$0x10580] =	vst v63  }
0x78: {  	s28 =	spop (v2sf);
	s31 =	sld [smem:$0x7F6]  }
0x79: {  	(v2sf) =	vpush v20, $0xF;
	[tilespmem:s29], [sflag:$0x1] =	stream.strided.gather [hbm4b:s28+s15], $0x800, s16, s15, $0x38;
	[tilespmem:$0x10580] =	vst v63  }
0x7a: {  	s30 =	spop (v2sf);
	s29 =	sld [smem:$0x7F7]  }
0x7b: {  	[tilespmem:s31], [sflag:$0x1] =	stream.strided.gather [hbm4b:s30+s15], $0x800, s16, s15, $0x38;
	[tilespmem:$0x10580] =	vst v63  }
0x7c: {  	s28 =	spop (v2sf);
	s31 =	sld [smem:$0x7F8]  }
0x7d: {  	[tilespmem:s29], [sflag:$0x1] =	stream.strided.gather [hbm4b:s28+s15], $0x800, s16, s15, $0x38;
	[tilespmem:$0x10580] =	vst v63  }
0x7e: {  	s30 =	spop (v2sf);
	s29 =	sld [smem:$0x7F9]  }
0x7f: {  	[tilespmem:s31], [sflag:$0x1] =	stream.strided.gather [hbm4b:s30+s15], $0x800, s16, s15, $0x38;
	[tilespmem:$0x10580] =	vst v63  }
0x80: {  	s28 =	spop (v2sf);
	s31 =	sld [smem:$0x7FA]  }
0x81: {  	[tilespmem:s29], [sflag:$0x1] =	stream.strided.gather [hbm4b:s28+s15], $0x800, s16, s15, $0x38;
	[tilespmem:$0x10580] =	vst v63  }
0x82: {  	s30 =	spop (v2sf);
	s29 =	sld [smem:$0x7FB]  }
0x83: {  	[tilespmem:s31], [sflag:$0x1] =	stream.strided.gather [hbm4b:s30+s15], $0x800, s16, s15, $0x38;
	[tilespmem:$0x10580] =	vst v63  }
0x84: {  	s28 =	spop (v2sf);
	s31 =	sld [smem:$0x7FC]  }
0x85: {  	[tilespmem:s29], [sflag:$0x1] =	stream.strided.gather [hbm4b:s28+s15], $0x800, s16, s15, $0x38;
	[tilespmem:$0x10580] =	vst v63  }
0x86: {  	s30 =	spop (v2sf);
	s29 =	sld [smem:$0x7FD]  }
0x87: {  	[tilespmem:s31], [sflag:$0x1] =	stream.strided.gather [hbm4b:s30+s15], $0x800, s16, s15, $0x38;
	[tilespmem:$0x10580] =	vst v63  }
0x88: {  	s31 =	spop (v2sf)  }
0x89: {  	[tilespmem:s29], [sflag:$0x1] =	stream.strided.gather [hbm4b:s31+s15], $0x800, s16, s15, $0x38;
	[tilespmem:$0x10580] =	vst v63  }
0x8a: {  	_ =	swait.ge [sflag:s19], $0x800  }
0x8b: {  	[sflag:s19] =	ssyncset.done $0x0  }
0x8c: {  	[sflag:s19] =	ssyncadd.s32 $0xFFFFF800  }
0x8d: {  	_ =	swait.ge [sflag:s19], $0x800  }
0x8e: {  	[sflag:s19] =	ssyncset.done $0x0  }
0x8f: {  	[sflag:s19] =	ssyncadd.s32 $0xFFFFF800  }
0x90: {  	_ =	swait.ge [sflag:s19], $0x800  }
0x91: {  	[sflag:s19] =	ssyncset.done $0x0  }
0x92: {  	[sflag:s19] =	ssyncadd.s32 $0xFFFFF800  }
0x93: {  	_ =	swait.ge [sflag:s19], $0x800  }
0x94: {  	[sflag:s19] =	ssyncset.done $0x0  }
0x95: {  	[sflag:s19] =	ssyncadd.s32 $0xFFFFF800  }
0x96: {  	_ =	swait.ge [sflag:s19], $0x800  }
0x97: {  	[sflag:s19] =	ssyncset.done $0x0  }
0x98: {  	[sflag:s19] =	ssyncadd.s32 $0xFFFFF800  }
0x99: {  	_ =	swait.ge [sflag:s19], $0x800  }
0x9a: {  	[sflag:s19] =	ssyncset.done $0x0  }
0x9b: {  	[sflag:s19] =	ssyncadd.s32 $0xFFFFF800  }
0x9c: {  	_ =	swait.ge [sflag:s19], $0x800  }
0x9d: {  	[sflag:s19] =	ssyncset.done $0x0  }
0x9e: {  	[sflag:s19] =	ssyncadd.s32 $0xFFFFF800  }
0x9f: {  	_ =	swait.ge [sflag:s19], $0x800  }
0xa0: {  	[sflag:s19] =	ssyncset.done $0x0  }
0xa1: {  	[sflag:s19] =	ssyncadd.s32 $0xFFFFF800  }
0xa2: {  	_ =	swait.ge [sflag:s19], $0x800  }
0xa3: {  	[sflag:s19] =	ssyncset.done $0x0  }
0xa4: {  	[sflag:s19] =	ssyncadd.s32 $0xFFFFF800  }
0xa5: {  	_ =	swait.ge [sflag:s19], $0x800  }
0xa6: {  	[sflag:s19] =	ssyncset.done $0x0  }
0xa7: {  	[sflag:s19] =	ssyncadd.s32 $0xFFFFF800  }
0xa8: {  	_ =	swait.ge [sflag:s19], $0x800  }
0xa9: {  	[sflag:s19] =	ssyncset.done $0x0  }
0xaa: {  	[sflag:s19] =	ssyncadd.s32 $0xFFFFF800  }
0xab: {  	_ =	swait.ge [sflag:s19], $0x800  }
0xac: {  	[sflag:s19] =	ssyncset.done $0x0  }
0xad: {  	[sflag:s19] =	ssyncadd.s32 $0xFFFFF800  }
0xae: {  	_ =	swait.ge [sflag:s19], $0x800  }
0xaf: {  	[sflag:s19] =	ssyncset.done $0x0  }
0xb0: {  	[sflag:s19] =	ssyncadd.s32 $0xFFFFF800  }
0xb1: {  	_ =	swait.ge [sflag:s19], $0x800  }
0xb2: {  	[sflag:s19] =	ssyncset.done $0x0  }
0xb3: {  	[sflag:s19] =	ssyncadd.s32 $0xFFFFF800  }
0xb4: {  	_ =	swait.ge [sflag:s19], $0x800  }
0xb5: {  	[sflag:s19] =	ssyncset.done $0x0  }
0xb6: {  	[sflag:s19] =	ssyncadd.s32 $0xFFFFF800  }
0xb7: {  	_ =	swait.ge [sflag:s19], $0x800  }
0xb8: {  	[sflag:s19] =	ssyncset.done $0x0  }
0xb9: {  	[sflag:s19] =	ssyncadd.s32 $0xFFFFF800  }
0xba: {  	_ =	swait.ge [sflag:s19], $0x800  }
0xbb: {  	[sflag:s19] =	ssyncset.done $0x0  }
0xbc: {  	[sflag:s19] =	ssyncadd.s32 $0xFFFFF800  }
0xbd: {  	_ =	swait.ge [sflag:s19], $0x800  }
0xbe: {  	[sflag:s19] =	ssyncset.done $0x0  }
0xbf: {  	[sflag:s19] =	ssyncadd.s32 $0xFFFFF800  }
0xc0: {  	_ =	swait.ge [sflag:s19], $0x800  }
0xc1: {  	[sflag:s19] =	ssyncset.done $0x0  }
0xc2: {  	[sflag:s19] =	ssyncadd.s32 $0xFFFFF800  }
0xc3: {  	_ =	swait.ge [sflag:s19], $0x800  }
0xc4: {  	[sflag:s19] =	ssyncset.done $0x0  }
0xc5: {  	[sflag:s19] =	ssyncadd.s32 $0xFFFFF800  }
0xc6: {  	_ =	swait.ge [sflag:s19], $0x800  }
0xc7: {  	[sflag:s19] =	ssyncset.done $0x0  }
0xc8: {  	[sflag:s19] =	ssyncadd.s32 $0xFFFFF800  }
0xc9: {  	_ =	swait.ge [sflag:s19], $0x800  }
0xca: {  	[sflag:s19] =	ssyncset.done $0x0  }
0xcb: {  	[sflag:s19] =	ssyncadd.s32 $0xFFFFF800  }
0xcc: {  	_ =	swait.ge [sflag:s19], $0x800  }
0xcd: {  	[sflag:s19] =	ssyncset.done $0x0  }
0xce: {  	[sflag:s19] =	ssyncadd.s32 $0xFFFFF800  }
0xcf: {  	_ =	swait.ge [sflag:s19], $0x800  }
0xd0: {  	[sflag:s19] =	ssyncset.done $0x0  }
0xd1: {  	[sflag:s19] =	ssyncadd.s32 $0xFFFFF800  }
0xd2: {  	_ =	swait.ge [sflag:s19], $0x800  }
0xd3: {  	[sflag:s19] =	ssyncset.done $0x0  }
0xd4: {  	[sflag:s19] =	ssyncadd.s32 $0xFFFFF800  }
0xd5: {  	_ =	swait.ge [sflag:s19], $0x800  }
0xd6: {  	[sflag:s19] =	ssyncset.done $0x0  }
0xd7: {  	[sflag:s19] =	ssyncadd.s32 $0xFFFFF800  }
0xd8: {  	_ =	swait.ge [sflag:s19], $0x800  }
0xd9: {  	[sflag:s19] =	ssyncset.done $0x0  }
0xda: {  	[sflag:s19] =	ssyncadd.s32 $0xFFFFF800  }
0xdb: {  	_ =	swait.ge [sflag:s19], $0x800  }
0xdc: {  	[sflag:s19] =	ssyncset.done $0x0  }
0xdd: {  	[sflag:s19] =	ssyncadd.s32 $0xFFFFF800  }
0xde: {  	_ =	swait.ge [sflag:s19], $0x800  }
0xdf: {  	[sflag:s19] =	ssyncset.done $0x0  }
0xe0: {  	[sflag:s19] =	ssyncadd.s32 $0xFFFFF800  }
0xe1: {  	_ =	swait.ge [sflag:s19], $0x800  }
0xe2: {  	[sflag:s19] =	ssyncset.done $0x0  }
0xe3: {  	[sflag:s19] =	ssyncadd.s32 $0xFFFFF800  }
0xe4: {  	v18 =	vand.u32 $0x7F, v18;
	_ =	swait.ge [sflag:s19], $0x800  }
0xe5: {  	v17 =	vand.u32 $0x7F, v17;
	v19 =	vor.u32 v0, v18;
	[sflag:s19] =	ssyncset.done $0x0  }
0xe6: {  	v20 =	vor.u32 v0, v17;
	[sflag:s19] =	ssyncadd.s32 $0xFFFFF800  }
0xe7: {  	v21 =	vor.u32 v1, v18;
	_ =	swait.ge [sflag:s19], $0x800  }
0xe8: {  	v22 =	vor.u32 v1, v17;
	[sflag:s19] =	ssyncset.done $0x0  }
0xe9: {  	v24 =	vor.u32 v2, v18;
	[sflag:s19] =	ssyncadd.s32 $0xFFFFF800  }
0xea: {  	v28 =	vor.u32 v2, v17;
	v23 =	vld.idx.msk [tilespmem:v19+s17+$0x0], $0xffff  }
0xeb: {  	v25 =	vld.idx.msk [tilespmem:v20+s18+$0x0], $0xffff;
	v20 =	vor.u32 v3, v18  }
0xec: {  	v26 =	vld.idx.msk [tilespmem:v21+s17+$0x0], $0xffff  }
0xed: {  	v27 =	vld.idx.msk [tilespmem:v22+s18+$0x0], $0xffff  }
0xee: {  	v22 =	vld.idx.msk [tilespmem:v24+s17+$0x0], $0xffff  }
0xef: {  	v30 =	vor.u32 v4, v18;
	v31 =	vor.u32 v3, v17;
	v24 =	vld.idx.msk [tilespmem:v28+s18+$0x0], $0xffff  }
0xf0: {  	s24 =	simm.s32 $0x10;
	s25 =	simm.s32 $0x80;
	v29 =	vor.u32 v4, v17;
	v19 =	vor.u32 v5, v17;
	v28 =	vor.u32 v5, v18;
	v21 =	vld.idx.msk [tilespmem:v20+s17+$0x0], $0xffff  }
.LBB2_2:
0xf1: {  	_ =	sdelay $0x2  }
0xf2: {  	v20 =	vld [tilespmem:s24+$0x100]  }
0xf3: {  	v31 =	vld.idx.msk [tilespmem:v31+s18+$0x0], $0xffff  }
0xf4: {  	v32 =	vor.u32 v6, v18;
	v23 =	vmul.f32 v25, v23;
	v29 =	vld.idx.msk [tilespmem:v29+s18+$0x0], $0xffff  }
0xf5: {  	v36 =	vld.idx.msk [tilespmem:v19+s18+$0x0], $0xffff;
	v25 =	vmul.f32 v27, v26;
	v27 =	vor.u32 v6, v17  }
0xf6: {  	v23 =	vadd.f32 v23, v16;
	v26 =	vld.idx.msk [tilespmem:v30+s17+$0x0], $0xffff;
	v30 =	vor.u32 v7, v18  }
0xf7: {  	v33 =	vor.u32 v8, v17;
	v59 =	vld [tilespmem:s24+$0x0]  }
0xf8: {  	v22 =	vmul.f32 v24, v22;
	v24 =	vld.idx.msk [tilespmem:v28+s17+$0x0], $0xffff;
	v28 =	vor.u32 v7, v17;
	v23 =	vadd.f32 v25, v23  }
0xf9: {  	v37 =	vor.u32 v8, v18;
	v25 =	vld.idx.msk [tilespmem:v32+s17+$0x0], $0xffff  }
0xfa: {  	v21 =	vmul.f32 v31, v21;
	v31 =	vor.u32 v9, v18;
	v22 =	vadd.f32 v22, v23;
	v27 =	vld.idx.msk [tilespmem:v27+s18+$0x0], $0xffff  }
0xfb: {  	v23 =	vld.idx.msk [tilespmem:v30+s17+$0x0], $0xffff;
	v30 =	vor.u32 v9, v17  }
0xfc: {  	v57 =	vld.idx.msk [tilespmem:v33+s18+$0x0], $0xffff;
	v26 =	vmul.f32 v29, v26;
	v21 =	vadd.f32 v21, v22  }
0xfd: {  	v28 =	vld.idx.msk [tilespmem:v28+s18+$0x0], $0xffff;
	v29 =	vor.u32 v10, v18  }
0xfe: {  	v58 =	vor.u32 v10, v17;
	v24 =	vmul.f32 v36, v24;
	v22 =	vld.idx.msk [tilespmem:v37+s17+$0x0], $0xffff;
	v21 =	vadd.f32 v26, v21  }
0xff: {  	v26 =	vld.idx.msk [tilespmem:v31+s17+$0x0], $0xffff;
	v31 =	vor.u32 v11, v18  }
0x100: {  	v25 =	vmul.f32 v27, v25;
	v27 =	vld.idx.msk [tilespmem:v30+s18+$0x0], $0xffff;
	v30 =	vor.u32 v11, v17;
	v21 =	vadd.f32 v24, v21  }
0x101: {  	v24 =	vor.u32 v12, v18  }
0x102: {  	v23 =	vmul.f32 v28, v23;
	v28 =	vld.idx.msk [tilespmem:v29+s17+$0x0], $0xffff;
	v29 =	vor.u32 v12, v17;
	v21 =	vadd.f32 v25, v21  }
0x103: {  	v60 =	vor.u32 v13, v18;
	v61 =	vor.u32 v13, v17;
	v62 =	vor.u32 v14, v18;
	v25 =	vld.idx.msk [tilespmem:v58+s18+$0x0], $0xffff  }
0x104: {  	v63 =	vor.u32 v14, v17;
	v22 =	vmul.f32 v57, v22;
	v31 =	vld.idx.msk [tilespmem:v31+s17+$0x0], $0xffff;
	v23 =	vadd.f32 v23, v21  }
0x105: {  	s29 =	rddreg [dreg:$0x8];
	v38 =	vor.u32 v15, v18;
	v34 =	vand.u32 $0xFFFFFF80, v20;
	v21 =	vand.u32 $0xFFFFFF80, v59;
	v30 =	vld.idx.msk [tilespmem:v30+s18+$0x0], $0xffff  }
0x106: {  	s28 =	rddreg [dreg:$0x9];
	v24 =	vld.idx.msk [tilespmem:v24+s17+$0x0], $0xffff;
	v21 =	vadd.s32 s29, v21;
	v22 =	vadd.f32 v22, v23;
	v23 =	vmul.f32 v27, v26  }
0x107: {  	v35 =	vand.u32 $0x7F, v20;
	v20 =	vadd.s32 s28, v34;
	v26 =	vld.idx.msk [tilespmem:v29+s18+$0x0], $0xffff;
	(v2sf) =	vpush v21, $0x0  }
0x108: {  	v27 =	vld.idx.msk [tilespmem:v60+s17+$0x0], $0xffff;
	v29 =	vor.u32 v15, v17;
	v22 =	vadd.f32 v23, v22;
	v23 =	vmul.f32 v25, v28  }
0x109: {  	(v2sf) =	vpush v20, $0x0;
	v25 =	vld.idx.msk [tilespmem:v61+s18+$0x0], $0xffff  }
0x10a: {  	v28 =	vld.idx.msk [tilespmem:v62+s17+$0x0], $0xffff;
	v22 =	vadd.f32 v23, v22;
	v23 =	vmul.f32 v30, v31  }
0x10b: {  	(v2sf) =	vpush v21, $0x1;
	v30 =	vld.idx.msk [tilespmem:v63+s18+$0x0], $0xffff  }
0x10c: {  	v31 =	vld.idx.msk [tilespmem:v38+s17+$0x0], $0xffff;
	v22 =	vadd.f32 v23, v22;
	v23 =	vmul.f32 v26, v24  }
0x10d: {  	(v2sf) =	vpush v20, $0x1;
	v24 =	vld.idx.msk [tilespmem:v29+s18+$0x0], $0xffff  }
0x10e: {  	v22 =	vadd.f32 v23, v22;
	v23 =	vmul.f32 v25, v27  }
0x10f: {  	(v2sf) =	vpush v21, $0x2  }
0x110: {  	v22 =	vadd.f32 v23, v22;
	v23 =	vmul.f32 v30, v28  }
0x111: {  	(v2sf) =	vpush v20, $0x2  }
0x112: {  	v22 =	vadd.f32 v23, v22;
	v23 =	vmul.f32 v24, v31  }
0x113: {  	(v2sf) =	vpush v21, $0x3  }
0x114: {  	v22 =	vadd.f32 v23, v22  }
0x115: {  	(v2sf) =	vpush v20, $0x3  }
0x116: {  	s30 =	spop (v2sf);
	[tilespmem:s23+$0x10480] =	vst v22  }
0x117: {  	(v2sf) =	vpush v21, $0x4;
	[tilespmem:s17], [sflag:$0x1] =	stream.strided.gather [hbm4b:s30+s15], $0x800, s16, s15, $0x38;
	[tilespmem:$0x10580] =	vst v63  }
0x118: {  	s31 =	rddreg [dreg:$0xa];
	s29 =	spop (v2sf)  }
0x119: {  	(v2sf) =	vpush v20, $0x4;
	[tilespmem:s18], [sflag:$0x1] =	stream.strided.gather [hbm4b:s29+s15], $0x800, s16, s15, $0x38;
	[tilespmem:$0x10580] =	vst v63  }
0x11a: {  	s28 =	rddreg [dreg:$0xd];
	s29 =	spop (v2sf)  }
0x11b: {  	(v2sf) =	vpush v21, $0x5;
	[tilespmem:s31], [sflag:$0x1] =	stream.strided.gather [hbm4b:s29+s15], $0x800, s16, s15, $0x38;
	[tilespmem:$0x10580] =	vst v63  }
0x11c: {  	s30 =	rddreg [dreg:$0xb];
	s31 =	spop (v2sf)  }
0x11d: {  	(v2sf) =	vpush v20, $0x5;
	[tilespmem:s30], [sflag:$0x1] =	stream.strided.gather [hbm4b:s31+s15], $0x800, s16, s15, $0x38;
	[tilespmem:$0x10580] =	vst v63  }
0x11e: {  	s23 =	smov.u32 s24;
	s24 =	rddreg [dreg:$0xc];
	s30 =	spop (v2sf)  }
0x11f: {  	(v2sf) =	vpush v21, $0x6;
	[tilespmem:s24], [sflag:$0x1] =	stream.strided.gather [hbm4b:s30+s15], $0x800, s16, s15, $0x38;
	[tilespmem:$0x10580] =	vst v63  }
0x120: {  	s31 =	spop (v2sf);
	s24 =	rddreg [dreg:$0xe]  }
0x121: {  	(v2sf) =	vpush v20, $0x6;
	[tilespmem:s28], [sflag:$0x1] =	stream.strided.gather [hbm4b:s31+s15], $0x800, s16, s15, $0x38;
	[tilespmem:$0x10580] =	vst v63  }
0x122: {  	s30 =	spop (v2sf);
	s28 =	rddreg [dreg:$0xf]  }
0x123: {  	(v2sf) =	vpush v21, $0x7;
	[tilespmem:s24], [sflag:$0x1] =	stream.strided.gather [hbm4b:s30+s15], $0x800, s16, s15, $0x38;
	[tilespmem:$0x10580] =	vst v63  }
0x124: {  	s31 =	spop (v2sf);
	s24 =	rddreg [dreg:$0x10]  }
0x125: {  	(v2sf) =	vpush v20, $0x7;
	[tilespmem:s28], [sflag:$0x1] =	stream.strided.gather [hbm4b:s31+s15], $0x800, s16, s15, $0x38;
	[tilespmem:$0x10580] =	vst v63  }
0x126: {  	s30 =	spop (v2sf);
	s28 =	rddreg [dreg:$0x11]  }
0x127: {  	(v2sf) =	vpush v21, $0x8;
	[tilespmem:s24], [sflag:$0x1] =	stream.strided.gather [hbm4b:s30+s15], $0x800, s16, s15, $0x38;
	[tilespmem:$0x10580] =	vst v63  }
0x128: {  	s31 =	spop (v2sf);
	s24 =	rddreg [dreg:$0x12]  }
0x129: {  	(v2sf) =	vpush v20, $0x8;
	[tilespmem:s28], [sflag:$0x1] =	stream.strided.gather [hbm4b:s31+s15], $0x800, s16, s15, $0x38;
	[tilespmem:$0x10580] =	vst v63  }
0x12a: {  	s30 =	spop (v2sf);
	s28 =	rddreg [dreg:$0x13]  }
0x12b: {  	(v2sf) =	vpush v21, $0x9;
	[tilespmem:s24], [sflag:$0x1] =	stream.strided.gather [hbm4b:s30+s15], $0x800, s16, s15, $0x38;
	[tilespmem:$0x10580] =	vst v63  }
0x12c: {  	s31 =	spop (v2sf);
	s24 =	rddreg [dreg:$0x14]  }
0x12d: {  	(v2sf) =	vpush v20, $0x9;
	[tilespmem:s28], [sflag:$0x1] =	stream.strided.gather [hbm4b:s31+s15], $0x800, s16, s15, $0x38;
	[tilespmem:$0x10580] =	vst v63  }
0x12e: {  	s30 =	spop (v2sf);
	s28 =	rddreg [dreg:$0x15]  }
0x12f: {  	(v2sf) =	vpush v21, $0xA;
	[tilespmem:s24], [sflag:$0x1] =	stream.strided.gather [hbm4b:s30+s15], $0x800, s16, s15, $0x38;
	[tilespmem:$0x10580] =	vst v63  }
0x130: {  	s31 =	spop (v2sf);
	s24 =	rddreg [dreg:$0x16]  }
0x131: {  	(v2sf) =	vpush v20, $0xA;
	[tilespmem:s28], [sflag:$0x1] =	stream.strided.gather [hbm4b:s31+s15], $0x800, s16, s15, $0x38;
	[tilespmem:$0x10580] =	vst v63  }
0x132: {  	s30 =	spop (v2sf);
	s28 =	rddreg [dreg:$0x17]  }
0x133: {  	(v2sf) =	vpush v21, $0xB;
	[tilespmem:s24], [sflag:$0x1] =	stream.strided.gather [hbm4b:s30+s15], $0x800, s16, s15, $0x38;
	[tilespmem:$0x10580] =	vst v63  }
0x134: {  	s31 =	spop (v2sf);
	s24 =	rddreg [dreg:$0x18]  }
0x135: {  	(v2sf) =	vpush v20, $0xB;
	[tilespmem:s28], [sflag:$0x1] =	stream.strided.gather [hbm4b:s31+s15], $0x800, s16, s15, $0x38;
	[tilespmem:$0x10580] =	vst v63  }
0x136: {  	s30 =	spop (v2sf);
	s28 =	rddreg [dreg:$0x19]  }
0x137: {  	(v2sf) =	vpush v21, $0xC;
	[tilespmem:s24], [sflag:$0x1] =	stream.strided.gather [hbm4b:s30+s15], $0x800, s16, s15, $0x38;
	[tilespmem:$0x10580] =	vst v63  }
0x138: {  	s31 =	spop (v2sf);
	s24 =	rddreg [dreg:$0x1a]  }
0x139: {  	(v2sf) =	vpush v20, $0xC;
	[tilespmem:s28], [sflag:$0x1] =	stream.strided.gather [hbm4b:s31+s15], $0x800, s16, s15, $0x38;
	[tilespmem:$0x10580] =	vst v63  }
0x13a: {  	s30 =	spop (v2sf);
	s28 =	rddreg [dreg:$0x1b]  }
0x13b: {  	(v2sf) =	vpush v21, $0xD;
	[tilespmem:s24], [sflag:$0x1] =	stream.strided.gather [hbm4b:s30+s15], $0x800, s16, s15, $0x38;
	[tilespmem:$0x10580] =	vst v63  }
0x13c: {  	s31 =	spop (v2sf);
	s24 =	rddreg [dreg:$0x1c]  }
0x13d: {  	(v2sf) =	vpush v20, $0xD;
	[tilespmem:s28], [sflag:$0x1] =	stream.strided.gather [hbm4b:s31+s15], $0x800, s16, s15, $0x38;
	[tilespmem:$0x10580] =	vst v63  }
0x13e: {  	s30 =	spop (v2sf);
	s28 =	rddreg [dreg:$0x1d]  }
0x13f: {  	(v2sf) =	vpush v21, $0xE;
	[tilespmem:s24], [sflag:$0x1] =	stream.strided.gather [hbm4b:s30+s15], $0x800, s16, s15, $0x38;
	[tilespmem:$0x10580] =	vst v63  }
0x140: {  	s31 =	spop (v2sf);
	s24 =	rddreg [dreg:$0x1e]  }
0x141: {  	(v2sf) =	vpush v20, $0xE;
	[tilespmem:s28], [sflag:$0x1] =	stream.strided.gather [hbm4b:s31+s15], $0x800, s16, s15, $0x38;
	[tilespmem:$0x10580] =	vst v63  }
0x142: {  	s30 =	spop (v2sf);
	s28 =	rddreg [dreg:$0x1f]  }
0x143: {  	(v2sf) =	vpush v21, $0xF;
	[tilespmem:s24], [sflag:$0x1] =	stream.strided.gather [hbm4b:s30+s15], $0x800, s16, s15, $0x38;
	[tilespmem:$0x10580] =	vst v63  }
0x144: {  	s31 =	spop (v2sf);
	s24 =	sld [smem:$0x7F6]  }
0x145: {  	(v2sf) =	vpush v20, $0xF;
	[tilespmem:s28], [sflag:$0x1] =	stream.strided.gather [hbm4b:s31+s15], $0x800, s16, s15, $0x38;
	[tilespmem:$0x10580] =	vst v63  }
0x146: {  	s30 =	spop (v2sf);
	s28 =	sld [smem:$0x7F7]  }
0x147: {  	[tilespmem:s24], [sflag:$0x1] =	stream.strided.gather [hbm4b:s30+s15], $0x800, s16, s15, $0x38;
	[tilespmem:$0x10580] =	vst v63  }
0x148: {  	s31 =	spop (v2sf);
	s24 =	sld [smem:$0x7F8]  }
0x149: {  	[tilespmem:s28], [sflag:$0x1] =	stream.strided.gather [hbm4b:s31+s15], $0x800, s16, s15, $0x38;
	[tilespmem:$0x10580] =	vst v63  }
0x14a: {  	s30 =	spop (v2sf);
	s28 =	sld [smem:$0x7F9]  }
0x14b: {  	[tilespmem:s24], [sflag:$0x1] =	stream.strided.gather [hbm4b:s30+s15], $0x800, s16, s15, $0x38;
	[tilespmem:$0x10580] =	vst v63  }
0x14c: {  	s31 =	spop (v2sf);
	s24 =	sld [smem:$0x7FA]  }
0x14d: {  	[tilespmem:s28], [sflag:$0x1] =	stream.strided.gather [hbm4b:s31+s15], $0x800, s16, s15, $0x38;
	[tilespmem:$0x10580] =	vst v63  }
0x14e: {  	s30 =	spop (v2sf);
	s28 =	sld [smem:$0x7FB]  }
0x14f: {  	[tilespmem:s24], [sflag:$0x1] =	stream.strided.gather [hbm4b:s30+s15], $0x800, s16, s15, $0x38;
	[tilespmem:$0x10580] =	vst v63  }
0x150: {  	s31 =	spop (v2sf);
	s24 =	sld [smem:$0x7FC]  }
0x151: {  	[tilespmem:s28], [sflag:$0x1] =	stream.strided.gather [hbm4b:s31+s15], $0x800, s16, s15, $0x38;
	[tilespmem:$0x10580] =	vst v63  }
0x152: {  	s30 =	spop (v2sf);
	s28 =	sld [smem:$0x7FD]  }
0x153: {  	[tilespmem:s24], [sflag:$0x1] =	stream.strided.gather [hbm4b:s30+s15], $0x800, s16, s15, $0x38;
	[tilespmem:$0x10580] =	vst v63  }
0x154: {  	s31 =	spop (v2sf)  }
0x155: {  	[tilespmem:s28], [sflag:$0x1] =	stream.strided.gather [hbm4b:s31+s15], $0x800, s16, s15, $0x38;
	[tilespmem:$0x10580] =	vst v63  }
0x156: {  	_ =	swait.ge [sflag:s19], $0x800  }
0x157: {  	[sflag:s19] =	ssyncset.done $0x0  }
0x158: {  	[sflag:s19] =	ssyncadd.s32 $0xFFFFF800  }
0x159: {  	_ =	swait.ge [sflag:s19], $0x800  }
0x15a: {  	[sflag:s19] =	ssyncset.done $0x0  }
0x15b: {  	[sflag:s19] =	ssyncadd.s32 $0xFFFFF800  }
0x15c: {  	_ =	swait.ge [sflag:s19], $0x800  }
0x15d: {  	[sflag:s19] =	ssyncset.done $0x0  }
0x15e: {  	[sflag:s19] =	ssyncadd.s32 $0xFFFFF800  }
0x15f: {  	_ =	swait.ge [sflag:s19], $0x800  }
0x160: {  	[sflag:s19] =	ssyncset.done $0x0  }
0x161: {  	[sflag:s19] =	ssyncadd.s32 $0xFFFFF800  }
0x162: {  	_ =	swait.ge [sflag:s19], $0x800  }
0x163: {  	[sflag:s19] =	ssyncset.done $0x0  }
0x164: {  	[sflag:s19] =	ssyncadd.s32 $0xFFFFF800  }
0x165: {  	_ =	swait.ge [sflag:s19], $0x800  }
0x166: {  	[sflag:s19] =	ssyncset.done $0x0  }
0x167: {  	[sflag:s19] =	ssyncadd.s32 $0xFFFFF800  }
0x168: {  	_ =	swait.ge [sflag:s19], $0x800  }
0x169: {  	[sflag:s19] =	ssyncset.done $0x0  }
0x16a: {  	[sflag:s19] =	ssyncadd.s32 $0xFFFFF800  }
0x16b: {  	_ =	swait.ge [sflag:s19], $0x800  }
0x16c: {  	[sflag:s19] =	ssyncset.done $0x0  }
0x16d: {  	[sflag:s19] =	ssyncadd.s32 $0xFFFFF800  }
0x16e: {  	_ =	swait.ge [sflag:s19], $0x800  }
0x16f: {  	[sflag:s19] =	ssyncset.done $0x0  }
0x170: {  	[sflag:s19] =	ssyncadd.s32 $0xFFFFF800  }
0x171: {  	_ =	swait.ge [sflag:s19], $0x800  }
0x172: {  	[sflag:s19] =	ssyncset.done $0x0  }
0x173: {  	[sflag:s19] =	ssyncadd.s32 $0xFFFFF800  }
0x174: {  	_ =	swait.ge [sflag:s19], $0x800  }
0x175: {  	[sflag:s19] =	ssyncset.done $0x0  }
0x176: {  	[sflag:s19] =	ssyncadd.s32 $0xFFFFF800  }
0x177: {  	_ =	swait.ge [sflag:s19], $0x800  }
0x178: {  	[sflag:s19] =	ssyncset.done $0x0  }
0x179: {  	[sflag:s19] =	ssyncadd.s32 $0xFFFFF800  }
0x17a: {  	_ =	swait.ge [sflag:s19], $0x800  }
0x17b: {  	[sflag:s19] =	ssyncset.done $0x0  }
0x17c: {  	[sflag:s19] =	ssyncadd.s32 $0xFFFFF800  }
0x17d: {  	_ =	swait.ge [sflag:s19], $0x800  }
0x17e: {  	[sflag:s19] =	ssyncset.done $0x0  }
0x17f: {  	[sflag:s19] =	ssyncadd.s32 $0xFFFFF800  }
0x180: {  	_ =	swait.ge [sflag:s19], $0x800  }
0x181: {  	[sflag:s19] =	ssyncset.done $0x0  }
0x182: {  	[sflag:s19] =	ssyncadd.s32 $0xFFFFF800  }
0x183: {  	_ =	swait.ge [sflag:s19], $0x800  }
0x184: {  	[sflag:s19] =	ssyncset.done $0x0  }
0x185: {  	[sflag:s19] =	ssyncadd.s32 $0xFFFFF800  }
0x186: {  	_ =	swait.ge [sflag:s19], $0x800  }
0x187: {  	[sflag:s19] =	ssyncset.done $0x0  }
0x188: {  	[sflag:s19] =	ssyncadd.s32 $0xFFFFF800  }
0x189: {  	_ =	swait.ge [sflag:s19], $0x800  }
0x18a: {  	[sflag:s19] =	ssyncset.done $0x0  }
0x18b: {  	[sflag:s19] =	ssyncadd.s32 $0xFFFFF800  }
0x18c: {  	_ =	swait.ge [sflag:s19], $0x800  }
0x18d: {  	[sflag:s19] =	ssyncset.done $0x0  }
0x18e: {  	[sflag:s19] =	ssyncadd.s32 $0xFFFFF800  }
0x18f: {  	_ =	swait.ge [sflag:s19], $0x800  }
0x190: {  	[sflag:s19] =	ssyncset.done $0x0  }
0x191: {  	[sflag:s19] =	ssyncadd.s32 $0xFFFFF800  }
0x192: {  	_ =	swait.ge [sflag:s19], $0x800  }
0x193: {  	[sflag:s19] =	ssyncset.done $0x0  }
0x194: {  	[sflag:s19] =	ssyncadd.s32 $0xFFFFF800  }
0x195: {  	_ =	swait.ge [sflag:s19], $0x800  }
0x196: {  	[sflag:s19] =	ssyncset.done $0x0  }
0x197: {  	[sflag:s19] =	ssyncadd.s32 $0xFFFFF800  }
0x198: {  	_ =	swait.ge [sflag:s19], $0x800  }
0x199: {  	[sflag:s19] =	ssyncset.done $0x0  }
0x19a: {  	[sflag:s19] =	ssyncadd.s32 $0xFFFFF800  }
0x19b: {  	_ =	swait.ge [sflag:s19], $0x800  }
0x19c: {  	[sflag:s19] =	ssyncset.done $0x0  }
0x19d: {  	[sflag:s19] =	ssyncadd.s32 $0xFFFFF800  }
0x19e: {  	_ =	swait.ge [sflag:s19], $0x800  }
0x19f: {  	[sflag:s19] =	ssyncset.done $0x0  }
0x1a0: {  	[sflag:s19] =	ssyncadd.s32 $0xFFFFF800  }
0x1a1: {  	_ =	swait.ge [sflag:s19], $0x800  }
0x1a2: {  	[sflag:s19] =	ssyncset.done $0x0  }
0x1a3: {  	[sflag:s19] =	ssyncadd.s32 $0xFFFFF800  }
0x1a4: {  	_ =	swait.ge [sflag:s19], $0x800  }
0x1a5: {  	[sflag:s19] =	ssyncset.done $0x0  }
0x1a6: {  	[sflag:s19] =	ssyncadd.s32 $0xFFFFF800  }
0x1a7: {  	_ =	swait.ge [sflag:s19], $0x800  }
0x1a8: {  	[sflag:s19] =	ssyncset.done $0x0  }
0x1a9: {  	[sflag:s19] =	ssyncadd.s32 $0xFFFFF800  }
0x1aa: {  	_ =	swait.ge [sflag:s19], $0x800  }
0x1ab: {  	[sflag:s19] =	ssyncset.done $0x0  }
0x1ac: {  	[sflag:s19] =	ssyncadd.s32 $0xFFFFF800  }
0x1ad: {  	_ =	swait.ge [sflag:s19], $0x800  }
0x1ae: {  	[sflag:s19] =	ssyncset.done $0x0  }
0x1af: {  	[sflag:s19] =	ssyncadd.s32 $0xFFFFF800  }
0x1b0: {  	v18 =	vand.u32 $0x7F, v59;
	_ =	swait.ge [sflag:s19], $0x800  }
0x1b1: {  	v17 =	vmov v35;
	v20 =	vor.u32 v0, v18;
	[sflag:s19] =	ssyncset.done $0x0  }
0x1b2: {  	v21 =	vor.u32 v0, v17;
	[sflag:s19] =	ssyncadd.s32 $0xFFFFF800  }
0x1b3: {  	v22 =	vor.u32 v1, v18;
	_ =	swait.ge [sflag:s19], $0x800  }
0x1b4: {  	v24 =	vor.u32 v1, v17;
	[sflag:s19] =	ssyncset.done $0x0  }
0x1b5: {  	v28 =	vor.u32 v2, v18;
	[sflag:s19] =	ssyncadd.s32 $0xFFFFF800  }
0x1b6: {  	v23 =	vld.idx.msk [tilespmem:v20+s17+$0x0], $0xffff;
	v20 =	vor.u32 v2, v17  }
0x1b7: {  	p0 =	sne.s32 s25, $0x3C0;
	v25 =	vld.idx.msk [tilespmem:v21+s18+$0x0], $0xffff;
	v21 =	vor.u32 v3, v18  }
.Ltmp0:
0x1b8: {  	v26 =	vld.idx.msk [tilespmem:v22+s17+$0x0], $0xffff;
	(pc) =	sbr.rel @p0 .LBB2_2-.Ltmp0, $4  }
0x1b9: {  	v27 =	vld.idx.msk [tilespmem:v24+s18+$0x0], $0xffff  }
0x1ba: {  	v22 =	vld.idx.msk [tilespmem:v28+s17+$0x0], $0xffff  }
0x1bb: {  	s26 =	smov.u32 s25;
	v19 =	vor.u32 v5, v35;
	v29 =	vor.u32 v4, v17;
	v24 =	vld.idx.msk [tilespmem:v20+s18+$0x0], $0xffff  }
0x1bc: {  	s25 =	sadd.s32 $0x40, s25;
	v30 =	vor.u32 v4, v18;
	v31 =	vor.u32 v3, v17;
	s24 =	sshra.s32 s26, $0x2;
	v28 =	vor.u32 v5, v18;
	v21 =	vld.idx.msk [tilespmem:v21+s17+$0x0], $0xffff  }
0x1bd: {  	_ =	sdelay $0x2  }
0x1be: {  	v20 =	vld [tilespmem:s24+$0x100]  }
0x1bf: {  	v31 =	vld.idx.msk [tilespmem:v31+s18+$0x0], $0xffff;
	v32 =	vor.u32 v6, v18;
	v23 =	vmul.f32 v25, v23  }
0x1c0: {  	v40 =	vld.idx.msk [tilespmem:v30+s17+$0x0], $0xffff;
	v41 =	vor.u32 v6, v17  }
0x1c1: {  	v42 =	vld.idx.msk [tilespmem:v29+s18+$0x0], $0xffff;
	v43 =	vor.u32 v7, v18;
	v26 =	vmul.f32 v27, v26;
	v23 =	vadd.f32 v23, v16  }
0x1c2: {  	v28 =	vld.idx.msk [tilespmem:v28+s17+$0x0], $0xffff;
	v33 =	vor.u32 v7, v17  }
0x1c3: {  	v19 =	vld.idx.msk [tilespmem:v19+s18+$0x0], $0xffff;
	v44 =	vor.u32 v8, v18;
	v22 =	vmul.f32 v24, v22;
	v23 =	vadd.f32 v26, v23  }
0x1c4: {  	v45 =	vor.u32 v8, v17;
	v32 =	vld.idx.msk [tilespmem:v32+s17+$0x0], $0xffff  }
0x1c5: {  	v46 =	vor.u32 v9, v18;
	v21 =	vmul.f32 v31, v21;
	v30 =	vld.idx.msk [tilespmem:v41+s18+$0x0], $0xffff;
	v22 =	vadd.f32 v22, v23  }
0x1c6: {  	v47 =	vld.idx.msk [tilespmem:v43+s17+$0x0], $0xffff  }
0x1c7: {  	v48 =	vor.u32 v9, v17;
	v25 =	vmul.f32 v42, v40;
	v49 =	vld.idx.msk [tilespmem:v33+s18+$0x0], $0xffff;
	v21 =	vadd.f32 v21, v22  }
0x1c8: {  	v51 =	vor.u32 v10, v18;
	v50 =	vld.idx.msk [tilespmem:v44+s17+$0x0], $0xffff  }
0x1c9: {  	v52 =	vor.u32 v10, v17;
	v28 =	vmul.f32 v19, v28;
	v26 =	vld.idx.msk [tilespmem:v45+s18+$0x0], $0xffff;
	v21 =	vadd.f32 v25, v21  }
0x1ca: {  	v54 =	vor.u32 v11, v18;
	v53 =	vld.idx.msk [tilespmem:v46+s17+$0x0], $0xffff  }
0x1cb: {  	v55 =	vor.u32 v11, v17;
	v19 =	vld [tilespmem:s24+$0x0];
	v30 =	vmul.f32 v30, v32;
	v21 =	vadd.f32 v28, v21  }
0x1cc: {  	v57 =	vor.u32 v12, v18;
	v56 =	vld.idx.msk [tilespmem:v48+s18+$0x0], $0xffff  }
0x1cd: {  	v58 =	vor.u32 v12, v17;
	v24 =	vld.idx.msk [tilespmem:v51+s17+$0x0], $0xffff;
	v23 =	vmul.f32 v49, v47;
	v21 =	vadd.f32 v30, v21  }
0x1ce: {  	v34 =	vor.u32 v13, v18;
	v61 =	vor.u32 v13, v17;
	v33 =	vld.idx.msk [tilespmem:v52+s18+$0x0], $0xffff  }
0x1cf: {  	v63 =	vor.u32 v14, v18;
	v60 =	vld.idx.msk [tilespmem:v54+s17+$0x0], $0xffff;
	v22 =	vmul.f32 v26, v50;
	v21 =	vadd.f32 v23, v21  }
0x1d0: {  	s25 =	rddreg [dreg:$0x8];
	v35 =	vor.u32 v14, v17;
	v18 =	vor.u32 v15, v18;
	v62 =	vld.idx.msk [tilespmem:v55+s18+$0x0], $0xffff;
	v36 =	vand.u32 $0xFFFFFF80, v19  }
0x1d1: {  	v29 =	vld.idx.msk [tilespmem:v57+s17+$0x0], $0xffff;
	v40 =	vmul.f32 v56, v53;
	v36 =	vadd.s32 s25, v36;
	v21 =	vadd.f32 v22, v21  }
0x1d2: {  	s26 =	rddreg [dreg:$0x9];
	v17 =	vor.u32 v15, v17;
	v59 =	vand.u32 $0xFFFFFF80, v20;
	v27 =	vld.idx.msk [tilespmem:v58+s18+$0x0], $0xffff;
	(v2sf) =	vpush v36, $0x0  }
0x1d3: {  	v42 =	vld.idx.msk [tilespmem:v34+s17+$0x0], $0xffff;
	v41 =	vadd.s32 s26, v59;
	v43 =	vmul.f32 v33, v24;
	v21 =	vadd.f32 v40, v21  }
0x1d4: {  	v44 =	vld.idx.msk [tilespmem:v61+s18+$0x0], $0xffff;
	(v2sf) =	vpush v41, $0x0  }
0x1d5: {  	v45 =	vld.idx.msk [tilespmem:v63+s17+$0x0], $0xffff;
	v46 =	vmul.f32 v62, v60;
	v21 =	vadd.f32 v43, v21  }
0x1d6: {  	v47 =	vld.idx.msk [tilespmem:v35+s18+$0x0], $0xffff;
	(v2sf) =	vpush v36, $0x1  }
0x1d7: {  	v18 =	vld.idx.msk [tilespmem:v18+s17+$0x0], $0xffff;
	v48 =	vmul.f32 v27, v29;
	v21 =	vadd.f32 v46, v21  }
0x1d8: {  	v17 =	vld.idx.msk [tilespmem:v17+s18+$0x0], $0xffff;
	(v2sf) =	vpush v41, $0x1  }
0x1d9: {  	v49 =	vmul.f32 v44, v42;
	v21 =	vadd.f32 v48, v21  }
0x1da: {  	(v2sf) =	vpush v36, $0x2  }
0x1db: {  	v50 =	vmul.f32 v47, v45;
	v21 =	vadd.f32 v49, v21  }
0x1dc: {  	(v2sf) =	vpush v41, $0x2  }
0x1dd: {  	v17 =	vmul.f32 v17, v18;
	v21 =	vadd.f32 v50, v21  }
0x1de: {  	(v2sf) =	vpush v36, $0x3  }
0x1df: {  	v17 =	vadd.f32 v17, v21  }
0x1e0: {  	(v2sf) =	vpush v41, $0x3  }
0x1e1: {  	s31 =	spop (v2sf);
	[tilespmem:s23+$0x10480] =	vst v17  }
0x1e2: {  	(v2sf) =	vpush v36, $0x4;
	[tilespmem:s17], [sflag:$0x1] =	stream.strided.gather [hbm4b:s31+s15], $0x800, s16, s15, $0x38;
	[tilespmem:$0x10580] =	vst v63  }
0x1e3: {  	s29 =	rddreg [dreg:$0xb];
	s28 =	spop (v2sf)  }
0x1e4: {  	(v2sf) =	vpush v41, $0x4;
	[tilespmem:s18], [sflag:$0x1] =	stream.strided.gather [hbm4b:s28+s15], $0x800, s16, s15, $0x38;
	[tilespmem:$0x10580] =	vst v63  }
0x1e5: {  	s26 =	rddreg [dreg:$0xa];
	s30 =	spop (v2sf)  }
0x1e6: {  	(v2sf) =	vpush v36, $0x5;
	[tilespmem:s26], [sflag:$0x1] =	stream.strided.gather [hbm4b:s30+s15], $0x800, s16, s15, $0x38;
	[tilespmem:$0x10580] =	vst v63  }
0x1e7: {  	s31 =	rddreg [dreg:$0xc];
	s28 =	spop (v2sf)  }
0x1e8: {  	(v2sf) =	vpush v41, $0x5;
	[tilespmem:s29], [sflag:$0x1] =	stream.strided.gather [hbm4b:s28+s15], $0x800, s16, s15, $0x38;
	[tilespmem:$0x10580] =	vst v63  }
0x1e9: {  	s30 =	spop (v2sf);
	s29 =	rddreg [dreg:$0xd]  }
0x1ea: {  	(v2sf) =	vpush v36, $0x6;
	[tilespmem:s31], [sflag:$0x1] =	stream.strided.gather [hbm4b:s30+s15], $0x800, s16, s15, $0x38;
	[tilespmem:$0x10580] =	vst v63  }
0x1eb: {  	s28 =	spop (v2sf);
	s31 =	rddreg [dreg:$0xe]  }
0x1ec: {  	(v2sf) =	vpush v41, $0x6;
	[tilespmem:s29], [sflag:$0x1] =	stream.strided.gather [hbm4b:s28+s15], $0x800, s16, s15, $0x38;
	[tilespmem:$0x10580] =	vst v63  }
0x1ed: {  	s30 =	spop (v2sf);
	s29 =	rddreg [dreg:$0xf]  }
0x1ee: {  	(v2sf) =	vpush v36, $0x7;
	[tilespmem:s31], [sflag:$0x1] =	stream.strided.gather [hbm4b:s30+s15], $0x800, s16, s15, $0x38;
	[tilespmem:$0x10580] =	vst v63  }
0x1ef: {  	s28 =	spop (v2sf);
	s31 =	rddreg [dreg:$0x10]  }
0x1f0: {  	(v2sf) =	vpush v41, $0x7;
	[tilespmem:s29], [sflag:$0x1] =	stream.strided.gather [hbm4b:s28+s15], $0x800, s16, s15, $0x38;
	[tilespmem:$0x10580] =	vst v63  }
0x1f1: {  	s30 =	spop (v2sf);
	s29 =	rddreg [dreg:$0x11]  }
0x1f2: {  	(v2sf) =	vpush v36, $0x8;
	[tilespmem:s31], [sflag:$0x1] =	stream.strided.gather [hbm4b:s30+s15], $0x800, s16, s15, $0x38;
	[tilespmem:$0x10580] =	vst v63  }
0x1f3: {  	s28 =	spop (v2sf);
	s31 =	rddreg [dreg:$0x12]  }
0x1f4: {  	(v2sf) =	vpush v41, $0x8;
	[tilespmem:s29], [sflag:$0x1] =	stream.strided.gather [hbm4b:s28+s15], $0x800, s16, s15, $0x38;
	[tilespmem:$0x10580] =	vst v63  }
0x1f5: {  	s30 =	spop (v2sf);
	s29 =	rddreg [dreg:$0x13]  }
0x1f6: {  	(v2sf) =	vpush v36, $0x9;
	[tilespmem:s31], [sflag:$0x1] =	stream.strided.gather [hbm4b:s30+s15], $0x800, s16, s15, $0x38;
	[tilespmem:$0x10580] =	vst v63  }
0x1f7: {  	s28 =	spop (v2sf);
	s31 =	rddreg [dreg:$0x14]  }
0x1f8: {  	(v2sf) =	vpush v41, $0x9;
	[tilespmem:s29], [sflag:$0x1] =	stream.strided.gather [hbm4b:s28+s15], $0x800, s16, s15, $0x38;
	[tilespmem:$0x10580] =	vst v63  }
0x1f9: {  	s30 =	spop (v2sf);
	s29 =	rddreg [dreg:$0x15]  }
0x1fa: {  	(v2sf) =	vpush v36, $0xA;
	[tilespmem:s31], [sflag:$0x1] =	stream.strided.gather [hbm4b:s30+s15], $0x800, s16, s15, $0x38;
	[tilespmem:$0x10580] =	vst v63  }
0x1fb: {  	s28 =	spop (v2sf);
	s31 =	rddreg [dreg:$0x16]  }
0x1fc: {  	(v2sf) =	vpush v41, $0xA;
	[tilespmem:s29], [sflag:$0x1] =	stream.strided.gather [hbm4b:s28+s15], $0x800, s16, s15, $0x38;
	[tilespmem:$0x10580] =	vst v63  }
0x1fd: {  	s30 =	spop (v2sf);
	s29 =	rddreg [dreg:$0x17]  }
0x1fe: {  	(v2sf) =	vpush v36, $0xB;
	[tilespmem:s31], [sflag:$0x1] =	stream.strided.gather [hbm4b:s30+s15], $0x800, s16, s15, $0x38;
	[tilespmem:$0x10580] =	vst v63  }
0x1ff: {  	s28 =	spop (v2sf);
	s31 =	rddreg [dreg:$0x18]  }
0x200: {  	(v2sf) =	vpush v41, $0xB;
	[tilespmem:s29], [sflag:$0x1] =	stream.strided.gather [hbm4b:s28+s15], $0x800, s16, s15, $0x38;
	[tilespmem:$0x10580] =	vst v63  }
0x201: {  	s30 =	spop (v2sf);
	s29 =	rddreg [dreg:$0x19]  }
0x202: {  	(v2sf) =	vpush v36, $0xC;
	[tilespmem:s31], [sflag:$0x1] =	stream.strided.gather [hbm4b:s30+s15], $0x800, s16, s15, $0x38;
	[tilespmem:$0x10580] =	vst v63  }
0x203: {  	s28 =	spop (v2sf);
	s31 =	rddreg [dreg:$0x1a]  }
0x204: {  	(v2sf) =	vpush v41, $0xC;
	[tilespmem:s29], [sflag:$0x1] =	stream.strided.gather [hbm4b:s28+s15], $0x800, s16, s15, $0x38;
	[tilespmem:$0x10580] =	vst v63  }
0x205: {  	s30 =	spop (v2sf);
	s29 =	rddreg [dreg:$0x1b]  }
0x206: {  	(v2sf) =	vpush v36, $0xD;
	[tilespmem:s31], [sflag:$0x1] =	stream.strided.gather [hbm4b:s30+s15], $0x800, s16, s15, $0x38;
	[tilespmem:$0x10580] =	vst v63  }
0x207: {  	s28 =	spop (v2sf);
	s31 =	rddreg [dreg:$0x1c]  }
0x208: {  	(v2sf) =	vpush v41, $0xD;
	[tilespmem:s29], [sflag:$0x1] =	stream.strided.gather [hbm4b:s28+s15], $0x800, s16, s15, $0x38;
	[tilespmem:$0x10580] =	vst v63  }
0x209: {  	s30 =	spop (v2sf);
	s29 =	rddreg [dreg:$0x1d]  }
0x20a: {  	(v2sf) =	vpush v36, $0xE;
	[tilespmem:s31], [sflag:$0x1] =	stream.strided.gather [hbm4b:s30+s15], $0x800, s16, s15, $0x38;
	[tilespmem:$0x10580] =	vst v63  }
0x20b: {  	s28 =	spop (v2sf);
	s31 =	rddreg [dreg:$0x1e]  }
0x20c: {  	(v2sf) =	vpush v41, $0xE;
	[tilespmem:s29], [sflag:$0x1] =	stream.strided.gather [hbm4b:s28+s15], $0x800, s16, s15, $0x38;
	[tilespmem:$0x10580] =	vst v63  }
0x20d: {  	s30 =	spop (v2sf);
	s29 =	rddreg [dreg:$0x1f]  }
0x20e: {  	(v2sf) =	vpush v36, $0xF;
	[tilespmem:s31], [sflag:$0x1] =	stream.strided.gather [hbm4b:s30+s15], $0x800, s16, s15, $0x38;
	[tilespmem:$0x10580] =	vst v63  }
0x20f: {  	s28 =	spop (v2sf);
	s31 =	sld [smem:$0x7F6]  }
0x210: {  	(v2sf) =	vpush v41, $0xF;
	[tilespmem:s29], [sflag:$0x1] =	stream.strided.gather [hbm4b:s28+s15], $0x800, s16, s15, $0x38;
	[tilespmem:$0x10580] =	vst v63  }
0x211: {  	s30 =	spop (v2sf);
	s29 =	sld [smem:$0x7F7]  }
0x212: {  	[tilespmem:s31], [sflag:$0x1] =	stream.strided.gather [hbm4b:s30+s15], $0x800, s16, s15, $0x38;
	[tilespmem:$0x10580] =	vst v63  }
0x213: {  	s28 =	spop (v2sf);
	s31 =	sld [smem:$0x7F8]  }
0x214: {  	[tilespmem:s29], [sflag:$0x1] =	stream.strided.gather [hbm4b:s28+s15], $0x800, s16, s15, $0x38;
	[tilespmem:$0x10580] =	vst v63  }
0x215: {  	s30 =	spop (v2sf);
	s29 =	sld [smem:$0x7F9]  }
0x216: {  	[tilespmem:s31], [sflag:$0x1] =	stream.strided.gather [hbm4b:s30+s15], $0x800, s16, s15, $0x38;
	[tilespmem:$0x10580] =	vst v63  }
0x217: {  	s28 =	spop (v2sf);
	s31 =	sld [smem:$0x7FA]  }
0x218: {  	[tilespmem:s29], [sflag:$0x1] =	stream.strided.gather [hbm4b:s28+s15], $0x800, s16, s15, $0x38;
	[tilespmem:$0x10580] =	vst v63  }
0x219: {  	s30 =	spop (v2sf);
	s29 =	sld [smem:$0x7FB]  }
0x21a: {  	[tilespmem:s31], [sflag:$0x1] =	stream.strided.gather [hbm4b:s30+s15], $0x800, s16, s15, $0x38;
	[tilespmem:$0x10580] =	vst v63  }
0x21b: {  	s28 =	spop (v2sf);
	s31 =	sld [smem:$0x7FC]  }
0x21c: {  	[tilespmem:s29], [sflag:$0x1] =	stream.strided.gather [hbm4b:s28+s15], $0x800, s16, s15, $0x38;
	[tilespmem:$0x10580] =	vst v63  }
0x21d: {  	s30 =	spop (v2sf);
	s29 =	sld [smem:$0x7FD]  }
0x21e: {  	[tilespmem:s31], [sflag:$0x1] =	stream.strided.gather [hbm4b:s30+s15], $0x800, s16, s15, $0x38;
	[tilespmem:$0x10580] =	vst v63  }
0x21f: {  	s31 =	spop (v2sf)  }
0x220: {  	[tilespmem:s29], [sflag:$0x1] =	stream.strided.gather [hbm4b:s31+s15], $0x800, s16, s15, $0x38;
	[tilespmem:$0x10580] =	vst v63  }
0x221: {  	_ =	swait.ge [sflag:s19], $0x800  }
0x222: {  	[sflag:s19] =	ssyncset.done $0x0  }
0x223: {  	[sflag:s19] =	ssyncadd.s32 $0xFFFFF800  }
0x224: {  	_ =	swait.ge [sflag:s19], $0x800  }
0x225: {  	[sflag:s19] =	ssyncset.done $0x0  }
0x226: {  	[sflag:s19] =	ssyncadd.s32 $0xFFFFF800  }
0x227: {  	_ =	swait.ge [sflag:s19], $0x800  }
0x228: {  	[sflag:s19] =	ssyncset.done $0x0  }
0x229: {  	[sflag:s19] =	ssyncadd.s32 $0xFFFFF800  }
0x22a: {  	_ =	swait.ge [sflag:s19], $0x800  }
0x22b: {  	[sflag:s19] =	ssyncset.done $0x0  }
0x22c: {  	[sflag:s19] =	ssyncadd.s32 $0xFFFFF800  }
0x22d: {  	_ =	swait.ge [sflag:s19], $0x800  }
0x22e: {  	[sflag:s19] =	ssyncset.done $0x0  }
0x22f: {  	[sflag:s19] =	ssyncadd.s32 $0xFFFFF800  }
0x230: {  	_ =	swait.ge [sflag:s19], $0x800  }
0x231: {  	[sflag:s19] =	ssyncset.done $0x0  }
0x232: {  	[sflag:s19] =	ssyncadd.s32 $0xFFFFF800  }
0x233: {  	_ =	swait.ge [sflag:s19], $0x800  }
0x234: {  	[sflag:s19] =	ssyncset.done $0x0  }
0x235: {  	[sflag:s19] =	ssyncadd.s32 $0xFFFFF800  }
0x236: {  	_ =	swait.ge [sflag:s19], $0x800  }
0x237: {  	[sflag:s19] =	ssyncset.done $0x0  }
0x238: {  	[sflag:s19] =	ssyncadd.s32 $0xFFFFF800  }
0x239: {  	_ =	swait.ge [sflag:s19], $0x800  }
0x23a: {  	[sflag:s19] =	ssyncset.done $0x0  }
0x23b: {  	[sflag:s19] =	ssyncadd.s32 $0xFFFFF800  }
0x23c: {  	_ =	swait.ge [sflag:s19], $0x800  }
0x23d: {  	[sflag:s19] =	ssyncset.done $0x0  }
0x23e: {  	[sflag:s19] =	ssyncadd.s32 $0xFFFFF800  }
0x23f: {  	_ =	swait.ge [sflag:s19], $0x800  }
0x240: {  	[sflag:s19] =	ssyncset.done $0x0  }
0x241: {  	[sflag:s19] =	ssyncadd.s32 $0xFFFFF800  }
0x242: {  	_ =	swait.ge [sflag:s19], $0x800  }
0x243: {  	[sflag:s19] =	ssyncset.done $0x0  }
0x244: {  	[sflag:s19] =	ssyncadd.s32 $0xFFFFF800  }
0x245: {  	_ =	swait.ge [sflag:s19], $0x800  }
0x246: {  	[sflag:s19] =	ssyncset.done $0x0  }
0x247: {  	[sflag:s19] =	ssyncadd.s32 $0xFFFFF800  }
0x248: {  	_ =	swait.ge [sflag:s19], $0x800  }
0x249: {  	[sflag:s19] =	ssyncset.done $0x0  }
0x24a: {  	[sflag:s19] =	ssyncadd.s32 $0xFFFFF800  }
0x24b: {  	_ =	swait.ge [sflag:s19], $0x800  }
0x24c: {  	[sflag:s19] =	ssyncset.done $0x0  }
0x24d: {  	[sflag:s19] =	ssyncadd.s32 $0xFFFFF800  }
0x24e: {  	_ =	swait.ge [sflag:s19], $0x800  }
0x24f: {  	[sflag:s19] =	ssyncset.done $0x0  }
0x250: {  	[sflag:s19] =	ssyncadd.s32 $0xFFFFF800  }
0x251: {  	_ =	swait.ge [sflag:s19], $0x800  }
0x252: {  	[sflag:s19] =	ssyncset.done $0x0  }
0x253: {  	[sflag:s19] =	ssyncadd.s32 $0xFFFFF800  }
0x254: {  	_ =	swait.ge [sflag:s19], $0x800  }
0x255: {  	[sflag:s19] =	ssyncset.done $0x0  }
0x256: {  	[sflag:s19] =	ssyncadd.s32 $0xFFFFF800  }
0x257: {  	_ =	swait.ge [sflag:s19], $0x800  }
0x258: {  	[sflag:s19] =	ssyncset.done $0x0  }
0x259: {  	[sflag:s19] =	ssyncadd.s32 $0xFFFFF800  }
0x25a: {  	_ =	swait.ge [sflag:s19], $0x800  }
0x25b: {  	[sflag:s19] =	ssyncset.done $0x0  }
0x25c: {  	[sflag:s19] =	ssyncadd.s32 $0xFFFFF800  }
0x25d: {  	_ =	swait.ge [sflag:s19], $0x800  }
0x25e: {  	[sflag:s19] =	ssyncset.done $0x0  }
0x25f: {  	[sflag:s19] =	ssyncadd.s32 $0xFFFFF800  }
0x260: {  	_ =	swait.ge [sflag:s19], $0x800  }
0x261: {  	[sflag:s19] =	ssyncset.done $0x0  }
0x262: {  	[sflag:s19] =	ssyncadd.s32 $0xFFFFF800  }
0x263: {  	_ =	swait.ge [sflag:s19], $0x800  }
0x264: {  	[sflag:s19] =	ssyncset.done $0x0  }
0x265: {  	[sflag:s19] =	ssyncadd.s32 $0xFFFFF800  }
0x266: {  	_ =	swait.ge [sflag:s19], $0x800  }
0x267: {  	[sflag:s19] =	ssyncset.done $0x0  }
0x268: {  	[sflag:s19] =	ssyncadd.s32 $0xFFFFF800  }
0x269: {  	_ =	swait.ge [sflag:s19], $0x800  }
0x26a: {  	[sflag:s19] =	ssyncset.done $0x0  }
0x26b: {  	[sflag:s19] =	ssyncadd.s32 $0xFFFFF800  }
0x26c: {  	_ =	swait.ge [sflag:s19], $0x800  }
0x26d: {  	[sflag:s19] =	ssyncset.done $0x0  }
0x26e: {  	[sflag:s19] =	ssyncadd.s32 $0xFFFFF800  }
0x26f: {  	_ =	swait.ge [sflag:s19], $0x800  }
0x270: {  	[sflag:s19] =	ssyncset.done $0x0  }
0x271: {  	[sflag:s19] =	ssyncadd.s32 $0xFFFFF800  }
0x272: {  	_ =	swait.ge [sflag:s19], $0x800  }
0x273: {  	[sflag:s19] =	ssyncset.done $0x0  }
0x274: {  	[sflag:s19] =	ssyncadd.s32 $0xFFFFF800  }
0x275: {  	_ =	swait.ge [sflag:s19], $0x800  }
0x276: {  	[sflag:s19] =	ssyncset.done $0x0  }
0x277: {  	[sflag:s19] =	ssyncadd.s32 $0xFFFFF800  }
0x278: {  	_ =	swait.ge [sflag:s19], $0x800  }
0x279: {  	[sflag:s19] =	ssyncset.done $0x0  }
0x27a: {  	[sflag:s19] =	ssyncadd.s32 $0xFFFFF800  }
0x27b: {  	v17 =	vand.u32 $0x7F, v19;
	_ =	swait.ge [sflag:s19], $0x800  }
0x27c: {  	v18 =	vand.u32 $0x7F, v20;
	v19 =	vor.u32 v0, v17;
	[sflag:s19] =	ssyncset.done $0x0  }
0x27d: {  	v20 =	vor.u32 v0, v18;
	[sflag:s19] =	ssyncadd.s32 $0xFFFFF800  }
0x27e: {  	v51 =	vor.u32 v1, v17;
	_ =	swait.ge [sflag:s19], $0x800  }
0x27f: {  	v52 =	vor.u32 v1, v18;
	[sflag:s19] =	ssyncset.done $0x0  }
0x280: {  	v53 =	vor.u32 v2, v17;
	[sflag:s19] =	ssyncadd.s32 $0xFFFFF800  }
0x281: {  	v54 =	vor.u32 v2, v18;
	v19 =	vld.idx.msk [tilespmem:v19+s17+$0x0], $0xffff  }
0x282: {  	v55 =	vor.u32 v3, v17;
	v20 =	vld.idx.msk [tilespmem:v20+s18+$0x0], $0xffff  }
0x283: {  	v56 =	vor.u32 v3, v18;
	v21 =	vld.idx.msk [tilespmem:v51+s17+$0x0], $0xffff  }
0x284: {  	v57 =	vor.u32 v4, v17;
	v22 =	vld.idx.msk [tilespmem:v52+s18+$0x0], $0xffff  }
0x285: {  	v58 =	vor.u32 v4, v18;
	v23 =	vld.idx.msk [tilespmem:v53+s17+$0x0], $0xffff  }
0x286: {  	v59 =	vor.u32 v5, v17;
	v24 =	vld.idx.msk [tilespmem:v54+s18+$0x0], $0xffff  }
0x287: {  	v60 =	vor.u32 v5, v18;
	v25 =	vld.idx.msk [tilespmem:v55+s17+$0x0], $0xffff;
	v19 =	vmul.f32 v20, v19  }
0x288: {  	v62 =	vor.u32 v6, v17;
	v61 =	vld.idx.msk [tilespmem:v56+s18+$0x0], $0xffff  }
0x289: {  	v33 =	vor.u32 v6, v18;
	v63 =	vld.idx.msk [tilespmem:v57+s17+$0x0], $0xffff;
	v21 =	vmul.f32 v22, v21;
	v16 =	vadd.f32 v19, v16  }
0x28a: {  	v34 =	vor.u32 v7, v17;
	v19 =	vld.idx.msk [tilespmem:v58+s18+$0x0], $0xffff  }
0x28b: {  	v36 =	vor.u32 v7, v18;
	v35 =	vld.idx.msk [tilespmem:v59+s17+$0x0], $0xffff;
	v23 =	vmul.f32 v24, v23;
	v16 =	vadd.f32 v21, v16  }
0x28c: {  	v38 =	vor.u32 v8, v17;
	v37 =	vld.idx.msk [tilespmem:v60+s18+$0x0], $0xffff  }
0x28d: {  	v39 =	vor.u32 v8, v18;
	v26 =	vld.idx.msk [tilespmem:v62+s17+$0x0], $0xffff;
	v20 =	vmul.f32 v61, v25;
	v16 =	vadd.f32 v23, v16  }
0x28e: {  	v43 =	vor.u32 v9, v18;
	v40 =	vld.idx.msk [tilespmem:v33+s18+$0x0], $0xffff  }
0x28f: {  	v41 =	vor.u32 v9, v17;
	v42 =	vld.idx.msk [tilespmem:v34+s17+$0x0], $0xffff;
	v19 =	vmul.f32 v19, v63;
	v16 =	vadd.f32 v20, v16  }
0x290: {  	v47 =	vor.u32 v10, v18;
	v44 =	vld.idx.msk [tilespmem:v36+s18+$0x0], $0xffff  }
0x291: {  	v45 =	vor.u32 v10, v17;
	v46 =	vld.idx.msk [tilespmem:v38+s17+$0x0], $0xffff;
	v21 =	vmul.f32 v37, v35;
	v16 =	vadd.f32 v19, v16  }
0x292: {  	v48 =	vor.u32 v11, v17;
	v19 =	vld.idx.msk [tilespmem:v39+s18+$0x0], $0xffff  }
0x293: {  	v49 =	vor.u32 v11, v18;
	v50 =	vld.idx.msk [tilespmem:v43+s18+$0x0], $0xffff;
	v23 =	vmul.f32 v40, v26;
	v16 =	vadd.f32 v21, v16  }
0x294: {  	v51 =	vor.u32 v12, v17;
	v25 =	vld.idx.msk [tilespmem:v41+s17+$0x0], $0xffff  }
0x295: {  	v52 =	vor.u32 v12, v18;
	v53 =	vld.idx.msk [tilespmem:v47+s18+$0x0], $0xffff;
	v20 =	vmul.f32 v44, v42;
	v16 =	vadd.f32 v23, v16  }
0x296: {  	v54 =	vor.u32 v13, v17;
	v22 =	vld.idx.msk [tilespmem:v45+s17+$0x0], $0xffff  }
0x297: {  	v55 =	vld.idx.msk [tilespmem:v48+s17+$0x0], $0xffff;
	v56 =	vor.u32 v13, v18;
	v19 =	vmul.f32 v19, v46;
	v16 =	vadd.f32 v20, v16  }
0x298: {  	v57 =	vld.idx.msk [tilespmem:v49+s18+$0x0], $0xffff;
	v58 =	vor.u32 v14, v17  }
0x299: {  	v59 =	vor.u32 v14, v18;
	v28 =	vld.idx.msk [tilespmem:v51+s17+$0x0], $0xffff;
	v16 =	vadd.f32 v19, v16;
	v19 =	vmul.f32 v50, v25  }
0x29a: {  	v18 =	vor.u32 v15, v18;
	v60 =	vld.idx.msk [tilespmem:v52+s18+$0x0], $0xffff  }
0x29b: {  	v24 =	vld.idx.msk [tilespmem:v54+s17+$0x0], $0xffff;
	v17 =	vor.u32 v15, v17;
	v16 =	vadd.f32 v19, v16;
	v19 =	vmul.f32 v53, v22  }
0x29c: {  	v61 =	vld.idx.msk [tilespmem:v56+s18+$0x0], $0xffff  }
0x29d: {  	v62 =	vld.idx.msk [tilespmem:v58+s17+$0x0], $0xffff;
	v16 =	vadd.f32 v19, v16;
	v19 =	vmul.f32 v57, v55  }
0x29e: {  	v63 =	vld.idx.msk [tilespmem:v59+s18+$0x0], $0xffff  }
0x29f: {  	v18 =	vld.idx.msk [tilespmem:v18+s18+$0x0], $0xffff;
	v16 =	vadd.f32 v19, v16;
	v19 =	vmul.f32 v60, v28  }
0x2a0: {  	v17 =	vld.idx.msk [tilespmem:v17+s17+$0x0], $0xffff  }
0x2a1: {  	v16 =	vadd.f32 v19, v16;
	v19 =	vmul.f32 v61, v24;
	_ =	sdelay $0x1  }
0x2a2: {  	v16 =	vadd.f32 v19, v16;
	v19 =	vmul.f32 v63, v62;
	_ =	sdelay $0x1  }
0x2a3: {  	v17 =	vmul.f32 v18, v17;
	v16 =	vadd.f32 v19, v16;
	_ =	sdelay $0x1  }
0x2a4: {  	v16 =	vadd.f32 v17, v16;
	_ =	sdelay $0x1  }
0x2a5: {  	[tilespmem:s24+$0x10480] =	vst v16  }
0x2a6: {  	_ =	swait.ge [sflag:s20], $0x100  }
0x2a7: {  	[sflag:s20] =	ssyncset.done $0x0  }
0x2a8: {  	[sflag:s20] =	ssyncadd.s32 $0xFFFFFF00  }
0x2a9: {  	_ =	swait.ge [sflag:s20], $0x100  }
0x2aa: {  	[sflag:s20] =	ssyncset.done $0x0  }
0x2ab: {  	s23 =	simm.s32 $0x0;
	[sflag:s20] =	ssyncadd.s32 $0xFFFFFF00  }
0x2ac: {  	s24 =	simm.s32 $0x40;
	v16 =	vld [tilespmem:s23+$0x10200]  }
.LBB2_4:
0x2ad: {  	p0 =	sne.s32 s24, $0x3C0;
	v17 =	vld [tilespmem:s23+$0x10480];
	_ =	sdelay $0x1  }
0x2ae: {  	v18 =	vld [tilespmem:s23+$0x10300];
	_ =	sdelay $0x2  }
.Ltmp1:
0x2af: {  	v16 =	vadd.f32 v16, v17;
	(pc) =	sbr.rel @p0 .LBB2_4-.Ltmp1, $4  }
0x2b0: {  	_ = 	snop  }
0x2b1: {  	v17 =	vadd.f32 v18, v16  }
0x2b2: {  	s25 =	sshra.s32 s24, $0x2  }
0x2b3: {  	s24 =	sadd.s32 $0x40, s24;
	v16 =	vld [tilespmem:s25+$0x10200];
	[tilespmem:s23+$0x10480] =	vst v17;
	s23 =	smov.u32 s25  }
0x2b4: {  	v17 =	vld [tilespmem:s23+$0x10480];
	_ =	sdelay $0x1  }
0x2b5: {  	v18 =	vld [tilespmem:s23+$0x10300];
	_ =	sdelay $0x2  }
0x2b6: {  	v16 =	vadd.f32 v16, v17;
	_ =	sdelay $0x1  }
0x2b7: {  	s22 =	sadd.s32 $0x1, s22;
	v16 =	vadd.f32 v18, v16  }
0x2b8: {  	p0 =	sne.s32 s22, s9  }
.Ltmp2:
0x2b9: {  	[tilespmem:s23+$0x10480] =	vst v16;
	(pc) =	sbr.rel @p0 .LBB2_1-.Ltmp2, $4  }
0x2ba: {  	[hbm4b:s8+s4] =	stream.linear.scatter [tilespmem:s21], [sflag:$0x3], $0x100, $0x38;
	[tilespmem:$0x10580] =	vst v63  }
0x2bb: {  	_ =	swait.ge [sflag:s10], $0x100  }
0x2bc: {  	[sflag:s10] =	ssyncset.done $0x0  }
0x2bd: {  	[sflag:s10] =	ssyncadd.s32 $0xFFFFFF00  }
0x2be: {  	_ =	sfence.sel $0x180000  }
0x2bf: {  	[bflag:$0x0] =	sbarrier.arrive $0xFFFF  }
0x2c0: {  	p0 =	sne.s32 s5, $0x0;
	_ =	strace $0x90000047  }
0x2c1: {  	s0 =	sadd.s32 @!p0 $0x100000, s0;
	[bflag:$0x2] =	sbarrier.arrive $0xFFFF  }
0x2c2: {  	[sflag:s0] =	ssyncadd.tile.s32 @!p0 $0x1;
	_ =	shalt  }
.Lfunc_end2:
_tile_overlayer_lowered:
.L_overlay_start_2:
0x2c3: {  	(tag) =	ssettag $0x2  }
0x2c4: {  	s0 =	rddreg [dreg:$0x0];
	s2 =	stileid.u32  }
0x2c5: {  	s1 =	rddreg [dreg:$0x1];
	p0 =	sne.s32 s2, $0x0  }
0x2c6: {  	s3 =	rddreg [dreg:$0x2];
	[bflag:$0x3] =	sbarrier.arrive $0xFFFF;
	s2 =	simm.s32 @!p0 $0x1C03  }
0x2c7: {  	[timem:s3], [sflag:s2] =	dma.local @!p0 [hbm:s0], s1  }
0x2c8: {  	s0 =	simm.s32 @!p0 $0x3  }
0x2c9: {  	_ =	swait.ge @!p0 [sflag:s0], s1  }
0x2ca: {  	s1 =	ssub.s32 @!p0 $0x0, s1;
	[sflag:s0] =	ssyncset.done @!p0 $0x0  }
0x2cb: {  	[sflag:s0] =	ssyncadd.s32 @!p0 s1  }
0x2cc: {  	[bflag:$0x3] =	sbarrier.arrive $0xFFFF  }
0x2cd: {  	_ =	shalt  }

// kernel: _mf.7.cloned.1.call-start
scs
__scs_entry_jumppad:
0x0: {  	(pc) =	sbr.rel $0x88, $3  }
0x1: {  	(tag) =	ssettag $0x0;
	lr =	simm.s32 $0x1  }
0x2: {  	[smem:$0x3F9A] =	sst lr;
	_ =	strace $0xD0000000  }
0x3: {  	_ = 	snop  }
0x4: {  	_ = 	snop  }
0x5: {  	_ = 	snop  }
0x6: {  	_ = 	snop  }
0x7: {  	_ = 	snop  }
__scs_overlays_trampoline_lowered:
0x8: {  	[smem:$0x3FA9] =	sst s0  }
0x9: {  	[smem:$0x3FAA] =	sst s1  }
0xa: {  	[smem:$0x3FAB] =	sst s2  }
0xb: {  	[smem:$0x3FAC] =	sst s3  }
0xc: {  	[smem:$0x3FAD] =	sst s4  }
0xd: {  	[smem:$0x3FAE] =	sst s5  }
0xe: {  	[smem:$0x3FAF] =	sst s6  }
0xf: {  	[smem:$0x3FB0] =	sst s7  }
0x10: {  	[smem:$0x3FB1] =	sst s8  }
0x11: {  	[smem:$0x3FB2] =	sst s9;
	s0 =	simm.s32 @!p0 $0x0  }
0x12: {  	s1 =	sld [smem:$0x3F98];
	s0 =	simm.s32 @p0 $0x1  }
0x13: {  	[smem:$0x3FB3] =	sst s0;
	s0 =	simm.s32 @!p1 $0x0  }
0x14: {  	s2 =	sld [smem:$0x3F97];
	s0 =	simm.s32 @p1 $0x1  }
0x15: {  	[smem:$0x3FB4] =	sst s0;
	s0 =	simm.s32 @!p2 $0x0  }
0x16: {  	s3 =	sld [smem:$0x3FDB];
	s0 =	simm.s32 @p2 $0x1  }
0x17: {  	s4 =	simm.s32 $0x1BF5;
	[smem:$0x3FB6] =	sst s0  }
0x18: {  	s0 =	sld [smem:$0x3F99];
	_ =	swait.ge [sflag:s4], $0x0  }
0x19: {  	s7 =	sld [smem:$0x3F9A]  }
0x1a: {  	s8 =	sadd.s32 $0xFFFFE003, lr  }
0x1b: {  	s9 =	sadd.s32 $0xFFFFFEF7, lr;
	s5 =	simm.s32 $0xFFFFFFFF;
	p2 =	slt.u32 s8, $0xFFFFF086  }
0x1c: {  	p1 =	slt.u32 s9, $0xF7A;
	s5 =	simm.s32 @!p2 $0x0  }
0x1d: {  	s5 =	simm.s32 @p1 $0x1;
	p0 =	seq.s32 s7, s2  }
0x1e: {  	s7 =	smul.u32 @!p0 $0xF7A, s2;
	p2 =	seq.s32 @!p0 s5, $0x0  }
0x1f: {  	s9 =	smul.u32 $0xF7A, s1;
	s8 =	simm.s32 @!p0 $0x1BF5;
	p2 =	por !p2, p0  }
0x20: {  	[sflag:s8] =	ssyncset.s32 @!p0 $0xFFFFF086;
	s6 =	sadd.s32 @!p0 s3, s7;
	s7 =	simm.s32 @!p0 $0x108  }
0x21: {  	s3 =	sadd.s32 s3, s9;
	s6 =	sadd.s32 @!p0 $0x88, s6;
	s7 =	simm.s32 @p2 $0x1082  }
0x22: {  	[simem:s7], [sflag:s8] =	dma.local @!p0 [hbm:s6], $0xF7A  }
0x23: {  	s9 =	sor.u32 $0xD0000000, s2;
	s6 =	simm.s32 $0x108;
	_ =	swait.ge @!p0 [sflag:s8], $0x0  }
0x24: {  	s3 =	sadd.s32 $0x88, s3;
	s6 =	simm.s32 @!p1 $0x1082;
	[sflag:s4] =	ssyncset.s32 $0xFFFFF086  }
0x25: {  	[simem:s6], [sflag:s4] =	dma.local [hbm:s3], $0xF7A  }
0x26: {  	[smem:$0x3F9A] =	sst s1;
	(tag) =	ssettag s2;
	_ =	strace s9  }
0x27: {  	s1 =	sld [smem:$0x3FAA]  }
0x28: {  	s2 =	sld [smem:$0x3FAB]  }
0x29: {  	s4 =	sld [smem:$0x3FAD]  }
0x2a: {  	p0 =	seq.s32 s5, $0x0;
	s5 =	sld [smem:$0x3FAE]  }
0x2b: {  	s6 =	sld [smem:$0x3FAF]  }
0x2c: {  	s7 =	sld [smem:$0x3FB0]  }
0x2d: {  	s3 =	simm.s32 $0x108;
	s8 =	sld [smem:$0x3FB1]  }
0x2e: {  	s3 =	simm.s32 @!p0 $0x1082;
	s9 =	sld [smem:$0x3FB2]  }
0x2f: {  	lr =	sadd.s32 s0, s3;
	s0 =	sld [smem:$0x3FA9]  }
0x30: {  	s3 =	sld [smem:$0x3FAC]  }
0x31: {  	[smem:$0x3FB5] =	sst s10  }
0x32: {  	s10 =	sld [smem:$0x3FB3];
	_ =	sdelay $0x3  }
0x33: {  	p0 =	seq.s32 s10, $0x1;
	s10 =	sld [smem:$0x3FB5];
	_ =	sdelay $0x3  }
0x34: {  	[smem:$0x3FB5] =	sst s10  }
0x35: {  	s10 =	sld [smem:$0x3FB4];
	_ =	sdelay $0x3  }
0x36: {  	p1 =	seq.s32 s10, $0x1;
	s10 =	sld [smem:$0x3FB5];
	_ =	sdelay $0x3  }
0x37: {  	[smem:$0x3FB5] =	sst s10  }
0x38: {  	s10 =	sld [smem:$0x3FB6]  }
0x39: {  	_ = 	snop;
	(pc) =	sbr.ind lr, $3  }
0x3a: {  	_ = 	snop  }
0x3b: {  	_ = 	snop  }
0x3c: {  	p2 =	seq.s32 s10, $0x1;
	s10 =	sld [smem:$0x3FB5]  }
0x3d: {  	_ =	shalt  }
0x3e: {  	_ =	shalt  }
0x3f: {  	_ =	shalt  }
0x40: {  	_ =	shalt  }
0x41: {  	_ =	shalt  }
0x42: {  	_ =	shalt  }
0x43: {  	_ =	shalt  }
0x44: {  	_ =	shalt  }
0x45: {  	_ =	shalt  }
0x46: {  	_ =	shalt  }
0x47: {  	_ =	shalt  }
0x48: {  	_ =	shalt  }
0x49: {  	_ =	shalt  }
0x4a: {  	_ =	shalt  }
0x4b: {  	_ =	shalt  }
0x4c: {  	_ =	shalt  }
0x4d: {  	_ =	shalt  }
0x4e: {  	_ =	shalt  }
0x4f: {  	_ =	shalt  }
0x50: {  	_ =	shalt  }
0x51: {  	_ =	shalt  }
0x52: {  	_ =	shalt  }
0x53: {  	_ =	shalt  }
0x54: {  	_ =	shalt  }
0x55: {  	_ =	shalt  }
0x56: {  	_ =	shalt  }
0x57: {  	_ =	shalt  }
0x58: {  	_ =	shalt  }
0x59: {  	_ =	shalt  }
0x5a: {  	_ =	shalt  }
0x5b: {  	_ =	shalt  }
0x5c: {  	_ =	shalt  }
0x5d: {  	_ =	shalt  }
0x5e: {  	_ =	shalt  }
0x5f: {  	_ =	shalt  }
0x60: {  	_ =	shalt  }
0x61: {  	_ =	shalt  }
0x62: {  	_ =	shalt  }
0x63: {  	_ =	shalt  }
0x64: {  	_ =	shalt  }
0x65: {  	_ =	shalt  }
0x66: {  	_ =	shalt  }
0x67: {  	_ =	shalt  }
0x68: {  	_ =	shalt  }
0x69: {  	_ =	shalt  }
0x6a: {  	_ =	shalt  }
0x6b: {  	_ =	shalt  }
0x6c: {  	_ =	shalt  }
0x6d: {  	_ =	shalt  }
0x6e: {  	_ =	shalt  }
0x6f: {  	_ =	shalt  }
0x70: {  	_ =	shalt  }
0x71: {  	_ =	shalt  }
0x72: {  	_ =	shalt  }
0x73: {  	_ =	shalt  }
0x74: {  	_ =	shalt  }
0x75: {  	_ =	shalt  }
0x76: {  	_ =	shalt  }
0x77: {  	_ =	shalt  }
0x78: {  	_ =	shalt  }
0x79: {  	_ =	shalt  }
0x7a: {  	_ =	shalt  }
0x7b: {  	_ =	shalt  }
0x7c: {  	_ =	shalt  }
0x7d: {  	_ =	shalt  }
0x7e: {  	_ =	shalt  }
0x7f: {  	_ =	shalt  }
0x80: {  	_ =	shalt  }
0x81: {  	_ =	shalt  }
0x82: {  	_ =	shalt  }
0x83: {  	_ =	shalt  }
0x84: {  	_ =	shalt  }
0x85: {  	_ =	shalt  }
0x86: {  	_ =	shalt  }
0x87: {  	_ =	shalt  }
.Lfunc_end0:
.L_simem_size_0:
called_computation.1_lowered:
.L_overlay_start_0:
0x88: {  	s2 =	sld [smem:$0x3FD9]  }
0x89: {  	s3 =	sld [smem:$0x3FFE];
	_ =	sdelay $0x1  }
0x8a: {  	s1 =	srdreg.scid  }
0x8b: {  	s0 =	sand.u32 $0x1, s1  }
0x8c: {  	s17 =	sshll.u32 s0, $0xA;
	s2 =	sadd.s32 s3, s2  }
0x8d: {  	s2 =	sadd.s32 s2, s17  }
0x8e: {  	[smem:$0x3FC1] =	sst s2  }
0x8f: {  	_ = 	snop  }
0x90: {  	s18 =	sld [smem:$0x3FC9]  }
0x91: {  	s4 =	sld [smem:$0x3FC8]  }
0x92: {  	s5 =	sld [smem:$0x3FC7]  }
0x93: {  	s6 =	sld [smem:$0x3FC6]  }
0x94: {  	s7 =	sld [smem:$0x3FC5];
	(tm) =	ssettm $0x1  }
0x95: {  	s19 =	sld [smem:$0x3FFB];
	_ =	sdelay $0x3  }
0x96: {  	_ =	strace s19  }
0x97: {  	s2 =	sld [smem:$0x3FFC];
	_ =	sdelay $0x3  }
0x98: {  	_ =	strace s2  }
0x99: {  	s2 =	sld [smem:$0x3FFD];
	_ =	sdelay $0x3  }
0x9a: {  	_ =	strace s2  }
0x9b: {  	_ =	strace $0x8FFFFFFF  }
0x9c: {  	s20 =	sld [smem:$0x3FDB];
	_ =	sdelay $0x1  }
0x9d: {  	s8 =	simm.s32 $_scs_section_size  }
0x9e: {  	s9 =	simm.s32 $_size__tile_overlayer_lowered;
	s10 =	simm.s32 $_tile_overlayer_lowered  }
0x9f: {  	s11 =	simm.s32 $0x1BFF;
	s21 =	sshll.u32 s10, $0x1;
	s8 =	sadd.s32 s8, s20  }
0xa0: {  	s22 =	simm.s32 $0x0;
	s9 =	sshll.u32 s9, $0x1;
	s10 =	sadd.s32 s21, s8  }
0xa1: {  	[timem:s22], [sflag:s11] =	dma.local [hbm:s10], s9  }
0xa2: {  	_ =	swait.ge [sflag:s11], s9  }
0xa3: {  	s9 =	ssub.s32 $0x0, s9;
	[sflag:s11] =	ssyncset.done $0x0  }
0xa4: {  	[sflag:s11] =	ssyncadd.s32 s9;
	_ =	sdelay $0x1  }
0xa5: {  	s23 =	simm.s32 $0x1B8B  }
0xa6: {  	_ =	swait.ge [sflag:s23], $0x1  }
0xa7: {  	[sflag:s23] =	ssyncset.done $0x0  }
0xa8: {  	[sflag:s23] =	ssyncadd.s32 $0xFFFFFFFF  }
0xa9: {  	s9 =	sld [smem:$0x0]  }
0xaa: {  	s10 =	sand.u32 $0xFFFFFFFE, s1  }
0xab: {  	p0 =	sne.s32 s1, s10  }
0xac: {  	s10 =	sshll.u32 @p0 s10, $0xE  }
0xad: {  	s10 =	sadd.s32 @p0 $0x11B8D, s10;
	s11 =	sshll.u32 @p0 s9, $0x11  }
0xae: {  	s10 =	sor.u32 @p0 s11, s10  }
0xaf: {  	[sflag:s10] =	ssyncadd.remote.s32 @p0 $0x1;
	_ =	sdelay $0x1  }
0xb0: {  	s10 =	simm.s32 @p0 $0x1B8D  }
0xb1: {  	_ =	swait.eq @p0 [sflag:s10], $0x1  }
0xb2: {  	[sflag:s10] =	ssyncadd.s32 @p0 $0xFFFFFFFF  }
0xb3: {  	s11 =	sshll.u32 @!p0 s1, $0xE  }
0xb4: {  	s11 =	sor.u32 @!p0 $0x4000, s11;
	s10 =	simm.s32 @!p0 $0x1B8D  }
0xb5: {  	s9 =	sshll.u32 @!p0 s9, $0x11;
	s11 =	sadd.s32 @!p0 $0x11B8D, s11;
	_ =	swait.eq @!p0 [sflag:s10], $0x1  }
0xb6: {  	s9 =	sor.u32 @!p0 s9, s11;
	[sflag:s10] =	ssyncadd.s32 @!p0 $0xFFFFFFFF  }
0xb7: {  	s25 =	simm.s32 $0x1B8E;
	s24 =	sld [smem:$0x3FFE];
	[sflag:s9] =	ssyncadd.remote.s32 @!p0 $0x1  }
0xb8: {  	s26 =	simm.s32 $execute0_lowered;
	[smem:$0x3FD2] =	sst s25  }
0xb9: {  	s10 =	sshll.u32 s26, $0x1;
	_ =	strace $0x80000049;
	[dreg:$0x1] =	wrdreg $0xFFFFFFFF  }
0xba: {  	s28 =	simm.s32 $_size_execute0_lowered;
	s8 =	sadd.s32 s8, s10;
	[dreg:$0x0] =	wrdreg $0x0  }
0xbb: {  	s10 =	sshll.u32 s28, $0x1;
	[dreg:$0x2] =	wrdreg s8  }
0xbc: {  	[dreg:$0x3] =	wrdreg s10  }
0xbd: {  	[dreg:$0x4] =	wrdreg $0xC0  }
0xbe: {  	_ =	task [dreg:s22], $0x5FFFF  }
0xbf: {  	[dreg:$0x1] =	wrdreg $0xFFFFFFFF  }
0xc0: {  	[dreg:$0x0] =	wrdreg $0x60  }
0xc1: {  	[dreg:$0x2] =	wrdreg s18  }
0xc2: {  	[dreg:$0x3] =	wrdreg s4  }
0xc3: {  	[dreg:$0x4] =	wrdreg s5  }
0xc4: {  	[dreg:$0x5] =	wrdreg s6  }
0xc5: {  	[dreg:$0x6] =	wrdreg s7  }
0xc6: {  	[dreg:$0x7] =	wrdreg s24  }
0xc7: {  	[dreg:$0x8] =	wrdreg $0xA  }
0xc8: {  	_ =	task.clear_ibuf [dreg:s22], $0x9FFFF;
	_ =	strace $0x90000049  }
0xc9: {  	s29 =	simm.s32 $0xA;
	_ =	strace $0x8000004B  }
0xca: {  	_ =	swait.ge [sflag:s29], $0x1  }
0xcb: {  	[sflag:s29] =	ssyncadd.s32 $0xFFFFFFFF  }
0xcc: {  	_ =	strace $0x9000004B  }
0xcd: {  	_ =	sfence  }
0xce: {  	s30 =	sld [smem:$0x0];
	_ =	sdelay $0x2  }
0xcf: {  	s31 =	sshll.u32 s1, $0xD;
	s1 =	sshrl.u32 s1, $0x2  }
0xd0: {  	s4 =	sand.u32 $0x4000, s31;
	s1 =	sadd.s32 s1, s30  }
0xd1: {  	s0 =	sor.u32 s4, s0;
	s1 =	sshll.u32 s1, $0x11  }
0xd2: {  	s0 =	sor.u32 s1, s0  }
0xd3: {  	s0 =	sadd.s32 $0x8F2B, s0  }
0xd4: {  	[sflag:s0] =	ssyncadd.remote.s32 $0x1  }
0xd5: {  	_ =	sfence.sel $0xFFFF  }
0xd6: {  	[dreg:$0x0] =	wrdreg $0xFFFFFFFF;
	(pc) =	sbr.abs _section_cstart, $3  }
0xd7: {  	[dreg:$0x1] =	wrdreg $0xFFFFFFFF  }
0xd8: {  	_ =	task.clear_ibuf [dreg:s22], $0x2FFFF;
	_ =	strace $0x9FFFFFFF  }
0xd9: {  	(tm) =	ssettm $0x7FFFFFFF  }
tec
execute0_lowered:
.L_overlay_start_1:
0x0: {  	(tag) =	ssettag $0x1  }
0x1: {  	s0 =	rddreg [dreg:$0x0]  }
0x2: {  	s9 =	rddreg [dreg:$0x1]  }
0x3: {  	s1 =	rddreg [dreg:$0x2]  }
0x4: {  	s2 =	rddreg [dreg:$0x3]  }
0x5: {  	s3 =	rddreg [dreg:$0x4]  }
0x6: {  	s6 =	rddreg [dreg:$0x5]  }
0x7: {  	[dreg:$0x7] =	wrdreg s0  }
0x8: {  	[dreg:$0x8] =	wrdreg s9  }
0x9: {  	s4 =	simm.s32 $0x0;
	s0 =	rddreg [dreg:$0x6]  }
0xa: {  	s5 =	simm.s32 $0xA00;
	[smem:$0x7FF] =	sst s4  }
0xb: {  	s10 =	simm.s32 $0x8A00;
	_ =	strace $0x8000004A;
	[dreg:$0x9] =	wrdreg s5  }
0xc: {  	s11 =	simm.s32 $0x1200;
	[dreg:$0xa] =	wrdreg s10  }
0xd: {  	s12 =	simm.s32 $0x9200;
	[dreg:$0xb] =	wrdreg s11  }
0xe: {  	s13 =	simm.s32 $0x1A00;
	[dreg:$0xc] =	wrdreg s12  }
0xf: {  	s14 =	simm.s32 $0x9A00;
	[dreg:$0xd] =	wrdreg s13  }
0x10: {  	s15 =	simm.s32 $0x2200;
	[dreg:$0xe] =	wrdreg s14  }
0x11: {  	s16 =	simm.s32 $0xA200;
	[dreg:$0xf] =	wrdreg s15  }
0x12: {  	s8 =	simm.s32 $0x2A00;
	[dreg:$0x10] =	wrdreg s16  }
0x13: {  	s17 =	simm.s32 $0xAA00;
	[dreg:$0x11] =	wrdreg s8  }
0x14: {  	s18 =	simm.s32 $0x3200;
	[dreg:$0x12] =	wrdreg s17  }
0x15: {  	s19 =	simm.s32 $0xB200;
	[dreg:$0x13] =	wrdreg s18  }
0x16: {  	s20 =	simm.s32 $0x3A00;
	[dreg:$0x14] =	wrdreg s19  }
0x17: {  	s21 =	simm.s32 $0xBA00;
	[dreg:$0x15] =	wrdreg s20  }
0x18: {  	s22 =	simm.s32 $0x4200;
	[dreg:$0x16] =	wrdreg s21  }
0x19: {  	s23 =	simm.s32 $0xC200;
	[dreg:$0x17] =	wrdreg s22  }
0x1a: {  	s25 =	simm.s32 $0x4A00;
	[dreg:$0x18] =	wrdreg s23  }
0x1b: {  	s7 =	srdreg.scid;
	s28 =	simm.s32 $0xCA00;
	[dreg:$0x19] =	wrdreg s25  }
0x1c: {  	s29 =	simm.s32 $0x5200;
	s30 =	simm.s32 $0x5A00;
	[dreg:$0x1a] =	wrdreg s28  }
0x1d: {  	s31 =	simm.s32 $0xDA00;
	s7 =	sand.u32 $0x1, s7;
	[dreg:$0x1b] =	wrdreg s29  }
0x1e: {  	s5 =	stileid.u32;
	s10 =	sshll.u32 s7, $0x5;
	[dreg:$0x1d] =	wrdreg s30  }
0x1f: {  	s7 =	ssub.s32 $0x2, s7;
	s11 =	simm.s32 $0xD200;
	[dreg:$0x1e] =	wrdreg s31  }
0x20: {  	s12 =	simm.s32 $0x6200;
	s13 =	simm.s32 $0xE200;
	s14 =	simm.s32 $0x6A00  }
0x21: {  	s15 =	simm.s32 $0xEA00;
	s16 =	simm.s32 $0x7200;
	s17 =	simm.s32 $0xF200  }
0x22: {  	s18 =	simm.s32 $0x7A00;
	s19 =	simm.s32 $0xFA00;
	[dreg:$0x1c] =	wrdreg s11  }
0x23: {  	s20 =	simm.s32 $0x2;
	s21 =	simm.s32 $0x10480;
	[dreg:$0x1f] =	wrdreg s12  }
0x24: {  	v0 =	vlaneseq.u32;
	s22 =	simm.s32 $0x0;
	s9 =	sshll.u32 s5, $0x6;
	[smem:$0x7F7] =	sst s13  }
0x25: {  	v0 =	vmul.u32 $0x800, v0;
	s24 =	sshrl.u32 s7, $0x1;
	s11 =	simm.s32 $0x100;
	[smem:$0x7F8] =	sst s14  }
0x26: {  	s12 =	simm.s32 $0x10400;
	s13 =	simm.s32 $0x10200;
	[smem:$0x7F9] =	sst s15  }
0x27: {  	s14 =	simm.s32 $0x10300;
	s15 =	simm.s32 $0x400;
	[smem:$0x7FA] =	sst s16;
	v1 =	vor.u32 $0x80, v0  }
0x28: {  	v2 =	vor.u32 $0x100, v0;
	v3 =	vor.u32 $0x180, v0;
	s16 =	simm.s32 $0x7A1400;
	[smem:$0x7FB] =	sst s17;
	s17 =	simm.s32 $0x200  }
0x29: {  	v4 =	vor.u32 $0x200, v0;
	v5 =	vor.u32 $0x280, v0;
	v6 =	vor.u32 $0x300, v0;
	[smem:$0x7FC] =	sst s18;
	s18 =	simm.s32 $0x8200;
	s9 =	sor.u32 s10, s9  }
0x2a: {  	v7 =	vor.u32 $0x380, v0;
	v8 =	vor.u32 $0x400, v0;
	v9 =	vor.u32 $0x480, v0;
	[smem:$0x7FD] =	sst s19;
	s19 =	simm.s32 $0x1;
	s9 =	sadd.s32 s9, s6  }
0x2b: {  	v10 =	vor.u32 $0x500, v0;
	v11 =	vor.u32 $0x580, v0;
	v12 =	vor.u32 $0x600, v0;
	s26 =	ssub.s32 s7, s24;
	s10 =	simm.s32 $0x3;
	s6 =	sadd.s32 $0x1200, s9  }
0x2c: {  	v13 =	vor.u32 $0x680, v0;
	v14 =	vor.u32 $0x700, v0;
	v15 =	vor.u32 $0x780, v0;
	s7 =	sadd.s32 $0xE00, s9;
	s8 =	sadd.s32 $0x1A00, s9;
	s9 =	smax.u32 s26, $0x1  }
.LBB2_1:
0x2d: {  	[tilespmem:s4], [sflag:$0x3] =	stream.linear.gather [hbm4b:s6+s4], $0x100, $0x38;
	[tilespmem:$0x10580] =	vst v63  }
0x2e: {  	_ =	swait.ge [sflag:s10], $0x100  }
0x2f: {  	[sflag:s10] =	ssyncset.done $0x0  }
0x30: {  	[sflag:s10] =	ssyncadd.s32 $0xFFFFFF00  }
0x31: {  	[tilespmem:s11], [sflag:$0x3] =	stream.linear.gather [hbm4b:s7+s4], $0x100, $0x38;
	[tilespmem:$0x10580] =	vst v63  }
0x32: {  	_ =	swait.ge [sflag:s10], $0x100  }
0x33: {  	[sflag:s10] =	ssyncset.done $0x0  }
0x34: {  	[sflag:s10] =	ssyncadd.s32 $0xFFFFFF00  }
0x35: {  	[tilespmem:s12], [sflag:$0x3] =	stream.linear.gather [hbm4b:s3+s4], $0x80, $0x38;
	[tilespmem:$0x10580] =	vst v63  }
0x36: {  	_ =	swait.ge [sflag:s10], $0x80  }
0x37: {  	[sflag:s10] =	ssyncset.done $0x0  }
0x38: {  	[sflag:s10] =	ssyncadd.s32 $0xFFFFFF80  }
0x39: {  	[tilespmem:s13], [sflag:$0x2] =	stream.indirect.gather [hbm4b:s1+s11], $0x1, s4, s11, $0xb8;
	[tilespmem:$0x10580] =	vst v63  }
0x3a: {  	s23 =	simm.s32 $0x0  }
0x3b: {  	[tilespmem:s14], [sflag:$0x2] =	stream.indirect.gather [hbm4b:s2+s11], $0x1, s11, s11, $0xb8;
	[tilespmem:$0x10580] =	vst v63  }
0x3c: {  	v18 =	vld [tilespmem:s23+$0x0];
	_ =	sdelay $0x1  }
0x3d: {  	v17 =	vld [tilespmem:s23+$0x100];
	_ =	sdelay $0x2  }
0x3e: {  	s24 =	rddreg [dreg:$0x7];
	v16 =	vand.u32 $0xFFFFFF80, v18  }
0x3f: {  	v19 =	vadd.s32 s24, v16  }
0x40: {  	s25 =	rddreg [dreg:$0x8];
	v16 =	vand.u32 $0xFFFFFF80, v17;
	(v2sf) =	vpush v19, $0x0  }
0x41: {  	v20 =	vadd.s32 s25, v16  }
0x42: {  	(v2sf) =	vpush v20, $0x0;
	_ =	sdelay $0x1  }
0x43: {  	(v2sf) =	vpush v19, $0x1;
	_ =	sdelay $0x1  }
0x44: {  	(v2sf) =	vpush v20, $0x1;
	_ =	sdelay $0x1  }
0x45: {  	(v2sf) =	vpush v19, $0x2;
	_ =	sdelay $0x1  }
0x46: {  	(v2sf) =	vpush v20, $0x2;
	_ =	sdelay $0x1  }
0x47: {  	(v2sf) =	vpush v19, $0x3;
	_ =	sdelay $0x1  }
0x48: {  	(v2sf) =	vpush v20, $0x3  }
0x49: {  	s26 =	spop (v2sf)  }
0x4a: {  	v16 =	vld [tilespmem:$0x10400];
	(v2sf) =	vpush v19, $0x4;
	[tilespmem:s17], [sflag:$0x1] =	stream.strided.gather [hbm4b:s26+s15], $0x800, s16, s15, $0x38  }
0x4b: {  	s28 =	rddreg [dreg:$0x9];
	s29 =	spop (v2sf)  }
0x4c: {  	(v2sf) =	vpush v20, $0x4;
	[tilespmem:s18], [sflag:$0x1] =	stream.strided.gather [hbm4b:s29+s15], $0x800, s16, s15, $0x38;
	[tilespmem:$0x10580] =	vst v63  }
0x4d: {  	s30 =	rddreg [dreg:$0xa];
	s26 =	spop (v2sf)  }
0x4e: {  	(v2sf) =	vpush v19, $0x5;
	[tilespmem:s28], [sflag:$0x1] =	stream.strided.gather [hbm4b:s26+s15], $0x800, s16, s15, $0x38;
	[tilespmem:$0x10580] =	vst v63  }
0x4f: {  	s31 =	rddreg [dreg:$0xb];
	s28 =	spop (v2sf)  }
0x50: {  	(v2sf) =	vpush v20, $0x5;
	[tilespmem:s30], [sflag:$0x1] =	stream.strided.gather [hbm4b:s28+s15], $0x800, s16, s15, $0x38;
	[tilespmem:$0x10580] =	vst v63  }
0x51: {  	s29 =	rddreg [dreg:$0xc];
	s30 =	spop (v2sf)  }
0x52: {  	(v2sf) =	vpush v19, $0x6;
	[tilespmem:s31], [sflag:$0x1] =	stream.strided.gather [hbm4b:s30+s15], $0x800, s16, s15, $0x38;
	[tilespmem:$0x10580] =	vst v63  }
0x53: {  	s28 =	spop (v2sf);
	s31 =	rddreg [dreg:$0xd]  }
0x54: {  	(v2sf) =	vpush v20, $0x6;
	[tilespmem:s29], [sflag:$0x1] =	stream.strided.gather [hbm4b:s28+s15], $0x800, s16, s15, $0x38;
	[tilespmem:$0x10580] =	vst v63  }
0x55: {  	s30 =	spop (v2sf);
	s29 =	rddreg [dreg:$0xe]  }
0x56: {  	(v2sf) =	vpush v19, $0x7;
	[tilespmem:s31], [sflag:$0x1] =	stream.strided.gather [hbm4b:s30+s15], $0x800, s16, s15, $0x38;
	[tilespmem:$0x10580] =	vst v63  }
0x57: {  	s28 =	spop (v2sf);
	s31 =	rddreg [dreg:$0xf]  }
0x58: {  	(v2sf) =	vpush v20, $0x7;
	[tilespmem:s29], [sflag:$0x1] =	stream.strided.gather [hbm4b:s28+s15], $0x800, s16, s15, $0x38;
	[tilespmem:$0x10580] =	vst v63  }
0x59: {  	s29 =	rddreg [dreg:$0x10];
	s30 =	spop (v2sf)  }
0x5a: {  	(v2sf) =	vpush v19, $0x8;
	[tilespmem:s31], [sflag:$0x1] =	stream.strided.gather [hbm4b:s30+s15], $0x800, s16, s15, $0x38;
	[tilespmem:$0x10580] =	vst v63  }
0x5b: {  	s28 =	spop (v2sf);
	s31 =	rddreg [dreg:$0x11]  }
0x5c: {  	(v2sf) =	vpush v20, $0x8;
	[tilespmem:s29], [sflag:$0x1] =	stream.strided.gather [hbm4b:s28+s15], $0x800, s16, s15, $0x38;
	[tilespmem:$0x10580] =	vst v63  }
0x5d: {  	s30 =	spop (v2sf);
	s29 =	rddreg [dreg:$0x12]  }
0x5e: {  	(v2sf) =	vpush v19, $0x9;
	[tilespmem:s31], [sflag:$0x1] =	stream.strided.gather [hbm4b:s30+s15], $0x800, s16, s15, $0x38;
	[tilespmem:$0x10580] =	vst v63  }
0x5f: {  	s28 =	spop (v2sf);
	s31 =	rddreg [dreg:$0x13]  }
0x60: {  	(v2sf) =	vpush v20, $0x9;
	[tilespmem:s29], [sflag:$0x1] =	stream.strided.gather [hbm4b:s28+s15], $0x800, s16, s15, $0x38;
	[tilespmem:$0x10580] =	vst v63  }
0x61: {  	s30 =	spop (v2sf);
	s29 =	rddreg [dreg:$0x14]  }
0x62: {  	(v2sf) =	vpush v19, $0xA;
	[tilespmem:s31], [sflag:$0x1] =	stream.strided.gather [hbm4b:s30+s15], $0x800, s16, s15, $0x38;
	[tilespmem:$0x10580] =	vst v63  }
0x63: {  	s28 =	spop (v2sf);
	s31 =	rddreg [dreg:$0x15]  }
0x64: {  	(v2sf) =	vpush v20, $0xA;
	[tilespmem:s29], [sflag:$0x1] =	stream.strided.gather [hbm4b:s28+s15], $0x800, s16, s15, $0x38;
	[tilespmem:$0x10580] =	vst v63  }
0x65: {  	s30 =	spop (v2sf);
	s29 =	rddreg [dreg:$0x16]  }
0x66: {  	(v2sf) =	vpush v19, $0xB;
	[tilespmem:s31], [sflag:$0x1] =	stream.strided.gather [hbm4b:s30+s15], $0x800, s16, s15, $0x38;
	[tilespmem:$0x10580] =	vst v63  }
0x67: {  	s28 =	spop (v2sf);
	s31 =	rddreg [dreg:$0x17]  }
0x68: {  	(v2sf) =	vpush v20, $0xB;
	[tilespmem:s29], [sflag:$0x1] =	stream.strided.gather [hbm4b:s28+s15], $0x800, s16, s15, $0x38;
	[tilespmem:$0x10580] =	vst v63  }
0x69: {  	s30 =	spop (v2sf);
	s29 =	rddreg [dreg:$0x18]  }
0x6a: {  	(v2sf) =	vpush v19, $0xC;
	[tilespmem:s31], [sflag:$0x1] =	stream.strided.gather [hbm4b:s30+s15], $0x800, s16, s15, $0x38;
	[tilespmem:$0x10580] =	vst v63  }
0x6b: {  	s28 =	spop (v2sf);
	s31 =	rddreg [dreg:$0x19]  }
0x6c: {  	(v2sf) =	vpush v20, $0xC;
	[tilespmem:s29], [sflag:$0x1] =	stream.strided.gather [hbm4b:s28+s15], $0x800, s16, s15, $0x38;
	[tilespmem:$0x10580] =	vst v63  }
0x6d: {  	s30 =	spop (v2sf);
	s29 =	rddreg [dreg:$0x1a]  }
0x6e: {  	(v2sf) =	vpush v19, $0xD;
	[tilespmem:s31], [sflag:$0x1] =	stream.strided.gather [hbm4b:s30+s15], $0x800, s16, s15, $0x38;
	[tilespmem:$0x10580] =	vst v63  }
0x6f: {  	s28 =	spop (v2sf);
	s31 =	rddreg [dreg:$0x1b]  }
0x70: {  	(v2sf) =	vpush v20, $0xD;
	[tilespmem:s29], [sflag:$0x1] =	stream.strided.gather [hbm4b:s28+s15], $0x800, s16, s15, $0x38;
	[tilespmem:$0x10580] =	vst v63  }
0x71: {  	s30 =	spop (v2sf);
	s29 =	rddreg [dreg:$0x1c]  }
0x72: {  	(v2sf) =	vpush v19, $0xE;
	[tilespmem:s31], [sflag:$0x1] =	stream.strided.gather [hbm4b:s30+s15], $0x800, s16, s15, $0x38;
	[tilespmem:$0x10580] =	vst v63  }
0x73: {  	s28 =	spop (v2sf);
	s31 =	rddreg [dreg:$0x1d]  }
0x74: {  	(v2sf) =	vpush v20, $0xE;
	[tilespmem:s29], [sflag:$0x1] =	stream.strided.gather [hbm4b:s28+s15], $0x800, s16, s15, $0x38;
	[tilespmem:$0x10580] =	vst v63  }
0x75: {  	s30 =	spop (v2sf);
	s29 =	rddreg [dreg:$0x1e]  }
0x76: {  	(v2sf) =	vpush v19, $0xF;
	[tilespmem:s31], [sflag:$0x1] =	stream.strided.gather [hbm4b:s30+s15], $0x800, s16, s15, $0x38;
	[tilespmem:$0x10580] =	vst v63  }
0x77: {  	s28 =	spop (v2sf);
	s31 =	rddreg [dreg:$0x1f]  }
0x78: {  	(v2sf) =	vpush v20, $0xF;
	[tilespmem:s29], [sflag:$0x1] =	stream.strided.gather [hbm4b:s28+s15], $0x800, s16, s15, $0x38;
	[tilespmem:$0x10580] =	vst v63  }
0x79: {  	s30 =	spop (v2sf);
	s29 =	sld [smem:$0x7F7]  }
0x7a: {  	[tilespmem:s31], [sflag:$0x1] =	stream.strided.gather [hbm4b:s30+s15], $0x800, s16, s15, $0x38;
	[tilespmem:$0x10580] =	vst v63  }
0x7b: {  	s28 =	spop (v2sf);
	s31 =	sld [smem:$0x7F8]  }
0x7c: {  	[tilespmem:s29], [sflag:$0x1] =	stream.strided.gather [hbm4b:s28+s15], $0x800, s16, s15, $0x38;
	[tilespmem:$0x10580] =	vst v63  }
0x7d: {  	s30 =	spop (v2sf);
	s29 =	sld [smem:$0x7F9]  }
0x7e: {  	[tilespmem:s31], [sflag:$0x1] =	stream.strided.gather [hbm4b:s30+s15], $0x800, s16, s15, $0x38;
	[tilespmem:$0x10580] =	vst v63  }
0x7f: {  	s28 =	spop (v2sf);
	s31 =	sld [smem:$0x7FA]  }
0x80: {  	[tilespmem:s29], [sflag:$0x1] =	stream.strided.gather [hbm4b:s28+s15], $0x800, s16, s15, $0x38;
	[tilespmem:$0x10580] =	vst v63  }
0x81: {  	s30 =	spop (v2sf);
	s29 =	sld [smem:$0x7FB]  }
0x82: {  	[tilespmem:s31], [sflag:$0x1] =	stream.strided.gather [hbm4b:s30+s15], $0x800, s16, s15, $0x38;
	[tilespmem:$0x10580] =	vst v63  }
0x83: {  	s28 =	spop (v2sf);
	s31 =	sld [smem:$0x7FC]  }
0x84: {  	[tilespmem:s29], [sflag:$0x1] =	stream.strided.gather [hbm4b:s28+s15], $0x800, s16, s15, $0x38;
	[tilespmem:$0x10580] =	vst v63  }
0x85: {  	s30 =	spop (v2sf);
	s29 =	sld [smem:$0x7FD]  }
0x86: {  	[tilespmem:s31], [sflag:$0x1] =	stream.strided.gather [hbm4b:s30+s15], $0x800, s16, s15, $0x38;
	[tilespmem:$0x10580] =	vst v63  }
0x87: {  	s31 =	spop (v2sf)  }
0x88: {  	[tilespmem:s29], [sflag:$0x1] =	stream.strided.gather [hbm4b:s31+s15], $0x800, s16, s15, $0x38;
	[tilespmem:$0x10580] =	vst v63  }
0x89: {  	_ =	swait.ge [sflag:s19], $0x800  }
0x8a: {  	[sflag:s19] =	ssyncset.done $0x0  }
0x8b: {  	[sflag:s19] =	ssyncadd.s32 $0xFFFFF800  }
0x8c: {  	_ =	swait.ge [sflag:s19], $0x800  }
0x8d: {  	[sflag:s19] =	ssyncset.done $0x0  }
0x8e: {  	[sflag:s19] =	ssyncadd.s32 $0xFFFFF800  }
0x8f: {  	_ =	swait.ge [sflag:s19], $0x800  }
0x90: {  	[sflag:s19] =	ssyncset.done $0x0  }
0x91: {  	[sflag:s19] =	ssyncadd.s32 $0xFFFFF800  }
0x92: {  	_ =	swait.ge [sflag:s19], $0x800  }
0x93: {  	[sflag:s19] =	ssyncset.done $0x0  }
0x94: {  	[sflag:s19] =	ssyncadd.s32 $0xFFFFF800  }
0x95: {  	_ =	swait.ge [sflag:s19], $0x800  }
0x96: {  	[sflag:s19] =	ssyncset.done $0x0  }
0x97: {  	[sflag:s19] =	ssyncadd.s32 $0xFFFFF800  }
0x98: {  	_ =	swait.ge [sflag:s19], $0x800  }
0x99: {  	[sflag:s19] =	ssyncset.done $0x0  }
0x9a: {  	[sflag:s19] =	ssyncadd.s32 $0xFFFFF800  }
0x9b: {  	_ =	swait.ge [sflag:s19], $0x800  }
0x9c: {  	[sflag:s19] =	ssyncset.done $0x0  }
0x9d: {  	[sflag:s19] =	ssyncadd.s32 $0xFFFFF800  }
0x9e: {  	_ =	swait.ge [sflag:s19], $0x800  }
0x9f: {  	[sflag:s19] =	ssyncset.done $0x0  }
0xa0: {  	[sflag:s19] =	ssyncadd.s32 $0xFFFFF800  }
0xa1: {  	_ =	swait.ge [sflag:s19], $0x800  }
0xa2: {  	[sflag:s19] =	ssyncset.done $0x0  }
0xa3: {  	[sflag:s19] =	ssyncadd.s32 $0xFFFFF800  }
0xa4: {  	_ =	swait.ge [sflag:s19], $0x800  }
0xa5: {  	[sflag:s19] =	ssyncset.done $0x0  }
0xa6: {  	[sflag:s19] =	ssyncadd.s32 $0xFFFFF800  }
0xa7: {  	_ =	swait.ge [sflag:s19], $0x800  }
0xa8: {  	[sflag:s19] =	ssyncset.done $0x0  }
0xa9: {  	[sflag:s19] =	ssyncadd.s32 $0xFFFFF800  }
0xaa: {  	_ =	swait.ge [sflag:s19], $0x800  }
0xab: {  	[sflag:s19] =	ssyncset.done $0x0  }
0xac: {  	[sflag:s19] =	ssyncadd.s32 $0xFFFFF800  }
0xad: {  	_ =	swait.ge [sflag:s19], $0x800  }
0xae: {  	[sflag:s19] =	ssyncset.done $0x0  }
0xaf: {  	[sflag:s19] =	ssyncadd.s32 $0xFFFFF800  }
0xb0: {  	_ =	swait.ge [sflag:s19], $0x800  }
0xb1: {  	[sflag:s19] =	ssyncset.done $0x0  }
0xb2: {  	[sflag:s19] =	ssyncadd.s32 $0xFFFFF800  }
0xb3: {  	_ =	swait.ge [sflag:s19], $0x800  }
0xb4: {  	[sflag:s19] =	ssyncset.done $0x0  }
0xb5: {  	[sflag:s19] =	ssyncadd.s32 $0xFFFFF800  }
0xb6: {  	_ =	swait.ge [sflag:s19], $0x800  }
0xb7: {  	[sflag:s19] =	ssyncset.done $0x0  }
0xb8: {  	[sflag:s19] =	ssyncadd.s32 $0xFFFFF800  }
0xb9: {  	_ =	swait.ge [sflag:s19], $0x800  }
0xba: {  	[sflag:s19] =	ssyncset.done $0x0  }
0xbb: {  	[sflag:s19] =	ssyncadd.s32 $0xFFFFF800  }
0xbc: {  	_ =	swait.ge [sflag:s19], $0x800  }
0xbd: {  	[sflag:s19] =	ssyncset.done $0x0  }
0xbe: {  	[sflag:s19] =	ssyncadd.s32 $0xFFFFF800  }
0xbf: {  	_ =	swait.ge [sflag:s19], $0x800  }
0xc0: {  	[sflag:s19] =	ssyncset.done $0x0  }
0xc1: {  	[sflag:s19] =	ssyncadd.s32 $0xFFFFF800  }
0xc2: {  	_ =	swait.ge [sflag:s19], $0x800  }
0xc3: {  	[sflag:s19] =	ssyncset.done $0x0  }
0xc4: {  	[sflag:s19] =	ssyncadd.s32 $0xFFFFF800  }
0xc5: {  	_ =	swait.ge [sflag:s19], $0x800  }
0xc6: {  	[sflag:s19] =	ssyncset.done $0x0  }
0xc7: {  	[sflag:s19] =	ssyncadd.s32 $0xFFFFF800  }
0xc8: {  	_ =	swait.ge [sflag:s19], $0x800  }
0xc9: {  	[sflag:s19] =	ssyncset.done $0x0  }
0xca: {  	[sflag:s19] =	ssyncadd.s32 $0xFFFFF800  }
0xcb: {  	_ =	swait.ge [sflag:s19], $0x800  }
0xcc: {  	[sflag:s19] =	ssyncset.done $0x0  }
0xcd: {  	[sflag:s19] =	ssyncadd.s32 $0xFFFFF800  }
0xce: {  	_ =	swait.ge [sflag:s19], $0x800  }
0xcf: {  	[sflag:s19] =	ssyncset.done $0x0  }
0xd0: {  	[sflag:s19] =	ssyncadd.s32 $0xFFFFF800  }
0xd1: {  	_ =	swait.ge [sflag:s19], $0x800  }
0xd2: {  	[sflag:s19] =	ssyncset.done $0x0  }
0xd3: {  	[sflag:s19] =	ssyncadd.s32 $0xFFFFF800  }
0xd4: {  	_ =	swait.ge [sflag:s19], $0x800  }
0xd5: {  	[sflag:s19] =	ssyncset.done $0x0  }
0xd6: {  	[sflag:s19] =	ssyncadd.s32 $0xFFFFF800  }
0xd7: {  	_ =	swait.ge [sflag:s19], $0x800  }
0xd8: {  	[sflag:s19] =	ssyncset.done $0x0  }
0xd9: {  	[sflag:s19] =	ssyncadd.s32 $0xFFFFF800  }
0xda: {  	_ =	swait.ge [sflag:s19], $0x800  }
0xdb: {  	[sflag:s19] =	ssyncset.done $0x0  }
0xdc: {  	[sflag:s19] =	ssyncadd.s32 $0xFFFFF800  }
0xdd: {  	_ =	swait.ge [sflag:s19], $0x800  }
0xde: {  	[sflag:s19] =	ssyncset.done $0x0  }
0xdf: {  	[sflag:s19] =	ssyncadd.s32 $0xFFFFF800  }
0xe0: {  	_ =	swait.ge [sflag:s19], $0x800  }
0xe1: {  	[sflag:s19] =	ssyncset.done $0x0  }
0xe2: {  	[sflag:s19] =	ssyncadd.s32 $0xFFFFF800  }
0xe3: {  	v18 =	vand.u32 $0x7F, v18;
	_ =	swait.ge [sflag:s19], $0x800  }
0xe4: {  	v17 =	vand.u32 $0x7F, v17;
	v19 =	vor.u32 v0, v18;
	[sflag:s19] =	ssyncset.done $0x0  }
0xe5: {  	v20 =	vor.u32 v0, v17;
	[sflag:s19] =	ssyncadd.s32 $0xFFFFF800  }
0xe6: {  	v21 =	vor.u32 v1, v18;
	_ =	swait.ge [sflag:s19], $0x800  }
0xe7: {  	v22 =	vor.u32 v1, v17;
	[sflag:s19] =	ssyncset.done $0x0  }
0xe8: {  	v24 =	vor.u32 v2, v18;
	[sflag:s19] =	ssyncadd.s32 $0xFFFFF800  }
0xe9: {  	v28 =	vor.u32 v2, v17;
	v23 =	vld.idx.msk [tilespmem:v19+s17+$0x0], $0xffff  }
0xea: {  	v25 =	vld.idx.msk [tilespmem:v20+s18+$0x0], $0xffff;
	v20 =	vor.u32 v3, v18  }
0xeb: {  	v26 =	vld.idx.msk [tilespmem:v21+s17+$0x0], $0xffff  }
0xec: {  	v27 =	vld.idx.msk [tilespmem:v22+s18+$0x0], $0xffff  }
0xed: {  	v22 =	vld.idx.msk [tilespmem:v24+s17+$0x0], $0xffff  }
0xee: {  	v30 =	vor.u32 v4, v18;
	v31 =	vor.u32 v3, v17;
	v24 =	vld.idx.msk [tilespmem:v28+s18+$0x0], $0xffff  }
0xef: {  	s24 =	simm.s32 $0x10;
	s25 =	simm.s32 $0x80;
	v29 =	vor.u32 v4, v17;
	v19 =	vor.u32 v5, v17;
	v28 =	vor.u32 v5, v18;
	v21 =	vld.idx.msk [tilespmem:v20+s17+$0x0], $0xffff  }
.LBB2_2:
0xf0: {  	_ =	sdelay $0x2  }
0xf1: {  	v20 =	vld [tilespmem:s24+$0x100]  }
0xf2: {  	v31 =	vld.idx.msk [tilespmem:v31+s18+$0x0], $0xffff  }
0xf3: {  	v32 =	vor.u32 v6, v18;
	v23 =	vmul.f32 v25, v23;
	v29 =	vld.idx.msk [tilespmem:v29+s18+$0x0], $0xffff  }
0xf4: {  	v36 =	vld.idx.msk [tilespmem:v19+s18+$0x0], $0xffff;
	v25 =	vmul.f32 v27, v26;
	v27 =	vor.u32 v6, v17  }
0xf5: {  	v23 =	vadd.f32 v23, v16;
	v26 =	vld.idx.msk [tilespmem:v30+s17+$0x0], $0xffff;
	v30 =	vor.u32 v7, v18  }
0xf6: {  	v33 =	vor.u32 v8, v17;
	v59 =	vld [tilespmem:s24+$0x0]  }
0xf7: {  	v22 =	vmul.f32 v24, v22;
	v24 =	vld.idx.msk [tilespmem:v28+s17+$0x0], $0xffff;
	v28 =	vor.u32 v7, v17;
	v23 =	vadd.f32 v25, v23  }
0xf8: {  	v37 =	vor.u32 v8, v18;
	v25 =	vld.idx.msk [tilespmem:v32+s17+$0x0], $0xffff  }
0xf9: {  	v21 =	vmul.f32 v31, v21;
	v31 =	vor.u32 v9, v18;
	v22 =	vadd.f32 v22, v23;
	v27 =	vld.idx.msk [tilespmem:v27+s18+$0x0], $0xffff  }
0xfa: {  	v23 =	vld.idx.msk [tilespmem:v30+s17+$0x0], $0xffff;
	v30 =	vor.u32 v9, v17  }
0xfb: {  	v57 =	vld.idx.msk [tilespmem:v33+s18+$0x0], $0xffff;
	v26 =	vmul.f32 v29, v26;
	v21 =	vadd.f32 v21, v22  }
0xfc: {  	v28 =	vld.idx.msk [tilespmem:v28+s18+$0x0], $0xffff;
	v29 =	vor.u32 v10, v18  }
0xfd: {  	v58 =	vor.u32 v10, v17;
	v24 =	vmul.f32 v36, v24;
	v22 =	vld.idx.msk [tilespmem:v37+s17+$0x0], $0xffff;
	v21 =	vadd.f32 v26, v21  }
0xfe: {  	v26 =	vld.idx.msk [tilespmem:v31+s17+$0x0], $0xffff;
	v31 =	vor.u32 v11, v18  }
0xff: {  	v25 =	vmul.f32 v27, v25;
	v27 =	vld.idx.msk [tilespmem:v30+s18+$0x0], $0xffff;
	v30 =	vor.u32 v11, v17;
	v21 =	vadd.f32 v24, v21  }
0x100: {  	v24 =	vor.u32 v12, v18  }
0x101: {  	v23 =	vmul.f32 v28, v23;
	v28 =	vld.idx.msk [tilespmem:v29+s17+$0x0], $0xffff;
	v29 =	vor.u32 v12, v17;
	v21 =	vadd.f32 v25, v21  }
0x102: {  	v60 =	vor.u32 v13, v18;
	v61 =	vor.u32 v13, v17;
	v62 =	vor.u32 v14, v18;
	v25 =	vld.idx.msk [tilespmem:v58+s18+$0x0], $0xffff  }
0x103: {  	v63 =	vor.u32 v14, v17;
	v22 =	vmul.f32 v57, v22;
	v31 =	vld.idx.msk [tilespmem:v31+s17+$0x0], $0xffff;
	v23 =	vadd.f32 v23, v21  }
0x104: {  	s29 =	rddreg [dreg:$0x7];
	v38 =	vor.u32 v15, v18;
	v34 =	vand.u32 $0xFFFFFF80, v20;
	v21 =	vand.u32 $0xFFFFFF80, v59;
	v30 =	vld.idx.msk [tilespmem:v30+s18+$0x0], $0xffff  }
0x105: {  	s28 =	rddreg [dreg:$0x8];
	v24 =	vld.idx.msk [tilespmem:v24+s17+$0x0], $0xffff;
	v21 =	vadd.s32 s29, v21;
	v22 =	vadd.f32 v22, v23;
	v23 =	vmul.f32 v27, v26  }
0x106: {  	v35 =	vand.u32 $0x7F, v20;
	v20 =	vadd.s32 s28, v34;
	v26 =	vld.idx.msk [tilespmem:v29+s18+$0x0], $0xffff;
	(v2sf) =	vpush v21, $0x0  }
0x107: {  	v27 =	vld.idx.msk [tilespmem:v60+s17+$0x0], $0xffff;
	v29 =	vor.u32 v15, v17;
	v22 =	vadd.f32 v23, v22;
	v23 =	vmul.f32 v25, v28  }
0x108: {  	(v2sf) =	vpush v20, $0x0;
	v25 =	vld.idx.msk [tilespmem:v61+s18+$0x0], $0xffff  }
0x109: {  	v28 =	vld.idx.msk [tilespmem:v62+s17+$0x0], $0xffff;
	v22 =	vadd.f32 v23, v22;
	v23 =	vmul.f32 v30, v31  }
0x10a: {  	(v2sf) =	vpush v21, $0x1;
	v30 =	vld.idx.msk [tilespmem:v63+s18+$0x0], $0xffff  }
0x10b: {  	v31 =	vld.idx.msk [tilespmem:v38+s17+$0x0], $0xffff;
	v22 =	vadd.f32 v23, v22;
	v23 =	vmul.f32 v26, v24  }
0x10c: {  	(v2sf) =	vpush v20, $0x1;
	v24 =	vld.idx.msk [tilespmem:v29+s18+$0x0], $0xffff  }
0x10d: {  	v22 =	vadd.f32 v23, v22;
	v23 =	vmul.f32 v25, v27  }
0x10e: {  	(v2sf) =	vpush v21, $0x2  }
0x10f: {  	v22 =	vadd.f32 v23, v22;
	v23 =	vmul.f32 v30, v28  }
0x110: {  	(v2sf) =	vpush v20, $0x2  }
0x111: {  	v22 =	vadd.f32 v23, v22;
	v23 =	vmul.f32 v24, v31  }
0x112: {  	(v2sf) =	vpush v21, $0x3  }
0x113: {  	v22 =	vadd.f32 v23, v22  }
0x114: {  	(v2sf) =	vpush v20, $0x3  }
0x115: {  	s30 =	spop (v2sf);
	[tilespmem:s23+$0x10480] =	vst v22  }
0x116: {  	(v2sf) =	vpush v21, $0x4;
	[tilespmem:s17], [sflag:$0x1] =	stream.strided.gather [hbm4b:s30+s15], $0x800, s16, s15, $0x38;
	[tilespmem:$0x10580] =	vst v63  }
0x117: {  	s31 =	rddreg [dreg:$0x9];
	s29 =	spop (v2sf)  }
0x118: {  	(v2sf) =	vpush v20, $0x4;
	[tilespmem:s18], [sflag:$0x1] =	stream.strided.gather [hbm4b:s29+s15], $0x800, s16, s15, $0x38;
	[tilespmem:$0x10580] =	vst v63  }
0x119: {  	s28 =	rddreg [dreg:$0xc];
	s29 =	spop (v2sf)  }
0x11a: {  	(v2sf) =	vpush v21, $0x5;
	[tilespmem:s31], [sflag:$0x1] =	stream.strided.gather [hbm4b:s29+s15], $0x800, s16, s15, $0x38;
	[tilespmem:$0x10580] =	vst v63  }
0x11b: {  	s30 =	rddreg [dreg:$0xa];
	s31 =	spop (v2sf)  }
0x11c: {  	(v2sf) =	vpush v20, $0x5;
	[tilespmem:s30], [sflag:$0x1] =	stream.strided.gather [hbm4b:s31+s15], $0x800, s16, s15, $0x38;
	[tilespmem:$0x10580] =	vst v63  }
0x11d: {  	s23 =	smov.u32 s24;
	s24 =	rddreg [dreg:$0xb];
	s30 =	spop (v2sf)  }
0x11e: {  	(v2sf) =	vpush v21, $0x6;
	[tilespmem:s24], [sflag:$0x1] =	stream.strided.gather [hbm4b:s30+s15], $0x800, s16, s15, $0x38;
	[tilespmem:$0x10580] =	vst v63  }
0x11f: {  	s31 =	spop (v2sf);
	s24 =	rddreg [dreg:$0xd]  }
0x120: {  	(v2sf) =	vpush v20, $0x6;
	[tilespmem:s28], [sflag:$0x1] =	stream.strided.gather [hbm4b:s31+s15], $0x800, s16, s15, $0x38;
	[tilespmem:$0x10580] =	vst v63  }
0x121: {  	s30 =	spop (v2sf);
	s28 =	rddreg [dreg:$0xe]  }
0x122: {  	(v2sf) =	vpush v21, $0x7;
	[tilespmem:s24], [sflag:$0x1] =	stream.strided.gather [hbm4b:s30+s15], $0x800, s16, s15, $0x38;
	[tilespmem:$0x10580] =	vst v63  }
0x123: {  	s31 =	spop (v2sf);
	s24 =	rddreg [dreg:$0xf]  }
0x124: {  	(v2sf) =	vpush v20, $0x7;
	[tilespmem:s28], [sflag:$0x1] =	stream.strided.gather [hbm4b:s31+s15], $0x800, s16, s15, $0x38;
	[tilespmem:$0x10580] =	vst v63  }
0x125: {  	s30 =	spop (v2sf);
	s28 =	rddreg [dreg:$0x10]  }
0x126: {  	(v2sf) =	vpush v21, $0x8;
	[tilespmem:s24], [sflag:$0x1] =	stream.strided.gather [hbm4b:s30+s15], $0x800, s16, s15, $0x38;
	[tilespmem:$0x10580] =	vst v63  }
0x127: {  	s31 =	spop (v2sf);
	s24 =	rddreg [dreg:$0x11]  }
0x128: {  	(v2sf) =	vpush v20, $0x8;
	[tilespmem:s28], [sflag:$0x1] =	stream.strided.gather [hbm4b:s31+s15], $0x800, s16, s15, $0x38;
	[tilespmem:$0x10580] =	vst v63  }
0x129: {  	s30 =	spop (v2sf);
	s28 =	rddreg [dreg:$0x12]  }
0x12a: {  	(v2sf) =	vpush v21, $0x9;
	[tilespmem:s24], [sflag:$0x1] =	stream.strided.gather [hbm4b:s30+s15], $0x800, s16, s15, $0x38;
	[tilespmem:$0x10580] =	vst v63  }
0x12b: {  	s31 =	spop (v2sf);
	s24 =	rddreg [dreg:$0x13]  }
0x12c: {  	(v2sf) =	vpush v20, $0x9;
	[tilespmem:s28], [sflag:$0x1] =	stream.strided.gather [hbm4b:s31+s15], $0x800, s16, s15, $0x38;
	[tilespmem:$0x10580] =	vst v63  }
0x12d: {  	s30 =	spop (v2sf);
	s28 =	rddreg [dreg:$0x14]  }
0x12e: {  	(v2sf) =	vpush v21, $0xA;
	[tilespmem:s24], [sflag:$0x1] =	stream.strided.gather [hbm4b:s30+s15], $0x800, s16, s15, $0x38;
	[tilespmem:$0x10580] =	vst v63  }
0x12f: {  	s31 =	spop (v2sf);
	s24 =	rddreg [dreg:$0x15]  }
0x130: {  	(v2sf) =	vpush v20, $0xA;
	[tilespmem:s28], [sflag:$0x1] =	stream.strided.gather [hbm4b:s31+s15], $0x800, s16, s15, $0x38;
	[tilespmem:$0x10580] =	vst v63  }
0x131: {  	s30 =	spop (v2sf);
	s28 =	rddreg [dreg:$0x16]  }
0x132: {  	(v2sf) =	vpush v21, $0xB;
	[tilespmem:s24], [sflag:$0x1] =	stream.strided.gather [hbm4b:s30+s15], $0x800, s16, s15, $0x38;
	[tilespmem:$0x10580] =	vst v63  }
0x133: {  	s31 =	spop (v2sf);
	s24 =	rddreg [dreg:$0x17]  }
0x134: {  	(v2sf) =	vpush v20, $0xB;
	[tilespmem:s28], [sflag:$0x1] =	stream.strided.gather [hbm4b:s31+s15], $0x800, s16, s15, $0x38;
	[tilespmem:$0x10580] =	vst v63  }
0x135: {  	s30 =	spop (v2sf);
	s28 =	rddreg [dreg:$0x18]  }
0x136: {  	(v2sf) =	vpush v21, $0xC;
	[tilespmem:s24], [sflag:$0x1] =	stream.strided.gather [hbm4b:s30+s15], $0x800, s16, s15, $0x38;
	[tilespmem:$0x10580] =	vst v63  }
0x137: {  	s31 =	spop (v2sf);
	s24 =	rddreg [dreg:$0x19]  }
0x138: {  	(v2sf) =	vpush v20, $0xC;
	[tilespmem:s28], [sflag:$0x1] =	stream.strided.gather [hbm4b:s31+s15], $0x800, s16, s15, $0x38;
	[tilespmem:$0x10580] =	vst v63  }
0x139: {  	s30 =	spop (v2sf);
	s28 =	rddreg [dreg:$0x1a]  }
0x13a: {  	(v2sf) =	vpush v21, $0xD;
	[tilespmem:s24], [sflag:$0x1] =	stream.strided.gather [hbm4b:s30+s15], $0x800, s16, s15, $0x38;
	[tilespmem:$0x10580] =	vst v63  }
0x13b: {  	s31 =	spop (v2sf);
	s24 =	rddreg [dreg:$0x1b]  }
0x13c: {  	(v2sf) =	vpush v20, $0xD;
	[tilespmem:s28], [sflag:$0x1] =	stream.strided.gather [hbm4b:s31+s15], $0x800, s16, s15, $0x38;
	[tilespmem:$0x10580] =	vst v63  }
0x13d: {  	s30 =	spop (v2sf);
	s28 =	rddreg [dreg:$0x1c]  }
0x13e: {  	(v2sf) =	vpush v21, $0xE;
	[tilespmem:s24], [sflag:$0x1] =	stream.strided.gather [hbm4b:s30+s15], $0x800, s16, s15, $0x38;
	[tilespmem:$0x10580] =	vst v63  }
0x13f: {  	s31 =	spop (v2sf);
	s24 =	rddreg [dreg:$0x1d]  }
0x140: {  	(v2sf) =	vpush v20, $0xE;
	[tilespmem:s28], [sflag:$0x1] =	stream.strided.gather [hbm4b:s31+s15], $0x800, s16, s15, $0x38;
	[tilespmem:$0x10580] =	vst v63  }
0x141: {  	s30 =	spop (v2sf);
	s28 =	rddreg [dreg:$0x1e]  }
0x142: {  	(v2sf) =	vpush v21, $0xF;
	[tilespmem:s24], [sflag:$0x1] =	stream.strided.gather [hbm4b:s30+s15], $0x800, s16, s15, $0x38;
	[tilespmem:$0x10580] =	vst v63  }
0x143: {  	s31 =	spop (v2sf);
	s24 =	rddreg [dreg:$0x1f]  }
0x144: {  	(v2sf) =	vpush v20, $0xF;
	[tilespmem:s28], [sflag:$0x1] =	stream.strided.gather [hbm4b:s31+s15], $0x800, s16, s15, $0x38;
	[tilespmem:$0x10580] =	vst v63  }
0x145: {  	s30 =	spop (v2sf);
	s28 =	sld [smem:$0x7F7]  }
0x146: {  	[tilespmem:s24], [sflag:$0x1] =	stream.strided.gather [hbm4b:s30+s15], $0x800, s16, s15, $0x38;
	[tilespmem:$0x10580] =	vst v63  }
0x147: {  	s31 =	spop (v2sf);
	s24 =	sld [smem:$0x7F8]  }
0x148: {  	[tilespmem:s28], [sflag:$0x1] =	stream.strided.gather [hbm4b:s31+s15], $0x800, s16, s15, $0x38;
	[tilespmem:$0x10580] =	vst v63  }
0x149: {  	s30 =	spop (v2sf);
	s28 =	sld [smem:$0x7F9]  }
0x14a: {  	[tilespmem:s24], [sflag:$0x1] =	stream.strided.gather [hbm4b:s30+s15], $0x800, s16, s15, $0x38;
	[tilespmem:$0x10580] =	vst v63  }
0x14b: {  	s31 =	spop (v2sf);
	s24 =	sld [smem:$0x7FA]  }
0x14c: {  	[tilespmem:s28], [sflag:$0x1] =	stream.strided.gather [hbm4b:s31+s15], $0x800, s16, s15, $0x38;
	[tilespmem:$0x10580] =	vst v63  }
0x14d: {  	s30 =	spop (v2sf);
	s28 =	sld [smem:$0x7FB]  }
0x14e: {  	[tilespmem:s24], [sflag:$0x1] =	stream.strided.gather [hbm4b:s30+s15], $0x800, s16, s15, $0x38;
	[tilespmem:$0x10580] =	vst v63  }
0x14f: {  	s31 =	spop (v2sf);
	s24 =	sld [smem:$0x7FC]  }
0x150: {  	[tilespmem:s28], [sflag:$0x1] =	stream.strided.gather [hbm4b:s31+s15], $0x800, s16, s15, $0x38;
	[tilespmem:$0x10580] =	vst v63  }
0x151: {  	s30 =	spop (v2sf);
	s28 =	sld [smem:$0x7FD]  }
0x152: {  	[tilespmem:s24], [sflag:$0x1] =	stream.strided.gather [hbm4b:s30+s15], $0x800, s16, s15, $0x38;
	[tilespmem:$0x10580] =	vst v63  }
0x153: {  	s31 =	spop (v2sf)  }
0x154: {  	[tilespmem:s28], [sflag:$0x1] =	stream.strided.gather [hbm4b:s31+s15], $0x800, s16, s15, $0x38;
	[tilespmem:$0x10580] =	vst v63  }
0x155: {  	_ =	swait.ge [sflag:s19], $0x800  }
0x156: {  	[sflag:s19] =	ssyncset.done $0x0  }
0x157: {  	[sflag:s19] =	ssyncadd.s32 $0xFFFFF800  }
0x158: {  	_ =	swait.ge [sflag:s19], $0x800  }
0x159: {  	[sflag:s19] =	ssyncset.done $0x0  }
0x15a: {  	[sflag:s19] =	ssyncadd.s32 $0xFFFFF800  }
0x15b: {  	_ =	swait.ge [sflag:s19], $0x800  }
0x15c: {  	[sflag:s19] =	ssyncset.done $0x0  }
0x15d: {  	[sflag:s19] =	ssyncadd.s32 $0xFFFFF800  }
0x15e: {  	_ =	swait.ge [sflag:s19], $0x800  }
0x15f: {  	[sflag:s19] =	ssyncset.done $0x0  }
0x160: {  	[sflag:s19] =	ssyncadd.s32 $0xFFFFF800  }
0x161: {  	_ =	swait.ge [sflag:s19], $0x800  }
0x162: {  	[sflag:s19] =	ssyncset.done $0x0  }
0x163: {  	[sflag:s19] =	ssyncadd.s32 $0xFFFFF800  }
0x164: {  	_ =	swait.ge [sflag:s19], $0x800  }
0x165: {  	[sflag:s19] =	ssyncset.done $0x0  }
0x166: {  	[sflag:s19] =	ssyncadd.s32 $0xFFFFF800  }
0x167: {  	_ =	swait.ge [sflag:s19], $0x800  }
0x168: {  	[sflag:s19] =	ssyncset.done $0x0  }
0x169: {  	[sflag:s19] =	ssyncadd.s32 $0xFFFFF800  }
0x16a: {  	_ =	swait.ge [sflag:s19], $0x800  }
0x16b: {  	[sflag:s19] =	ssyncset.done $0x0  }
0x16c: {  	[sflag:s19] =	ssyncadd.s32 $0xFFFFF800  }
0x16d: {  	_ =	swait.ge [sflag:s19], $0x800  }
0x16e: {  	[sflag:s19] =	ssyncset.done $0x0  }
0x16f: {  	[sflag:s19] =	ssyncadd.s32 $0xFFFFF800  }
0x170: {  	_ =	swait.ge [sflag:s19], $0x800  }
0x171: {  	[sflag:s19] =	ssyncset.done $0x0  }
0x172: {  	[sflag:s19] =	ssyncadd.s32 $0xFFFFF800  }
0x173: {  	_ =	swait.ge [sflag:s19], $0x800  }
0x174: {  	[sflag:s19] =	ssyncset.done $0x0  }
0x175: {  	[sflag:s19] =	ssyncadd.s32 $0xFFFFF800  }
0x176: {  	_ =	swait.ge [sflag:s19], $0x800  }
0x177: {  	[sflag:s19] =	ssyncset.done $0x0  }
0x178: {  	[sflag:s19] =	ssyncadd.s32 $0xFFFFF800  }
0x179: {  	_ =	swait.ge [sflag:s19], $0x800  }
0x17a: {  	[sflag:s19] =	ssyncset.done $0x0  }
0x17b: {  	[sflag:s19] =	ssyncadd.s32 $0xFFFFF800  }
0x17c: {  	_ =	swait.ge [sflag:s19], $0x800  }
0x17d: {  	[sflag:s19] =	ssyncset.done $0x0  }
0x17e: {  	[sflag:s19] =	ssyncadd.s32 $0xFFFFF800  }
0x17f: {  	_ =	swait.ge [sflag:s19], $0x800  }
0x180: {  	[sflag:s19] =	ssyncset.done $0x0  }
0x181: {  	[sflag:s19] =	ssyncadd.s32 $0xFFFFF800  }
0x182: {  	_ =	swait.ge [sflag:s19], $0x800  }
0x183: {  	[sflag:s19] =	ssyncset.done $0x0  }
0x184: {  	[sflag:s19] =	ssyncadd.s32 $0xFFFFF800  }
0x185: {  	_ =	swait.ge [sflag:s19], $0x800  }
0x186: {  	[sflag:s19] =	ssyncset.done $0x0  }
0x187: {  	[sflag:s19] =	ssyncadd.s32 $0xFFFFF800  }
0x188: {  	_ =	swait.ge [sflag:s19], $0x800  }
0x189: {  	[sflag:s19] =	ssyncset.done $0x0  }
0x18a: {  	[sflag:s19] =	ssyncadd.s32 $0xFFFFF800  }
0x18b: {  	_ =	swait.ge [sflag:s19], $0x800  }
0x18c: {  	[sflag:s19] =	ssyncset.done $0x0  }
0x18d: {  	[sflag:s19] =	ssyncadd.s32 $0xFFFFF800  }
0x18e: {  	_ =	swait.ge [sflag:s19], $0x800  }
0x18f: {  	[sflag:s19] =	ssyncset.done $0x0  }
0x190: {  	[sflag:s19] =	ssyncadd.s32 $0xFFFFF800  }
0x191: {  	_ =	swait.ge [sflag:s19], $0x800  }
0x192: {  	[sflag:s19] =	ssyncset.done $0x0  }
0x193: {  	[sflag:s19] =	ssyncadd.s32 $0xFFFFF800  }
0x194: {  	_ =	swait.ge [sflag:s19], $0x800  }
0x195: {  	[sflag:s19] =	ssyncset.done $0x0  }
0x196: {  	[sflag:s19] =	ssyncadd.s32 $0xFFFFF800  }
0x197: {  	_ =	swait.ge [sflag:s19], $0x800  }
0x198: {  	[sflag:s19] =	ssyncset.done $0x0  }
0x199: {  	[sflag:s19] =	ssyncadd.s32 $0xFFFFF800  }
0x19a: {  	_ =	swait.ge [sflag:s19], $0x800  }
0x19b: {  	[sflag:s19] =	ssyncset.done $0x0  }
0x19c: {  	[sflag:s19] =	ssyncadd.s32 $0xFFFFF800  }
0x19d: {  	_ =	swait.ge [sflag:s19], $0x800  }
0x19e: {  	[sflag:s19] =	ssyncset.done $0x0  }
0x19f: {  	[sflag:s19] =	ssyncadd.s32 $0xFFFFF800  }
0x1a0: {  	_ =	swait.ge [sflag:s19], $0x800  }
0x1a1: {  	[sflag:s19] =	ssyncset.done $0x0  }
0x1a2: {  	[sflag:s19] =	ssyncadd.s32 $0xFFFFF800  }
0x1a3: {  	_ =	swait.ge [sflag:s19], $0x800  }
0x1a4: {  	[sflag:s19] =	ssyncset.done $0x0  }
0x1a5: {  	[sflag:s19] =	ssyncadd.s32 $0xFFFFF800  }
0x1a6: {  	_ =	swait.ge [sflag:s19], $0x800  }
0x1a7: {  	[sflag:s19] =	ssyncset.done $0x0  }
0x1a8: {  	[sflag:s19] =	ssyncadd.s32 $0xFFFFF800  }
0x1a9: {  	_ =	swait.ge [sflag:s19], $0x800  }
0x1aa: {  	[sflag:s19] =	ssyncset.done $0x0  }
0x1ab: {  	[sflag:s19] =	ssyncadd.s32 $0xFFFFF800  }
0x1ac: {  	_ =	swait.ge [sflag:s19], $0x800  }
0x1ad: {  	[sflag:s19] =	ssyncset.done $0x0  }
0x1ae: {  	[sflag:s19] =	ssyncadd.s32 $0xFFFFF800  }
0x1af: {  	v18 =	vand.u32 $0x7F, v59;
	_ =	swait.ge [sflag:s19], $0x800  }
0x1b0: {  	v17 =	vmov v35;
	v20 =	vor.u32 v0, v18;
	[sflag:s19] =	ssyncset.done $0x0  }
0x1b1: {  	v21 =	vor.u32 v0, v17;
	[sflag:s19] =	ssyncadd.s32 $0xFFFFF800  }
0x1b2: {  	v22 =	vor.u32 v1, v18;
	_ =	swait.ge [sflag:s19], $0x800  }
0x1b3: {  	v24 =	vor.u32 v1, v17;
	[sflag:s19] =	ssyncset.done $0x0  }
0x1b4: {  	v28 =	vor.u32 v2, v18;
	[sflag:s19] =	ssyncadd.s32 $0xFFFFF800  }
0x1b5: {  	v23 =	vld.idx.msk [tilespmem:v20+s17+$0x0], $0xffff;
	v20 =	vor.u32 v2, v17  }
0x1b6: {  	p0 =	sne.s32 s25, $0x3C0;
	v25 =	vld.idx.msk [tilespmem:v21+s18+$0x0], $0xffff;
	v21 =	vor.u32 v3, v18  }
.Ltmp0:
0x1b7: {  	v26 =	vld.idx.msk [tilespmem:v22+s17+$0x0], $0xffff;
	(pc) =	sbr.rel @p0 .LBB2_2-.Ltmp0, $4  }
0x1b8: {  	v27 =	vld.idx.msk [tilespmem:v24+s18+$0x0], $0xffff  }
0x1b9: {  	v22 =	vld.idx.msk [tilespmem:v28+s17+$0x0], $0xffff  }
0x1ba: {  	s26 =	smov.u32 s25;
	v19 =	vor.u32 v5, v35;
	v29 =	vor.u32 v4, v17;
	v24 =	vld.idx.msk [tilespmem:v20+s18+$0x0], $0xffff  }
0x1bb: {  	s25 =	sadd.s32 $0x40, s25;
	v30 =	vor.u32 v4, v18;
	v31 =	vor.u32 v3, v17;
	s24 =	sshra.s32 s26, $0x2;
	v28 =	vor.u32 v5, v18;
	v21 =	vld.idx.msk [tilespmem:v21+s17+$0x0], $0xffff  }
0x1bc: {  	_ =	sdelay $0x2  }
0x1bd: {  	v20 =	vld [tilespmem:s24+$0x100]  }
0x1be: {  	v31 =	vld.idx.msk [tilespmem:v31+s18+$0x0], $0xffff;
	v32 =	vor.u32 v6, v18;
	v23 =	vmul.f32 v25, v23  }
0x1bf: {  	v40 =	vld.idx.msk [tilespmem:v30+s17+$0x0], $0xffff;
	v41 =	vor.u32 v6, v17  }
0x1c0: {  	v42 =	vld.idx.msk [tilespmem:v29+s18+$0x0], $0xffff;
	v43 =	vor.u32 v7, v18;
	v26 =	vmul.f32 v27, v26;
	v23 =	vadd.f32 v23, v16  }
0x1c1: {  	v28 =	vld.idx.msk [tilespmem:v28+s17+$0x0], $0xffff;
	v33 =	vor.u32 v7, v17  }
0x1c2: {  	v19 =	vld.idx.msk [tilespmem:v19+s18+$0x0], $0xffff;
	v44 =	vor.u32 v8, v18;
	v22 =	vmul.f32 v24, v22;
	v23 =	vadd.f32 v26, v23  }
0x1c3: {  	v45 =	vor.u32 v8, v17;
	v32 =	vld.idx.msk [tilespmem:v32+s17+$0x0], $0xffff  }
0x1c4: {  	v46 =	vor.u32 v9, v18;
	v21 =	vmul.f32 v31, v21;
	v30 =	vld.idx.msk [tilespmem:v41+s18+$0x0], $0xffff;
	v22 =	vadd.f32 v22, v23  }
0x1c5: {  	v47 =	vld.idx.msk [tilespmem:v43+s17+$0x0], $0xffff  }
0x1c6: {  	v48 =	vor.u32 v9, v17;
	v25 =	vmul.f32 v42, v40;
	v49 =	vld.idx.msk [tilespmem:v33+s18+$0x0], $0xffff;
	v21 =	vadd.f32 v21, v22  }
0x1c7: {  	v51 =	vor.u32 v10, v18;
	v50 =	vld.idx.msk [tilespmem:v44+s17+$0x0], $0xffff  }
0x1c8: {  	v52 =	vor.u32 v10, v17;
	v28 =	vmul.f32 v19, v28;
	v26 =	vld.idx.msk [tilespmem:v45+s18+$0x0], $0xffff;
	v21 =	vadd.f32 v25, v21  }
0x1c9: {  	v54 =	vor.u32 v11, v18;
	v53 =	vld.idx.msk [tilespmem:v46+s17+$0x0], $0xffff  }
0x1ca: {  	v55 =	vor.u32 v11, v17;
	v19 =	vld [tilespmem:s24+$0x0];
	v30 =	vmul.f32 v30, v32;
	v21 =	vadd.f32 v28, v21  }
0x1cb: {  	v57 =	vor.u32 v12, v18;
	v56 =	vld.idx.msk [tilespmem:v48+s18+$0x0], $0xffff  }
0x1cc: {  	v58 =	vor.u32 v12, v17;
	v24 =	vld.idx.msk [tilespmem:v51+s17+$0x0], $0xffff;
	v23 =	vmul.f32 v49, v47;
	v21 =	vadd.f32 v30, v21  }
0x1cd: {  	v34 =	vor.u32 v13, v18;
	v61 =	vor.u32 v13, v17;
	v33 =	vld.idx.msk [tilespmem:v52+s18+$0x0], $0xffff  }
0x1ce: {  	v63 =	vor.u32 v14, v18;
	v60 =	vld.idx.msk [tilespmem:v54+s17+$0x0], $0xffff;
	v22 =	vmul.f32 v26, v50;
	v21 =	vadd.f32 v23, v21  }
0x1cf: {  	s25 =	rddreg [dreg:$0x7];
	v35 =	vor.u32 v14, v17;
	v18 =	vor.u32 v15, v18;
	v62 =	vld.idx.msk [tilespmem:v55+s18+$0x0], $0xffff;
	v36 =	vand.u32 $0xFFFFFF80, v19  }
0x1d0: {  	v29 =	vld.idx.msk [tilespmem:v57+s17+$0x0], $0xffff;
	v40 =	vmul.f32 v56, v53;
	v36 =	vadd.s32 s25, v36;
	v21 =	vadd.f32 v22, v21  }
0x1d1: {  	s26 =	rddreg [dreg:$0x8];
	v17 =	vor.u32 v15, v17;
	v59 =	vand.u32 $0xFFFFFF80, v20;
	v27 =	vld.idx.msk [tilespmem:v58+s18+$0x0], $0xffff;
	(v2sf) =	vpush v36, $0x0  }
0x1d2: {  	v42 =	vld.idx.msk [tilespmem:v34+s17+$0x0], $0xffff;
	v41 =	vadd.s32 s26, v59;
	v43 =	vmul.f32 v33, v24;
	v21 =	vadd.f32 v40, v21  }
0x1d3: {  	v44 =	vld.idx.msk [tilespmem:v61+s18+$0x0], $0xffff;
	(v2sf) =	vpush v41, $0x0  }
0x1d4: {  	v45 =	vld.idx.msk [tilespmem:v63+s17+$0x0], $0xffff;
	v46 =	vmul.f32 v62, v60;
	v21 =	vadd.f32 v43, v21  }
0x1d5: {  	v47 =	vld.idx.msk [tilespmem:v35+s18+$0x0], $0xffff;
	(v2sf) =	vpush v36, $0x1  }
0x1d6: {  	v18 =	vld.idx.msk [tilespmem:v18+s17+$0x0], $0xffff;
	v48 =	vmul.f32 v27, v29;
	v21 =	vadd.f32 v46, v21  }
0x1d7: {  	v17 =	vld.idx.msk [tilespmem:v17+s18+$0x0], $0xffff;
	(v2sf) =	vpush v41, $0x1  }
0x1d8: {  	v49 =	vmul.f32 v44, v42;
	v21 =	vadd.f32 v48, v21  }
0x1d9: {  	(v2sf) =	vpush v36, $0x2  }
0x1da: {  	v50 =	vmul.f32 v47, v45;
	v21 =	vadd.f32 v49, v21  }
0x1db: {  	(v2sf) =	vpush v41, $0x2  }
0x1dc: {  	v17 =	vmul.f32 v17, v18;
	v21 =	vadd.f32 v50, v21  }
0x1dd: {  	(v2sf) =	vpush v36, $0x3  }
0x1de: {  	v17 =	vadd.f32 v17, v21  }
0x1df: {  	(v2sf) =	vpush v41, $0x3  }
0x1e0: {  	s31 =	spop (v2sf);
	[tilespmem:s23+$0x10480] =	vst v17  }
0x1e1: {  	(v2sf) =	vpush v36, $0x4;
	[tilespmem:s17], [sflag:$0x1] =	stream.strided.gather [hbm4b:s31+s15], $0x800, s16, s15, $0x38;
	[tilespmem:$0x10580] =	vst v63  }
0x1e2: {  	s29 =	rddreg [dreg:$0xa];
	s28 =	spop (v2sf)  }
0x1e3: {  	(v2sf) =	vpush v41, $0x4;
	[tilespmem:s18], [sflag:$0x1] =	stream.strided.gather [hbm4b:s28+s15], $0x800, s16, s15, $0x38;
	[tilespmem:$0x10580] =	vst v63  }
0x1e4: {  	s26 =	rddreg [dreg:$0x9];
	s30 =	spop (v2sf)  }
0x1e5: {  	(v2sf) =	vpush v36, $0x5;
	[tilespmem:s26], [sflag:$0x1] =	stream.strided.gather [hbm4b:s30+s15], $0x800, s16, s15, $0x38;
	[tilespmem:$0x10580] =	vst v63  }
0x1e6: {  	s31 =	rddreg [dreg:$0xb];
	s28 =	spop (v2sf)  }
0x1e7: {  	(v2sf) =	vpush v41, $0x5;
	[tilespmem:s29], [sflag:$0x1] =	stream.strided.gather [hbm4b:s28+s15], $0x800, s16, s15, $0x38;
	[tilespmem:$0x10580] =	vst v63  }
0x1e8: {  	s30 =	spop (v2sf);
	s29 =	rddreg [dreg:$0xc]  }
0x1e9: {  	(v2sf) =	vpush v36, $0x6;
	[tilespmem:s31], [sflag:$0x1] =	stream.strided.gather [hbm4b:s30+s15], $0x800, s16, s15, $0x38;
	[tilespmem:$0x10580] =	vst v63  }
0x1ea: {  	s28 =	spop (v2sf);
	s31 =	rddreg [dreg:$0xd]  }
0x1eb: {  	(v2sf) =	vpush v41, $0x6;
	[tilespmem:s29], [sflag:$0x1] =	stream.strided.gather [hbm4b:s28+s15], $0x800, s16, s15, $0x38;
	[tilespmem:$0x10580] =	vst v63  }
0x1ec: {  	s30 =	spop (v2sf);
	s29 =	rddreg [dreg:$0xe]  }
0x1ed: {  	(v2sf) =	vpush v36, $0x7;
	[tilespmem:s31], [sflag:$0x1] =	stream.strided.gather [hbm4b:s30+s15], $0x800, s16, s15, $0x38;
	[tilespmem:$0x10580] =	vst v63  }
0x1ee: {  	s28 =	spop (v2sf);
	s31 =	rddreg [dreg:$0xf]  }
0x1ef: {  	(v2sf) =	vpush v41, $0x7;
	[tilespmem:s29], [sflag:$0x1] =	stream.strided.gather [hbm4b:s28+s15], $0x800, s16, s15, $0x38;
	[tilespmem:$0x10580] =	vst v63  }
0x1f0: {  	s30 =	spop (v2sf);
	s29 =	rddreg [dreg:$0x10]  }
0x1f1: {  	(v2sf) =	vpush v36, $0x8;
	[tilespmem:s31], [sflag:$0x1] =	stream.strided.gather [hbm4b:s30+s15], $0x800, s16, s15, $0x38;
	[tilespmem:$0x10580] =	vst v63  }
0x1f2: {  	s28 =	spop (v2sf);
	s31 =	rddreg [dreg:$0x11]  }
0x1f3: {  	(v2sf) =	vpush v41, $0x8;
	[tilespmem:s29], [sflag:$0x1] =	stream.strided.gather [hbm4b:s28+s15], $0x800, s16, s15, $0x38;
	[tilespmem:$0x10580] =	vst v63  }
0x1f4: {  	s30 =	spop (v2sf);
	s29 =	rddreg [dreg:$0x12]  }
0x1f5: {  	(v2sf) =	vpush v36, $0x9;
	[tilespmem:s31], [sflag:$0x1] =	stream.strided.gather [hbm4b:s30+s15], $0x800, s16, s15, $0x38;
	[tilespmem:$0x10580] =	vst v63  }
0x1f6: {  	s28 =	spop (v2sf);
	s31 =	rddreg [dreg:$0x13]  }
0x1f7: {  	(v2sf) =	vpush v41, $0x9;
	[tilespmem:s29], [sflag:$0x1] =	stream.strided.gather [hbm4b:s28+s15], $0x800, s16, s15, $0x38;
	[tilespmem:$0x10580] =	vst v63  }
0x1f8: {  	s30 =	spop (v2sf);
	s29 =	rddreg [dreg:$0x14]  }
0x1f9: {  	(v2sf) =	vpush v36, $0xA;
	[tilespmem:s31], [sflag:$0x1] =	stream.strided.gather [hbm4b:s30+s15], $0x800, s16, s15, $0x38;
	[tilespmem:$0x10580] =	vst v63  }
0x1fa: {  	s28 =	spop (v2sf);
	s31 =	rddreg [dreg:$0x15]  }
0x1fb: {  	(v2sf) =	vpush v41, $0xA;
	[tilespmem:s29], [sflag:$0x1] =	stream.strided.gather [hbm4b:s28+s15], $0x800, s16, s15, $0x38;
	[tilespmem:$0x10580] =	vst v63  }
0x1fc: {  	s30 =	spop (v2sf);
	s29 =	rddreg [dreg:$0x16]  }
0x1fd: {  	(v2sf) =	vpush v36, $0xB;
	[tilespmem:s31], [sflag:$0x1] =	stream.strided.gather [hbm4b:s30+s15], $0x800, s16, s15, $0x38;
	[tilespmem:$0x10580] =	vst v63  }
0x1fe: {  	s28 =	spop (v2sf);
	s31 =	rddreg [dreg:$0x17]  }
0x1ff: {  	(v2sf) =	vpush v41, $0xB;
	[tilespmem:s29], [sflag:$0x1] =	stream.strided.gather [hbm4b:s28+s15], $0x800, s16, s15, $0x38;
	[tilespmem:$0x10580] =	vst v63  }
0x200: {  	s30 =	spop (v2sf);
	s29 =	rddreg [dreg:$0x18]  }
0x201: {  	(v2sf) =	vpush v36, $0xC;
	[tilespmem:s31], [sflag:$0x1] =	stream.strided.gather [hbm4b:s30+s15], $0x800, s16, s15, $0x38;
	[tilespmem:$0x10580] =	vst v63  }
0x202: {  	s28 =	spop (v2sf);
	s31 =	rddreg [dreg:$0x19]  }
0x203: {  	(v2sf) =	vpush v41, $0xC;
	[tilespmem:s29], [sflag:$0x1] =	stream.strided.gather [hbm4b:s28+s15], $0x800, s16, s15, $0x38;
	[tilespmem:$0x10580] =	vst v63  }
0x204: {  	s30 =	spop (v2sf);
	s29 =	rddreg [dreg:$0x1a]  }
0x205: {  	(v2sf) =	vpush v36, $0xD;
	[tilespmem:s31], [sflag:$0x1] =	stream.strided.gather [hbm4b:s30+s15], $0x800, s16, s15, $0x38;
	[tilespmem:$0x10580] =	vst v63  }
0x206: {  	s28 =	spop (v2sf);
	s31 =	rddreg [dreg:$0x1b]  }
0x207: {  	(v2sf) =	vpush v41, $0xD;
	[tilespmem:s29], [sflag:$0x1] =	stream.strided.gather [hbm4b:s28+s15], $0x800, s16, s15, $0x38;
	[tilespmem:$0x10580] =	vst v63  }
0x208: {  	s30 =	spop (v2sf);
	s29 =	rddreg [dreg:$0x1c]  }
0x209: {  	(v2sf) =	vpush v36, $0xE;
	[tilespmem:s31], [sflag:$0x1] =	stream.strided.gather [hbm4b:s30+s15], $0x800, s16, s15, $0x38;
	[tilespmem:$0x10580] =	vst v63  }
0x20a: {  	s28 =	spop (v2sf);
	s31 =	rddreg [dreg:$0x1d]  }
0x20b: {  	(v2sf) =	vpush v41, $0xE;
	[tilespmem:s29], [sflag:$0x1] =	stream.strided.gather [hbm4b:s28+s15], $0x800, s16, s15, $0x38;
	[tilespmem:$0x10580] =	vst v63  }
0x20c: {  	s30 =	spop (v2sf);
	s29 =	rddreg [dreg:$0x1e]  }
0x20d: {  	(v2sf) =	vpush v36, $0xF;
	[tilespmem:s31], [sflag:$0x1] =	stream.strided.gather [hbm4b:s30+s15], $0x800, s16, s15, $0x38;
	[tilespmem:$0x10580] =	vst v63  }
0x20e: {  	s28 =	spop (v2sf);
	s31 =	rddreg [dreg:$0x1f]  }
0x20f: {  	(v2sf) =	vpush v41, $0xF;
	[tilespmem:s29], [sflag:$0x1] =	stream.strided.gather [hbm4b:s28+s15], $0x800, s16, s15, $0x38;
	[tilespmem:$0x10580] =	vst v63  }
0x210: {  	s30 =	spop (v2sf);
	s29 =	sld [smem:$0x7F7]  }
0x211: {  	[tilespmem:s31], [sflag:$0x1] =	stream.strided.gather [hbm4b:s30+s15], $0x800, s16, s15, $0x38;
	[tilespmem:$0x10580] =	vst v63  }
0x212: {  	s28 =	spop (v2sf);
	s31 =	sld [smem:$0x7F8]  }
0x213: {  	[tilespmem:s29], [sflag:$0x1] =	stream.strided.gather [hbm4b:s28+s15], $0x800, s16, s15, $0x38;
	[tilespmem:$0x10580] =	vst v63  }
0x214: {  	s30 =	spop (v2sf);
	s29 =	sld [smem:$0x7F9]  }
0x215: {  	[tilespmem:s31], [sflag:$0x1] =	stream.strided.gather [hbm4b:s30+s15], $0x800, s16, s15, $0x38;
	[tilespmem:$0x10580] =	vst v63  }
0x216: {  	s28 =	spop (v2sf);
	s31 =	sld [smem:$0x7FA]  }
0x217: {  	[tilespmem:s29], [sflag:$0x1] =	stream.strided.gather [hbm4b:s28+s15], $0x800, s16, s15, $0x38;
	[tilespmem:$0x10580] =	vst v63  }
0x218: {  	s30 =	spop (v2sf);
	s29 =	sld [smem:$0x7FB]  }
0x219: {  	[tilespmem:s31], [sflag:$0x1] =	stream.strided.gather [hbm4b:s30+s15], $0x800, s16, s15, $0x38;
	[tilespmem:$0x10580] =	vst v63  }
0x21a: {  	s28 =	spop (v2sf);
	s31 =	sld [smem:$0x7FC]  }
0x21b: {  	[tilespmem:s29], [sflag:$0x1] =	stream.strided.gather [hbm4b:s28+s15], $0x800, s16, s15, $0x38;
	[tilespmem:$0x10580] =	vst v63  }
0x21c: {  	s30 =	spop (v2sf);
	s29 =	sld [smem:$0x7FD]  }
0x21d: {  	[tilespmem:s31], [sflag:$0x1] =	stream.strided.gather [hbm4b:s30+s15], $0x800, s16, s15, $0x38;
	[tilespmem:$0x10580] =	vst v63  }
0x21e: {  	s31 =	spop (v2sf)  }
0x21f: {  	[tilespmem:s29], [sflag:$0x1] =	stream.strided.gather [hbm4b:s31+s15], $0x800, s16, s15, $0x38;
	[tilespmem:$0x10580] =	vst v63  }
0x220: {  	_ =	swait.ge [sflag:s19], $0x800  }
0x221: {  	[sflag:s19] =	ssyncset.done $0x0  }
0x222: {  	[sflag:s19] =	ssyncadd.s32 $0xFFFFF800  }
0x223: {  	_ =	swait.ge [sflag:s19], $0x800  }
0x224: {  	[sflag:s19] =	ssyncset.done $0x0  }
0x225: {  	[sflag:s19] =	ssyncadd.s32 $0xFFFFF800  }
0x226: {  	_ =	swait.ge [sflag:s19], $0x800  }
0x227: {  	[sflag:s19] =	ssyncset.done $0x0  }
0x228: {  	[sflag:s19] =	ssyncadd.s32 $0xFFFFF800  }
0x229: {  	_ =	swait.ge [sflag:s19], $0x800  }
0x22a: {  	[sflag:s19] =	ssyncset.done $0x0  }
0x22b: {  	[sflag:s19] =	ssyncadd.s32 $0xFFFFF800  }
0x22c: {  	_ =	swait.ge [sflag:s19], $0x800  }
0x22d: {  	[sflag:s19] =	ssyncset.done $0x0  }
0x22e: {  	[sflag:s19] =	ssyncadd.s32 $0xFFFFF800  }
0x22f: {  	_ =	swait.ge [sflag:s19], $0x800  }
0x230: {  	[sflag:s19] =	ssyncset.done $0x0  }
0x231: {  	[sflag:s19] =	ssyncadd.s32 $0xFFFFF800  }
0x232: {  	_ =	swait.ge [sflag:s19], $0x800  }
0x233: {  	[sflag:s19] =	ssyncset.done $0x0  }
0x234: {  	[sflag:s19] =	ssyncadd.s32 $0xFFFFF800  }
0x235: {  	_ =	swait.ge [sflag:s19], $0x800  }
0x236: {  	[sflag:s19] =	ssyncset.done $0x0  }
0x237: {  	[sflag:s19] =	ssyncadd.s32 $0xFFFFF800  }
0x238: {  	_ =	swait.ge [sflag:s19], $0x800  }
0x239: {  	[sflag:s19] =	ssyncset.done $0x0  }
0x23a: {  	[sflag:s19] =	ssyncadd.s32 $0xFFFFF800  }
0x23b: {  	_ =	swait.ge [sflag:s19], $0x800  }
0x23c: {  	[sflag:s19] =	ssyncset.done $0x0  }
0x23d: {  	[sflag:s19] =	ssyncadd.s32 $0xFFFFF800  }
0x23e: {  	_ =	swait.ge [sflag:s19], $0x800  }
0x23f: {  	[sflag:s19] =	ssyncset.done $0x0  }
0x240: {  	[sflag:s19] =	ssyncadd.s32 $0xFFFFF800  }
0x241: {  	_ =	swait.ge [sflag:s19], $0x800  }
0x242: {  	[sflag:s19] =	ssyncset.done $0x0  }
0x243: {  	[sflag:s19] =	ssyncadd.s32 $0xFFFFF800  }
0x244: {  	_ =	swait.ge [sflag:s19], $0x800  }
0x245: {  	[sflag:s19] =	ssyncset.done $0x0  }
0x246: {  	[sflag:s19] =	ssyncadd.s32 $0xFFFFF800  }
0x247: {  	_ =	swait.ge [sflag:s19], $0x800  }
0x248: {  	[sflag:s19] =	ssyncset.done $0x0  }
0x249: {  	[sflag:s19] =	ssyncadd.s32 $0xFFFFF800  }
0x24a: {  	_ =	swait.ge [sflag:s19], $0x800  }
0x24b: {  	[sflag:s19] =	ssyncset.done $0x0  }
0x24c: {  	[sflag:s19] =	ssyncadd.s32 $0xFFFFF800  }
0x24d: {  	_ =	swait.ge [sflag:s19], $0x800  }
0x24e: {  	[sflag:s19] =	ssyncset.done $0x0  }
0x24f: {  	[sflag:s19] =	ssyncadd.s32 $0xFFFFF800  }
0x250: {  	_ =	swait.ge [sflag:s19], $0x800  }
0x251: {  	[sflag:s19] =	ssyncset.done $0x0  }
0x252: {  	[sflag:s19] =	ssyncadd.s32 $0xFFFFF800  }
0x253: {  	_ =	swait.ge [sflag:s19], $0x800  }
0x254: {  	[sflag:s19] =	ssyncset.done $0x0  }
0x255: {  	[sflag:s19] =	ssyncadd.s32 $0xFFFFF800  }
0x256: {  	_ =	swait.ge [sflag:s19], $0x800  }
0x257: {  	[sflag:s19] =	ssyncset.done $0x0  }
0x258: {  	[sflag:s19] =	ssyncadd.s32 $0xFFFFF800  }
0x259: {  	_ =	swait.ge [sflag:s19], $0x800  }
0x25a: {  	[sflag:s19] =	ssyncset.done $0x0  }
0x25b: {  	[sflag:s19] =	ssyncadd.s32 $0xFFFFF800  }
0x25c: {  	_ =	swait.ge [sflag:s19], $0x800  }
0x25d: {  	[sflag:s19] =	ssyncset.done $0x0  }
0x25e: {  	[sflag:s19] =	ssyncadd.s32 $0xFFFFF800  }
0x25f: {  	_ =	swait.ge [sflag:s19], $0x800  }
0x260: {  	[sflag:s19] =	ssyncset.done $0x0  }
0x261: {  	[sflag:s19] =	ssyncadd.s32 $0xFFFFF800  }
0x262: {  	_ =	swait.ge [sflag:s19], $0x800  }
0x263: {  	[sflag:s19] =	ssyncset.done $0x0  }
0x264: {  	[sflag:s19] =	ssyncadd.s32 $0xFFFFF800  }
0x265: {  	_ =	swait.ge [sflag:s19], $0x800  }
0x266: {  	[sflag:s19] =	ssyncset.done $0x0  }
0x267: {  	[sflag:s19] =	ssyncadd.s32 $0xFFFFF800  }
0x268: {  	_ =	swait.ge [sflag:s19], $0x800  }
0x269: {  	[sflag:s19] =	ssyncset.done $0x0  }
0x26a: {  	[sflag:s19] =	ssyncadd.s32 $0xFFFFF800  }
0x26b: {  	_ =	swait.ge [sflag:s19], $0x800  }
0x26c: {  	[sflag:s19] =	ssyncset.done $0x0  }
0x26d: {  	[sflag:s19] =	ssyncadd.s32 $0xFFFFF800  }
0x26e: {  	_ =	swait.ge [sflag:s19], $0x800  }
0x26f: {  	[sflag:s19] =	ssyncset.done $0x0  }
0x270: {  	[sflag:s19] =	ssyncadd.s32 $0xFFFFF800  }
0x271: {  	_ =	swait.ge [sflag:s19], $0x800  }
0x272: {  	[sflag:s19] =	ssyncset.done $0x0  }
0x273: {  	[sflag:s19] =	ssyncadd.s32 $0xFFFFF800  }
0x274: {  	_ =	swait.ge [sflag:s19], $0x800  }
0x275: {  	[sflag:s19] =	ssyncset.done $0x0  }
0x276: {  	[sflag:s19] =	ssyncadd.s32 $0xFFFFF800  }
0x277: {  	_ =	swait.ge [sflag:s19], $0x800  }
0x278: {  	[sflag:s19] =	ssyncset.done $0x0  }
0x279: {  	[sflag:s19] =	ssyncadd.s32 $0xFFFFF800  }
0x27a: {  	v17 =	vand.u32 $0x7F, v19;
	_ =	swait.ge [sflag:s19], $0x800  }
0x27b: {  	v18 =	vand.u32 $0x7F, v20;
	v19 =	vor.u32 v0, v17;
	[sflag:s19] =	ssyncset.done $0x0  }
0x27c: {  	v20 =	vor.u32 v0, v18;
	[sflag:s19] =	ssyncadd.s32 $0xFFFFF800  }
0x27d: {  	v51 =	vor.u32 v1, v17;
	_ =	swait.ge [sflag:s19], $0x800  }
0x27e: {  	v52 =	vor.u32 v1, v18;
	[sflag:s19] =	ssyncset.done $0x0  }
0x27f: {  	v53 =	vor.u32 v2, v17;
	[sflag:s19] =	ssyncadd.s32 $0xFFFFF800  }
0x280: {  	v54 =	vor.u32 v2, v18;
	v19 =	vld.idx.msk [tilespmem:v19+s17+$0x0], $0xffff  }
0x281: {  	v55 =	vor.u32 v3, v17;
	v20 =	vld.idx.msk [tilespmem:v20+s18+$0x0], $0xffff  }
0x282: {  	v56 =	vor.u32 v3, v18;
	v21 =	vld.idx.msk [tilespmem:v51+s17+$0x0], $0xffff  }
0x283: {  	v57 =	vor.u32 v4, v17;
	v22 =	vld.idx.msk [tilespmem:v52+s18+$0x0], $0xffff  }
0x284: {  	v58 =	vor.u32 v4, v18;
	v23 =	vld.idx.msk [tilespmem:v53+s17+$0x0], $0xffff  }
0x285: {  	v59 =	vor.u32 v5, v17;
	v24 =	vld.idx.msk [tilespmem:v54+s18+$0x0], $0xffff  }
0x286: {  	v60 =	vor.u32 v5, v18;
	v25 =	vld.idx.msk [tilespmem:v55+s17+$0x0], $0xffff;
	v19 =	vmul.f32 v20, v19  }
0x287: {  	v62 =	vor.u32 v6, v17;
	v61 =	vld.idx.msk [tilespmem:v56+s18+$0x0], $0xffff  }
0x288: {  	v33 =	vor.u32 v6, v18;
	v63 =	vld.idx.msk [tilespmem:v57+s17+$0x0], $0xffff;
	v21 =	vmul.f32 v22, v21;
	v16 =	vadd.f32 v19, v16  }
0x289: {  	v34 =	vor.u32 v7, v17;
	v19 =	vld.idx.msk [tilespmem:v58+s18+$0x0], $0xffff  }
0x28a: {  	v36 =	vor.u32 v7, v18;
	v35 =	vld.idx.msk [tilespmem:v59+s17+$0x0], $0xffff;
	v23 =	vmul.f32 v24, v23;
	v16 =	vadd.f32 v21, v16  }
0x28b: {  	v38 =	vor.u32 v8, v17;
	v37 =	vld.idx.msk [tilespmem:v60+s18+$0x0], $0xffff  }
0x28c: {  	v39 =	vor.u32 v8, v18;
	v26 =	vld.idx.msk [tilespmem:v62+s17+$0x0], $0xffff;
	v20 =	vmul.f32 v61, v25;
	v16 =	vadd.f32 v23, v16  }
0x28d: {  	v43 =	vor.u32 v9, v18;
	v40 =	vld.idx.msk [tilespmem:v33+s18+$0x0], $0xffff  }
0x28e: {  	v41 =	vor.u32 v9, v17;
	v42 =	vld.idx.msk [tilespmem:v34+s17+$0x0], $0xffff;
	v19 =	vmul.f32 v19, v63;
	v16 =	vadd.f32 v20, v16  }
0x28f: {  	v47 =	vor.u32 v10, v18;
	v44 =	vld.idx.msk [tilespmem:v36+s18+$0x0], $0xffff  }
0x290: {  	v45 =	vor.u32 v10, v17;
	v46 =	vld.idx.msk [tilespmem:v38+s17+$0x0], $0xffff;
	v21 =	vmul.f32 v37, v35;
	v16 =	vadd.f32 v19, v16  }
0x291: {  	v48 =	vor.u32 v11, v17;
	v19 =	vld.idx.msk [tilespmem:v39+s18+$0x0], $0xffff  }
0x292: {  	v49 =	vor.u32 v11, v18;
	v50 =	vld.idx.msk [tilespmem:v43+s18+$0x0], $0xffff;
	v23 =	vmul.f32 v40, v26;
	v16 =	vadd.f32 v21, v16  }
0x293: {  	v51 =	vor.u32 v12, v17;
	v25 =	vld.idx.msk [tilespmem:v41+s17+$0x0], $0xffff  }
0x294: {  	v52 =	vor.u32 v12, v18;
	v53 =	vld.idx.msk [tilespmem:v47+s18+$0x0], $0xffff;
	v20 =	vmul.f32 v44, v42;
	v16 =	vadd.f32 v23, v16  }
0x295: {  	v54 =	vor.u32 v13, v17;
	v22 =	vld.idx.msk [tilespmem:v45+s17+$0x0], $0xffff  }
0x296: {  	v55 =	vld.idx.msk [tilespmem:v48+s17+$0x0], $0xffff;
	v56 =	vor.u32 v13, v18;
	v19 =	vmul.f32 v19, v46;
	v16 =	vadd.f32 v20, v16  }
0x297: {  	v57 =	vld.idx.msk [tilespmem:v49+s18+$0x0], $0xffff;
	v58 =	vor.u32 v14, v17  }
0x298: {  	v59 =	vor.u32 v14, v18;
	v28 =	vld.idx.msk [tilespmem:v51+s17+$0x0], $0xffff;
	v16 =	vadd.f32 v19, v16;
	v19 =	vmul.f32 v50, v25  }
0x299: {  	v18 =	vor.u32 v15, v18;
	v60 =	vld.idx.msk [tilespmem:v52+s18+$0x0], $0xffff  }
0x29a: {  	v24 =	vld.idx.msk [tilespmem:v54+s17+$0x0], $0xffff;
	v17 =	vor.u32 v15, v17;
	v16 =	vadd.f32 v19, v16;
	v19 =	vmul.f32 v53, v22  }
0x29b: {  	v61 =	vld.idx.msk [tilespmem:v56+s18+$0x0], $0xffff  }
0x29c: {  	v62 =	vld.idx.msk [tilespmem:v58+s17+$0x0], $0xffff;
	v16 =	vadd.f32 v19, v16;
	v19 =	vmul.f32 v57, v55  }
0x29d: {  	v63 =	vld.idx.msk [tilespmem:v59+s18+$0x0], $0xffff  }
0x29e: {  	v18 =	vld.idx.msk [tilespmem:v18+s18+$0x0], $0xffff;
	v16 =	vadd.f32 v19, v16;
	v19 =	vmul.f32 v60, v28  }
0x29f: {  	v17 =	vld.idx.msk [tilespmem:v17+s17+$0x0], $0xffff  }
0x2a0: {  	v16 =	vadd.f32 v19, v16;
	v19 =	vmul.f32 v61, v24;
	_ =	sdelay $0x1  }
0x2a1: {  	v16 =	vadd.f32 v19, v16;
	v19 =	vmul.f32 v63, v62;
	_ =	sdelay $0x1  }
0x2a2: {  	v17 =	vmul.f32 v18, v17;
	v16 =	vadd.f32 v19, v16;
	_ =	sdelay $0x1  }
0x2a3: {  	v16 =	vadd.f32 v17, v16;
	_ =	sdelay $0x1  }
0x2a4: {  	[tilespmem:s24+$0x10480] =	vst v16  }
0x2a5: {  	_ =	swait.ge [sflag:s20], $0x100  }
0x2a6: {  	[sflag:s20] =	ssyncset.done $0x0  }
0x2a7: {  	[sflag:s20] =	ssyncadd.s32 $0xFFFFFF00  }
0x2a8: {  	_ =	swait.ge [sflag:s20], $0x100  }
0x2a9: {  	[sflag:s20] =	ssyncset.done $0x0  }
0x2aa: {  	s23 =	simm.s32 $0x0;
	[sflag:s20] =	ssyncadd.s32 $0xFFFFFF00  }
0x2ab: {  	s24 =	simm.s32 $0x40;
	v16 =	vld [tilespmem:s23+$0x10200]  }
.LBB2_4:
0x2ac: {  	p0 =	sne.s32 s24, $0x3C0;
	v17 =	vld [tilespmem:s23+$0x10480];
	_ =	sdelay $0x1  }
0x2ad: {  	v18 =	vld [tilespmem:s23+$0x10300];
	_ =	sdelay $0x2  }
.Ltmp1:
0x2ae: {  	v16 =	vadd.f32 v16, v17;
	(pc) =	sbr.rel @p0 .LBB2_4-.Ltmp1, $4  }
0x2af: {  	_ = 	snop  }
0x2b0: {  	v17 =	vadd.f32 v18, v16  }
0x2b1: {  	s25 =	sshra.s32 s24, $0x2  }
0x2b2: {  	s24 =	sadd.s32 $0x40, s24;
	v16 =	vld [tilespmem:s25+$0x10200];
	[tilespmem:s23+$0x10480] =	vst v17;
	s23 =	smov.u32 s25  }
0x2b3: {  	v17 =	vld [tilespmem:s23+$0x10480];
	_ =	sdelay $0x1  }
0x2b4: {  	v18 =	vld [tilespmem:s23+$0x10300];
	_ =	sdelay $0x2  }
0x2b5: {  	v16 =	vadd.f32 v16, v17;
	_ =	sdelay $0x1  }
0x2b6: {  	s22 =	sadd.s32 $0x1, s22;
	v16 =	vadd.f32 v18, v16  }
0x2b7: {  	p0 =	sne.s32 s22, s9  }
.Ltmp2:
0x2b8: {  	[tilespmem:s23+$0x10480] =	vst v16;
	(pc) =	sbr.rel @p0 .LBB2_1-.Ltmp2, $4  }
0x2b9: {  	[hbm4b:s8+s4] =	stream.linear.scatter [tilespmem:s21], [sflag:$0x3], $0x100, $0x38;
	[tilespmem:$0x10580] =	vst v63  }
0x2ba: {  	_ =	swait.ge [sflag:s10], $0x100  }
0x2bb: {  	[sflag:s10] =	ssyncset.done $0x0  }
0x2bc: {  	[sflag:s10] =	ssyncadd.s32 $0xFFFFFF00  }
0x2bd: {  	_ =	sfence.sel $0x180000  }
0x2be: {  	[bflag:$0x0] =	sbarrier.arrive $0xFFFF  }
0x2bf: {  	p0 =	sne.s32 s5, $0x0;
	_ =	strace $0x9000004A  }
0x2c0: {  	s0 =	sadd.s32 @!p0 $0x100000, s0;
	[bflag:$0x2] =	sbarrier.arrive $0xFFFF  }
0x2c1: {  	[sflag:s0] =	ssyncadd.tile.s32 @!p0 $0x1;
	_ =	shalt  }
.Lfunc_end2:
_tile_overlayer_lowered:
.L_overlay_start_2:
0x2c2: {  	(tag) =	ssettag $0x2  }
0x2c3: {  	s0 =	rddreg [dreg:$0x0];
	s2 =	stileid.u32  }
0x2c4: {  	s1 =	rddreg [dreg:$0x1];
	p0 =	sne.s32 s2, $0x0  }
0x2c5: {  	s3 =	rddreg [dreg:$0x2];
	[bflag:$0x3] =	sbarrier.arrive $0xFFFF;
	s2 =	simm.s32 @!p0 $0x1C03  }
0x2c6: {  	[timem:s3], [sflag:s2] =	dma.local @!p0 [hbm:s0], s1  }
0x2c7: {  	s0 =	simm.s32 @!p0 $0x3  }
0x2c8: {  	_ =	swait.ge @!p0 [sflag:s0], s1  }
0x2c9: {  	s1 =	ssub.s32 @!p0 $0x0, s1;
	[sflag:s0] =	ssyncset.done @!p0 $0x0  }
0x2ca: {  	[sflag:s0] =	ssyncadd.s32 @!p0 s1  }
0x2cb: {  	[bflag:$0x3] =	sbarrier.arrive $0xFFFF  }
0x2cc: {  	_ =	shalt  }

</sc_bundles>
